<compile_context>
chip_gen: v7x
topology: tpu7x:2x2x1
jax: 0.10.2.dev20260603
libtpu: 0.0.44.dev20260713+nightly
codegen_flags: <defaults>
</compile_context>

<pallas_src>
import functools

import jax
import jax.numpy as jnp
from jax import lax
from jax.experimental import pallas as pl
from jax.experimental.pallas import tpu as pltpu
from jax.experimental.pallas import tpu_sc as plsc

N = 10000
E = 320000
D = 128
H = D // 2
NC = 2
NS = 16
EPW = E // NS
C = 80
NCHUNK = EPW // C
GRP = 5
GB = GRP * C
RING = 2 * GRP
W = 50
NWIN = NCHUNK // W
GPW = W // GRP
RPS = 624
TAIL = N - NS * RPS


def _sc_body(with_deg, *refs):
    if with_deg:
        (table_hbm, src_hbm, dst_hbm, zrow_hbm, zdeg_hbm, ones_hbm,
         sum_hbm, deg_hbm,
         idx_v, dst_v, rows_v, ones_v, acc_sh, deg_sh, gsem, ssem, isem,
         dsem) = refs
    else:
        (table_hbm, src_hbm, dst_hbm, zrow_hbm,
         sum_hbm,
         idx_v, dst_v, rows_v, acc_sh, gsem, ssem, isem) = refs

    cid = lax.axis_index("c")
    sid = lax.axis_index("s")
    last = sid == NS - 1

    table_c = table_hbm.at[pl.ds(cid, 2 * N - 1)]

    pltpu.sync_copy(src_hbm.at[sid, pl.ds(0, W)], idx_v.at[0])
    pltpu.sync_copy(dst_hbm.at[sid, pl.ds(0, W)], dst_v.at[0])
    for b in range(RING):
        pltpu.async_copy(table_c.at[idx_v.at[0, b]],
                         rows_v.at[pl.ds(b * C, C)], gsem)

    base = pl.multiple_of(sid * RPS, 8)
    pltpu.sync_copy(zrow_hbm, acc_sh.at[pl.ds(base, RPS)])

    @pl.when(last)
    def _():
        pltpu.sync_copy(zrow_hbm.at[pl.ds(0, TAIL)], acc_sh.at[pl.ds(NS * RPS, TAIL)])

    if with_deg:
        pltpu.sync_copy(ones_hbm, ones_v)
        pltpu.sync_copy(zdeg_hbm, deg_sh.at[pl.ds(base, RPS)])

        @pl.when(last)
        def _():
            pltpu.sync_copy(zdeg_hbm.at[pl.ds(0, TAIL)],
                            deg_sh.at[pl.ds(NS * RPS, TAIL)])

    plsc.subcore_barrier()

    def group_body(w, pw, g):
        G = w * GPW + g
        sb = lax.rem(G, 2) * GB
        jbase = w * W + g * GRP
        lbase = g * GRP
        pltpu.make_async_copy(table_hbm.at[pl.ds(0, GB)],
                              rows_v.at[pl.ds(0, GB)], gsem).wait()
        for b in range(GRP):
            pltpu.async_copy(rows_v.at[pl.ds(sb + b * C, C)],
                             acc_sh.at[dst_v.at[pw, lbase + b]], ssem, add=True)
            if with_deg:
                @pl.when(lax.rem(jbase + b, NC) == cid)
                def _():
                    pltpu.async_copy(ones_v, deg_sh.at[dst_v.at[pw, lbase + b]],
                                     dsem, add=True)
        pltpu.make_async_copy(rows_v.at[pl.ds(0, GB)],
                              acc_sh.at[pl.ds(0, GB)], ssem).wait()
        for b in range(GRP):
            j2 = jbase + 2 * GRP + b
            l2 = lbase + 2 * GRP + b
            qp = lax.rem(pw + l2 // W, 2)
            r2 = lax.rem(l2, W)

            @pl.when(j2 < NCHUNK)
            def _():
                pltpu.async_copy(table_c.at[idx_v.at[qp, r2]],
                                 rows_v.at[pl.ds(sb + b * C, C)], gsem)

    def wloop(w, carry):
        pw = lax.rem(w, 2)

        @pl.when(w + 1 < NWIN)
        def _():
            pn = lax.rem(w + 1, 2)
            pltpu.async_copy(src_hbm.at[sid, pl.ds((w + 1) * W, W)],
                             idx_v.at[pn], isem)
            pltpu.async_copy(dst_hbm.at[sid, pl.ds((w + 1) * W, W)],
                             dst_v.at[pn], isem)

        def g_early(g, c2):
            group_body(w, pw, g)
            return c2

        lax.fori_loop(0, GPW - 2, g_early, 0)

        @pl.when(w + 1 < NWIN)
        def _():
            pltpu.make_async_copy(src_hbm.at[sid, pl.ds(0, W)],
                                  idx_v.at[0], isem).wait()
            pltpu.make_async_copy(dst_hbm.at[sid, pl.ds(0, W)],
                                  dst_v.at[0], isem).wait()

        def g_late(g, c2):
            group_body(w, pw, g)
            return c2

        lax.fori_loop(GPW - 2, GPW, g_late, 0)
        return carry

    lax.fori_loop(0, NWIN, wloop, 0)

    if with_deg:
        def ddrain(i, carry):
            pltpu.make_async_copy(ones_v, deg_sh.at[dst_v.at[0]], dsem).wait()
            return carry

        lax.fori_loop(0, NCHUNK // NC, ddrain, 0)

    plsc.subcore_barrier()

    pltpu.sync_copy(acc_sh.at[pl.ds(base, RPS)], sum_hbm.at[cid, pl.ds(base, RPS)])

    @pl.when(last)
    def _():
        pltpu.sync_copy(acc_sh.at[pl.ds(NS * RPS, TAIL)],
                        sum_hbm.at[cid, pl.ds(NS * RPS, TAIL)])

    if with_deg:
        pltpu.sync_copy(deg_sh.at[pl.ds(base, RPS)], deg_hbm.at[cid, pl.ds(base, RPS)])

        @pl.when(last)
        def _():
            pltpu.sync_copy(deg_sh.at[pl.ds(NS * RPS, TAIL)],
                            deg_hbm.at[cid, pl.ds(NS * RPS, TAIL)])


def _make_sc_scatter(with_deg):
    out_type = [jax.ShapeDtypeStruct((NC, N, H), jnp.float32)]
    if with_deg:
        out_type.append(jax.ShapeDtypeStruct((NC, N, 16), jnp.float32))
    scratch = [
        pltpu.VMEM((2, W, C), jnp.int32),
        pltpu.VMEM((2, W, C), jnp.int32),
        pltpu.VMEM((RING * C, H), jnp.float32),
    ]
    if with_deg:
        scratch.append(pltpu.VMEM((C, 16), jnp.float32))
    scratch.append(pltpu.VMEM_SHARED((N, H), jnp.float32))
    if with_deg:
        scratch.append(pltpu.VMEM_SHARED((N, 16), jnp.float32))
    scratch.append(pltpu.SemaphoreType.DMA)
    scratch.append(pltpu.SemaphoreType.DMA)
    scratch.append(pltpu.SemaphoreType.DMA)
    if with_deg:
        scratch.append(pltpu.SemaphoreType.DMA)

    mesh = plsc.VectorSubcoreMesh(core_axis_name="c", subcore_axis_name="s")
    return pl.kernel(
        functools.partial(_sc_body, with_deg),
        out_type=out_type,
        mesh=mesh,
        scratch_types=scratch,
        compiler_params=pltpu.CompilerParams(use_tc_tiling_on_sc=False),
    )


_sc_scatter_deg = _make_sc_scatter(True)
_sc_scatter = _make_sc_scatter(False)


def _tc_layer_body(relu, s_ref, d_ref, x_ref, wl_ref, wr_ref, b_ref, out_ref):
    inv = 1.0 / jnp.maximum(d_ref[0, :, 0:1] + d_ref[1, :, 0:1], 1.0)
    z = (jnp.dot(s_ref[0] * inv, wl_ref[0:H, :], preferred_element_type=jnp.float32)
         + jnp.dot(s_ref[1] * inv, wl_ref[H:D, :], preferred_element_type=jnp.float32)
         + jnp.dot(x_ref[...], wr_ref[...], preferred_element_type=jnp.float32)
         + b_ref[...])
    out_ref[...] = jnp.maximum(z, 0.0) if relu else z


_TC_BLOCK = 2000


def _tc_layer(relu, s, d, x, wl_t, wr_t, b):
    grid = (N // _TC_BLOCK,)
    return pl.pallas_call(
        functools.partial(_tc_layer_body, relu),
        grid=grid,
        in_specs=[
            pl.BlockSpec((NC, _TC_BLOCK, H), lambda i: (0, i, 0)),
            pl.BlockSpec((NC, _TC_BLOCK, 16), lambda i: (0, i, 0)),
            pl.BlockSpec((_TC_BLOCK, D), lambda i: (i, 0)),
            pl.BlockSpec((D, D), lambda i: (0, 0)),
            pl.BlockSpec((D, D), lambda i: (0, 0)),
            pl.BlockSpec((1, D), lambda i: (0, 0)),
        ],
        out_specs=pl.BlockSpec((_TC_BLOCK, D), lambda i: (i, 0)),
        out_shape=jax.ShapeDtypeStruct((N, D), jnp.float32),
    )(s, d, x, wl_t, wr_t, b)


def kernel(x, edge_index, W1_l, W1_r, b1, W2_l, W2_r, b2):
    src2 = (edge_index[0].astype(jnp.int32) * 2).reshape(NS, NCHUNK, C)
    dst = edge_index[1].astype(jnp.int32).reshape(NS, NCHUNK, C)
    zrow = jnp.zeros((RPS, H), jnp.float32)
    zdeg = jnp.zeros((RPS, 16), jnp.float32)
    ones = jnp.ones((C, 16), jnp.float32)

    s1, deg = _sc_scatter_deg(x.reshape(2 * N, H), src2, dst, zrow, zdeg, ones)
    h = _tc_layer(True, s1, deg, x, W1_l.T, W1_r.T, b1.reshape(1, D))
    (s2,) = _sc_scatter(h.reshape(2 * N, H), src2, dst, zrow)
    out = _tc_layer(False, s2, deg, h, W2_l.T, W2_r.T, b2.reshape(1, D))
    return out

# --- scband reference (transcript-rebuilt; emitter-appended) ---
"""Pipeline reference for scband-graph-sageencoder-68865505624263 (READ-ONLY COPY).

The authoritative reference and input builder live on the scoring server;
editing this copy changes nothing except your own understanding.
"""

import jax, jax.numpy as jnp
import numpy as np

N_NODES = 10000
N_EDGES = 320000
D_IN = 128
D_HID = 128
D_OUT = 128


def setup_inputs(seed: int = 0) -> dict:
    key = jax.random.key(seed)
    ks = jax.random.split(key, 8)
    x = jax.random.normal(ks[0], (N_NODES, D_IN), dtype=jnp.float32)
    edge_index = jax.random.randint(ks[1], (2, N_EDGES), 0, N_NODES, dtype=jnp.int64)
    # SAGEConv params: lin_l (applied to aggregated neighbors, has bias), lin_r (applied to root, no bias)
    s1 = 1.0 / np.sqrt(D_IN)
    s2 = 1.0 / np.sqrt(D_HID)
    W1_l = jax.random.uniform(ks[2], (D_HID, D_IN), dtype=jnp.float32, minval=-s1, maxval=s1)
    W1_r = jax.random.uniform(ks[3], (D_HID, D_IN), dtype=jnp.float32, minval=-s1, maxval=s1)
    b1 = jnp.zeros((D_HID,), dtype=jnp.float32)
    W2_l = jax.random.uniform(ks[4], (D_OUT, D_HID), dtype=jnp.float32, minval=-s2, maxval=s2)
    W2_r = jax.random.uniform(ks[5], (D_OUT, D_HID), dtype=jnp.float32, minval=-s2, maxval=s2)
    b2 = jnp.zeros((D_OUT,), dtype=jnp.float32)
    return {"x": x, "edge_index": edge_index, "W1_l": W1_l, "W1_r": W1_r, "b1": b1,
            "W2_l": W2_l, "W2_r": W2_r, "b2": b2}


def _sage_conv(x, edge_index, W_l, W_r, b_l):
    # PyG SAGEConv with mean aggregation:
    # out = lin_l(mean_{j in N(i)} x_j) + lin_r(x_i)
    src = edge_index[0]
    dst = edge_index[1]
    msgs = jnp.take(x, src, axis=0)                                  # gather [E, d]
    summed = jax.ops.segment_sum(msgs, dst, num_segments=x.shape[0])  # scatter-add
    ones = jnp.ones((edge_index.shape[1],), dtype=x.dtype)
    deg = jax.ops.segment_sum(ones, dst, num_segments=x.shape[0])
    deg = jnp.clip(deg, 1.0, None)
    neigh = summed / deg[:, None]
    return neigh @ W_l.T + b_l + x @ W_r.T


def reference(x, edge_index, W1_l, W1_r, b1, W2_l, W2_r, b2):
    h = jax.nn.relu(_sage_conv(x, edge_index, W1_l, W1_r, b1))
    out = _sage_conv(h, edge_index, W2_l, W2_r, b2)
    return out

if __name__ == "__main__":
    import jax
    _d = setup_inputs()
    print(jax.jit(kernel)(*tuple(_d.values())))

</pallas_src>

<mosaic_0001>
#map = affine_map<(d0, d1) -> (0, 0)>
#map1 = affine_map<(d0, d1) -> (0, 0, 0)>
module attributes {stable_mosaic.version = 14 : i64} {
  func.func @_sc_body(%arg0: i32, %arg1: i32, %arg2: memref<20000x64xf32, #tpu.memory_space<hbm>>, %arg3: memref<16x250x80xi32, #tpu.memory_space<hbm>>, %arg4: memref<16x250x80xi32, #tpu.memory_space<hbm>>, %arg5: memref<624x64xf32, #tpu.memory_space<hbm>>, %arg6: memref<2x10000x64xf32, #tpu.memory_space<hbm>>, %arg7: memref<2x50x80xi32, #tpu.memory_space<vmem>>, %arg8: memref<2x50x80xi32, #tpu.memory_space<vmem>>, %arg9: memref<800x64xf32, #tpu.memory_space<vmem>>, %arg10: memref<10000x64xf32, #tpu.memory_space<vmem_shared>>, %arg11: memref<!tpu.dma_semaphore, #tpu.memory_space<semaphore_mem>>, %arg12: memref<!tpu.dma_semaphore, #tpu.memory_space<semaphore_mem>>, %arg13: memref<!tpu.dma_semaphore, #tpu.memory_space<semaphore_mem>>) attributes {dimension_semantics = [#tpu.dimension_semantics<core_parallel>, #tpu.dimension_semantics<subcore_parallel>], iteration_bounds = array<i64: 2, 16>, scalar_prefetch = 0 : i64, scratch_operands = 7 : i64, tpu.core_type = #tpu.core_type<sc_vector_subcore>, window_params = [{transform_indices = #map}, {transform_indices = #map1}, {transform_indices = #map1}, {transform_indices = #map}, {transform_indices = #map1}]} {
    %eq3A = arith.constant 15 : i32
    %eq3A_0 = arith.cmpi eq, %arg1, %eq3A : i32
    %run_scoped3A = arith.constant 0 : i32
    "tpu.region"() ({
      %run_scoped3A_142 = tpu.sem_alloc : memref<!tpu.dma_semaphore, #tpu.memory_space<semaphore_mem>>
      %dma_start3A_143 = arith.constant 0 : i32
      %dma_start3A_144 = arith.constant 0 : i32
      %dma_start3A_145 = tpu.memref_slice %arg7[%run_scoped3A, %dma_start3A_143, %dma_start3A_144] : memref<2x50x80xi32, #tpu.memory_space<vmem>> -> memref<1x50x80xi32, #tpu.memory_space<vmem>>
      %dma_start3A_146 = tpu.memref_squeeze %dma_start3A_145 : memref<1x50x80xi32, #tpu.memory_space<vmem>> -> memref<50x80xi32, #tpu.memory_space<vmem>>
      %dma_start3A_147 = arith.constant 0 : i32
      %dma_start3A_148 = arith.constant 0 : i32
      %dma_start3A_149 = tpu.memref_slice %arg3[%arg1, %dma_start3A_147, %dma_start3A_148] : memref<16x250x80xi32, #tpu.memory_space<hbm>> -> memref<1x50x80xi32, #tpu.memory_space<hbm>>
      %dma_start3A_150 = tpu.memref_squeeze %dma_start3A_149 : memref<1x50x80xi32, #tpu.memory_space<hbm>> -> memref<50x80xi32, #tpu.memory_space<hbm>>
      %dma_start3A_151 = arith.constant 0 : i32
      %dma_start3A_152 = arith.constant 0 : i32
      %dma_start3A_153 = tpu.memref_slice %arg7[%run_scoped3A, %dma_start3A_151, %dma_start3A_152] : memref<2x50x80xi32, #tpu.memory_space<vmem>> -> memref<1x50x80xi32, #tpu.memory_space<vmem>>
      %dma_start3A_154 = tpu.memref_squeeze %dma_start3A_153 : memref<1x50x80xi32, #tpu.memory_space<vmem>> -> memref<50x80xi32, #tpu.memory_space<vmem>>
      %dma_start3A_155 = arith.constant 0 : i32
      %dma_start3A_156 = arith.constant 0 : i32
      %dma_start3A_157 = tpu.memref_slice %arg3[%arg1, %dma_start3A_155, %dma_start3A_156] : memref<16x250x80xi32, #tpu.memory_space<hbm>> -> memref<1x50x80xi32, #tpu.memory_space<hbm>>
      %dma_start3A_158 = tpu.memref_squeeze %dma_start3A_157 : memref<1x50x80xi32, #tpu.memory_space<hbm>> -> memref<50x80xi32, #tpu.memory_space<hbm>>
      tpu.enqueue_dma source(%dma_start3A_158 : memref<50x80xi32, #tpu.memory_space<hbm>>) target(%dma_start3A_154 : memref<50x80xi32, #tpu.memory_space<vmem>>) target_semaphore(%run_scoped3A_142 : memref<!tpu.dma_semaphore, #tpu.memory_space<semaphore_mem>>)
      %dma_wait3A = arith.constant 0 : i32
      %dma_wait3A_159 = arith.constant 0 : i32
      %dma_wait3A_160 = tpu.memref_slice %arg7[%run_scoped3A, %dma_wait3A, %dma_wait3A_159] : memref<2x50x80xi32, #tpu.memory_space<vmem>> -> memref<1x50x80xi32, #tpu.memory_space<vmem>>
      %dma_wait3A_161 = tpu.memref_squeeze %dma_wait3A_160 : memref<1x50x80xi32, #tpu.memory_space<vmem>> -> memref<50x80xi32, #tpu.memory_space<vmem>>
      %dma_wait3A_162 = arith.constant 0 : i32
      %dma_wait3A_163 = arith.constant 0 : i32
      %dma_wait3A_164 = tpu.memref_slice %arg3[%arg1, %dma_wait3A_162, %dma_wait3A_163] : memref<16x250x80xi32, #tpu.memory_space<hbm>> -> memref<1x50x80xi32, #tpu.memory_space<hbm>>
      %dma_wait3A_165 = tpu.memref_squeeze %dma_wait3A_164 : memref<1x50x80xi32, #tpu.memory_space<hbm>> -> memref<50x80xi32, #tpu.memory_space<hbm>>
      %dma_wait3A_166 = arith.constant 0 : i32
      %dma_wait3A_167 = arith.constant 0 : i32
      %dma_wait3A_168 = tpu.memref_slice %arg7[%run_scoped3A, %dma_wait3A_166, %dma_wait3A_167] : memref<2x50x80xi32, #tpu.memory_space<vmem>> -> memref<1x50x80xi32, #tpu.memory_space<vmem>>
      %dma_wait3A_169 = tpu.memref_squeeze %dma_wait3A_168 : memref<1x50x80xi32, #tpu.memory_space<vmem>> -> memref<50x80xi32, #tpu.memory_space<vmem>>
      %dma_wait3A_170 = arith.constant 0 : i32
      %dma_wait3A_171 = arith.constant 0 : i32
      %dma_wait3A_172 = tpu.memref_slice %arg3[%arg1, %dma_wait3A_170, %dma_wait3A_171] : memref<16x250x80xi32, #tpu.memory_space<hbm>> -> memref<1x50x80xi32, #tpu.memory_space<hbm>>
      %dma_wait3A_173 = tpu.memref_squeeze %dma_wait3A_172 : memref<1x50x80xi32, #tpu.memory_space<hbm>> -> memref<50x80xi32, #tpu.memory_space<hbm>>
      tpu.wait_dma2 semaphore(%run_scoped3A_142 : memref<!tpu.dma_semaphore, #tpu.memory_space<semaphore_mem>>) src(%dma_wait3A_173 : memref<50x80xi32, #tpu.memory_space<hbm>>) dst(%dma_wait3A_169 : memref<50x80xi32, #tpu.memory_space<vmem>>)
      tpu.yield
    }) : () -> ()
    %run_scoped3A_1 = arith.constant 0 : i32
    "tpu.region"() ({
      %run_scoped3A_142 = tpu.sem_alloc : memref<!tpu.dma_semaphore, #tpu.memory_space<semaphore_mem>>
      %dma_start3A_143 = arith.constant 0 : i32
      %dma_start3A_144 = arith.constant 0 : i32
      %dma_start3A_145 = tpu.memref_slice %arg8[%run_scoped3A_1, %dma_start3A_143, %dma_start3A_144] : memref<2x50x80xi32, #tpu.memory_space<vmem>> -> memref<1x50x80xi32, #tpu.memory_space<vmem>>
      %dma_start3A_146 = tpu.memref_squeeze %dma_start3A_145 : memref<1x50x80xi32, #tpu.memory_space<vmem>> -> memref<50x80xi32, #tpu.memory_space<vmem>>
      %dma_start3A_147 = arith.constant 0 : i32
      %dma_start3A_148 = arith.constant 0 : i32
      %dma_start3A_149 = tpu.memref_slice %arg4[%arg1, %dma_start3A_147, %dma_start3A_148] : memref<16x250x80xi32, #tpu.memory_space<hbm>> -> memref<1x50x80xi32, #tpu.memory_space<hbm>>
      %dma_start3A_150 = tpu.memref_squeeze %dma_start3A_149 : memref<1x50x80xi32, #tpu.memory_space<hbm>> -> memref<50x80xi32, #tpu.memory_space<hbm>>
      %dma_start3A_151 = arith.constant 0 : i32
      %dma_start3A_152 = arith.constant 0 : i32
      %dma_start3A_153 = tpu.memref_slice %arg8[%run_scoped3A_1, %dma_start3A_151, %dma_start3A_152] : memref<2x50x80xi32, #tpu.memory_space<vmem>> -> memref<1x50x80xi32, #tpu.memory_space<vmem>>
      %dma_start3A_154 = tpu.memref_squeeze %dma_start3A_153 : memref<1x50x80xi32, #tpu.memory_space<vmem>> -> memref<50x80xi32, #tpu.memory_space<vmem>>
      %dma_start3A_155 = arith.constant 0 : i32
      %dma_start3A_156 = arith.constant 0 : i32
      %dma_start3A_157 = tpu.memref_slice %arg4[%arg1, %dma_start3A_155, %dma_start3A_156] : memref<16x250x80xi32, #tpu.memory_space<hbm>> -> memref<1x50x80xi32, #tpu.memory_space<hbm>>
      %dma_start3A_158 = tpu.memref_squeeze %dma_start3A_157 : memref<1x50x80xi32, #tpu.memory_space<hbm>> -> memref<50x80xi32, #tpu.memory_space<hbm>>
      tpu.enqueue_dma source(%dma_start3A_158 : memref<50x80xi32, #tpu.memory_space<hbm>>) target(%dma_start3A_154 : memref<50x80xi32, #tpu.memory_space<vmem>>) target_semaphore(%run_scoped3A_142 : memref<!tpu.dma_semaphore, #tpu.memory_space<semaphore_mem>>)
      %dma_wait3A = arith.constant 0 : i32
      %dma_wait3A_159 = arith.constant 0 : i32
      %dma_wait3A_160 = tpu.memref_slice %arg8[%run_scoped3A_1, %dma_wait3A, %dma_wait3A_159] : memref<2x50x80xi32, #tpu.memory_space<vmem>> -> memref<1x50x80xi32, #tpu.memory_space<vmem>>
      %dma_wait3A_161 = tpu.memref_squeeze %dma_wait3A_160 : memref<1x50x80xi32, #tpu.memory_space<vmem>> -> memref<50x80xi32, #tpu.memory_space<vmem>>
      %dma_wait3A_162 = arith.constant 0 : i32
      %dma_wait3A_163 = arith.constant 0 : i32
      %dma_wait3A_164 = tpu.memref_slice %arg4[%arg1, %dma_wait3A_162, %dma_wait3A_163] : memref<16x250x80xi32, #tpu.memory_space<hbm>> -> memref<1x50x80xi32, #tpu.memory_space<hbm>>
      %dma_wait3A_165 = tpu.memref_squeeze %dma_wait3A_164 : memref<1x50x80xi32, #tpu.memory_space<hbm>> -> memref<50x80xi32, #tpu.memory_space<hbm>>
      %dma_wait3A_166 = arith.constant 0 : i32
      %dma_wait3A_167 = arith.constant 0 : i32
      %dma_wait3A_168 = tpu.memref_slice %arg8[%run_scoped3A_1, %dma_wait3A_166, %dma_wait3A_167] : memref<2x50x80xi32, #tpu.memory_space<vmem>> -> memref<1x50x80xi32, #tpu.memory_space<vmem>>
      %dma_wait3A_169 = tpu.memref_squeeze %dma_wait3A_168 : memref<1x50x80xi32, #tpu.memory_space<vmem>> -> memref<50x80xi32, #tpu.memory_space<vmem>>
      %dma_wait3A_170 = arith.constant 0 : i32
      %dma_wait3A_171 = arith.constant 0 : i32
      %dma_wait3A_172 = tpu.memref_slice %arg4[%arg1, %dma_wait3A_170, %dma_wait3A_171] : memref<16x250x80xi32, #tpu.memory_space<hbm>> -> memref<1x50x80xi32, #tpu.memory_space<hbm>>
      %dma_wait3A_173 = tpu.memref_squeeze %dma_wait3A_172 : memref<1x50x80xi32, #tpu.memory_space<hbm>> -> memref<50x80xi32, #tpu.memory_space<hbm>>
      tpu.wait_dma2 semaphore(%run_scoped3A_142 : memref<!tpu.dma_semaphore, #tpu.memory_space<semaphore_mem>>) src(%dma_wait3A_173 : memref<50x80xi32, #tpu.memory_space<hbm>>) dst(%dma_wait3A_169 : memref<50x80xi32, #tpu.memory_space<vmem>>)
      tpu.yield
    }) : () -> ()
    %dma_start3A = arith.constant 0 : i32
    %dma_start3A_2 = arith.constant 0 : i32
    %dma_start3A_3 = arith.constant 0 : i32
    %dma_start3A_4 = arith.constant 0 : i32
    %dma_start3A_5 = tpu.memref_slice %arg9[%dma_start3A_3, %dma_start3A_4] : memref<800x64xf32, #tpu.memory_space<vmem>> -> memref<80x64xf32, #tpu.memory_space<vmem>>
    %dma_start3A_6 = arith.constant 0 : i32
    %dma_start3A_7 = tpu.memref_slice %arg7[%dma_start3A, %dma_start3A_2, %dma_start3A_6] : memref<2x50x80xi32, #tpu.memory_space<vmem>> -> memref<1x1x80xi32, #tpu.memory_space<vmem>>
    %dma_start3A_8 = tpu.memref_squeeze %dma_start3A_7 : memref<1x1x80xi32, #tpu.memory_space<vmem>> -> memref<80xi32, #tpu.memory_space<vmem>>
    %dma_start3A_9 = arith.constant 0 : i32
    %dma_start3A_10 = tpu.memref_slice %arg2[%arg0, %dma_start3A_9] : memref<20000x64xf32, #tpu.memory_space<hbm>> -> memref<19999x64xf32, #tpu.memory_space<hbm>>
    %dma_start3A_11 = arith.constant 0 : i32
    %dma_start3A_12 = arith.constant 0 : i32
    %dma_start3A_13 = tpu.memref_slice %dma_start3A_10[%dma_start3A_11, %dma_start3A_12] : memref<19999x64xf32, #tpu.memory_space<hbm>> -> memref<19999x64xf32, #tpu.memory_space<hbm>>
    tpu.enqueue_indirect_dma source(%dma_start3A_13 : memref<19999x64xf32, #tpu.memory_space<hbm>>) target(%dma_start3A_5 : memref<80x64xf32, #tpu.memory_space<vmem>>) offsets(%dma_start3A_8 : memref<80xi32, #tpu.memory_space<vmem>>) semaphore(%arg11 : memref<!tpu.dma_semaphore, #tpu.memory_space<semaphore_mem>>)
    %dma_start3A_14 = arith.constant 0 : i32
    %dma_start3A_15 = arith.constant 1 : i32
    %dma_start3A_16 = arith.constant 80 : i32
    %dma_start3A_17 = arith.constant 0 : i32
    %dma_start3A_18 = tpu.memref_slice %arg9[%dma_start3A_16, %dma_start3A_17] : memref<800x64xf32, #tpu.memory_space<vmem>> -> memref<80x64xf32, #tpu.memory_space<vmem>>
    %dma_start3A_19 = arith.constant 0 : i32
    %dma_start3A_20 = tpu.memref_slice %arg7[%dma_start3A_14, %dma_start3A_15, %dma_start3A_19] : memref<2x50x80xi32, #tpu.memory_space<vmem>> -> memref<1x1x80xi32, #tpu.memory_space<vmem>>
    %dma_start3A_21 = tpu.memref_squeeze %dma_start3A_20 : memref<1x1x80xi32, #tpu.memory_space<vmem>> -> memref<80xi32, #tpu.memory_space<vmem>>
    %dma_start3A_22 = arith.constant 0 : i32
    %dma_start3A_23 = tpu.memref_slice %arg2[%arg0, %dma_start3A_22] : memref<20000x64xf32, #tpu.memory_space<hbm>> -> memref<19999x64xf32, #tpu.memory_space<hbm>>
    %dma_start3A_24 = arith.constant 0 : i32
    %dma_start3A_25 = arith.constant 0 : i32
    %dma_start3A_26 = tpu.memref_slice %dma_start3A_23[%dma_start3A_24, %dma_start3A_25] : memref<19999x64xf32, #tpu.memory_space<hbm>> -> memref<19999x64xf32, #tpu.memory_space<hbm>>
    tpu.enqueue_indirect_dma source(%dma_start3A_26 : memref<19999x64xf32, #tpu.memory_space<hbm>>) target(%dma_start3A_18 : memref<80x64xf32, #tpu.memory_space<vmem>>) offsets(%dma_start3A_21 : memref<80xi32, #tpu.memory_space<vmem>>) semaphore(%arg11 : memref<!tpu.dma_semaphore, #tpu.memory_space<semaphore_mem>>)
    %dma_start3A_27 = arith.constant 0 : i32
    %dma_start3A_28 = arith.constant 2 : i32
    %dma_start3A_29 = arith.constant 160 : i32
    %dma_start3A_30 = arith.constant 0 : i32
    %dma_start3A_31 = tpu.memref_slice %arg9[%dma_start3A_29, %dma_start3A_30] : memref<800x64xf32, #tpu.memory_space<vmem>> -> memref<80x64xf32, #tpu.memory_space<vmem>>
    %dma_start3A_32 = arith.constant 0 : i32
    %dma_start3A_33 = tpu.memref_slice %arg7[%dma_start3A_27, %dma_start3A_28, %dma_start3A_32] : memref<2x50x80xi32, #tpu.memory_space<vmem>> -> memref<1x1x80xi32, #tpu.memory_space<vmem>>
    %dma_start3A_34 = tpu.memref_squeeze %dma_start3A_33 : memref<1x1x80xi32, #tpu.memory_space<vmem>> -> memref<80xi32, #tpu.memory_space<vmem>>
    %dma_start3A_35 = arith.constant 0 : i32
    %dma_start3A_36 = tpu.memref_slice %arg2[%arg0, %dma_start3A_35] : memref<20000x64xf32, #tpu.memory_space<hbm>> -> memref<19999x64xf32, #tpu.memory_space<hbm>>
    %dma_start3A_37 = arith.constant 0 : i32
    %dma_start3A_38 = arith.constant 0 : i32
    %dma_start3A_39 = tpu.memref_slice %dma_start3A_36[%dma_start3A_37, %dma_start3A_38] : memref<19999x64xf32, #tpu.memory_space<hbm>> -> memref<19999x64xf32, #tpu.memory_space<hbm>>
    tpu.enqueue_indirect_dma source(%dma_start3A_39 : memref<19999x64xf32, #tpu.memory_space<hbm>>) target(%dma_start3A_31 : memref<80x64xf32, #tpu.memory_space<vmem>>) offsets(%dma_start3A_34 : memref<80xi32, #tpu.memory_space<vmem>>) semaphore(%arg11 : memref<!tpu.dma_semaphore, #tpu.memory_space<semaphore_mem>>)
    %dma_start3A_40 = arith.constant 0 : i32
    %dma_start3A_41 = arith.constant 3 : i32
    %dma_start3A_42 = arith.constant 240 : i32
    %dma_start3A_43 = arith.constant 0 : i32
    %dma_start3A_44 = tpu.memref_slice %arg9[%dma_start3A_42, %dma_start3A_43] : memref<800x64xf32, #tpu.memory_space<vmem>> -> memref<80x64xf32, #tpu.memory_space<vmem>>
    %dma_start3A_45 = arith.constant 0 : i32
    %dma_start3A_46 = tpu.memref_slice %arg7[%dma_start3A_40, %dma_start3A_41, %dma_start3A_45] : memref<2x50x80xi32, #tpu.memory_space<vmem>> -> memref<1x1x80xi32, #tpu.memory_space<vmem>>
    %dma_start3A_47 = tpu.memref_squeeze %dma_start3A_46 : memref<1x1x80xi32, #tpu.memory_space<vmem>> -> memref<80xi32, #tpu.memory_space<vmem>>
    %dma_start3A_48 = arith.constant 0 : i32
    %dma_start3A_49 = tpu.memref_slice %arg2[%arg0, %dma_start3A_48] : memref<20000x64xf32, #tpu.memory_space<hbm>> -> memref<19999x64xf32, #tpu.memory_space<hbm>>
    %dma_start3A_50 = arith.constant 0 : i32
    %dma_start3A_51 = arith.constant 0 : i32
    %dma_start3A_52 = tpu.memref_slice %dma_start3A_49[%dma_start3A_50, %dma_start3A_51] : memref<19999x64xf32, #tpu.memory_space<hbm>> -> memref<19999x64xf32, #tpu.memory_space<hbm>>
    tpu.enqueue_indirect_dma source(%dma_start3A_52 : memref<19999x64xf32, #tpu.memory_space<hbm>>) target(%dma_start3A_44 : memref<80x64xf32, #tpu.memory_space<vmem>>) offsets(%dma_start3A_47 : memref<80xi32, #tpu.memory_space<vmem>>) semaphore(%arg11 : memref<!tpu.dma_semaphore, #tpu.memory_space<semaphore_mem>>)
    %dma_start3A_53 = arith.constant 0 : i32
    %dma_start3A_54 = arith.constant 4 : i32
    %dma_start3A_55 = arith.constant 320 : i32
    %dma_start3A_56 = arith.constant 0 : i32
    %dma_start3A_57 = tpu.memref_slice %arg9[%dma_start3A_55, %dma_start3A_56] : memref<800x64xf32, #tpu.memory_space<vmem>> -> memref<80x64xf32, #tpu.memory_space<vmem>>
    %dma_start3A_58 = arith.constant 0 : i32
    %dma_start3A_59 = tpu.memref_slice %arg7[%dma_start3A_53, %dma_start3A_54, %dma_start3A_58] : memref<2x50x80xi32, #tpu.memory_space<vmem>> -> memref<1x1x80xi32, #tpu.memory_space<vmem>>
    %dma_start3A_60 = tpu.memref_squeeze %dma_start3A_59 : memref<1x1x80xi32, #tpu.memory_space<vmem>> -> memref<80xi32, #tpu.memory_space<vmem>>
    %dma_start3A_61 = arith.constant 0 : i32
    %dma_start3A_62 = tpu.memref_slice %arg2[%arg0, %dma_start3A_61] : memref<20000x64xf32, #tpu.memory_space<hbm>> -> memref<19999x64xf32, #tpu.memory_space<hbm>>
    %dma_start3A_63 = arith.constant 0 : i32
    %dma_start3A_64 = arith.constant 0 : i32
    %dma_start3A_65 = tpu.memref_slice %dma_start3A_62[%dma_start3A_63, %dma_start3A_64] : memref<19999x64xf32, #tpu.memory_space<hbm>> -> memref<19999x64xf32, #tpu.memory_space<hbm>>
    tpu.enqueue_indirect_dma source(%dma_start3A_65 : memref<19999x64xf32, #tpu.memory_space<hbm>>) target(%dma_start3A_57 : memref<80x64xf32, #tpu.memory_space<vmem>>) offsets(%dma_start3A_60 : memref<80xi32, #tpu.memory_space<vmem>>) semaphore(%arg11 : memref<!tpu.dma_semaphore, #tpu.memory_space<semaphore_mem>>)
    %dma_start3A_66 = arith.constant 0 : i32
    %dma_start3A_67 = arith.constant 5 : i32
    %dma_start3A_68 = arith.constant 400 : i32
    %dma_start3A_69 = arith.constant 0 : i32
    %dma_start3A_70 = tpu.memref_slice %arg9[%dma_start3A_68, %dma_start3A_69] : memref<800x64xf32, #tpu.memory_space<vmem>> -> memref<80x64xf32, #tpu.memory_space<vmem>>
    %dma_start3A_71 = arith.constant 0 : i32
    %dma_start3A_72 = tpu.memref_slice %arg7[%dma_start3A_66, %dma_start3A_67, %dma_start3A_71] : memref<2x50x80xi32, #tpu.memory_space<vmem>> -> memref<1x1x80xi32, #tpu.memory_space<vmem>>
    %dma_start3A_73 = tpu.memref_squeeze %dma_start3A_72 : memref<1x1x80xi32, #tpu.memory_space<vmem>> -> memref<80xi32, #tpu.memory_space<vmem>>
    %dma_start3A_74 = arith.constant 0 : i32
    %dma_start3A_75 = tpu.memref_slice %arg2[%arg0, %dma_start3A_74] : memref<20000x64xf32, #tpu.memory_space<hbm>> -> memref<19999x64xf32, #tpu.memory_space<hbm>>
    %dma_start3A_76 = arith.constant 0 : i32
    %dma_start3A_77 = arith.constant 0 : i32
    %dma_start3A_78 = tpu.memref_slice %dma_start3A_75[%dma_start3A_76, %dma_start3A_77] : memref<19999x64xf32, #tpu.memory_space<hbm>> -> memref<19999x64xf32, #tpu.memory_space<hbm>>
    tpu.enqueue_indirect_dma source(%dma_start3A_78 : memref<19999x64xf32, #tpu.memory_space<hbm>>) target(%dma_start3A_70 : memref<80x64xf32, #tpu.memory_space<vmem>>) offsets(%dma_start3A_73 : memref<80xi32, #tpu.memory_space<vmem>>) semaphore(%arg11 : memref<!tpu.dma_semaphore, #tpu.memory_space<semaphore_mem>>)
    %dma_start3A_79 = arith.constant 0 : i32
    %dma_start3A_80 = arith.constant 6 : i32
    %dma_start3A_81 = arith.constant 480 : i32
    %dma_start3A_82 = arith.constant 0 : i32
    %dma_start3A_83 = tpu.memref_slice %arg9[%dma_start3A_81, %dma_start3A_82] : memref<800x64xf32, #tpu.memory_space<vmem>> -> memref<80x64xf32, #tpu.memory_space<vmem>>
    %dma_start3A_84 = arith.constant 0 : i32
    %dma_start3A_85 = tpu.memref_slice %arg7[%dma_start3A_79, %dma_start3A_80, %dma_start3A_84] : memref<2x50x80xi32, #tpu.memory_space<vmem>> -> memref<1x1x80xi32, #tpu.memory_space<vmem>>
    %dma_start3A_86 = tpu.memref_squeeze %dma_start3A_85 : memref<1x1x80xi32, #tpu.memory_space<vmem>> -> memref<80xi32, #tpu.memory_space<vmem>>
    %dma_start3A_87 = arith.constant 0 : i32
    %dma_start3A_88 = tpu.memref_slice %arg2[%arg0, %dma_start3A_87] : memref<20000x64xf32, #tpu.memory_space<hbm>> -> memref<19999x64xf32, #tpu.memory_space<hbm>>
    %dma_start3A_89 = arith.constant 0 : i32
    %dma_start3A_90 = arith.constant 0 : i32
    %dma_start3A_91 = tpu.memref_slice %dma_start3A_88[%dma_start3A_89, %dma_start3A_90] : memref<19999x64xf32, #tpu.memory_space<hbm>> -> memref<19999x64xf32, #tpu.memory_space<hbm>>
    tpu.enqueue_indirect_dma source(%dma_start3A_91 : memref<19999x64xf32, #tpu.memory_space<hbm>>) target(%dma_start3A_83 : memref<80x64xf32, #tpu.memory_space<vmem>>) offsets(%dma_start3A_86 : memref<80xi32, #tpu.memory_space<vmem>>) semaphore(%arg11 : memref<!tpu.dma_semaphore, #tpu.memory_space<semaphore_mem>>)
    %dma_start3A_92 = arith.constant 0 : i32
    %dma_start3A_93 = arith.constant 7 : i32
    %dma_start3A_94 = arith.constant 560 : i32
    %dma_start3A_95 = arith.constant 0 : i32
    %dma_start3A_96 = tpu.memref_slice %arg9[%dma_start3A_94, %dma_start3A_95] : memref<800x64xf32, #tpu.memory_space<vmem>> -> memref<80x64xf32, #tpu.memory_space<vmem>>
    %dma_start3A_97 = arith.constant 0 : i32
    %dma_start3A_98 = tpu.memref_slice %arg7[%dma_start3A_92, %dma_start3A_93, %dma_start3A_97] : memref<2x50x80xi32, #tpu.memory_space<vmem>> -> memref<1x1x80xi32, #tpu.memory_space<vmem>>
    %dma_start3A_99 = tpu.memref_squeeze %dma_start3A_98 : memref<1x1x80xi32, #tpu.memory_space<vmem>> -> memref<80xi32, #tpu.memory_space<vmem>>
    %dma_start3A_100 = arith.constant 0 : i32
    %dma_start3A_101 = tpu.memref_slice %arg2[%arg0, %dma_start3A_100] : memref<20000x64xf32, #tpu.memory_space<hbm>> -> memref<19999x64xf32, #tpu.memory_space<hbm>>
    %dma_start3A_102 = arith.constant 0 : i32
    %dma_start3A_103 = arith.constant 0 : i32
    %dma_start3A_104 = tpu.memref_slice %dma_start3A_101[%dma_start3A_102, %dma_start3A_103] : memref<19999x64xf32, #tpu.memory_space<hbm>> -> memref<19999x64xf32, #tpu.memory_space<hbm>>
    tpu.enqueue_indirect_dma source(%dma_start3A_104 : memref<19999x64xf32, #tpu.memory_space<hbm>>) target(%dma_start3A_96 : memref<80x64xf32, #tpu.memory_space<vmem>>) offsets(%dma_start3A_99 : memref<80xi32, #tpu.memory_space<vmem>>) semaphore(%arg11 : memref<!tpu.dma_semaphore, #tpu.memory_space<semaphore_mem>>)
    %dma_start3A_105 = arith.constant 0 : i32
    %dma_start3A_106 = arith.constant 8 : i32
    %dma_start3A_107 = arith.constant 640 : i32
    %dma_start3A_108 = arith.constant 0 : i32
    %dma_start3A_109 = tpu.memref_slice %arg9[%dma_start3A_107, %dma_start3A_108] : memref<800x64xf32, #tpu.memory_space<vmem>> -> memref<80x64xf32, #tpu.memory_space<vmem>>
    %dma_start3A_110 = arith.constant 0 : i32
    %dma_start3A_111 = tpu.memref_slice %arg7[%dma_start3A_105, %dma_start3A_106, %dma_start3A_110] : memref<2x50x80xi32, #tpu.memory_space<vmem>> -> memref<1x1x80xi32, #tpu.memory_space<vmem>>
    %dma_start3A_112 = tpu.memref_squeeze %dma_start3A_111 : memref<1x1x80xi32, #tpu.memory_space<vmem>> -> memref<80xi32, #tpu.memory_space<vmem>>
    %dma_start3A_113 = arith.constant 0 : i32
    %dma_start3A_114 = tpu.memref_slice %arg2[%arg0, %dma_start3A_113] : memref<20000x64xf32, #tpu.memory_space<hbm>> -> memref<19999x64xf32, #tpu.memory_space<hbm>>
    %dma_start3A_115 = arith.constant 0 : i32
    %dma_start3A_116 = arith.constant 0 : i32
    %dma_start3A_117 = tpu.memref_slice %dma_start3A_114[%dma_start3A_115, %dma_start3A_116] : memref<19999x64xf32, #tpu.memory_space<hbm>> -> memref<19999x64xf32, #tpu.memory_space<hbm>>
    tpu.enqueue_indirect_dma source(%dma_start3A_117 : memref<19999x64xf32, #tpu.memory_space<hbm>>) target(%dma_start3A_109 : memref<80x64xf32, #tpu.memory_space<vmem>>) offsets(%dma_start3A_112 : memref<80xi32, #tpu.memory_space<vmem>>) semaphore(%arg11 : memref<!tpu.dma_semaphore, #tpu.memory_space<semaphore_mem>>)
    %dma_start3A_118 = arith.constant 0 : i32
    %dma_start3A_119 = arith.constant 9 : i32
    %dma_start3A_120 = arith.constant 720 : i32
    %dma_start3A_121 = arith.constant 0 : i32
    %dma_start3A_122 = tpu.memref_slice %arg9[%dma_start3A_120, %dma_start3A_121] : memref<800x64xf32, #tpu.memory_space<vmem>> -> memref<80x64xf32, #tpu.memory_space<vmem>>
    %dma_start3A_123 = arith.constant 0 : i32
    %dma_start3A_124 = tpu.memref_slice %arg7[%dma_start3A_118, %dma_start3A_119, %dma_start3A_123] : memref<2x50x80xi32, #tpu.memory_space<vmem>> -> memref<1x1x80xi32, #tpu.memory_space<vmem>>
    %dma_start3A_125 = tpu.memref_squeeze %dma_start3A_124 : memref<1x1x80xi32, #tpu.memory_space<vmem>> -> memref<80xi32, #tpu.memory_space<vmem>>
    %dma_start3A_126 = arith.constant 0 : i32
    %dma_start3A_127 = tpu.memref_slice %arg2[%arg0, %dma_start3A_126] : memref<20000x64xf32, #tpu.memory_space<hbm>> -> memref<19999x64xf32, #tpu.memory_space<hbm>>
    %dma_start3A_128 = arith.constant 0 : i32
    %dma_start3A_129 = arith.constant 0 : i32
    %dma_start3A_130 = tpu.memref_slice %dma_start3A_127[%dma_start3A_128, %dma_start3A_129] : memref<19999x64xf32, #tpu.memory_space<hbm>> -> memref<19999x64xf32, #tpu.memory_space<hbm>>
    tpu.enqueue_indirect_dma source(%dma_start3A_130 : memref<19999x64xf32, #tpu.memory_space<hbm>>) target(%dma_start3A_122 : memref<80x64xf32, #tpu.memory_space<vmem>>) offsets(%dma_start3A_125 : memref<80xi32, #tpu.memory_space<vmem>>) semaphore(%arg11 : memref<!tpu.dma_semaphore, #tpu.memory_space<semaphore_mem>>)
    %mul3A = arith.constant 624 : i32
    %mul3A_131 = arith.muli %arg1, %mul3A : i32
    %multiple_of3A = tpu.assume_multiple %mul3A_131, 8 : i32
    "tpu.region"() ({
      %run_scoped3A_142 = tpu.sem_alloc : memref<!tpu.dma_semaphore, #tpu.memory_space<semaphore_mem>>
      %dma_start3A_143 = arith.constant 0 : i32
      %dma_start3A_144 = tpu.memref_slice %arg10[%multiple_of3A, %dma_start3A_143] : memref<10000x64xf32, #tpu.memory_space<vmem_shared>> -> memref<624x64xf32, #tpu.memory_space<vmem_shared>>
      tpu.enqueue_dma source(%arg5 : memref<624x64xf32, #tpu.memory_space<hbm>>) target(%dma_start3A_144 : memref<624x64xf32, #tpu.memory_space<vmem_shared>>) target_semaphore(%run_scoped3A_142 : memref<!tpu.dma_semaphore, #tpu.memory_space<semaphore_mem>>)
      %dma_wait3A = arith.constant 0 : i32
      %dma_wait3A_145 = tpu.memref_slice %arg10[%multiple_of3A, %dma_wait3A] : memref<10000x64xf32, #tpu.memory_space<vmem_shared>> -> memref<624x64xf32, #tpu.memory_space<vmem_shared>>
      tpu.wait_dma2 semaphore(%run_scoped3A_142 : memref<!tpu.dma_semaphore, #tpu.memory_space<semaphore_mem>>) src(%arg5 : memref<624x64xf32, #tpu.memory_space<hbm>>) dst(%dma_wait3A_145 : memref<624x64xf32, #tpu.memory_space<vmem_shared>>)
      tpu.yield
    }) : () -> ()
    %convert_element_type3A = arith.extui %eq3A_0 : i1 to i32
    %cond3A = arith.constant 0 : i32
    %cond3A_132 = arith.cmpi ne, %convert_element_type3A, %cond3A : i32
    scf.if %cond3A_132 {
      "tpu.region"() ({
        %run_scoped3A_142 = tpu.sem_alloc : memref<!tpu.dma_semaphore, #tpu.memory_space<semaphore_mem>>
        %dma_start3A_143 = arith.constant 9984 : i32
        %dma_start3A_144 = arith.constant 0 : i32
        %dma_start3A_145 = tpu.memref_slice %arg10[%dma_start3A_143, %dma_start3A_144] : memref<10000x64xf32, #tpu.memory_space<vmem_shared>> -> memref<16x64xf32, #tpu.memory_space<vmem_shared>>
        %dma_start3A_146 = arith.constant 0 : i32
        %dma_start3A_147 = arith.constant 0 : i32
        %dma_start3A_148 = tpu.memref_slice %arg5[%dma_start3A_146, %dma_start3A_147] : memref<624x64xf32, #tpu.memory_space<hbm>> -> memref<16x64xf32, #tpu.memory_space<hbm>>
        tpu.enqueue_dma source(%dma_start3A_148 : memref<16x64xf32, #tpu.memory_space<hbm>>) target(%dma_start3A_145 : memref<16x64xf32, #tpu.memory_space<vmem_shared>>) target_semaphore(%run_scoped3A_142 : memref<!tpu.dma_semaphore, #tpu.memory_space<semaphore_mem>>)
        %dma_wait3A = arith.constant 9984 : i32
        %dma_wait3A_149 = arith.constant 0 : i32
        %dma_wait3A_150 = tpu.memref_slice %arg10[%dma_wait3A, %dma_wait3A_149] : memref<10000x64xf32, #tpu.memory_space<vmem_shared>> -> memref<16x64xf32, #tpu.memory_space<vmem_shared>>
        %dma_wait3A_151 = arith.constant 0 : i32
        %dma_wait3A_152 = arith.constant 0 : i32
        %dma_wait3A_153 = tpu.memref_slice %arg5[%dma_wait3A_151, %dma_wait3A_152] : memref<624x64xf32, #tpu.memory_space<hbm>> -> memref<16x64xf32, #tpu.memory_space<hbm>>
        tpu.wait_dma2 semaphore(%run_scoped3A_142 : memref<!tpu.dma_semaphore, #tpu.memory_space<semaphore_mem>>) src(%dma_wait3A_153 : memref<16x64xf32, #tpu.memory_space<hbm>>) dst(%dma_wait3A_150 : memref<16x64xf32, #tpu.memory_space<vmem_shared>>)
        tpu.yield
      }) : () -> ()
    } else {
    }
    %barrier3A = arith.constant 0 : index
    tpu.barrier barrier_id(%barrier3A)
    %scan3A = arith.constant 0 : i32
    %scan3A_133 = arith.constant 0 : i32
    %scan3A_134 = arith.constant 5 : i32
    %scan3A_135 = arith.addi %scan3A_133, %scan3A_134 : i32
    %scan3A_136 = arith.constant 1 : i32
    scf.for %scan3A_142 = %scan3A_133 to %scan3A_135 step %scan3A_136  : i32 {
      %rem3A = arith.constant 2 : i32
      %rem3A_143 = arith.remsi %scan3A_142, %rem3A : i32
      %add3A = arith.constant 1 : i32
      %add3A_144 = arith.addi %scan3A_142, %add3A : i32
      %lt3A = arith.constant 5 : i32
      %lt3A_145 = arith.cmpi slt, %add3A_144, %lt3A : i32
      %convert_element_type3A_146 = arith.extui %lt3A_145 : i1 to i32
      %cond3A_147 = arith.constant 0 : i32
      %cond3A_148 = arith.cmpi ne, %convert_element_type3A_146, %cond3A_147 : i32
      scf.if %cond3A_148 {
        %add3A_168 = arith.constant 1 : i32
        %add3A_169 = arith.addi %scan3A_142, %add3A_168 : i32
        %rem3A_170 = arith.constant 2 : i32
        %rem3A_171 = arith.remsi %add3A_169, %rem3A_170 : i32
        %add3A_172 = arith.constant 1 : i32
        %add3A_173 = arith.addi %scan3A_142, %add3A_172 : i32
        %mul3A_174 = arith.constant 50 : i32
        %mul3A_175 = arith.muli %add3A_173, %mul3A_174 : i32
        %dma_start3A_176 = arith.constant 0 : i32
        %dma_start3A_177 = arith.constant 0 : i32
        %dma_start3A_178 = tpu.memref_slice %arg7[%rem3A_171, %dma_start3A_176, %dma_start3A_177] : memref<2x50x80xi32, #tpu.memory_space<vmem>> -> memref<1x50x80xi32, #tpu.memory_space<vmem>>
        %dma_start3A_179 = tpu.memref_squeeze %dma_start3A_178 : memref<1x50x80xi32, #tpu.memory_space<vmem>> -> memref<50x80xi32, #tpu.memory_space<vmem>>
        %dma_start3A_180 = arith.constant 0 : i32
        %dma_start3A_181 = tpu.memref_slice %arg3[%arg1, %mul3A_175, %dma_start3A_180] : memref<16x250x80xi32, #tpu.memory_space<hbm>> -> memref<1x50x80xi32, #tpu.memory_space<hbm>>
        %dma_start3A_182 = tpu.memref_squeeze %dma_start3A_181 : memref<1x50x80xi32, #tpu.memory_space<hbm>> -> memref<50x80xi32, #tpu.memory_space<hbm>>
        %dma_start3A_183 = arith.constant 0 : i32
        %dma_start3A_184 = arith.constant 0 : i32
        %dma_start3A_185 = tpu.memref_slice %arg7[%rem3A_171, %dma_start3A_183, %dma_start3A_184] : memref<2x50x80xi32, #tpu.memory_space<vmem>> -> memref<1x50x80xi32, #tpu.memory_space<vmem>>
        %dma_start3A_186 = tpu.memref_squeeze %dma_start3A_185 : memref<1x50x80xi32, #tpu.memory_space<vmem>> -> memref<50x80xi32, #tpu.memory_space<vmem>>
        %dma_start3A_187 = arith.constant 0 : i32
        %dma_start3A_188 = tpu.memref_slice %arg3[%arg1, %mul3A_175, %dma_start3A_187] : memref<16x250x80xi32, #tpu.memory_space<hbm>> -> memref<1x50x80xi32, #tpu.memory_space<hbm>>
        %dma_start3A_189 = tpu.memref_squeeze %dma_start3A_188 : memref<1x50x80xi32, #tpu.memory_space<hbm>> -> memref<50x80xi32, #tpu.memory_space<hbm>>
        tpu.enqueue_dma source(%dma_start3A_189 : memref<50x80xi32, #tpu.memory_space<hbm>>) target(%dma_start3A_186 : memref<50x80xi32, #tpu.memory_space<vmem>>) target_semaphore(%arg13 : memref<!tpu.dma_semaphore, #tpu.memory_space<semaphore_mem>>)
        %add3A_190 = arith.constant 1 : i32
        %add3A_191 = arith.addi %scan3A_142, %add3A_190 : i32
        %mul3A_192 = arith.constant 50 : i32
        %mul3A_193 = arith.muli %add3A_191, %mul3A_192 : i32
        %dma_start3A_194 = arith.constant 0 : i32
        %dma_start3A_195 = arith.constant 0 : i32
        %dma_start3A_196 = tpu.memref_slice %arg8[%rem3A_171, %dma_start3A_194, %dma_start3A_195] : memref<2x50x80xi32, #tpu.memory_space<vmem>> -> memref<1x50x80xi32, #tpu.memory_space<vmem>>
        %dma_start3A_197 = tpu.memref_squeeze %dma_start3A_196 : memref<1x50x80xi32, #tpu.memory_space<vmem>> -> memref<50x80xi32, #tpu.memory_space<vmem>>
        %dma_start3A_198 = arith.constant 0 : i32
        %dma_start3A_199 = tpu.memref_slice %arg4[%arg1, %mul3A_193, %dma_start3A_198] : memref<16x250x80xi32, #tpu.memory_space<hbm>> -> memref<1x50x80xi32, #tpu.memory_space<hbm>>
        %dma_start3A_200 = tpu.memref_squeeze %dma_start3A_199 : memref<1x50x80xi32, #tpu.memory_space<hbm>> -> memref<50x80xi32, #tpu.memory_space<hbm>>
        %dma_start3A_201 = arith.constant 0 : i32
        %dma_start3A_202 = arith.constant 0 : i32
        %dma_start3A_203 = tpu.memref_slice %arg8[%rem3A_171, %dma_start3A_201, %dma_start3A_202] : memref<2x50x80xi32, #tpu.memory_space<vmem>> -> memref<1x50x80xi32, #tpu.memory_space<vmem>>
        %dma_start3A_204 = tpu.memref_squeeze %dma_start3A_203 : memref<1x50x80xi32, #tpu.memory_space<vmem>> -> memref<50x80xi32, #tpu.memory_space<vmem>>
        %dma_start3A_205 = arith.constant 0 : i32
        %dma_start3A_206 = tpu.memref_slice %arg4[%arg1, %mul3A_193, %dma_start3A_205] : memref<16x250x80xi32, #tpu.memory_space<hbm>> -> memref<1x50x80xi32, #tpu.memory_space<hbm>>
        %dma_start3A_207 = tpu.memref_squeeze %dma_start3A_206 : memref<1x50x80xi32, #tpu.memory_space<hbm>> -> memref<50x80xi32, #tpu.memory_space<hbm>>
        tpu.enqueue_dma source(%dma_start3A_207 : memref<50x80xi32, #tpu.memory_space<hbm>>) target(%dma_start3A_204 : memref<50x80xi32, #tpu.memory_space<vmem>>) target_semaphore(%arg13 : memref<!tpu.dma_semaphore, #tpu.memory_space<semaphore_mem>>)
      } else {
      }
      %scan3A_149 = arith.constant 0 : i32
      %scan3A_150 = arith.constant 0 : i32
      %scan3A_151 = arith.constant 8 : i32
      %scan3A_152 = arith.addi %scan3A_150, %scan3A_151 : i32
      %scan3A_153 = arith.constant 1 : i32
      scf.for %scan3A_168 = %scan3A_150 to %scan3A_152 step %scan3A_153  : i32 {
        %mul3A_169 = arith.constant 10 : i32
        %mul3A_170 = arith.muli %scan3A_142, %mul3A_169 : i32
        %add3A_171 = arith.addi %mul3A_170, %scan3A_168 : i32
        %rem3A_172 = arith.constant 2 : i32
        %rem3A_173 = arith.remsi %add3A_171, %rem3A_172 : i32
        %mul3A_174 = arith.constant 400 : i32
        %mul3A_175 = arith.muli %rem3A_173, %mul3A_174 : i32
        %mul3A_176 = arith.constant 50 : i32
        %mul3A_177 = arith.muli %scan3A_142, %mul3A_176 : i32
        %mul3A_178 = arith.constant 5 : i32
        %mul3A_179 = arith.muli %scan3A_168, %mul3A_178 : i32
        %add3A_180 = arith.addi %mul3A_177, %mul3A_179 : i32
        %mul3A_181 = arith.constant 5 : i32
        %mul3A_182 = arith.muli %scan3A_168, %mul3A_181 : i32
        %dma_wait3A = arith.constant 0 : i32
        %dma_wait3A_183 = arith.constant 0 : i32
        %dma_wait3A_184 = tpu.memref_slice %arg9[%dma_wait3A, %dma_wait3A_183] : memref<800x64xf32, #tpu.memory_space<vmem>> -> memref<400x64xf32, #tpu.memory_space<vmem>>
        %dma_wait3A_185 = arith.constant 0 : i32
        %dma_wait3A_186 = arith.constant 0 : i32
        %dma_wait3A_187 = tpu.memref_slice %arg2[%dma_wait3A_185, %dma_wait3A_186] : memref<20000x64xf32, #tpu.memory_space<hbm>> -> memref<400x64xf32, #tpu.memory_space<hbm>>
        %dma_wait3A_188 = arith.constant 0 : i32
        %dma_wait3A_189 = arith.constant 0 : i32
        %dma_wait3A_190 = tpu.memref_slice %arg9[%dma_wait3A_188, %dma_wait3A_189] : memref<800x64xf32, #tpu.memory_space<vmem>> -> memref<400x64xf32, #tpu.memory_space<vmem>>
        %dma_wait3A_191 = arith.constant 0 : i32
        %dma_wait3A_192 = arith.constant 0 : i32
        %dma_wait3A_193 = tpu.memref_slice %arg2[%dma_wait3A_191, %dma_wait3A_192] : memref<20000x64xf32, #tpu.memory_space<hbm>> -> memref<400x64xf32, #tpu.memory_space<hbm>>
        tpu.wait_dma2 semaphore(%arg11 : memref<!tpu.dma_semaphore, #tpu.memory_space<semaphore_mem>>) src(%dma_wait3A_193 : memref<400x64xf32, #tpu.memory_space<hbm>>) dst(%dma_wait3A_190 : memref<400x64xf32, #tpu.memory_space<vmem>>)
        %add3A_194 = arith.constant 0 : i32
        %add3A_195 = arith.addi %mul3A_175, %add3A_194 : i32
        %add3A_196 = arith.constant 0 : i32
        %add3A_197 = arith.addi %mul3A_182, %add3A_196 : i32
        %dma_start3A_198 = arith.constant 0 : i32
        %dma_start3A_199 = tpu.memref_slice %arg9[%add3A_195, %dma_start3A_198] : memref<800x64xf32, #tpu.memory_space<vmem>> -> memref<80x64xf32, #tpu.memory_space<vmem>>
        %dma_start3A_200 = arith.constant 0 : i32
        %dma_start3A_201 = tpu.memref_slice %arg8[%rem3A_143, %add3A_197, %dma_start3A_200] : memref<2x50x80xi32, #tpu.memory_space<vmem>> -> memref<1x1x80xi32, #tpu.memory_space<vmem>>
        %dma_start3A_202 = tpu.memref_squeeze %dma_start3A_201 : memref<1x1x80xi32, #tpu.memory_space<vmem>> -> memref<80xi32, #tpu.memory_space<vmem>>
        %dma_start3A_203 = arith.constant 0 : i32
        %dma_start3A_204 = arith.constant 0 : i32
        %dma_start3A_205 = tpu.memref_slice %arg10[%dma_start3A_203, %dma_start3A_204] : memref<10000x64xf32, #tpu.memory_space<vmem_shared>> -> memref<10000x64xf32, #tpu.memory_space<vmem_shared>>
        tpu.enqueue_indirect_dma source(%dma_start3A_199 : memref<80x64xf32, #tpu.memory_space<vmem>>) target(%dma_start3A_205 : memref<10000x64xf32, #tpu.memory_space<vmem_shared>>) offsets(%dma_start3A_202 : memref<80xi32, #tpu.memory_space<vmem>>) semaphore(%arg12 : memref<!tpu.dma_semaphore, #tpu.memory_space<semaphore_mem>>) {add = true}
        %add3A_206 = arith.constant 80 : i32
        %add3A_207 = arith.addi %mul3A_175, %add3A_206 : i32
        %add3A_208 = arith.constant 1 : i32
        %add3A_209 = arith.addi %mul3A_182, %add3A_208 : i32
        %dma_start3A_210 = arith.constant 0 : i32
        %dma_start3A_211 = tpu.memref_slice %arg9[%add3A_207, %dma_start3A_210] : memref<800x64xf32, #tpu.memory_space<vmem>> -> memref<80x64xf32, #tpu.memory_space<vmem>>
        %dma_start3A_212 = arith.constant 0 : i32
        %dma_start3A_213 = tpu.memref_slice %arg8[%rem3A_143, %add3A_209, %dma_start3A_212] : memref<2x50x80xi32, #tpu.memory_space<vmem>> -> memref<1x1x80xi32, #tpu.memory_space<vmem>>
        %dma_start3A_214 = tpu.memref_squeeze %dma_start3A_213 : memref<1x1x80xi32, #tpu.memory_space<vmem>> -> memref<80xi32, #tpu.memory_space<vmem>>
        %dma_start3A_215 = arith.constant 0 : i32
        %dma_start3A_216 = arith.constant 0 : i32
        %dma_start3A_217 = tpu.memref_slice %arg10[%dma_start3A_215, %dma_start3A_216] : memref<10000x64xf32, #tpu.memory_space<vmem_shared>> -> memref<10000x64xf32, #tpu.memory_space<vmem_shared>>
        tpu.enqueue_indirect_dma source(%dma_start3A_211 : memref<80x64xf32, #tpu.memory_space<vmem>>) target(%dma_start3A_217 : memref<10000x64xf32, #tpu.memory_space<vmem_shared>>) offsets(%dma_start3A_214 : memref<80xi32, #tpu.memory_space<vmem>>) semaphore(%arg12 : memref<!tpu.dma_semaphore, #tpu.memory_space<semaphore_mem>>) {add = true}
        %add3A_218 = arith.constant 160 : i32
        %add3A_219 = arith.addi %mul3A_175, %add3A_218 : i32
        %add3A_220 = arith.constant 2 : i32
        %add3A_221 = arith.addi %mul3A_182, %add3A_220 : i32
        %dma_start3A_222 = arith.constant 0 : i32
        %dma_start3A_223 = tpu.memref_slice %arg9[%add3A_219, %dma_start3A_222] : memref<800x64xf32, #tpu.memory_space<vmem>> -> memref<80x64xf32, #tpu.memory_space<vmem>>
        %dma_start3A_224 = arith.constant 0 : i32
        %dma_start3A_225 = tpu.memref_slice %arg8[%rem3A_143, %add3A_221, %dma_start3A_224] : memref<2x50x80xi32, #tpu.memory_space<vmem>> -> memref<1x1x80xi32, #tpu.memory_space<vmem>>
        %dma_start3A_226 = tpu.memref_squeeze %dma_start3A_225 : memref<1x1x80xi32, #tpu.memory_space<vmem>> -> memref<80xi32, #tpu.memory_space<vmem>>
        %dma_start3A_227 = arith.constant 0 : i32
        %dma_start3A_228 = arith.constant 0 : i32
        %dma_start3A_229 = tpu.memref_slice %arg10[%dma_start3A_227, %dma_start3A_228] : memref<10000x64xf32, #tpu.memory_space<vmem_shared>> -> memref<10000x64xf32, #tpu.memory_space<vmem_shared>>
        tpu.enqueue_indirect_dma source(%dma_start3A_223 : memref<80x64xf32, #tpu.memory_space<vmem>>) target(%dma_start3A_229 : memref<10000x64xf32, #tpu.memory_space<vmem_shared>>) offsets(%dma_start3A_226 : memref<80xi32, #tpu.memory_space<vmem>>) semaphore(%arg12 : memref<!tpu.dma_semaphore, #tpu.memory_space<semaphore_mem>>) {add = true}
        %add3A_230 = arith.constant 240 : i32
        %add3A_231 = arith.addi %mul3A_175, %add3A_230 : i32
        %add3A_232 = arith.constant 3 : i32
        %add3A_233 = arith.addi %mul3A_182, %add3A_232 : i32
        %dma_start3A_234 = arith.constant 0 : i32
        %dma_start3A_235 = tpu.memref_slice %arg9[%add3A_231, %dma_start3A_234] : memref<800x64xf32, #tpu.memory_space<vmem>> -> memref<80x64xf32, #tpu.memory_space<vmem>>
        %dma_start3A_236 = arith.constant 0 : i32
        %dma_start3A_237 = tpu.memref_slice %arg8[%rem3A_143, %add3A_233, %dma_start3A_236] : memref<2x50x80xi32, #tpu.memory_space<vmem>> -> memref<1x1x80xi32, #tpu.memory_space<vmem>>
        %dma_start3A_238 = tpu.memref_squeeze %dma_start3A_237 : memref<1x1x80xi32, #tpu.memory_space<vmem>> -> memref<80xi32, #tpu.memory_space<vmem>>
        %dma_start3A_239 = arith.constant 0 : i32
        %dma_start3A_240 = arith.constant 0 : i32
        %dma_start3A_241 = tpu.memref_slice %arg10[%dma_start3A_239, %dma_start3A_240] : memref<10000x64xf32, #tpu.memory_space<vmem_shared>> -> memref<10000x64xf32, #tpu.memory_space<vmem_shared>>
        tpu.enqueue_indirect_dma source(%dma_start3A_235 : memref<80x64xf32, #tpu.memory_space<vmem>>) target(%dma_start3A_241 : memref<10000x64xf32, #tpu.memory_space<vmem_shared>>) offsets(%dma_start3A_238 : memref<80xi32, #tpu.memory_space<vmem>>) semaphore(%arg12 : memref<!tpu.dma_semaphore, #tpu.memory_space<semaphore_mem>>) {add = true}
        %add3A_242 = arith.constant 320 : i32
        %add3A_243 = arith.addi %mul3A_175, %add3A_242 : i32
        %add3A_244 = arith.constant 4 : i32
        %add3A_245 = arith.addi %mul3A_182, %add3A_244 : i32
        %dma_start3A_246 = arith.constant 0 : i32
        %dma_start3A_247 = tpu.memref_slice %arg9[%add3A_243, %dma_start3A_246] : memref<800x64xf32, #tpu.memory_space<vmem>> -> memref<80x64xf32, #tpu.memory_space<vmem>>
        %dma_start3A_248 = arith.constant 0 : i32
        %dma_start3A_249 = tpu.memref_slice %arg8[%rem3A_143, %add3A_245, %dma_start3A_248] : memref<2x50x80xi32, #tpu.memory_space<vmem>> -> memref<1x1x80xi32, #tpu.memory_space<vmem>>
        %dma_start3A_250 = tpu.memref_squeeze %dma_start3A_249 : memref<1x1x80xi32, #tpu.memory_space<vmem>> -> memref<80xi32, #tpu.memory_space<vmem>>
        %dma_start3A_251 = arith.constant 0 : i32
        %dma_start3A_252 = arith.constant 0 : i32
        %dma_start3A_253 = tpu.memref_slice %arg10[%dma_start3A_251, %dma_start3A_252] : memref<10000x64xf32, #tpu.memory_space<vmem_shared>> -> memref<10000x64xf32, #tpu.memory_space<vmem_shared>>
        tpu.enqueue_indirect_dma source(%dma_start3A_247 : memref<80x64xf32, #tpu.memory_space<vmem>>) target(%dma_start3A_253 : memref<10000x64xf32, #tpu.memory_space<vmem_shared>>) offsets(%dma_start3A_250 : memref<80xi32, #tpu.memory_space<vmem>>) semaphore(%arg12 : memref<!tpu.dma_semaphore, #tpu.memory_space<semaphore_mem>>) {add = true}
        %dma_wait3A_254 = arith.constant 0 : i32
        %dma_wait3A_255 = arith.constant 0 : i32
        %dma_wait3A_256 = tpu.memref_slice %arg9[%dma_wait3A_254, %dma_wait3A_255] : memref<800x64xf32, #tpu.memory_space<vmem>> -> memref<400x64xf32, #tpu.memory_space<vmem>>
        %dma_wait3A_257 = arith.constant 0 : i32
        %dma_wait3A_258 = arith.constant 0 : i32
        %dma_wait3A_259 = tpu.memref_slice %arg10[%dma_wait3A_257, %dma_wait3A_258] : memref<10000x64xf32, #tpu.memory_space<vmem_shared>> -> memref<400x64xf32, #tpu.memory_space<vmem_shared>>
        %dma_wait3A_260 = arith.constant 0 : i32
        %dma_wait3A_261 = arith.constant 0 : i32
        %dma_wait3A_262 = tpu.memref_slice %arg10[%dma_wait3A_260, %dma_wait3A_261] : memref<10000x64xf32, #tpu.memory_space<vmem_shared>> -> memref<400x64xf32, #tpu.memory_space<vmem_shared>>
        %dma_wait3A_263 = arith.constant 0 : i32
        %dma_wait3A_264 = arith.constant 0 : i32
        %dma_wait3A_265 = tpu.memref_slice %arg9[%dma_wait3A_263, %dma_wait3A_264] : memref<800x64xf32, #tpu.memory_space<vmem>> -> memref<400x64xf32, #tpu.memory_space<vmem>>
        tpu.wait_dma2 semaphore(%arg12 : memref<!tpu.dma_semaphore, #tpu.memory_space<semaphore_mem>>) src(%dma_wait3A_265 : memref<400x64xf32, #tpu.memory_space<vmem>>) dst(%dma_wait3A_262 : memref<400x64xf32, #tpu.memory_space<vmem_shared>>)
        %add3A_266 = arith.constant 10 : i32
        %add3A_267 = arith.addi %add3A_180, %add3A_266 : i32
        %add3A_268 = arith.constant 0 : i32
        %add3A_269 = arith.addi %add3A_267, %add3A_268 : i32
        %add3A_270 = arith.constant 10 : i32
        %add3A_271 = arith.addi %mul3A_182, %add3A_270 : i32
        %add3A_272 = arith.constant 0 : i32
        %add3A_273 = arith.addi %add3A_271, %add3A_272 : i32
        %jit3A = arith.constant 50 : i32
        %div3A = arith.divsi %add3A_273, %jit3A : i32
        %sign3A = arith.constant 0 : i32
        %sign3A_274 = arith.cmpi sgt, %add3A_273, %sign3A : i32
        %sign3A_275 = arith.extui %sign3A_274 : i1 to i32
        %sign3A_276 = arith.constant 0 : i32
        %sign3A_277 = arith.cmpi slt, %add3A_273, %sign3A_276 : i32
        %sign3A_278 = arith.extui %sign3A_277 : i1 to i32
        %sign3A_279 = arith.subi %sign3A_275, %sign3A_278 : i32
        %sign3A_280 = arith.constant 0 : i32
        %sign3A_281 = arith.cmpi sgt, %jit3A, %sign3A_280 : i32
        %sign3A_282 = arith.extui %sign3A_281 : i1 to i32
        %sign3A_283 = arith.constant 0 : i32
        %sign3A_284 = arith.cmpi slt, %jit3A, %sign3A_283 : i32
        %sign3A_285 = arith.extui %sign3A_284 : i1 to i32
        %sign3A_286 = arith.subi %sign3A_282, %sign3A_285 : i32
        %ne3A = arith.cmpi ne, %sign3A_279, %sign3A_286 : i32
        %rem3A_287 = arith.remsi %add3A_273, %jit3A : i32
        %ne3A_288 = arith.constant 0 : i32
        %ne3A_289 = arith.cmpi ne, %rem3A_287, %ne3A_288 : i32
        %and3A = arith.andi %ne3A, %ne3A_289 : i1
        %sub3A = arith.constant 1 : i32
        %sub3A_290 = arith.subi %div3A, %sub3A : i32
        %select_n3A = arith.select %and3A, %sub3A_290, %div3A : i32
        %add3A_291 = arith.addi %rem3A_143, %select_n3A : i32
        %rem3A_292 = arith.constant 2 : i32
        %rem3A_293 = arith.remsi %add3A_291, %rem3A_292 : i32
        %rem3A_294 = arith.constant 50 : i32
        %rem3A_295 = arith.remsi %add3A_273, %rem3A_294 : i32
        %lt3A_296 = arith.constant 250 : i32
        %lt3A_297 = arith.cmpi slt, %add3A_269, %lt3A_296 : i32
        %convert_element_type3A_298 = arith.extui %lt3A_297 : i1 to i32
        %cond3A_299 = arith.constant 0 : i32
        %cond3A_300 = arith.cmpi ne, %convert_element_type3A_298, %cond3A_299 : i32
        scf.if %cond3A_300 {
          %add3A_469 = arith.constant 0 : i32
          %add3A_470 = arith.addi %mul3A_175, %add3A_469 : i32
          %dma_start3A_471 = arith.constant 0 : i32
          %dma_start3A_472 = tpu.memref_slice %arg9[%add3A_470, %dma_start3A_471] : memref<800x64xf32, #tpu.memory_space<vmem>> -> memref<80x64xf32, #tpu.memory_space<vmem>>
          %dma_start3A_473 = arith.constant 0 : i32
          %dma_start3A_474 = tpu.memref_slice %arg7[%rem3A_293, %rem3A_295, %dma_start3A_473] : memref<2x50x80xi32, #tpu.memory_space<vmem>> -> memref<1x1x80xi32, #tpu.memory_space<vmem>>
          %dma_start3A_475 = tpu.memref_squeeze %dma_start3A_474 : memref<1x1x80xi32, #tpu.memory_space<vmem>> -> memref<80xi32, #tpu.memory_space<vmem>>
          %dma_start3A_476 = arith.constant 0 : i32
          %dma_start3A_477 = tpu.memref_slice %arg2[%arg0, %dma_start3A_476] : memref<20000x64xf32, #tpu.memory_space<hbm>> -> memref<19999x64xf32, #tpu.memory_space<hbm>>
          %dma_start3A_478 = arith.constant 0 : i32
          %dma_start3A_479 = arith.constant 0 : i32
          %dma_start3A_480 = tpu.memref_slice %dma_start3A_477[%dma_start3A_478, %dma_start3A_479] : memref<19999x64xf32, #tpu.memory_space<hbm>> -> memref<19999x64xf32, #tpu.memory_space<hbm>>
          tpu.enqueue_indirect_dma source(%dma_start3A_480 : memref<19999x64xf32, #tpu.memory_space<hbm>>) target(%dma_start3A_472 : memref<80x64xf32, #tpu.memory_space<vmem>>) offsets(%dma_start3A_475 : memref<80xi32, #tpu.memory_space<vmem>>) semaphore(%arg11 : memref<!tpu.dma_semaphore, #tpu.memory_space<semaphore_mem>>)
        } else {
        }
        %add3A_301 = arith.constant 10 : i32
        %add3A_302 = arith.addi %add3A_180, %add3A_301 : i32
        %add3A_303 = arith.constant 1 : i32
        %add3A_304 = arith.addi %add3A_302, %add3A_303 : i32
        %add3A_305 = arith.constant 10 : i32
        %add3A_306 = arith.addi %mul3A_182, %add3A_305 : i32
        %add3A_307 = arith.constant 1 : i32
        %add3A_308 = arith.addi %add3A_306, %add3A_307 : i32
        %jit3A_309 = arith.constant 50 : i32
        %div3A_310 = arith.divsi %add3A_308, %jit3A_309 : i32
        %sign3A_311 = arith.constant 0 : i32
        %sign3A_312 = arith.cmpi sgt, %add3A_308, %sign3A_311 : i32
        %sign3A_313 = arith.extui %sign3A_312 : i1 to i32
        %sign3A_314 = arith.constant 0 : i32
        %sign3A_315 = arith.cmpi slt, %add3A_308, %sign3A_314 : i32
        %sign3A_316 = arith.extui %sign3A_315 : i1 to i32
        %sign3A_317 = arith.subi %sign3A_313, %sign3A_316 : i32
        %sign3A_318 = arith.constant 0 : i32
        %sign3A_319 = arith.cmpi sgt, %jit3A_309, %sign3A_318 : i32
        %sign3A_320 = arith.extui %sign3A_319 : i1 to i32
        %sign3A_321 = arith.constant 0 : i32
        %sign3A_322 = arith.cmpi slt, %jit3A_309, %sign3A_321 : i32
        %sign3A_323 = arith.extui %sign3A_322 : i1 to i32
        %sign3A_324 = arith.subi %sign3A_320, %sign3A_323 : i32
        %ne3A_325 = arith.cmpi ne, %sign3A_317, %sign3A_324 : i32
        %rem3A_326 = arith.remsi %add3A_308, %jit3A_309 : i32
        %ne3A_327 = arith.constant 0 : i32
        %ne3A_328 = arith.cmpi ne, %rem3A_326, %ne3A_327 : i32
        %and3A_329 = arith.andi %ne3A_325, %ne3A_328 : i1
        %sub3A_330 = arith.constant 1 : i32
        %sub3A_331 = arith.subi %div3A_310, %sub3A_330 : i32
        %select_n3A_332 = arith.select %and3A_329, %sub3A_331, %div3A_310 : i32
        %add3A_333 = arith.addi %rem3A_143, %select_n3A_332 : i32
        %rem3A_334 = arith.constant 2 : i32
        %rem3A_335 = arith.remsi %add3A_333, %rem3A_334 : i32
        %rem3A_336 = arith.constant 50 : i32
        %rem3A_337 = arith.remsi %add3A_308, %rem3A_336 : i32
        %lt3A_338 = arith.constant 250 : i32
        %lt3A_339 = arith.cmpi slt, %add3A_304, %lt3A_338 : i32
        %convert_element_type3A_340 = arith.extui %lt3A_339 : i1 to i32
        %cond3A_341 = arith.constant 0 : i32
        %cond3A_342 = arith.cmpi ne, %convert_element_type3A_340, %cond3A_341 : i32
        scf.if %cond3A_342 {
          %add3A_469 = arith.constant 80 : i32
          %add3A_470 = arith.addi %mul3A_175, %add3A_469 : i32
          %dma_start3A_471 = arith.constant 0 : i32
          %dma_start3A_472 = tpu.memref_slice %arg9[%add3A_470, %dma_start3A_471] : memref<800x64xf32, #tpu.memory_space<vmem>> -> memref<80x64xf32, #tpu.memory_space<vmem>>
          %dma_start3A_473 = arith.constant 0 : i32
          %dma_start3A_474 = tpu.memref_slice %arg7[%rem3A_335, %rem3A_337, %dma_start3A_473] : memref<2x50x80xi32, #tpu.memory_space<vmem>> -> memref<1x1x80xi32, #tpu.memory_space<vmem>>
          %dma_start3A_475 = tpu.memref_squeeze %dma_start3A_474 : memref<1x1x80xi32, #tpu.memory_space<vmem>> -> memref<80xi32, #tpu.memory_space<vmem>>
          %dma_start3A_476 = arith.constant 0 : i32
          %dma_start3A_477 = tpu.memref_slice %arg2[%arg0, %dma_start3A_476] : memref<20000x64xf32, #tpu.memory_space<hbm>> -> memref<19999x64xf32, #tpu.memory_space<hbm>>
          %dma_start3A_478 = arith.constant 0 : i32
          %dma_start3A_479 = arith.constant 0 : i32
          %dma_start3A_480 = tpu.memref_slice %dma_start3A_477[%dma_start3A_478, %dma_start3A_479] : memref<19999x64xf32, #tpu.memory_space<hbm>> -> memref<19999x64xf32, #tpu.memory_space<hbm>>
          tpu.enqueue_indirect_dma source(%dma_start3A_480 : memref<19999x64xf32, #tpu.memory_space<hbm>>) target(%dma_start3A_472 : memref<80x64xf32, #tpu.memory_space<vmem>>) offsets(%dma_start3A_475 : memref<80xi32, #tpu.memory_space<vmem>>) semaphore(%arg11 : memref<!tpu.dma_semaphore, #tpu.memory_space<semaphore_mem>>)
        } else {
        }
        %add3A_343 = arith.constant 10 : i32
        %add3A_344 = arith.addi %add3A_180, %add3A_343 : i32
        %add3A_345 = arith.constant 2 : i32
        %add3A_346 = arith.addi %add3A_344, %add3A_345 : i32
        %add3A_347 = arith.constant 10 : i32
        %add3A_348 = arith.addi %mul3A_182, %add3A_347 : i32
        %add3A_349 = arith.constant 2 : i32
        %add3A_350 = arith.addi %add3A_348, %add3A_349 : i32
        %jit3A_351 = arith.constant 50 : i32
        %div3A_352 = arith.divsi %add3A_350, %jit3A_351 : i32
        %sign3A_353 = arith.constant 0 : i32
        %sign3A_354 = arith.cmpi sgt, %add3A_350, %sign3A_353 : i32
        %sign3A_355 = arith.extui %sign3A_354 : i1 to i32
        %sign3A_356 = arith.constant 0 : i32
        %sign3A_357 = arith.cmpi slt, %add3A_350, %sign3A_356 : i32
        %sign3A_358 = arith.extui %sign3A_357 : i1 to i32
        %sign3A_359 = arith.subi %sign3A_355, %sign3A_358 : i32
        %sign3A_360 = arith.constant 0 : i32
        %sign3A_361 = arith.cmpi sgt, %jit3A_351, %sign3A_360 : i32
        %sign3A_362 = arith.extui %sign3A_361 : i1 to i32
        %sign3A_363 = arith.constant 0 : i32
        %sign3A_364 = arith.cmpi slt, %jit3A_351, %sign3A_363 : i32
        %sign3A_365 = arith.extui %sign3A_364 : i1 to i32
        %sign3A_366 = arith.subi %sign3A_362, %sign3A_365 : i32
        %ne3A_367 = arith.cmpi ne, %sign3A_359, %sign3A_366 : i32
        %rem3A_368 = arith.remsi %add3A_350, %jit3A_351 : i32
        %ne3A_369 = arith.constant 0 : i32
        %ne3A_370 = arith.cmpi ne, %rem3A_368, %ne3A_369 : i32
        %and3A_371 = arith.andi %ne3A_367, %ne3A_370 : i1
        %sub3A_372 = arith.constant 1 : i32
        %sub3A_373 = arith.subi %div3A_352, %sub3A_372 : i32
        %select_n3A_374 = arith.select %and3A_371, %sub3A_373, %div3A_352 : i32
        %add3A_375 = arith.addi %rem3A_143, %select_n3A_374 : i32
        %rem3A_376 = arith.constant 2 : i32
        %rem3A_377 = arith.remsi %add3A_375, %rem3A_376 : i32
        %rem3A_378 = arith.constant 50 : i32
        %rem3A_379 = arith.remsi %add3A_350, %rem3A_378 : i32
        %lt3A_380 = arith.constant 250 : i32
        %lt3A_381 = arith.cmpi slt, %add3A_346, %lt3A_380 : i32
        %convert_element_type3A_382 = arith.extui %lt3A_381 : i1 to i32
        %cond3A_383 = arith.constant 0 : i32
        %cond3A_384 = arith.cmpi ne, %convert_element_type3A_382, %cond3A_383 : i32
        scf.if %cond3A_384 {
          %add3A_469 = arith.constant 160 : i32
          %add3A_470 = arith.addi %mul3A_175, %add3A_469 : i32
          %dma_start3A_471 = arith.constant 0 : i32
          %dma_start3A_472 = tpu.memref_slice %arg9[%add3A_470, %dma_start3A_471] : memref<800x64xf32, #tpu.memory_space<vmem>> -> memref<80x64xf32, #tpu.memory_space<vmem>>
          %dma_start3A_473 = arith.constant 0 : i32
          %dma_start3A_474 = tpu.memref_slice %arg7[%rem3A_377, %rem3A_379, %dma_start3A_473] : memref<2x50x80xi32, #tpu.memory_space<vmem>> -> memref<1x1x80xi32, #tpu.memory_space<vmem>>
          %dma_start3A_475 = tpu.memref_squeeze %dma_start3A_474 : memref<1x1x80xi32, #tpu.memory_space<vmem>> -> memref<80xi32, #tpu.memory_space<vmem>>
          %dma_start3A_476 = arith.constant 0 : i32
          %dma_start3A_477 = tpu.memref_slice %arg2[%arg0, %dma_start3A_476] : memref<20000x64xf32, #tpu.memory_space<hbm>> -> memref<19999x64xf32, #tpu.memory_space<hbm>>
          %dma_start3A_478 = arith.constant 0 : i32
          %dma_start3A_479 = arith.constant 0 : i32
          %dma_start3A_480 = tpu.memref_slice %dma_start3A_477[%dma_start3A_478, %dma_start3A_479] : memref<19999x64xf32, #tpu.memory_space<hbm>> -> memref<19999x64xf32, #tpu.memory_space<hbm>>
          tpu.enqueue_indirect_dma source(%dma_start3A_480 : memref<19999x64xf32, #tpu.memory_space<hbm>>) target(%dma_start3A_472 : memref<80x64xf32, #tpu.memory_space<vmem>>) offsets(%dma_start3A_475 : memref<80xi32, #tpu.memory_space<vmem>>) semaphore(%arg11 : memref<!tpu.dma_semaphore, #tpu.memory_space<semaphore_mem>>)
        } else {
        }
        %add3A_385 = arith.constant 10 : i32
        %add3A_386 = arith.addi %add3A_180, %add3A_385 : i32
        %add3A_387 = arith.constant 3 : i32
        %add3A_388 = arith.addi %add3A_386, %add3A_387 : i32
        %add3A_389 = arith.constant 10 : i32
        %add3A_390 = arith.addi %mul3A_182, %add3A_389 : i32
        %add3A_391 = arith.constant 3 : i32
        %add3A_392 = arith.addi %add3A_390, %add3A_391 : i32
        %jit3A_393 = arith.constant 50 : i32
        %div3A_394 = arith.divsi %add3A_392, %jit3A_393 : i32
        %sign3A_395 = arith.constant 0 : i32
        %sign3A_396 = arith.cmpi sgt, %add3A_392, %sign3A_395 : i32
        %sign3A_397 = arith.extui %sign3A_396 : i1 to i32
        %sign3A_398 = arith.constant 0 : i32
        %sign3A_399 = arith.cmpi slt, %add3A_392, %sign3A_398 : i32
        %sign3A_400 = arith.extui %sign3A_399 : i1 to i32
        %sign3A_401 = arith.subi %sign3A_397, %sign3A_400 : i32
        %sign3A_402 = arith.constant 0 : i32
        %sign3A_403 = arith.cmpi sgt, %jit3A_393, %sign3A_402 : i32
        %sign3A_404 = arith.extui %sign3A_403 : i1 to i32
        %sign3A_405 = arith.constant 0 : i32
        %sign3A_406 = arith.cmpi slt, %jit3A_393, %sign3A_405 : i32
        %sign3A_407 = arith.extui %sign3A_406 : i1 to i32
        %sign3A_408 = arith.subi %sign3A_404, %sign3A_407 : i32
        %ne3A_409 = arith.cmpi ne, %sign3A_401, %sign3A_408 : i32
        %rem3A_410 = arith.remsi %add3A_392, %jit3A_393 : i32
        %ne3A_411 = arith.constant 0 : i32
        %ne3A_412 = arith.cmpi ne, %rem3A_410, %ne3A_411 : i32
        %and3A_413 = arith.andi %ne3A_409, %ne3A_412 : i1
        %sub3A_414 = arith.constant 1 : i32
        %sub3A_415 = arith.subi %div3A_394, %sub3A_414 : i32
        %select_n3A_416 = arith.select %and3A_413, %sub3A_415, %div3A_394 : i32
        %add3A_417 = arith.addi %rem3A_143, %select_n3A_416 : i32
        %rem3A_418 = arith.constant 2 : i32
        %rem3A_419 = arith.remsi %add3A_417, %rem3A_418 : i32
        %rem3A_420 = arith.constant 50 : i32
        %rem3A_421 = arith.remsi %add3A_392, %rem3A_420 : i32
        %lt3A_422 = arith.constant 250 : i32
        %lt3A_423 = arith.cmpi slt, %add3A_388, %lt3A_422 : i32
        %convert_element_type3A_424 = arith.extui %lt3A_423 : i1 to i32
        %cond3A_425 = arith.constant 0 : i32
        %cond3A_426 = arith.cmpi ne, %convert_element_type3A_424, %cond3A_425 : i32
        scf.if %cond3A_426 {
          %add3A_469 = arith.constant 240 : i32
          %add3A_470 = arith.addi %mul3A_175, %add3A_469 : i32
          %dma_start3A_471 = arith.constant 0 : i32
          %dma_start3A_472 = tpu.memref_slice %arg9[%add3A_470, %dma_start3A_471] : memref<800x64xf32, #tpu.memory_space<vmem>> -> memref<80x64xf32, #tpu.memory_space<vmem>>
          %dma_start3A_473 = arith.constant 0 : i32
          %dma_start3A_474 = tpu.memref_slice %arg7[%rem3A_419, %rem3A_421, %dma_start3A_473] : memref<2x50x80xi32, #tpu.memory_space<vmem>> -> memref<1x1x80xi32, #tpu.memory_space<vmem>>
          %dma_start3A_475 = tpu.memref_squeeze %dma_start3A_474 : memref<1x1x80xi32, #tpu.memory_space<vmem>> -> memref<80xi32, #tpu.memory_space<vmem>>
          %dma_start3A_476 = arith.constant 0 : i32
          %dma_start3A_477 = tpu.memref_slice %arg2[%arg0, %dma_start3A_476] : memref<20000x64xf32, #tpu.memory_space<hbm>> -> memref<19999x64xf32, #tpu.memory_space<hbm>>
          %dma_start3A_478 = arith.constant 0 : i32
          %dma_start3A_479 = arith.constant 0 : i32
          %dma_start3A_480 = tpu.memref_slice %dma_start3A_477[%dma_start3A_478, %dma_start3A_479] : memref<19999x64xf32, #tpu.memory_space<hbm>> -> memref<19999x64xf32, #tpu.memory_space<hbm>>
          tpu.enqueue_indirect_dma source(%dma_start3A_480 : memref<19999x64xf32, #tpu.memory_space<hbm>>) target(%dma_start3A_472 : memref<80x64xf32, #tpu.memory_space<vmem>>) offsets(%dma_start3A_475 : memref<80xi32, #tpu.memory_space<vmem>>) semaphore(%arg11 : memref<!tpu.dma_semaphore, #tpu.memory_space<semaphore_mem>>)
        } else {
        }
        %add3A_427 = arith.constant 10 : i32
        %add3A_428 = arith.addi %add3A_180, %add3A_427 : i32
        %add3A_429 = arith.constant 4 : i32
        %add3A_430 = arith.addi %add3A_428, %add3A_429 : i32
        %add3A_431 = arith.constant 10 : i32
        %add3A_432 = arith.addi %mul3A_182, %add3A_431 : i32
        %add3A_433 = arith.constant 4 : i32
        %add3A_434 = arith.addi %add3A_432, %add3A_433 : i32
        %jit3A_435 = arith.constant 50 : i32
        %div3A_436 = arith.divsi %add3A_434, %jit3A_435 : i32
        %sign3A_437 = arith.constant 0 : i32
        %sign3A_438 = arith.cmpi sgt, %add3A_434, %sign3A_437 : i32
        %sign3A_439 = arith.extui %sign3A_438 : i1 to i32
        %sign3A_440 = arith.constant 0 : i32
        %sign3A_441 = arith.cmpi slt, %add3A_434, %sign3A_440 : i32
        %sign3A_442 = arith.extui %sign3A_441 : i1 to i32
        %sign3A_443 = arith.subi %sign3A_439, %sign3A_442 : i32
        %sign3A_444 = arith.constant 0 : i32
        %sign3A_445 = arith.cmpi sgt, %jit3A_435, %sign3A_444 : i32
        %sign3A_446 = arith.extui %sign3A_445 : i1 to i32
        %sign3A_447 = arith.constant 0 : i32
        %sign3A_448 = arith.cmpi slt, %jit3A_435, %sign3A_447 : i32
        %sign3A_449 = arith.extui %sign3A_448 : i1 to i32
        %sign3A_450 = arith.subi %sign3A_446, %sign3A_449 : i32
        %ne3A_451 = arith.cmpi ne, %sign3A_443, %sign3A_450 : i32
        %rem3A_452 = arith.remsi %add3A_434, %jit3A_435 : i32
        %ne3A_453 = arith.constant 0 : i32
        %ne3A_454 = arith.cmpi ne, %rem3A_452, %ne3A_453 : i32
        %and3A_455 = arith.andi %ne3A_451, %ne3A_454 : i1
        %sub3A_456 = arith.constant 1 : i32
        %sub3A_457 = arith.subi %div3A_436, %sub3A_456 : i32
        %select_n3A_458 = arith.select %and3A_455, %sub3A_457, %div3A_436 : i32
        %add3A_459 = arith.addi %rem3A_143, %select_n3A_458 : i32
        %rem3A_460 = arith.constant 2 : i32
        %rem3A_461 = arith.remsi %add3A_459, %rem3A_460 : i32
        %rem3A_462 = arith.constant 50 : i32
        %rem3A_463 = arith.remsi %add3A_434, %rem3A_462 : i32
        %lt3A_464 = arith.constant 250 : i32
        %lt3A_465 = arith.cmpi slt, %add3A_430, %lt3A_464 : i32
        %convert_element_type3A_466 = arith.extui %lt3A_465 : i1 to i32
        %cond3A_467 = arith.constant 0 : i32
        %cond3A_468 = arith.cmpi ne, %convert_element_type3A_466, %cond3A_467 : i32
        scf.if %cond3A_468 {
          %add3A_469 = arith.constant 320 : i32
          %add3A_470 = arith.addi %mul3A_175, %add3A_469 : i32
          %dma_start3A_471 = arith.constant 0 : i32
          %dma_start3A_472 = tpu.memref_slice %arg9[%add3A_470, %dma_start3A_471] : memref<800x64xf32, #tpu.memory_space<vmem>> -> memref<80x64xf32, #tpu.memory_space<vmem>>
          %dma_start3A_473 = arith.constant 0 : i32
          %dma_start3A_474 = tpu.memref_slice %arg7[%rem3A_461, %rem3A_463, %dma_start3A_473] : memref<2x50x80xi32, #tpu.memory_space<vmem>> -> memref<1x1x80xi32, #tpu.memory_space<vmem>>
          %dma_start3A_475 = tpu.memref_squeeze %dma_start3A_474 : memref<1x1x80xi32, #tpu.memory_space<vmem>> -> memref<80xi32, #tpu.memory_space<vmem>>
          %dma_start3A_476 = arith.constant 0 : i32
          %dma_start3A_477 = tpu.memref_slice %arg2[%arg0, %dma_start3A_476] : memref<20000x64xf32, #tpu.memory_space<hbm>> -> memref<19999x64xf32, #tpu.memory_space<hbm>>
          %dma_start3A_478 = arith.constant 0 : i32
          %dma_start3A_479 = arith.constant 0 : i32
          %dma_start3A_480 = tpu.memref_slice %dma_start3A_477[%dma_start3A_478, %dma_start3A_479] : memref<19999x64xf32, #tpu.memory_space<hbm>> -> memref<19999x64xf32, #tpu.memory_space<hbm>>
          tpu.enqueue_indirect_dma source(%dma_start3A_480 : memref<19999x64xf32, #tpu.memory_space<hbm>>) target(%dma_start3A_472 : memref<80x64xf32, #tpu.memory_space<vmem>>) offsets(%dma_start3A_475 : memref<80xi32, #tpu.memory_space<vmem>>) semaphore(%arg11 : memref<!tpu.dma_semaphore, #tpu.memory_space<semaphore_mem>>)
        } else {
        }
      }
      %scan3A_154 = arith.constant 8 : i32
      %add3A_155 = arith.constant 1 : i32
      %add3A_156 = arith.addi %scan3A_142, %add3A_155 : i32
      %lt3A_157 = arith.constant 5 : i32
      %lt3A_158 = arith.cmpi slt, %add3A_156, %lt3A_157 : i32
      %convert_element_type3A_159 = arith.extui %lt3A_158 : i1 to i32
      %cond3A_160 = arith.constant 0 : i32
      %cond3A_161 = arith.cmpi ne, %convert_element_type3A_159, %cond3A_160 : i32
      scf.if %cond3A_161 {
        %dma_wait3A = arith.constant 0 : i32
        %dma_wait3A_168 = arith.constant 0 : i32
        %dma_wait3A_169 = arith.constant 0 : i32
        %dma_wait3A_170 = tpu.memref_slice %arg7[%dma_wait3A, %dma_wait3A_168, %dma_wait3A_169] : memref<2x50x80xi32, #tpu.memory_space<vmem>> -> memref<1x50x80xi32, #tpu.memory_space<vmem>>
        %dma_wait3A_171 = tpu.memref_squeeze %dma_wait3A_170 : memref<1x50x80xi32, #tpu.memory_space<vmem>> -> memref<50x80xi32, #tpu.memory_space<vmem>>
        %dma_wait3A_172 = arith.constant 0 : i32
        %dma_wait3A_173 = arith.constant 0 : i32
        %dma_wait3A_174 = tpu.memref_slice %arg3[%arg1, %dma_wait3A_172, %dma_wait3A_173] : memref<16x250x80xi32, #tpu.memory_space<hbm>> -> memref<1x50x80xi32, #tpu.memory_space<hbm>>
        %dma_wait3A_175 = tpu.memref_squeeze %dma_wait3A_174 : memref<1x50x80xi32, #tpu.memory_space<hbm>> -> memref<50x80xi32, #tpu.memory_space<hbm>>
        %dma_wait3A_176 = arith.constant 0 : i32
        %dma_wait3A_177 = arith.constant 0 : i32
        %dma_wait3A_178 = tpu.memref_slice %arg7[%dma_wait3A, %dma_wait3A_176, %dma_wait3A_177] : memref<2x50x80xi32, #tpu.memory_space<vmem>> -> memref<1x50x80xi32, #tpu.memory_space<vmem>>
        %dma_wait3A_179 = tpu.memref_squeeze %dma_wait3A_178 : memref<1x50x80xi32, #tpu.memory_space<vmem>> -> memref<50x80xi32, #tpu.memory_space<vmem>>
        %dma_wait3A_180 = arith.constant 0 : i32
        %dma_wait3A_181 = arith.constant 0 : i32
        %dma_wait3A_182 = tpu.memref_slice %arg3[%arg1, %dma_wait3A_180, %dma_wait3A_181] : memref<16x250x80xi32, #tpu.memory_space<hbm>> -> memref<1x50x80xi32, #tpu.memory_space<hbm>>
        %dma_wait3A_183 = tpu.memref_squeeze %dma_wait3A_182 : memref<1x50x80xi32, #tpu.memory_space<hbm>> -> memref<50x80xi32, #tpu.memory_space<hbm>>
        tpu.wait_dma2 semaphore(%arg13 : memref<!tpu.dma_semaphore, #tpu.memory_space<semaphore_mem>>) src(%dma_wait3A_183 : memref<50x80xi32, #tpu.memory_space<hbm>>) dst(%dma_wait3A_179 : memref<50x80xi32, #tpu.memory_space<vmem>>)
        %dma_wait3A_184 = arith.constant 0 : i32
        %dma_wait3A_185 = arith.constant 0 : i32
        %dma_wait3A_186 = arith.constant 0 : i32
        %dma_wait3A_187 = tpu.memref_slice %arg8[%dma_wait3A_184, %dma_wait3A_185, %dma_wait3A_186] : memref<2x50x80xi32, #tpu.memory_space<vmem>> -> memref<1x50x80xi32, #tpu.memory_space<vmem>>
        %dma_wait3A_188 = tpu.memref_squeeze %dma_wait3A_187 : memref<1x50x80xi32, #tpu.memory_space<vmem>> -> memref<50x80xi32, #tpu.memory_space<vmem>>
        %dma_wait3A_189 = arith.constant 0 : i32
        %dma_wait3A_190 = arith.constant 0 : i32
        %dma_wait3A_191 = tpu.memref_slice %arg4[%arg1, %dma_wait3A_189, %dma_wait3A_190] : memref<16x250x80xi32, #tpu.memory_space<hbm>> -> memref<1x50x80xi32, #tpu.memory_space<hbm>>
        %dma_wait3A_192 = tpu.memref_squeeze %dma_wait3A_191 : memref<1x50x80xi32, #tpu.memory_space<hbm>> -> memref<50x80xi32, #tpu.memory_space<hbm>>
        %dma_wait3A_193 = arith.constant 0 : i32
        %dma_wait3A_194 = arith.constant 0 : i32
        %dma_wait3A_195 = tpu.memref_slice %arg8[%dma_wait3A_184, %dma_wait3A_193, %dma_wait3A_194] : memref<2x50x80xi32, #tpu.memory_space<vmem>> -> memref<1x50x80xi32, #tpu.memory_space<vmem>>
        %dma_wait3A_196 = tpu.memref_squeeze %dma_wait3A_195 : memref<1x50x80xi32, #tpu.memory_space<vmem>> -> memref<50x80xi32, #tpu.memory_space<vmem>>
        %dma_wait3A_197 = arith.constant 0 : i32
        %dma_wait3A_198 = arith.constant 0 : i32
        %dma_wait3A_199 = tpu.memref_slice %arg4[%arg1, %dma_wait3A_197, %dma_wait3A_198] : memref<16x250x80xi32, #tpu.memory_space<hbm>> -> memref<1x50x80xi32, #tpu.memory_space<hbm>>
        %dma_wait3A_200 = tpu.memref_squeeze %dma_wait3A_199 : memref<1x50x80xi32, #tpu.memory_space<hbm>> -> memref<50x80xi32, #tpu.memory_space<hbm>>
        tpu.wait_dma2 semaphore(%arg13 : memref<!tpu.dma_semaphore, #tpu.memory_space<semaphore_mem>>) src(%dma_wait3A_200 : memref<50x80xi32, #tpu.memory_space<hbm>>) dst(%dma_wait3A_196 : memref<50x80xi32, #tpu.memory_space<vmem>>)
      } else {
      }
      %scan3A_162 = arith.constant 0 : i32
      %scan3A_163 = arith.constant 8 : i32
      %scan3A_164 = arith.constant 2 : i32
      %scan3A_165 = arith.addi %scan3A_163, %scan3A_164 : i32
      %scan3A_166 = arith.constant 1 : i32
      scf.for %scan3A_168 = %scan3A_163 to %scan3A_165 step %scan3A_166  : i32 {
        %mul3A_169 = arith.constant 10 : i32
        %mul3A_170 = arith.muli %scan3A_142, %mul3A_169 : i32
        %add3A_171 = arith.addi %mul3A_170, %scan3A_168 : i32
        %rem3A_172 = arith.constant 2 : i32
        %rem3A_173 = arith.remsi %add3A_171, %rem3A_172 : i32
        %mul3A_174 = arith.constant 400 : i32
        %mul3A_175 = arith.muli %rem3A_173, %mul3A_174 : i32
        %mul3A_176 = arith.constant 50 : i32
        %mul3A_177 = arith.muli %scan3A_142, %mul3A_176 : i32
        %mul3A_178 = arith.constant 5 : i32
        %mul3A_179 = arith.muli %scan3A_168, %mul3A_178 : i32
        %add3A_180 = arith.addi %mul3A_177, %mul3A_179 : i32
        %mul3A_181 = arith.constant 5 : i32
        %mul3A_182 = arith.muli %scan3A_168, %mul3A_181 : i32
        %dma_wait3A = arith.constant 0 : i32
        %dma_wait3A_183 = arith.constant 0 : i32
        %dma_wait3A_184 = tpu.memref_slice %arg9[%dma_wait3A, %dma_wait3A_183] : memref<800x64xf32, #tpu.memory_space<vmem>> -> memref<400x64xf32, #tpu.memory_space<vmem>>
        %dma_wait3A_185 = arith.constant 0 : i32
        %dma_wait3A_186 = arith.constant 0 : i32
        %dma_wait3A_187 = tpu.memref_slice %arg2[%dma_wait3A_185, %dma_wait3A_186] : memref<20000x64xf32, #tpu.memory_space<hbm>> -> memref<400x64xf32, #tpu.memory_space<hbm>>
        %dma_wait3A_188 = arith.constant 0 : i32
        %dma_wait3A_189 = arith.constant 0 : i32
        %dma_wait3A_190 = tpu.memref_slice %arg9[%dma_wait3A_188, %dma_wait3A_189] : memref<800x64xf32, #tpu.memory_space<vmem>> -> memref<400x64xf32, #tpu.memory_space<vmem>>
        %dma_wait3A_191 = arith.constant 0 : i32
        %dma_wait3A_192 = arith.constant 0 : i32
        %dma_wait3A_193 = tpu.memref_slice %arg2[%dma_wait3A_191, %dma_wait3A_192] : memref<20000x64xf32, #tpu.memory_space<hbm>> -> memref<400x64xf32, #tpu.memory_space<hbm>>
        tpu.wait_dma2 semaphore(%arg11 : memref<!tpu.dma_semaphore, #tpu.memory_space<semaphore_mem>>) src(%dma_wait3A_193 : memref<400x64xf32, #tpu.memory_space<hbm>>) dst(%dma_wait3A_190 : memref<400x64xf32, #tpu.memory_space<vmem>>)
        %add3A_194 = arith.constant 0 : i32
        %add3A_195 = arith.addi %mul3A_175, %add3A_194 : i32
        %add3A_196 = arith.constant 0 : i32
        %add3A_197 = arith.addi %mul3A_182, %add3A_196 : i32
        %dma_start3A_198 = arith.constant 0 : i32
        %dma_start3A_199 = tpu.memref_slice %arg9[%add3A_195, %dma_start3A_198] : memref<800x64xf32, #tpu.memory_space<vmem>> -> memref<80x64xf32, #tpu.memory_space<vmem>>
        %dma_start3A_200 = arith.constant 0 : i32
        %dma_start3A_201 = tpu.memref_slice %arg8[%rem3A_143, %add3A_197, %dma_start3A_200] : memref<2x50x80xi32, #tpu.memory_space<vmem>> -> memref<1x1x80xi32, #tpu.memory_space<vmem>>
        %dma_start3A_202 = tpu.memref_squeeze %dma_start3A_201 : memref<1x1x80xi32, #tpu.memory_space<vmem>> -> memref<80xi32, #tpu.memory_space<vmem>>
        %dma_start3A_203 = arith.constant 0 : i32
        %dma_start3A_204 = arith.constant 0 : i32
        %dma_start3A_205 = tpu.memref_slice %arg10[%dma_start3A_203, %dma_start3A_204] : memref<10000x64xf32, #tpu.memory_space<vmem_shared>> -> memref<10000x64xf32, #tpu.memory_space<vmem_shared>>
        tpu.enqueue_indirect_dma source(%dma_start3A_199 : memref<80x64xf32, #tpu.memory_space<vmem>>) target(%dma_start3A_205 : memref<10000x64xf32, #tpu.memory_space<vmem_shared>>) offsets(%dma_start3A_202 : memref<80xi32, #tpu.memory_space<vmem>>) semaphore(%arg12 : memref<!tpu.dma_semaphore, #tpu.memory_space<semaphore_mem>>) {add = true}
        %add3A_206 = arith.constant 80 : i32
        %add3A_207 = arith.addi %mul3A_175, %add3A_206 : i32
        %add3A_208 = arith.constant 1 : i32
        %add3A_209 = arith.addi %mul3A_182, %add3A_208 : i32
        %dma_start3A_210 = arith.constant 0 : i32
        %dma_start3A_211 = tpu.memref_slice %arg9[%add3A_207, %dma_start3A_210] : memref<800x64xf32, #tpu.memory_space<vmem>> -> memref<80x64xf32, #tpu.memory_space<vmem>>
        %dma_start3A_212 = arith.constant 0 : i32
        %dma_start3A_213 = tpu.memref_slice %arg8[%rem3A_143, %add3A_209, %dma_start3A_212] : memref<2x50x80xi32, #tpu.memory_space<vmem>> -> memref<1x1x80xi32, #tpu.memory_space<vmem>>
        %dma_start3A_214 = tpu.memref_squeeze %dma_start3A_213 : memref<1x1x80xi32, #tpu.memory_space<vmem>> -> memref<80xi32, #tpu.memory_space<vmem>>
        %dma_start3A_215 = arith.constant 0 : i32
        %dma_start3A_216 = arith.constant 0 : i32
        %dma_start3A_217 = tpu.memref_slice %arg10[%dma_start3A_215, %dma_start3A_216] : memref<10000x64xf32, #tpu.memory_space<vmem_shared>> -> memref<10000x64xf32, #tpu.memory_space<vmem_shared>>
        tpu.enqueue_indirect_dma source(%dma_start3A_211 : memref<80x64xf32, #tpu.memory_space<vmem>>) target(%dma_start3A_217 : memref<10000x64xf32, #tpu.memory_space<vmem_shared>>) offsets(%dma_start3A_214 : memref<80xi32, #tpu.memory_space<vmem>>) semaphore(%arg12 : memref<!tpu.dma_semaphore, #tpu.memory_space<semaphore_mem>>) {add = true}
        %add3A_218 = arith.constant 160 : i32
        %add3A_219 = arith.addi %mul3A_175, %add3A_218 : i32
        %add3A_220 = arith.constant 2 : i32
        %add3A_221 = arith.addi %mul3A_182, %add3A_220 : i32
        %dma_start3A_222 = arith.constant 0 : i32
        %dma_start3A_223 = tpu.memref_slice %arg9[%add3A_219, %dma_start3A_222] : memref<800x64xf32, #tpu.memory_space<vmem>> -> memref<80x64xf32, #tpu.memory_space<vmem>>
        %dma_start3A_224 = arith.constant 0 : i32
        %dma_start3A_225 = tpu.memref_slice %arg8[%rem3A_143, %add3A_221, %dma_start3A_224] : memref<2x50x80xi32, #tpu.memory_space<vmem>> -> memref<1x1x80xi32, #tpu.memory_space<vmem>>
        %dma_start3A_226 = tpu.memref_squeeze %dma_start3A_225 : memref<1x1x80xi32, #tpu.memory_space<vmem>> -> memref<80xi32, #tpu.memory_space<vmem>>
        %dma_start3A_227 = arith.constant 0 : i32
        %dma_start3A_228 = arith.constant 0 : i32
        %dma_start3A_229 = tpu.memref_slice %arg10[%dma_start3A_227, %dma_start3A_228] : memref<10000x64xf32, #tpu.memory_space<vmem_shared>> -> memref<10000x64xf32, #tpu.memory_space<vmem_shared>>
        tpu.enqueue_indirect_dma source(%dma_start3A_223 : memref<80x64xf32, #tpu.memory_space<vmem>>) target(%dma_start3A_229 : memref<10000x64xf32, #tpu.memory_space<vmem_shared>>) offsets(%dma_start3A_226 : memref<80xi32, #tpu.memory_space<vmem>>) semaphore(%arg12 : memref<!tpu.dma_semaphore, #tpu.memory_space<semaphore_mem>>) {add = true}
        %add3A_230 = arith.constant 240 : i32
        %add3A_231 = arith.addi %mul3A_175, %add3A_230 : i32
        %add3A_232 = arith.constant 3 : i32
        %add3A_233 = arith.addi %mul3A_182, %add3A_232 : i32
        %dma_start3A_234 = arith.constant 0 : i32
        %dma_start3A_235 = tpu.memref_slice %arg9[%add3A_231, %dma_start3A_234] : memref<800x64xf32, #tpu.memory_space<vmem>> -> memref<80x64xf32, #tpu.memory_space<vmem>>
        %dma_start3A_236 = arith.constant 0 : i32
        %dma_start3A_237 = tpu.memref_slice %arg8[%rem3A_143, %add3A_233, %dma_start3A_236] : memref<2x50x80xi32, #tpu.memory_space<vmem>> -> memref<1x1x80xi32, #tpu.memory_space<vmem>>
        %dma_start3A_238 = tpu.memref_squeeze %dma_start3A_237 : memref<1x1x80xi32, #tpu.memory_space<vmem>> -> memref<80xi32, #tpu.memory_space<vmem>>
        %dma_start3A_239 = arith.constant 0 : i32
        %dma_start3A_240 = arith.constant 0 : i32
        %dma_start3A_241 = tpu.memref_slice %arg10[%dma_start3A_239, %dma_start3A_240] : memref<10000x64xf32, #tpu.memory_space<vmem_shared>> -> memref<10000x64xf32, #tpu.memory_space<vmem_shared>>
        tpu.enqueue_indirect_dma source(%dma_start3A_235 : memref<80x64xf32, #tpu.memory_space<vmem>>) target(%dma_start3A_241 : memref<10000x64xf32, #tpu.memory_space<vmem_shared>>) offsets(%dma_start3A_238 : memref<80xi32, #tpu.memory_space<vmem>>) semaphore(%arg12 : memref<!tpu.dma_semaphore, #tpu.memory_space<semaphore_mem>>) {add = true}
        %add3A_242 = arith.constant 320 : i32
        %add3A_243 = arith.addi %mul3A_175, %add3A_242 : i32
        %add3A_244 = arith.constant 4 : i32
        %add3A_245 = arith.addi %mul3A_182, %add3A_244 : i32
        %dma_start3A_246 = arith.constant 0 : i32
        %dma_start3A_247 = tpu.memref_slice %arg9[%add3A_243, %dma_start3A_246] : memref<800x64xf32, #tpu.memory_space<vmem>> -> memref<80x64xf32, #tpu.memory_space<vmem>>
        %dma_start3A_248 = arith.constant 0 : i32
        %dma_start3A_249 = tpu.memref_slice %arg8[%rem3A_143, %add3A_245, %dma_start3A_248] : memref<2x50x80xi32, #tpu.memory_space<vmem>> -> memref<1x1x80xi32, #tpu.memory_space<vmem>>
        %dma_start3A_250 = tpu.memref_squeeze %dma_start3A_249 : memref<1x1x80xi32, #tpu.memory_space<vmem>> -> memref<80xi32, #tpu.memory_space<vmem>>
        %dma_start3A_251 = arith.constant 0 : i32
        %dma_start3A_252 = arith.constant 0 : i32
        %dma_start3A_253 = tpu.memref_slice %arg10[%dma_start3A_251, %dma_start3A_252] : memref<10000x64xf32, #tpu.memory_space<vmem_shared>> -> memref<10000x64xf32, #tpu.memory_space<vmem_shared>>
        tpu.enqueue_indirect_dma source(%dma_start3A_247 : memref<80x64xf32, #tpu.memory_space<vmem>>) target(%dma_start3A_253 : memref<10000x64xf32, #tpu.memory_space<vmem_shared>>) offsets(%dma_start3A_250 : memref<80xi32, #tpu.memory_space<vmem>>) semaphore(%arg12 : memref<!tpu.dma_semaphore, #tpu.memory_space<semaphore_mem>>) {add = true}
        %dma_wait3A_254 = arith.constant 0 : i32
        %dma_wait3A_255 = arith.constant 0 : i32
        %dma_wait3A_256 = tpu.memref_slice %arg9[%dma_wait3A_254, %dma_wait3A_255] : memref<800x64xf32, #tpu.memory_space<vmem>> -> memref<400x64xf32, #tpu.memory_space<vmem>>
        %dma_wait3A_257 = arith.constant 0 : i32
        %dma_wait3A_258 = arith.constant 0 : i32
        %dma_wait3A_259 = tpu.memref_slice %arg10[%dma_wait3A_257, %dma_wait3A_258] : memref<10000x64xf32, #tpu.memory_space<vmem_shared>> -> memref<400x64xf32, #tpu.memory_space<vmem_shared>>
        %dma_wait3A_260 = arith.constant 0 : i32
        %dma_wait3A_261 = arith.constant 0 : i32
        %dma_wait3A_262 = tpu.memref_slice %arg10[%dma_wait3A_260, %dma_wait3A_261] : memref<10000x64xf32, #tpu.memory_space<vmem_shared>> -> memref<400x64xf32, #tpu.memory_space<vmem_shared>>
        %dma_wait3A_263 = arith.constant 0 : i32
        %dma_wait3A_264 = arith.constant 0 : i32
        %dma_wait3A_265 = tpu.memref_slice %arg9[%dma_wait3A_263, %dma_wait3A_264] : memref<800x64xf32, #tpu.memory_space<vmem>> -> memref<400x64xf32, #tpu.memory_space<vmem>>
        tpu.wait_dma2 semaphore(%arg12 : memref<!tpu.dma_semaphore, #tpu.memory_space<semaphore_mem>>) src(%dma_wait3A_265 : memref<400x64xf32, #tpu.memory_space<vmem>>) dst(%dma_wait3A_262 : memref<400x64xf32, #tpu.memory_space<vmem_shared>>)
        %add3A_266 = arith.constant 10 : i32
        %add3A_267 = arith.addi %add3A_180, %add3A_266 : i32
        %add3A_268 = arith.constant 0 : i32
        %add3A_269 = arith.addi %add3A_267, %add3A_268 : i32
        %add3A_270 = arith.constant 10 : i32
        %add3A_271 = arith.addi %mul3A_182, %add3A_270 : i32
        %add3A_272 = arith.constant 0 : i32
        %add3A_273 = arith.addi %add3A_271, %add3A_272 : i32
        %jit3A = arith.constant 50 : i32
        %div3A = arith.divsi %add3A_273, %jit3A : i32
        %sign3A = arith.constant 0 : i32
        %sign3A_274 = arith.cmpi sgt, %add3A_273, %sign3A : i32
        %sign3A_275 = arith.extui %sign3A_274 : i1 to i32
        %sign3A_276 = arith.constant 0 : i32
        %sign3A_277 = arith.cmpi slt, %add3A_273, %sign3A_276 : i32
        %sign3A_278 = arith.extui %sign3A_277 : i1 to i32
        %sign3A_279 = arith.subi %sign3A_275, %sign3A_278 : i32
        %sign3A_280 = arith.constant 0 : i32
        %sign3A_281 = arith.cmpi sgt, %jit3A, %sign3A_280 : i32
        %sign3A_282 = arith.extui %sign3A_281 : i1 to i32
        %sign3A_283 = arith.constant 0 : i32
        %sign3A_284 = arith.cmpi slt, %jit3A, %sign3A_283 : i32
        %sign3A_285 = arith.extui %sign3A_284 : i1 to i32
        %sign3A_286 = arith.subi %sign3A_282, %sign3A_285 : i32
        %ne3A = arith.cmpi ne, %sign3A_279, %sign3A_286 : i32
        %rem3A_287 = arith.remsi %add3A_273, %jit3A : i32
        %ne3A_288 = arith.constant 0 : i32
        %ne3A_289 = arith.cmpi ne, %rem3A_287, %ne3A_288 : i32
        %and3A = arith.andi %ne3A, %ne3A_289 : i1
        %sub3A = arith.constant 1 : i32
        %sub3A_290 = arith.subi %div3A, %sub3A : i32
        %select_n3A = arith.select %and3A, %sub3A_290, %div3A : i32
        %add3A_291 = arith.addi %rem3A_143, %select_n3A : i32
        %rem3A_292 = arith.constant 2 : i32
        %rem3A_293 = arith.remsi %add3A_291, %rem3A_292 : i32
        %rem3A_294 = arith.constant 50 : i32
        %rem3A_295 = arith.remsi %add3A_273, %rem3A_294 : i32
        %lt3A_296 = arith.constant 250 : i32
        %lt3A_297 = arith.cmpi slt, %add3A_269, %lt3A_296 : i32
        %convert_element_type3A_298 = arith.extui %lt3A_297 : i1 to i32
        %cond3A_299 = arith.constant 0 : i32
        %cond3A_300 = arith.cmpi ne, %convert_element_type3A_298, %cond3A_299 : i32
        scf.if %cond3A_300 {
          %add3A_469 = arith.constant 0 : i32
          %add3A_470 = arith.addi %mul3A_175, %add3A_469 : i32
          %dma_start3A_471 = arith.constant 0 : i32
          %dma_start3A_472 = tpu.memref_slice %arg9[%add3A_470, %dma_start3A_471] : memref<800x64xf32, #tpu.memory_space<vmem>> -> memref<80x64xf32, #tpu.memory_space<vmem>>
          %dma_start3A_473 = arith.constant 0 : i32
          %dma_start3A_474 = tpu.memref_slice %arg7[%rem3A_293, %rem3A_295, %dma_start3A_473] : memref<2x50x80xi32, #tpu.memory_space<vmem>> -> memref<1x1x80xi32, #tpu.memory_space<vmem>>
          %dma_start3A_475 = tpu.memref_squeeze %dma_start3A_474 : memref<1x1x80xi32, #tpu.memory_space<vmem>> -> memref<80xi32, #tpu.memory_space<vmem>>
          %dma_start3A_476 = arith.constant 0 : i32
          %dma_start3A_477 = tpu.memref_slice %arg2[%arg0, %dma_start3A_476] : memref<20000x64xf32, #tpu.memory_space<hbm>> -> memref<19999x64xf32, #tpu.memory_space<hbm>>
          %dma_start3A_478 = arith.constant 0 : i32
          %dma_start3A_479 = arith.constant 0 : i32
          %dma_start3A_480 = tpu.memref_slice %dma_start3A_477[%dma_start3A_478, %dma_start3A_479] : memref<19999x64xf32, #tpu.memory_space<hbm>> -> memref<19999x64xf32, #tpu.memory_space<hbm>>
          tpu.enqueue_indirect_dma source(%dma_start3A_480 : memref<19999x64xf32, #tpu.memory_space<hbm>>) target(%dma_start3A_472 : memref<80x64xf32, #tpu.memory_space<vmem>>) offsets(%dma_start3A_475 : memref<80xi32, #tpu.memory_space<vmem>>) semaphore(%arg11 : memref<!tpu.dma_semaphore, #tpu.memory_space<semaphore_mem>>)
        } else {
        }
        %add3A_301 = arith.constant 10 : i32
        %add3A_302 = arith.addi %add3A_180, %add3A_301 : i32
        %add3A_303 = arith.constant 1 : i32
        %add3A_304 = arith.addi %add3A_302, %add3A_303 : i32
        %add3A_305 = arith.constant 10 : i32
        %add3A_306 = arith.addi %mul3A_182, %add3A_305 : i32
        %add3A_307 = arith.constant 1 : i32
        %add3A_308 = arith.addi %add3A_306, %add3A_307 : i32
        %jit3A_309 = arith.constant 50 : i32
        %div3A_310 = arith.divsi %add3A_308, %jit3A_309 : i32
        %sign3A_311 = arith.constant 0 : i32
        %sign3A_312 = arith.cmpi sgt, %add3A_308, %sign3A_311 : i32
        %sign3A_313 = arith.extui %sign3A_312 : i1 to i32
        %sign3A_314 = arith.constant 0 : i32
        %sign3A_315 = arith.cmpi slt, %add3A_308, %sign3A_314 : i32
        %sign3A_316 = arith.extui %sign3A_315 : i1 to i32
        %sign3A_317 = arith.subi %sign3A_313, %sign3A_316 : i32
        %sign3A_318 = arith.constant 0 : i32
        %sign3A_319 = arith.cmpi sgt, %jit3A_309, %sign3A_318 : i32
        %sign3A_320 = arith.extui %sign3A_319 : i1 to i32
        %sign3A_321 = arith.constant 0 : i32
        %sign3A_322 = arith.cmpi slt, %jit3A_309, %sign3A_321 : i32
        %sign3A_323 = arith.extui %sign3A_322 : i1 to i32
        %sign3A_324 = arith.subi %sign3A_320, %sign3A_323 : i32
        %ne3A_325 = arith.cmpi ne, %sign3A_317, %sign3A_324 : i32
        %rem3A_326 = arith.remsi %add3A_308, %jit3A_309 : i32
        %ne3A_327 = arith.constant 0 : i32
        %ne3A_328 = arith.cmpi ne, %rem3A_326, %ne3A_327 : i32
        %and3A_329 = arith.andi %ne3A_325, %ne3A_328 : i1
        %sub3A_330 = arith.constant 1 : i32
        %sub3A_331 = arith.subi %div3A_310, %sub3A_330 : i32
        %select_n3A_332 = arith.select %and3A_329, %sub3A_331, %div3A_310 : i32
        %add3A_333 = arith.addi %rem3A_143, %select_n3A_332 : i32
        %rem3A_334 = arith.constant 2 : i32
        %rem3A_335 = arith.remsi %add3A_333, %rem3A_334 : i32
        %rem3A_336 = arith.constant 50 : i32
        %rem3A_337 = arith.remsi %add3A_308, %rem3A_336 : i32
        %lt3A_338 = arith.constant 250 : i32
        %lt3A_339 = arith.cmpi slt, %add3A_304, %lt3A_338 : i32
        %convert_element_type3A_340 = arith.extui %lt3A_339 : i1 to i32
        %cond3A_341 = arith.constant 0 : i32
        %cond3A_342 = arith.cmpi ne, %convert_element_type3A_340, %cond3A_341 : i32
        scf.if %cond3A_342 {
          %add3A_469 = arith.constant 80 : i32
          %add3A_470 = arith.addi %mul3A_175, %add3A_469 : i32
          %dma_start3A_471 = arith.constant 0 : i32
          %dma_start3A_472 = tpu.memref_slice %arg9[%add3A_470, %dma_start3A_471] : memref<800x64xf32, #tpu.memory_space<vmem>> -> memref<80x64xf32, #tpu.memory_space<vmem>>
          %dma_start3A_473 = arith.constant 0 : i32
          %dma_start3A_474 = tpu.memref_slice %arg7[%rem3A_335, %rem3A_337, %dma_start3A_473] : memref<2x50x80xi32, #tpu.memory_space<vmem>> -> memref<1x1x80xi32, #tpu.memory_space<vmem>>
          %dma_start3A_475 = tpu.memref_squeeze %dma_start3A_474 : memref<1x1x80xi32, #tpu.memory_space<vmem>> -> memref<80xi32, #tpu.memory_space<vmem>>
          %dma_start3A_476 = arith.constant 0 : i32
          %dma_start3A_477 = tpu.memref_slice %arg2[%arg0, %dma_start3A_476] : memref<20000x64xf32, #tpu.memory_space<hbm>> -> memref<19999x64xf32, #tpu.memory_space<hbm>>
          %dma_start3A_478 = arith.constant 0 : i32
          %dma_start3A_479 = arith.constant 0 : i32
          %dma_start3A_480 = tpu.memref_slice %dma_start3A_477[%dma_start3A_478, %dma_start3A_479] : memref<19999x64xf32, #tpu.memory_space<hbm>> -> memref<19999x64xf32, #tpu.memory_space<hbm>>
          tpu.enqueue_indirect_dma source(%dma_start3A_480 : memref<19999x64xf32, #tpu.memory_space<hbm>>) target(%dma_start3A_472 : memref<80x64xf32, #tpu.memory_space<vmem>>) offsets(%dma_start3A_475 : memref<80xi32, #tpu.memory_space<vmem>>) semaphore(%arg11 : memref<!tpu.dma_semaphore, #tpu.memory_space<semaphore_mem>>)
        } else {
        }
        %add3A_343 = arith.constant 10 : i32
        %add3A_344 = arith.addi %add3A_180, %add3A_343 : i32
        %add3A_345 = arith.constant 2 : i32
        %add3A_346 = arith.addi %add3A_344, %add3A_345 : i32
        %add3A_347 = arith.constant 10 : i32
        %add3A_348 = arith.addi %mul3A_182, %add3A_347 : i32
        %add3A_349 = arith.constant 2 : i32
        %add3A_350 = arith.addi %add3A_348, %add3A_349 : i32
        %jit3A_351 = arith.constant 50 : i32
        %div3A_352 = arith.divsi %add3A_350, %jit3A_351 : i32
        %sign3A_353 = arith.constant 0 : i32
        %sign3A_354 = arith.cmpi sgt, %add3A_350, %sign3A_353 : i32
        %sign3A_355 = arith.extui %sign3A_354 : i1 to i32
        %sign3A_356 = arith.constant 0 : i32
        %sign3A_357 = arith.cmpi slt, %add3A_350, %sign3A_356 : i32
        %sign3A_358 = arith.extui %sign3A_357 : i1 to i32
        %sign3A_359 = arith.subi %sign3A_355, %sign3A_358 : i32
        %sign3A_360 = arith.constant 0 : i32
        %sign3A_361 = arith.cmpi sgt, %jit3A_351, %sign3A_360 : i32
        %sign3A_362 = arith.extui %sign3A_361 : i1 to i32
        %sign3A_363 = arith.constant 0 : i32
        %sign3A_364 = arith.cmpi slt, %jit3A_351, %sign3A_363 : i32
        %sign3A_365 = arith.extui %sign3A_364 : i1 to i32
        %sign3A_366 = arith.subi %sign3A_362, %sign3A_365 : i32
        %ne3A_367 = arith.cmpi ne, %sign3A_359, %sign3A_366 : i32
        %rem3A_368 = arith.remsi %add3A_350, %jit3A_351 : i32
        %ne3A_369 = arith.constant 0 : i32
        %ne3A_370 = arith.cmpi ne, %rem3A_368, %ne3A_369 : i32
        %and3A_371 = arith.andi %ne3A_367, %ne3A_370 : i1
        %sub3A_372 = arith.constant 1 : i32
        %sub3A_373 = arith.subi %div3A_352, %sub3A_372 : i32
        %select_n3A_374 = arith.select %and3A_371, %sub3A_373, %div3A_352 : i32
        %add3A_375 = arith.addi %rem3A_143, %select_n3A_374 : i32
        %rem3A_376 = arith.constant 2 : i32
        %rem3A_377 = arith.remsi %add3A_375, %rem3A_376 : i32
        %rem3A_378 = arith.constant 50 : i32
        %rem3A_379 = arith.remsi %add3A_350, %rem3A_378 : i32
        %lt3A_380 = arith.constant 250 : i32
        %lt3A_381 = arith.cmpi slt, %add3A_346, %lt3A_380 : i32
        %convert_element_type3A_382 = arith.extui %lt3A_381 : i1 to i32
        %cond3A_383 = arith.constant 0 : i32
        %cond3A_384 = arith.cmpi ne, %convert_element_type3A_382, %cond3A_383 : i32
        scf.if %cond3A_384 {
          %add3A_469 = arith.constant 160 : i32
          %add3A_470 = arith.addi %mul3A_175, %add3A_469 : i32
          %dma_start3A_471 = arith.constant 0 : i32
          %dma_start3A_472 = tpu.memref_slice %arg9[%add3A_470, %dma_start3A_471] : memref<800x64xf32, #tpu.memory_space<vmem>> -> memref<80x64xf32, #tpu.memory_space<vmem>>
          %dma_start3A_473 = arith.constant 0 : i32
          %dma_start3A_474 = tpu.memref_slice %arg7[%rem3A_377, %rem3A_379, %dma_start3A_473] : memref<2x50x80xi32, #tpu.memory_space<vmem>> -> memref<1x1x80xi32, #tpu.memory_space<vmem>>
          %dma_start3A_475 = tpu.memref_squeeze %dma_start3A_474 : memref<1x1x80xi32, #tpu.memory_space<vmem>> -> memref<80xi32, #tpu.memory_space<vmem>>
          %dma_start3A_476 = arith.constant 0 : i32
          %dma_start3A_477 = tpu.memref_slice %arg2[%arg0, %dma_start3A_476] : memref<20000x64xf32, #tpu.memory_space<hbm>> -> memref<19999x64xf32, #tpu.memory_space<hbm>>
          %dma_start3A_478 = arith.constant 0 : i32
          %dma_start3A_479 = arith.constant 0 : i32
          %dma_start3A_480 = tpu.memref_slice %dma_start3A_477[%dma_start3A_478, %dma_start3A_479] : memref<19999x64xf32, #tpu.memory_space<hbm>> -> memref<19999x64xf32, #tpu.memory_space<hbm>>
          tpu.enqueue_indirect_dma source(%dma_start3A_480 : memref<19999x64xf32, #tpu.memory_space<hbm>>) target(%dma_start3A_472 : memref<80x64xf32, #tpu.memory_space<vmem>>) offsets(%dma_start3A_475 : memref<80xi32, #tpu.memory_space<vmem>>) semaphore(%arg11 : memref<!tpu.dma_semaphore, #tpu.memory_space<semaphore_mem>>)
        } else {
        }
        %add3A_385 = arith.constant 10 : i32
        %add3A_386 = arith.addi %add3A_180, %add3A_385 : i32
        %add3A_387 = arith.constant 3 : i32
        %add3A_388 = arith.addi %add3A_386, %add3A_387 : i32
        %add3A_389 = arith.constant 10 : i32
        %add3A_390 = arith.addi %mul3A_182, %add3A_389 : i32
        %add3A_391 = arith.constant 3 : i32
        %add3A_392 = arith.addi %add3A_390, %add3A_391 : i32
        %jit3A_393 = arith.constant 50 : i32
        %div3A_394 = arith.divsi %add3A_392, %jit3A_393 : i32
        %sign3A_395 = arith.constant 0 : i32
        %sign3A_396 = arith.cmpi sgt, %add3A_392, %sign3A_395 : i32
        %sign3A_397 = arith.extui %sign3A_396 : i1 to i32
        %sign3A_398 = arith.constant 0 : i32
        %sign3A_399 = arith.cmpi slt, %add3A_392, %sign3A_398 : i32
        %sign3A_400 = arith.extui %sign3A_399 : i1 to i32
        %sign3A_401 = arith.subi %sign3A_397, %sign3A_400 : i32
        %sign3A_402 = arith.constant 0 : i32
        %sign3A_403 = arith.cmpi sgt, %jit3A_393, %sign3A_402 : i32
        %sign3A_404 = arith.extui %sign3A_403 : i1 to i32
        %sign3A_405 = arith.constant 0 : i32
        %sign3A_406 = arith.cmpi slt, %jit3A_393, %sign3A_405 : i32
        %sign3A_407 = arith.extui %sign3A_406 : i1 to i32
        %sign3A_408 = arith.subi %sign3A_404, %sign3A_407 : i32
        %ne3A_409 = arith.cmpi ne, %sign3A_401, %sign3A_408 : i32
        %rem3A_410 = arith.remsi %add3A_392, %jit3A_393 : i32
        %ne3A_411 = arith.constant 0 : i32
        %ne3A_412 = arith.cmpi ne, %rem3A_410, %ne3A_411 : i32
        %and3A_413 = arith.andi %ne3A_409, %ne3A_412 : i1
        %sub3A_414 = arith.constant 1 : i32
        %sub3A_415 = arith.subi %div3A_394, %sub3A_414 : i32
        %select_n3A_416 = arith.select %and3A_413, %sub3A_415, %div3A_394 : i32
        %add3A_417 = arith.addi %rem3A_143, %select_n3A_416 : i32
        %rem3A_418 = arith.constant 2 : i32
        %rem3A_419 = arith.remsi %add3A_417, %rem3A_418 : i32
        %rem3A_420 = arith.constant 50 : i32
        %rem3A_421 = arith.remsi %add3A_392, %rem3A_420 : i32
        %lt3A_422 = arith.constant 250 : i32
        %lt3A_423 = arith.cmpi slt, %add3A_388, %lt3A_422 : i32
        %convert_element_type3A_424 = arith.extui %lt3A_423 : i1 to i32
        %cond3A_425 = arith.constant 0 : i32
        %cond3A_426 = arith.cmpi ne, %convert_element_type3A_424, %cond3A_425 : i32
        scf.if %cond3A_426 {
          %add3A_469 = arith.constant 240 : i32
          %add3A_470 = arith.addi %mul3A_175, %add3A_469 : i32
          %dma_start3A_471 = arith.constant 0 : i32
          %dma_start3A_472 = tpu.memref_slice %arg9[%add3A_470, %dma_start3A_471] : memref<800x64xf32, #tpu.memory_space<vmem>> -> memref<80x64xf32, #tpu.memory_space<vmem>>
          %dma_start3A_473 = arith.constant 0 : i32
          %dma_start3A_474 = tpu.memref_slice %arg7[%rem3A_419, %rem3A_421, %dma_start3A_473] : memref<2x50x80xi32, #tpu.memory_space<vmem>> -> memref<1x1x80xi32, #tpu.memory_space<vmem>>
          %dma_start3A_475 = tpu.memref_squeeze %dma_start3A_474 : memref<1x1x80xi32, #tpu.memory_space<vmem>> -> memref<80xi32, #tpu.memory_space<vmem>>
          %dma_start3A_476 = arith.constant 0 : i32
          %dma_start3A_477 = tpu.memref_slice %arg2[%arg0, %dma_start3A_476] : memref<20000x64xf32, #tpu.memory_space<hbm>> -> memref<19999x64xf32, #tpu.memory_space<hbm>>
          %dma_start3A_478 = arith.constant 0 : i32
          %dma_start3A_479 = arith.constant 0 : i32
          %dma_start3A_480 = tpu.memref_slice %dma_start3A_477[%dma_start3A_478, %dma_start3A_479] : memref<19999x64xf32, #tpu.memory_space<hbm>> -> memref<19999x64xf32, #tpu.memory_space<hbm>>
          tpu.enqueue_indirect_dma source(%dma_start3A_480 : memref<19999x64xf32, #tpu.memory_space<hbm>>) target(%dma_start3A_472 : memref<80x64xf32, #tpu.memory_space<vmem>>) offsets(%dma_start3A_475 : memref<80xi32, #tpu.memory_space<vmem>>) semaphore(%arg11 : memref<!tpu.dma_semaphore, #tpu.memory_space<semaphore_mem>>)
        } else {
        }
        %add3A_427 = arith.constant 10 : i32
        %add3A_428 = arith.addi %add3A_180, %add3A_427 : i32
        %add3A_429 = arith.constant 4 : i32
        %add3A_430 = arith.addi %add3A_428, %add3A_429 : i32
        %add3A_431 = arith.constant 10 : i32
        %add3A_432 = arith.addi %mul3A_182, %add3A_431 : i32
        %add3A_433 = arith.constant 4 : i32
        %add3A_434 = arith.addi %add3A_432, %add3A_433 : i32
        %jit3A_435 = arith.constant 50 : i32
        %div3A_436 = arith.divsi %add3A_434, %jit3A_435 : i32
        %sign3A_437 = arith.constant 0 : i32
        %sign3A_438 = arith.cmpi sgt, %add3A_434, %sign3A_437 : i32
        %sign3A_439 = arith.extui %sign3A_438 : i1 to i32
        %sign3A_440 = arith.constant 0 : i32
        %sign3A_441 = arith.cmpi slt, %add3A_434, %sign3A_440 : i32
        %sign3A_442 = arith.extui %sign3A_441 : i1 to i32
        %sign3A_443 = arith.subi %sign3A_439, %sign3A_442 : i32
        %sign3A_444 = arith.constant 0 : i32
        %sign3A_445 = arith.cmpi sgt, %jit3A_435, %sign3A_444 : i32
        %sign3A_446 = arith.extui %sign3A_445 : i1 to i32
        %sign3A_447 = arith.constant 0 : i32
        %sign3A_448 = arith.cmpi slt, %jit3A_435, %sign3A_447 : i32
        %sign3A_449 = arith.extui %sign3A_448 : i1 to i32
        %sign3A_450 = arith.subi %sign3A_446, %sign3A_449 : i32
        %ne3A_451 = arith.cmpi ne, %sign3A_443, %sign3A_450 : i32
        %rem3A_452 = arith.remsi %add3A_434, %jit3A_435 : i32
        %ne3A_453 = arith.constant 0 : i32
        %ne3A_454 = arith.cmpi ne, %rem3A_452, %ne3A_453 : i32
        %and3A_455 = arith.andi %ne3A_451, %ne3A_454 : i1
        %sub3A_456 = arith.constant 1 : i32
        %sub3A_457 = arith.subi %div3A_436, %sub3A_456 : i32
        %select_n3A_458 = arith.select %and3A_455, %sub3A_457, %div3A_436 : i32
        %add3A_459 = arith.addi %rem3A_143, %select_n3A_458 : i32
        %rem3A_460 = arith.constant 2 : i32
        %rem3A_461 = arith.remsi %add3A_459, %rem3A_460 : i32
        %rem3A_462 = arith.constant 50 : i32
        %rem3A_463 = arith.remsi %add3A_434, %rem3A_462 : i32
        %lt3A_464 = arith.constant 250 : i32
        %lt3A_465 = arith.cmpi slt, %add3A_430, %lt3A_464 : i32
        %convert_element_type3A_466 = arith.extui %lt3A_465 : i1 to i32
        %cond3A_467 = arith.constant 0 : i32
        %cond3A_468 = arith.cmpi ne, %convert_element_type3A_466, %cond3A_467 : i32
        scf.if %cond3A_468 {
          %add3A_469 = arith.constant 320 : i32
          %add3A_470 = arith.addi %mul3A_175, %add3A_469 : i32
          %dma_start3A_471 = arith.constant 0 : i32
          %dma_start3A_472 = tpu.memref_slice %arg9[%add3A_470, %dma_start3A_471] : memref<800x64xf32, #tpu.memory_space<vmem>> -> memref<80x64xf32, #tpu.memory_space<vmem>>
          %dma_start3A_473 = arith.constant 0 : i32
          %dma_start3A_474 = tpu.memref_slice %arg7[%rem3A_461, %rem3A_463, %dma_start3A_473] : memref<2x50x80xi32, #tpu.memory_space<vmem>> -> memref<1x1x80xi32, #tpu.memory_space<vmem>>
          %dma_start3A_475 = tpu.memref_squeeze %dma_start3A_474 : memref<1x1x80xi32, #tpu.memory_space<vmem>> -> memref<80xi32, #tpu.memory_space<vmem>>
          %dma_start3A_476 = arith.constant 0 : i32
          %dma_start3A_477 = tpu.memref_slice %arg2[%arg0, %dma_start3A_476] : memref<20000x64xf32, #tpu.memory_space<hbm>> -> memref<19999x64xf32, #tpu.memory_space<hbm>>
          %dma_start3A_478 = arith.constant 0 : i32
          %dma_start3A_479 = arith.constant 0 : i32
          %dma_start3A_480 = tpu.memref_slice %dma_start3A_477[%dma_start3A_478, %dma_start3A_479] : memref<19999x64xf32, #tpu.memory_space<hbm>> -> memref<19999x64xf32, #tpu.memory_space<hbm>>
          tpu.enqueue_indirect_dma source(%dma_start3A_480 : memref<19999x64xf32, #tpu.memory_space<hbm>>) target(%dma_start3A_472 : memref<80x64xf32, #tpu.memory_space<vmem>>) offsets(%dma_start3A_475 : memref<80xi32, #tpu.memory_space<vmem>>) semaphore(%arg11 : memref<!tpu.dma_semaphore, #tpu.memory_space<semaphore_mem>>)
        } else {
        }
      }
      %scan3A_167 = arith.constant 2 : i32
    }
    %scan3A_137 = arith.constant 5 : i32
    %barrier3A_138 = arith.constant 0 : index
    tpu.barrier barrier_id(%barrier3A_138)
    "tpu.region"() ({
      %run_scoped3A_142 = tpu.sem_alloc : memref<!tpu.dma_semaphore, #tpu.memory_space<semaphore_mem>>
      %dma_start3A_143 = arith.constant 0 : i32
      %dma_start3A_144 = tpu.memref_slice %arg6[%arg0, %multiple_of3A, %dma_start3A_143] : memref<2x10000x64xf32, #tpu.memory_space<hbm>> -> memref<1x624x64xf32, #tpu.memory_space<hbm>>
      %dma_start3A_145 = tpu.memref_squeeze %dma_start3A_144 : memref<1x624x64xf32, #tpu.memory_space<hbm>> -> memref<624x64xf32, #tpu.memory_space<hbm>>
      %dma_start3A_146 = arith.constant 0 : i32
      %dma_start3A_147 = tpu.memref_slice %arg10[%multiple_of3A, %dma_start3A_146] : memref<10000x64xf32, #tpu.memory_space<vmem_shared>> -> memref<624x64xf32, #tpu.memory_space<vmem_shared>>
      tpu.enqueue_dma source(%dma_start3A_147 : memref<624x64xf32, #tpu.memory_space<vmem_shared>>) target(%dma_start3A_145 : memref<624x64xf32, #tpu.memory_space<hbm>>) target_semaphore(%run_scoped3A_142 : memref<!tpu.dma_semaphore, #tpu.memory_space<semaphore_mem>>)
      %dma_wait3A = arith.constant 0 : i32
      %dma_wait3A_148 = tpu.memref_slice %arg6[%arg0, %multiple_of3A, %dma_wait3A] : memref<2x10000x64xf32, #tpu.memory_space<hbm>> -> memref<1x624x64xf32, #tpu.memory_space<hbm>>
      %dma_wait3A_149 = tpu.memref_squeeze %dma_wait3A_148 : memref<1x624x64xf32, #tpu.memory_space<hbm>> -> memref<624x64xf32, #tpu.memory_space<hbm>>
      %dma_wait3A_150 = arith.constant 0 : i32
      %dma_wait3A_151 = tpu.memref_slice %arg10[%multiple_of3A, %dma_wait3A_150] : memref<10000x64xf32, #tpu.memory_space<vmem_shared>> -> memref<624x64xf32, #tpu.memory_space<vmem_shared>>
      tpu.wait_dma2 semaphore(%run_scoped3A_142 : memref<!tpu.dma_semaphore, #tpu.memory_space<semaphore_mem>>) src(%dma_wait3A_151 : memref<624x64xf32, #tpu.memory_space<vmem_shared>>) dst(%dma_wait3A_149 : memref<624x64xf32, #tpu.memory_space<hbm>>)
      tpu.yield
    }) : () -> ()
    %convert_element_type3A_139 = arith.extui %eq3A_0 : i1 to i32
    %cond3A_140 = arith.constant 0 : i32
    %cond3A_141 = arith.cmpi ne, %convert_element_type3A_139, %cond3A_140 : i32
    scf.if %cond3A_141 {
      "tpu.region"() ({
        %run_scoped3A_142 = tpu.sem_alloc : memref<!tpu.dma_semaphore, #tpu.memory_space<semaphore_mem>>
        %dma_start3A_143 = arith.constant 9984 : i32
        %dma_start3A_144 = arith.constant 0 : i32
        %dma_start3A_145 = tpu.memref_slice %arg6[%arg0, %dma_start3A_143, %dma_start3A_144] : memref<2x10000x64xf32, #tpu.memory_space<hbm>> -> memref<1x16x64xf32, #tpu.memory_space<hbm>>
        %dma_start3A_146 = tpu.memref_squeeze %dma_start3A_145 : memref<1x16x64xf32, #tpu.memory_space<hbm>> -> memref<16x64xf32, #tpu.memory_space<hbm>>
        %dma_start3A_147 = arith.constant 9984 : i32
        %dma_start3A_148 = arith.constant 0 : i32
        %dma_start3A_149 = tpu.memref_slice %arg10[%dma_start3A_147, %dma_start3A_148] : memref<10000x64xf32, #tpu.memory_space<vmem_shared>> -> memref<16x64xf32, #tpu.memory_space<vmem_shared>>
        tpu.enqueue_dma source(%dma_start3A_149 : memref<16x64xf32, #tpu.memory_space<vmem_shared>>) target(%dma_start3A_146 : memref<16x64xf32, #tpu.memory_space<hbm>>) target_semaphore(%run_scoped3A_142 : memref<!tpu.dma_semaphore, #tpu.memory_space<semaphore_mem>>)
        %dma_wait3A = arith.constant 9984 : i32
        %dma_wait3A_150 = arith.constant 0 : i32
        %dma_wait3A_151 = tpu.memref_slice %arg6[%arg0, %dma_wait3A, %dma_wait3A_150] : memref<2x10000x64xf32, #tpu.memory_space<hbm>> -> memref<1x16x64xf32, #tpu.memory_space<hbm>>
        %dma_wait3A_152 = tpu.memref_squeeze %dma_wait3A_151 : memref<1x16x64xf32, #tpu.memory_space<hbm>> -> memref<16x64xf32, #tpu.memory_space<hbm>>
        %dma_wait3A_153 = arith.constant 9984 : i32
        %dma_wait3A_154 = arith.constant 0 : i32
        %dma_wait3A_155 = tpu.memref_slice %arg10[%dma_wait3A_153, %dma_wait3A_154] : memref<10000x64xf32, #tpu.memory_space<vmem_shared>> -> memref<16x64xf32, #tpu.memory_space<vmem_shared>>
        tpu.wait_dma2 semaphore(%run_scoped3A_142 : memref<!tpu.dma_semaphore, #tpu.memory_space<semaphore_mem>>) src(%dma_wait3A_155 : memref<16x64xf32, #tpu.memory_space<vmem_shared>>) dst(%dma_wait3A_152 : memref<16x64xf32, #tpu.memory_space<hbm>>)
        tpu.yield
      }) : () -> ()
    } else {
    }
    return
  }
}

#map = affine_map<(d0, d1) -> (0, 0)>
#map1 = affine_map<(d0, d1) -> (0, 0, 0)>
module attributes {stable_mosaic.version = 14 : i64} {
  func.func @_sc_body(%arg0: i32, %arg1: i32, %arg2: memref<20000x64xf32, #tpu.memory_space<hbm>>, %arg3: memref<16x250x80xi32, #tpu.memory_space<hbm>>, %arg4: memref<16x250x80xi32, #tpu.memory_space<hbm>>, %arg5: memref<624x64xf32, #tpu.memory_space<hbm>>, %arg6: memref<624x16xf32, #tpu.memory_space<hbm>>, %arg7: memref<80x16xf32, #tpu.memory_space<hbm>>, %arg8: memref<2x10000x64xf32, #tpu.memory_space<hbm>>, %arg9: memref<2x10000x16xf32, #tpu.memory_space<hbm>>, %arg10: memref<2x50x80xi32, #tpu.memory_space<vmem>>, %arg11: memref<2x50x80xi32, #tpu.memory_space<vmem>>, %arg12: memref<800x64xf32, #tpu.memory_space<vmem>>, %arg13: memref<80x16xf32, #tpu.memory_space<vmem>>, %arg14: memref<10000x64xf32, #tpu.memory_space<vmem_shared>>, %arg15: memref<10000x16xf32, #tpu.memory_space<vmem_shared>>, %arg16: memref<!tpu.dma_semaphore, #tpu.memory_space<semaphore_mem>>, %arg17: memref<!tpu.dma_semaphore, #tpu.memory_space<semaphore_mem>>, %arg18: memref<!tpu.dma_semaphore, #tpu.memory_space<semaphore_mem>>, %arg19: memref<!tpu.dma_semaphore, #tpu.memory_space<semaphore_mem>>) attributes {dimension_semantics = [#tpu.dimension_semantics<core_parallel>, #tpu.dimension_semantics<subcore_parallel>], iteration_bounds = array<i64: 2, 16>, scalar_prefetch = 0 : i64, scratch_operands = 10 : i64, tpu.core_type = #tpu.core_type<sc_vector_subcore>, window_params = [{transform_indices = #map}, {transform_indices = #map1}, {transform_indices = #map1}, {transform_indices = #map}, {transform_indices = #map}, {transform_indices = #map}, {transform_indices = #map1}, {transform_indices = #map1}]} {
    %eq3A = arith.constant 15 : i32
    %eq3A_0 = arith.cmpi eq, %arg1, %eq3A : i32
    %run_scoped3A = arith.constant 0 : i32
    "tpu.region"() ({
      %run_scoped3A_154 = tpu.sem_alloc : memref<!tpu.dma_semaphore, #tpu.memory_space<semaphore_mem>>
      %dma_start3A_155 = arith.constant 0 : i32
      %dma_start3A_156 = arith.constant 0 : i32
      %dma_start3A_157 = tpu.memref_slice %arg10[%run_scoped3A, %dma_start3A_155, %dma_start3A_156] : memref<2x50x80xi32, #tpu.memory_space<vmem>> -> memref<1x50x80xi32, #tpu.memory_space<vmem>>
      %dma_start3A_158 = tpu.memref_squeeze %dma_start3A_157 : memref<1x50x80xi32, #tpu.memory_space<vmem>> -> memref<50x80xi32, #tpu.memory_space<vmem>>
      %dma_start3A_159 = arith.constant 0 : i32
      %dma_start3A_160 = arith.constant 0 : i32
      %dma_start3A_161 = tpu.memref_slice %arg3[%arg1, %dma_start3A_159, %dma_start3A_160] : memref<16x250x80xi32, #tpu.memory_space<hbm>> -> memref<1x50x80xi32, #tpu.memory_space<hbm>>
      %dma_start3A_162 = tpu.memref_squeeze %dma_start3A_161 : memref<1x50x80xi32, #tpu.memory_space<hbm>> -> memref<50x80xi32, #tpu.memory_space<hbm>>
      %dma_start3A_163 = arith.constant 0 : i32
      %dma_start3A_164 = arith.constant 0 : i32
      %dma_start3A_165 = tpu.memref_slice %arg10[%run_scoped3A, %dma_start3A_163, %dma_start3A_164] : memref<2x50x80xi32, #tpu.memory_space<vmem>> -> memref<1x50x80xi32, #tpu.memory_space<vmem>>
      %dma_start3A_166 = tpu.memref_squeeze %dma_start3A_165 : memref<1x50x80xi32, #tpu.memory_space<vmem>> -> memref<50x80xi32, #tpu.memory_space<vmem>>
      %dma_start3A_167 = arith.constant 0 : i32
      %dma_start3A_168 = arith.constant 0 : i32
      %dma_start3A_169 = tpu.memref_slice %arg3[%arg1, %dma_start3A_167, %dma_start3A_168] : memref<16x250x80xi32, #tpu.memory_space<hbm>> -> memref<1x50x80xi32, #tpu.memory_space<hbm>>
      %dma_start3A_170 = tpu.memref_squeeze %dma_start3A_169 : memref<1x50x80xi32, #tpu.memory_space<hbm>> -> memref<50x80xi32, #tpu.memory_space<hbm>>
      tpu.enqueue_dma source(%dma_start3A_170 : memref<50x80xi32, #tpu.memory_space<hbm>>) target(%dma_start3A_166 : memref<50x80xi32, #tpu.memory_space<vmem>>) target_semaphore(%run_scoped3A_154 : memref<!tpu.dma_semaphore, #tpu.memory_space<semaphore_mem>>)
      %dma_wait3A = arith.constant 0 : i32
      %dma_wait3A_171 = arith.constant 0 : i32
      %dma_wait3A_172 = tpu.memref_slice %arg10[%run_scoped3A, %dma_wait3A, %dma_wait3A_171] : memref<2x50x80xi32, #tpu.memory_space<vmem>> -> memref<1x50x80xi32, #tpu.memory_space<vmem>>
      %dma_wait3A_173 = tpu.memref_squeeze %dma_wait3A_172 : memref<1x50x80xi32, #tpu.memory_space<vmem>> -> memref<50x80xi32, #tpu.memory_space<vmem>>
      %dma_wait3A_174 = arith.constant 0 : i32
      %dma_wait3A_175 = arith.constant 0 : i32
      %dma_wait3A_176 = tpu.memref_slice %arg3[%arg1, %dma_wait3A_174, %dma_wait3A_175] : memref<16x250x80xi32, #tpu.memory_space<hbm>> -> memref<1x50x80xi32, #tpu.memory_space<hbm>>
      %dma_wait3A_177 = tpu.memref_squeeze %dma_wait3A_176 : memref<1x50x80xi32, #tpu.memory_space<hbm>> -> memref<50x80xi32, #tpu.memory_space<hbm>>
      %dma_wait3A_178 = arith.constant 0 : i32
      %dma_wait3A_179 = arith.constant 0 : i32
      %dma_wait3A_180 = tpu.memref_slice %arg10[%run_scoped3A, %dma_wait3A_178, %dma_wait3A_179] : memref<2x50x80xi32, #tpu.memory_space<vmem>> -> memref<1x50x80xi32, #tpu.memory_space<vmem>>
      %dma_wait3A_181 = tpu.memref_squeeze %dma_wait3A_180 : memref<1x50x80xi32, #tpu.memory_space<vmem>> -> memref<50x80xi32, #tpu.memory_space<vmem>>
      %dma_wait3A_182 = arith.constant 0 : i32
      %dma_wait3A_183 = arith.constant 0 : i32
      %dma_wait3A_184 = tpu.memref_slice %arg3[%arg1, %dma_wait3A_182, %dma_wait3A_183] : memref<16x250x80xi32, #tpu.memory_space<hbm>> -> memref<1x50x80xi32, #tpu.memory_space<hbm>>
      %dma_wait3A_185 = tpu.memref_squeeze %dma_wait3A_184 : memref<1x50x80xi32, #tpu.memory_space<hbm>> -> memref<50x80xi32, #tpu.memory_space<hbm>>
      tpu.wait_dma2 semaphore(%run_scoped3A_154 : memref<!tpu.dma_semaphore, #tpu.memory_space<semaphore_mem>>) src(%dma_wait3A_185 : memref<50x80xi32, #tpu.memory_space<hbm>>) dst(%dma_wait3A_181 : memref<50x80xi32, #tpu.memory_space<vmem>>)
      tpu.yield
    }) : () -> ()
    %run_scoped3A_1 = arith.constant 0 : i32
    "tpu.region"() ({
      %run_scoped3A_154 = tpu.sem_alloc : memref<!tpu.dma_semaphore, #tpu.memory_space<semaphore_mem>>
      %dma_start3A_155 = arith.constant 0 : i32
      %dma_start3A_156 = arith.constant 0 : i32
      %dma_start3A_157 = tpu.memref_slice %arg11[%run_scoped3A_1, %dma_start3A_155, %dma_start3A_156] : memref<2x50x80xi32, #tpu.memory_space<vmem>> -> memref<1x50x80xi32, #tpu.memory_space<vmem>>
      %dma_start3A_158 = tpu.memref_squeeze %dma_start3A_157 : memref<1x50x80xi32, #tpu.memory_space<vmem>> -> memref<50x80xi32, #tpu.memory_space<vmem>>
      %dma_start3A_159 = arith.constant 0 : i32
      %dma_start3A_160 = arith.constant 0 : i32
      %dma_start3A_161 = tpu.memref_slice %arg4[%arg1, %dma_start3A_159, %dma_start3A_160] : memref<16x250x80xi32, #tpu.memory_space<hbm>> -> memref<1x50x80xi32, #tpu.memory_space<hbm>>
      %dma_start3A_162 = tpu.memref_squeeze %dma_start3A_161 : memref<1x50x80xi32, #tpu.memory_space<hbm>> -> memref<50x80xi32, #tpu.memory_space<hbm>>
      %dma_start3A_163 = arith.constant 0 : i32
      %dma_start3A_164 = arith.constant 0 : i32
      %dma_start3A_165 = tpu.memref_slice %arg11[%run_scoped3A_1, %dma_start3A_163, %dma_start3A_164] : memref<2x50x80xi32, #tpu.memory_space<vmem>> -> memref<1x50x80xi32, #tpu.memory_space<vmem>>
      %dma_start3A_166 = tpu.memref_squeeze %dma_start3A_165 : memref<1x50x80xi32, #tpu.memory_space<vmem>> -> memref<50x80xi32, #tpu.memory_space<vmem>>
      %dma_start3A_167 = arith.constant 0 : i32
      %dma_start3A_168 = arith.constant 0 : i32
      %dma_start3A_169 = tpu.memref_slice %arg4[%arg1, %dma_start3A_167, %dma_start3A_168] : memref<16x250x80xi32, #tpu.memory_space<hbm>> -> memref<1x50x80xi32, #tpu.memory_space<hbm>>
      %dma_start3A_170 = tpu.memref_squeeze %dma_start3A_169 : memref<1x50x80xi32, #tpu.memory_space<hbm>> -> memref<50x80xi32, #tpu.memory_space<hbm>>
      tpu.enqueue_dma source(%dma_start3A_170 : memref<50x80xi32, #tpu.memory_space<hbm>>) target(%dma_start3A_166 : memref<50x80xi32, #tpu.memory_space<vmem>>) target_semaphore(%run_scoped3A_154 : memref<!tpu.dma_semaphore, #tpu.memory_space<semaphore_mem>>)
      %dma_wait3A = arith.constant 0 : i32
      %dma_wait3A_171 = arith.constant 0 : i32
      %dma_wait3A_172 = tpu.memref_slice %arg11[%run_scoped3A_1, %dma_wait3A, %dma_wait3A_171] : memref<2x50x80xi32, #tpu.memory_space<vmem>> -> memref<1x50x80xi32, #tpu.memory_space<vmem>>
      %dma_wait3A_173 = tpu.memref_squeeze %dma_wait3A_172 : memref<1x50x80xi32, #tpu.memory_space<vmem>> -> memref<50x80xi32, #tpu.memory_space<vmem>>
      %dma_wait3A_174 = arith.constant 0 : i32
      %dma_wait3A_175 = arith.constant 0 : i32
      %dma_wait3A_176 = tpu.memref_slice %arg4[%arg1, %dma_wait3A_174, %dma_wait3A_175] : memref<16x250x80xi32, #tpu.memory_space<hbm>> -> memref<1x50x80xi32, #tpu.memory_space<hbm>>
      %dma_wait3A_177 = tpu.memref_squeeze %dma_wait3A_176 : memref<1x50x80xi32, #tpu.memory_space<hbm>> -> memref<50x80xi32, #tpu.memory_space<hbm>>
      %dma_wait3A_178 = arith.constant 0 : i32
      %dma_wait3A_179 = arith.constant 0 : i32
      %dma_wait3A_180 = tpu.memref_slice %arg11[%run_scoped3A_1, %dma_wait3A_178, %dma_wait3A_179] : memref<2x50x80xi32, #tpu.memory_space<vmem>> -> memref<1x50x80xi32, #tpu.memory_space<vmem>>
      %dma_wait3A_181 = tpu.memref_squeeze %dma_wait3A_180 : memref<1x50x80xi32, #tpu.memory_space<vmem>> -> memref<50x80xi32, #tpu.memory_space<vmem>>
      %dma_wait3A_182 = arith.constant 0 : i32
      %dma_wait3A_183 = arith.constant 0 : i32
      %dma_wait3A_184 = tpu.memref_slice %arg4[%arg1, %dma_wait3A_182, %dma_wait3A_183] : memref<16x250x80xi32, #tpu.memory_space<hbm>> -> memref<1x50x80xi32, #tpu.memory_space<hbm>>
      %dma_wait3A_185 = tpu.memref_squeeze %dma_wait3A_184 : memref<1x50x80xi32, #tpu.memory_space<hbm>> -> memref<50x80xi32, #tpu.memory_space<hbm>>
      tpu.wait_dma2 semaphore(%run_scoped3A_154 : memref<!tpu.dma_semaphore, #tpu.memory_space<semaphore_mem>>) src(%dma_wait3A_185 : memref<50x80xi32, #tpu.memory_space<hbm>>) dst(%dma_wait3A_181 : memref<50x80xi32, #tpu.memory_space<vmem>>)
      tpu.yield
    }) : () -> ()
    %dma_start3A = arith.constant 0 : i32
    %dma_start3A_2 = arith.constant 0 : i32
    %dma_start3A_3 = arith.constant 0 : i32
    %dma_start3A_4 = arith.constant 0 : i32
    %dma_start3A_5 = tpu.memref_slice %arg12[%dma_start3A_3, %dma_start3A_4] : memref<800x64xf32, #tpu.memory_space<vmem>> -> memref<80x64xf32, #tpu.memory_space<vmem>>
    %dma_start3A_6 = arith.constant 0 : i32
    %dma_start3A_7 = tpu.memref_slice %arg10[%dma_start3A, %dma_start3A_2, %dma_start3A_6] : memref<2x50x80xi32, #tpu.memory_space<vmem>> -> memref<1x1x80xi32, #tpu.memory_space<vmem>>
    %dma_start3A_8 = tpu.memref_squeeze %dma_start3A_7 : memref<1x1x80xi32, #tpu.memory_space<vmem>> -> memref<80xi32, #tpu.memory_space<vmem>>
    %dma_start3A_9 = arith.constant 0 : i32
    %dma_start3A_10 = tpu.memref_slice %arg2[%arg0, %dma_start3A_9] : memref<20000x64xf32, #tpu.memory_space<hbm>> -> memref<19999x64xf32, #tpu.memory_space<hbm>>
    %dma_start3A_11 = arith.constant 0 : i32
    %dma_start3A_12 = arith.constant 0 : i32
    %dma_start3A_13 = tpu.memref_slice %dma_start3A_10[%dma_start3A_11, %dma_start3A_12] : memref<19999x64xf32, #tpu.memory_space<hbm>> -> memref<19999x64xf32, #tpu.memory_space<hbm>>
    tpu.enqueue_indirect_dma source(%dma_start3A_13 : memref<19999x64xf32, #tpu.memory_space<hbm>>) target(%dma_start3A_5 : memref<80x64xf32, #tpu.memory_space<vmem>>) offsets(%dma_start3A_8 : memref<80xi32, #tpu.memory_space<vmem>>) semaphore(%arg16 : memref<!tpu.dma_semaphore, #tpu.memory_space<semaphore_mem>>)
    %dma_start3A_14 = arith.constant 0 : i32
    %dma_start3A_15 = arith.constant 1 : i32
    %dma_start3A_16 = arith.constant 80 : i32
    %dma_start3A_17 = arith.constant 0 : i32
    %dma_start3A_18 = tpu.memref_slice %arg12[%dma_start3A_16, %dma_start3A_17] : memref<800x64xf32, #tpu.memory_space<vmem>> -> memref<80x64xf32, #tpu.memory_space<vmem>>
    %dma_start3A_19 = arith.constant 0 : i32
    %dma_start3A_20 = tpu.memref_slice %arg10[%dma_start3A_14, %dma_start3A_15, %dma_start3A_19] : memref<2x50x80xi32, #tpu.memory_space<vmem>> -> memref<1x1x80xi32, #tpu.memory_space<vmem>>
    %dma_start3A_21 = tpu.memref_squeeze %dma_start3A_20 : memref<1x1x80xi32, #tpu.memory_space<vmem>> -> memref<80xi32, #tpu.memory_space<vmem>>
    %dma_start3A_22 = arith.constant 0 : i32
    %dma_start3A_23 = tpu.memref_slice %arg2[%arg0, %dma_start3A_22] : memref<20000x64xf32, #tpu.memory_space<hbm>> -> memref<19999x64xf32, #tpu.memory_space<hbm>>
    %dma_start3A_24 = arith.constant 0 : i32
    %dma_start3A_25 = arith.constant 0 : i32
    %dma_start3A_26 = tpu.memref_slice %dma_start3A_23[%dma_start3A_24, %dma_start3A_25] : memref<19999x64xf32, #tpu.memory_space<hbm>> -> memref<19999x64xf32, #tpu.memory_space<hbm>>
    tpu.enqueue_indirect_dma source(%dma_start3A_26 : memref<19999x64xf32, #tpu.memory_space<hbm>>) target(%dma_start3A_18 : memref<80x64xf32, #tpu.memory_space<vmem>>) offsets(%dma_start3A_21 : memref<80xi32, #tpu.memory_space<vmem>>) semaphore(%arg16 : memref<!tpu.dma_semaphore, #tpu.memory_space<semaphore_mem>>)
    %dma_start3A_27 = arith.constant 0 : i32
    %dma_start3A_28 = arith.constant 2 : i32
    %dma_start3A_29 = arith.constant 160 : i32
    %dma_start3A_30 = arith.constant 0 : i32
    %dma_start3A_31 = tpu.memref_slice %arg12[%dma_start3A_29, %dma_start3A_30] : memref<800x64xf32, #tpu.memory_space<vmem>> -> memref<80x64xf32, #tpu.memory_space<vmem>>
    %dma_start3A_32 = arith.constant 0 : i32
    %dma_start3A_33 = tpu.memref_slice %arg10[%dma_start3A_27, %dma_start3A_28, %dma_start3A_32] : memref<2x50x80xi32, #tpu.memory_space<vmem>> -> memref<1x1x80xi32, #tpu.memory_space<vmem>>
    %dma_start3A_34 = tpu.memref_squeeze %dma_start3A_33 : memref<1x1x80xi32, #tpu.memory_space<vmem>> -> memref<80xi32, #tpu.memory_space<vmem>>
    %dma_start3A_35 = arith.constant 0 : i32
    %dma_start3A_36 = tpu.memref_slice %arg2[%arg0, %dma_start3A_35] : memref<20000x64xf32, #tpu.memory_space<hbm>> -> memref<19999x64xf32, #tpu.memory_space<hbm>>
    %dma_start3A_37 = arith.constant 0 : i32
    %dma_start3A_38 = arith.constant 0 : i32
    %dma_start3A_39 = tpu.memref_slice %dma_start3A_36[%dma_start3A_37, %dma_start3A_38] : memref<19999x64xf32, #tpu.memory_space<hbm>> -> memref<19999x64xf32, #tpu.memory_space<hbm>>
    tpu.enqueue_indirect_dma source(%dma_start3A_39 : memref<19999x64xf32, #tpu.memory_space<hbm>>) target(%dma_start3A_31 : memref<80x64xf32, #tpu.memory_space<vmem>>) offsets(%dma_start3A_34 : memref<80xi32, #tpu.memory_space<vmem>>) semaphore(%arg16 : memref<!tpu.dma_semaphore, #tpu.memory_space<semaphore_mem>>)
    %dma_start3A_40 = arith.constant 0 : i32
    %dma_start3A_41 = arith.constant 3 : i32
    %dma_start3A_42 = arith.constant 240 : i32
    %dma_start3A_43 = arith.constant 0 : i32
    %dma_start3A_44 = tpu.memref_slice %arg12[%dma_start3A_42, %dma_start3A_43] : memref<800x64xf32, #tpu.memory_space<vmem>> -> memref<80x64xf32, #tpu.memory_space<vmem>>
    %dma_start3A_45 = arith.constant 0 : i32
    %dma_start3A_46 = tpu.memref_slice %arg10[%dma_start3A_40, %dma_start3A_41, %dma_start3A_45] : memref<2x50x80xi32, #tpu.memory_space<vmem>> -> memref<1x1x80xi32, #tpu.memory_space<vmem>>
    %dma_start3A_47 = tpu.memref_squeeze %dma_start3A_46 : memref<1x1x80xi32, #tpu.memory_space<vmem>> -> memref<80xi32, #tpu.memory_space<vmem>>
    %dma_start3A_48 = arith.constant 0 : i32
    %dma_start3A_49 = tpu.memref_slice %arg2[%arg0, %dma_start3A_48] : memref<20000x64xf32, #tpu.memory_space<hbm>> -> memref<19999x64xf32, #tpu.memory_space<hbm>>
    %dma_start3A_50 = arith.constant 0 : i32
    %dma_start3A_51 = arith.constant 0 : i32
    %dma_start3A_52 = tpu.memref_slice %dma_start3A_49[%dma_start3A_50, %dma_start3A_51] : memref<19999x64xf32, #tpu.memory_space<hbm>> -> memref<19999x64xf32, #tpu.memory_space<hbm>>
    tpu.enqueue_indirect_dma source(%dma_start3A_52 : memref<19999x64xf32, #tpu.memory_space<hbm>>) target(%dma_start3A_44 : memref<80x64xf32, #tpu.memory_space<vmem>>) offsets(%dma_start3A_47 : memref<80xi32, #tpu.memory_space<vmem>>) semaphore(%arg16 : memref<!tpu.dma_semaphore, #tpu.memory_space<semaphore_mem>>)
    %dma_start3A_53 = arith.constant 0 : i32
    %dma_start3A_54 = arith.constant 4 : i32
    %dma_start3A_55 = arith.constant 320 : i32
    %dma_start3A_56 = arith.constant 0 : i32
    %dma_start3A_57 = tpu.memref_slice %arg12[%dma_start3A_55, %dma_start3A_56] : memref<800x64xf32, #tpu.memory_space<vmem>> -> memref<80x64xf32, #tpu.memory_space<vmem>>
    %dma_start3A_58 = arith.constant 0 : i32
    %dma_start3A_59 = tpu.memref_slice %arg10[%dma_start3A_53, %dma_start3A_54, %dma_start3A_58] : memref<2x50x80xi32, #tpu.memory_space<vmem>> -> memref<1x1x80xi32, #tpu.memory_space<vmem>>
    %dma_start3A_60 = tpu.memref_squeeze %dma_start3A_59 : memref<1x1x80xi32, #tpu.memory_space<vmem>> -> memref<80xi32, #tpu.memory_space<vmem>>
    %dma_start3A_61 = arith.constant 0 : i32
    %dma_start3A_62 = tpu.memref_slice %arg2[%arg0, %dma_start3A_61] : memref<20000x64xf32, #tpu.memory_space<hbm>> -> memref<19999x64xf32, #tpu.memory_space<hbm>>
    %dma_start3A_63 = arith.constant 0 : i32
    %dma_start3A_64 = arith.constant 0 : i32
    %dma_start3A_65 = tpu.memref_slice %dma_start3A_62[%dma_start3A_63, %dma_start3A_64] : memref<19999x64xf32, #tpu.memory_space<hbm>> -> memref<19999x64xf32, #tpu.memory_space<hbm>>
    tpu.enqueue_indirect_dma source(%dma_start3A_65 : memref<19999x64xf32, #tpu.memory_space<hbm>>) target(%dma_start3A_57 : memref<80x64xf32, #tpu.memory_space<vmem>>) offsets(%dma_start3A_60 : memref<80xi32, #tpu.memory_space<vmem>>) semaphore(%arg16 : memref<!tpu.dma_semaphore, #tpu.memory_space<semaphore_mem>>)
    %dma_start3A_66 = arith.constant 0 : i32
    %dma_start3A_67 = arith.constant 5 : i32
    %dma_start3A_68 = arith.constant 400 : i32
    %dma_start3A_69 = arith.constant 0 : i32
    %dma_start3A_70 = tpu.memref_slice %arg12[%dma_start3A_68, %dma_start3A_69] : memref<800x64xf32, #tpu.memory_space<vmem>> -> memref<80x64xf32, #tpu.memory_space<vmem>>
    %dma_start3A_71 = arith.constant 0 : i32
    %dma_start3A_72 = tpu.memref_slice %arg10[%dma_start3A_66, %dma_start3A_67, %dma_start3A_71] : memref<2x50x80xi32, #tpu.memory_space<vmem>> -> memref<1x1x80xi32, #tpu.memory_space<vmem>>
    %dma_start3A_73 = tpu.memref_squeeze %dma_start3A_72 : memref<1x1x80xi32, #tpu.memory_space<vmem>> -> memref<80xi32, #tpu.memory_space<vmem>>
    %dma_start3A_74 = arith.constant 0 : i32
    %dma_start3A_75 = tpu.memref_slice %arg2[%arg0, %dma_start3A_74] : memref<20000x64xf32, #tpu.memory_space<hbm>> -> memref<19999x64xf32, #tpu.memory_space<hbm>>
    %dma_start3A_76 = arith.constant 0 : i32
    %dma_start3A_77 = arith.constant 0 : i32
    %dma_start3A_78 = tpu.memref_slice %dma_start3A_75[%dma_start3A_76, %dma_start3A_77] : memref<19999x64xf32, #tpu.memory_space<hbm>> -> memref<19999x64xf32, #tpu.memory_space<hbm>>
    tpu.enqueue_indirect_dma source(%dma_start3A_78 : memref<19999x64xf32, #tpu.memory_space<hbm>>) target(%dma_start3A_70 : memref<80x64xf32, #tpu.memory_space<vmem>>) offsets(%dma_start3A_73 : memref<80xi32, #tpu.memory_space<vmem>>) semaphore(%arg16 : memref<!tpu.dma_semaphore, #tpu.memory_space<semaphore_mem>>)
    %dma_start3A_79 = arith.constant 0 : i32
    %dma_start3A_80 = arith.constant 6 : i32
    %dma_start3A_81 = arith.constant 480 : i32
    %dma_start3A_82 = arith.constant 0 : i32
    %dma_start3A_83 = tpu.memref_slice %arg12[%dma_start3A_81, %dma_start3A_82] : memref<800x64xf32, #tpu.memory_space<vmem>> -> memref<80x64xf32, #tpu.memory_space<vmem>>
    %dma_start3A_84 = arith.constant 0 : i32
    %dma_start3A_85 = tpu.memref_slice %arg10[%dma_start3A_79, %dma_start3A_80, %dma_start3A_84] : memref<2x50x80xi32, #tpu.memory_space<vmem>> -> memref<1x1x80xi32, #tpu.memory_space<vmem>>
    %dma_start3A_86 = tpu.memref_squeeze %dma_start3A_85 : memref<1x1x80xi32, #tpu.memory_space<vmem>> -> memref<80xi32, #tpu.memory_space<vmem>>
    %dma_start3A_87 = arith.constant 0 : i32
    %dma_start3A_88 = tpu.memref_slice %arg2[%arg0, %dma_start3A_87] : memref<20000x64xf32, #tpu.memory_space<hbm>> -> memref<19999x64xf32, #tpu.memory_space<hbm>>
    %dma_start3A_89 = arith.constant 0 : i32
    %dma_start3A_90 = arith.constant 0 : i32
    %dma_start3A_91 = tpu.memref_slice %dma_start3A_88[%dma_start3A_89, %dma_start3A_90] : memref<19999x64xf32, #tpu.memory_space<hbm>> -> memref<19999x64xf32, #tpu.memory_space<hbm>>
    tpu.enqueue_indirect_dma source(%dma_start3A_91 : memref<19999x64xf32, #tpu.memory_space<hbm>>) target(%dma_start3A_83 : memref<80x64xf32, #tpu.memory_space<vmem>>) offsets(%dma_start3A_86 : memref<80xi32, #tpu.memory_space<vmem>>) semaphore(%arg16 : memref<!tpu.dma_semaphore, #tpu.memory_space<semaphore_mem>>)
    %dma_start3A_92 = arith.constant 0 : i32
    %dma_start3A_93 = arith.constant 7 : i32
    %dma_start3A_94 = arith.constant 560 : i32
    %dma_start3A_95 = arith.constant 0 : i32
    %dma_start3A_96 = tpu.memref_slice %arg12[%dma_start3A_94, %dma_start3A_95] : memref<800x64xf32, #tpu.memory_space<vmem>> -> memref<80x64xf32, #tpu.memory_space<vmem>>
    %dma_start3A_97 = arith.constant 0 : i32
    %dma_start3A_98 = tpu.memref_slice %arg10[%dma_start3A_92, %dma_start3A_93, %dma_start3A_97] : memref<2x50x80xi32, #tpu.memory_space<vmem>> -> memref<1x1x80xi32, #tpu.memory_space<vmem>>
    %dma_start3A_99 = tpu.memref_squeeze %dma_start3A_98 : memref<1x1x80xi32, #tpu.memory_space<vmem>> -> memref<80xi32, #tpu.memory_space<vmem>>
    %dma_start3A_100 = arith.constant 0 : i32
    %dma_start3A_101 = tpu.memref_slice %arg2[%arg0, %dma_start3A_100] : memref<20000x64xf32, #tpu.memory_space<hbm>> -> memref<19999x64xf32, #tpu.memory_space<hbm>>
    %dma_start3A_102 = arith.constant 0 : i32
    %dma_start3A_103 = arith.constant 0 : i32
    %dma_start3A_104 = tpu.memref_slice %dma_start3A_101[%dma_start3A_102, %dma_start3A_103] : memref<19999x64xf32, #tpu.memory_space<hbm>> -> memref<19999x64xf32, #tpu.memory_space<hbm>>
    tpu.enqueue_indirect_dma source(%dma_start3A_104 : memref<19999x64xf32, #tpu.memory_space<hbm>>) target(%dma_start3A_96 : memref<80x64xf32, #tpu.memory_space<vmem>>) offsets(%dma_start3A_99 : memref<80xi32, #tpu.memory_space<vmem>>) semaphore(%arg16 : memref<!tpu.dma_semaphore, #tpu.memory_space<semaphore_mem>>)
    %dma_start3A_105 = arith.constant 0 : i32
    %dma_start3A_106 = arith.constant 8 : i32
    %dma_start3A_107 = arith.constant 640 : i32
    %dma_start3A_108 = arith.constant 0 : i32
    %dma_start3A_109 = tpu.memref_slice %arg12[%dma_start3A_107, %dma_start3A_108] : memref<800x64xf32, #tpu.memory_space<vmem>> -> memref<80x64xf32, #tpu.memory_space<vmem>>
    %dma_start3A_110 = arith.constant 0 : i32
    %dma_start3A_111 = tpu.memref_slice %arg10[%dma_start3A_105, %dma_start3A_106, %dma_start3A_110] : memref<2x50x80xi32, #tpu.memory_space<vmem>> -> memref<1x1x80xi32, #tpu.memory_space<vmem>>
    %dma_start3A_112 = tpu.memref_squeeze %dma_start3A_111 : memref<1x1x80xi32, #tpu.memory_space<vmem>> -> memref<80xi32, #tpu.memory_space<vmem>>
    %dma_start3A_113 = arith.constant 0 : i32
    %dma_start3A_114 = tpu.memref_slice %arg2[%arg0, %dma_start3A_113] : memref<20000x64xf32, #tpu.memory_space<hbm>> -> memref<19999x64xf32, #tpu.memory_space<hbm>>
    %dma_start3A_115 = arith.constant 0 : i32
    %dma_start3A_116 = arith.constant 0 : i32
    %dma_start3A_117 = tpu.memref_slice %dma_start3A_114[%dma_start3A_115, %dma_start3A_116] : memref<19999x64xf32, #tpu.memory_space<hbm>> -> memref<19999x64xf32, #tpu.memory_space<hbm>>
    tpu.enqueue_indirect_dma source(%dma_start3A_117 : memref<19999x64xf32, #tpu.memory_space<hbm>>) target(%dma_start3A_109 : memref<80x64xf32, #tpu.memory_space<vmem>>) offsets(%dma_start3A_112 : memref<80xi32, #tpu.memory_space<vmem>>) semaphore(%arg16 : memref<!tpu.dma_semaphore, #tpu.memory_space<semaphore_mem>>)
    %dma_start3A_118 = arith.constant 0 : i32
    %dma_start3A_119 = arith.constant 9 : i32
    %dma_start3A_120 = arith.constant 720 : i32
    %dma_start3A_121 = arith.constant 0 : i32
    %dma_start3A_122 = tpu.memref_slice %arg12[%dma_start3A_120, %dma_start3A_121] : memref<800x64xf32, #tpu.memory_space<vmem>> -> memref<80x64xf32, #tpu.memory_space<vmem>>
    %dma_start3A_123 = arith.constant 0 : i32
    %dma_start3A_124 = tpu.memref_slice %arg10[%dma_start3A_118, %dma_start3A_119, %dma_start3A_123] : memref<2x50x80xi32, #tpu.memory_space<vmem>> -> memref<1x1x80xi32, #tpu.memory_space<vmem>>
    %dma_start3A_125 = tpu.memref_squeeze %dma_start3A_124 : memref<1x1x80xi32, #tpu.memory_space<vmem>> -> memref<80xi32, #tpu.memory_space<vmem>>
    %dma_start3A_126 = arith.constant 0 : i32
    %dma_start3A_127 = tpu.memref_slice %arg2[%arg0, %dma_start3A_126] : memref<20000x64xf32, #tpu.memory_space<hbm>> -> memref<19999x64xf32, #tpu.memory_space<hbm>>
    %dma_start3A_128 = arith.constant 0 : i32
    %dma_start3A_129 = arith.constant 0 : i32
    %dma_start3A_130 = tpu.memref_slice %dma_start3A_127[%dma_start3A_128, %dma_start3A_129] : memref<19999x64xf32, #tpu.memory_space<hbm>> -> memref<19999x64xf32, #tpu.memory_space<hbm>>
    tpu.enqueue_indirect_dma source(%dma_start3A_130 : memref<19999x64xf32, #tpu.memory_space<hbm>>) target(%dma_start3A_122 : memref<80x64xf32, #tpu.memory_space<vmem>>) offsets(%dma_start3A_125 : memref<80xi32, #tpu.memory_space<vmem>>) semaphore(%arg16 : memref<!tpu.dma_semaphore, #tpu.memory_space<semaphore_mem>>)
    %mul3A = arith.constant 624 : i32
    %mul3A_131 = arith.muli %arg1, %mul3A : i32
    %multiple_of3A = tpu.assume_multiple %mul3A_131, 8 : i32
    "tpu.region"() ({
      %run_scoped3A_154 = tpu.sem_alloc : memref<!tpu.dma_semaphore, #tpu.memory_space<semaphore_mem>>
      %dma_start3A_155 = arith.constant 0 : i32
      %dma_start3A_156 = tpu.memref_slice %arg14[%multiple_of3A, %dma_start3A_155] : memref<10000x64xf32, #tpu.memory_space<vmem_shared>> -> memref<624x64xf32, #tpu.memory_space<vmem_shared>>
      tpu.enqueue_dma source(%arg5 : memref<624x64xf32, #tpu.memory_space<hbm>>) target(%dma_start3A_156 : memref<624x64xf32, #tpu.memory_space<vmem_shared>>) target_semaphore(%run_scoped3A_154 : memref<!tpu.dma_semaphore, #tpu.memory_space<semaphore_mem>>)
      %dma_wait3A = arith.constant 0 : i32
      %dma_wait3A_157 = tpu.memref_slice %arg14[%multiple_of3A, %dma_wait3A] : memref<10000x64xf32, #tpu.memory_space<vmem_shared>> -> memref<624x64xf32, #tpu.memory_space<vmem_shared>>
      tpu.wait_dma2 semaphore(%run_scoped3A_154 : memref<!tpu.dma_semaphore, #tpu.memory_space<semaphore_mem>>) src(%arg5 : memref<624x64xf32, #tpu.memory_space<hbm>>) dst(%dma_wait3A_157 : memref<624x64xf32, #tpu.memory_space<vmem_shared>>)
      tpu.yield
    }) : () -> ()
    %convert_element_type3A = arith.extui %eq3A_0 : i1 to i32
    %cond3A = arith.constant 0 : i32
    %cond3A_132 = arith.cmpi ne, %convert_element_type3A, %cond3A : i32
    scf.if %cond3A_132 {
      "tpu.region"() ({
        %run_scoped3A_154 = tpu.sem_alloc : memref<!tpu.dma_semaphore, #tpu.memory_space<semaphore_mem>>
        %dma_start3A_155 = arith.constant 9984 : i32
        %dma_start3A_156 = arith.constant 0 : i32
        %dma_start3A_157 = tpu.memref_slice %arg14[%dma_start3A_155, %dma_start3A_156] : memref<10000x64xf32, #tpu.memory_space<vmem_shared>> -> memref<16x64xf32, #tpu.memory_space<vmem_shared>>
        %dma_start3A_158 = arith.constant 0 : i32
        %dma_start3A_159 = arith.constant 0 : i32
        %dma_start3A_160 = tpu.memref_slice %arg5[%dma_start3A_158, %dma_start3A_159] : memref<624x64xf32, #tpu.memory_space<hbm>> -> memref<16x64xf32, #tpu.memory_space<hbm>>
        tpu.enqueue_dma source(%dma_start3A_160 : memref<16x64xf32, #tpu.memory_space<hbm>>) target(%dma_start3A_157 : memref<16x64xf32, #tpu.memory_space<vmem_shared>>) target_semaphore(%run_scoped3A_154 : memref<!tpu.dma_semaphore, #tpu.memory_space<semaphore_mem>>)
        %dma_wait3A = arith.constant 9984 : i32
        %dma_wait3A_161 = arith.constant 0 : i32
        %dma_wait3A_162 = tpu.memref_slice %arg14[%dma_wait3A, %dma_wait3A_161] : memref<10000x64xf32, #tpu.memory_space<vmem_shared>> -> memref<16x64xf32, #tpu.memory_space<vmem_shared>>
        %dma_wait3A_163 = arith.constant 0 : i32
        %dma_wait3A_164 = arith.constant 0 : i32
        %dma_wait3A_165 = tpu.memref_slice %arg5[%dma_wait3A_163, %dma_wait3A_164] : memref<624x64xf32, #tpu.memory_space<hbm>> -> memref<16x64xf32, #tpu.memory_space<hbm>>
        tpu.wait_dma2 semaphore(%run_scoped3A_154 : memref<!tpu.dma_semaphore, #tpu.memory_space<semaphore_mem>>) src(%dma_wait3A_165 : memref<16x64xf32, #tpu.memory_space<hbm>>) dst(%dma_wait3A_162 : memref<16x64xf32, #tpu.memory_space<vmem_shared>>)
        tpu.yield
      }) : () -> ()
    } else {
    }
    "tpu.region"() ({
      %run_scoped3A_154 = tpu.sem_alloc : memref<!tpu.dma_semaphore, #tpu.memory_space<semaphore_mem>>
      tpu.enqueue_dma source(%arg7 : memref<80x16xf32, #tpu.memory_space<hbm>>) target(%arg13 : memref<80x16xf32, #tpu.memory_space<vmem>>) target_semaphore(%run_scoped3A_154 : memref<!tpu.dma_semaphore, #tpu.memory_space<semaphore_mem>>)
      tpu.wait_dma2 semaphore(%run_scoped3A_154 : memref<!tpu.dma_semaphore, #tpu.memory_space<semaphore_mem>>) src(%arg7 : memref<80x16xf32, #tpu.memory_space<hbm>>) dst(%arg13 : memref<80x16xf32, #tpu.memory_space<vmem>>)
      tpu.yield
    }) : () -> ()
    "tpu.region"() ({
      %run_scoped3A_154 = tpu.sem_alloc : memref<!tpu.dma_semaphore, #tpu.memory_space<semaphore_mem>>
      %dma_start3A_155 = arith.constant 0 : i32
      %dma_start3A_156 = tpu.memref_slice %arg15[%multiple_of3A, %dma_start3A_155] : memref<10000x16xf32, #tpu.memory_space<vmem_shared>> -> memref<624x16xf32, #tpu.memory_space<vmem_shared>>
      tpu.enqueue_dma source(%arg6 : memref<624x16xf32, #tpu.memory_space<hbm>>) target(%dma_start3A_156 : memref<624x16xf32, #tpu.memory_space<vmem_shared>>) target_semaphore(%run_scoped3A_154 : memref<!tpu.dma_semaphore, #tpu.memory_space<semaphore_mem>>)
      %dma_wait3A = arith.constant 0 : i32
      %dma_wait3A_157 = tpu.memref_slice %arg15[%multiple_of3A, %dma_wait3A] : memref<10000x16xf32, #tpu.memory_space<vmem_shared>> -> memref<624x16xf32, #tpu.memory_space<vmem_shared>>
      tpu.wait_dma2 semaphore(%run_scoped3A_154 : memref<!tpu.dma_semaphore, #tpu.memory_space<semaphore_mem>>) src(%arg6 : memref<624x16xf32, #tpu.memory_space<hbm>>) dst(%dma_wait3A_157 : memref<624x16xf32, #tpu.memory_space<vmem_shared>>)
      tpu.yield
    }) : () -> ()
    %convert_element_type3A_133 = arith.extui %eq3A_0 : i1 to i32
    %cond3A_134 = arith.constant 0 : i32
    %cond3A_135 = arith.cmpi ne, %convert_element_type3A_133, %cond3A_134 : i32
    scf.if %cond3A_135 {
      "tpu.region"() ({
        %run_scoped3A_154 = tpu.sem_alloc : memref<!tpu.dma_semaphore, #tpu.memory_space<semaphore_mem>>
        %dma_start3A_155 = arith.constant 9984 : i32
        %dma_start3A_156 = arith.constant 0 : i32
        %dma_start3A_157 = tpu.memref_slice %arg15[%dma_start3A_155, %dma_start3A_156] : memref<10000x16xf32, #tpu.memory_space<vmem_shared>> -> memref<16x16xf32, #tpu.memory_space<vmem_shared>>
        %dma_start3A_158 = arith.constant 0 : i32
        %dma_start3A_159 = arith.constant 0 : i32
        %dma_start3A_160 = tpu.memref_slice %arg6[%dma_start3A_158, %dma_start3A_159] : memref<624x16xf32, #tpu.memory_space<hbm>> -> memref<16x16xf32, #tpu.memory_space<hbm>>
        tpu.enqueue_dma source(%dma_start3A_160 : memref<16x16xf32, #tpu.memory_space<hbm>>) target(%dma_start3A_157 : memref<16x16xf32, #tpu.memory_space<vmem_shared>>) target_semaphore(%run_scoped3A_154 : memref<!tpu.dma_semaphore, #tpu.memory_space<semaphore_mem>>)
        %dma_wait3A = arith.constant 9984 : i32
        %dma_wait3A_161 = arith.constant 0 : i32
        %dma_wait3A_162 = tpu.memref_slice %arg15[%dma_wait3A, %dma_wait3A_161] : memref<10000x16xf32, #tpu.memory_space<vmem_shared>> -> memref<16x16xf32, #tpu.memory_space<vmem_shared>>
        %dma_wait3A_163 = arith.constant 0 : i32
        %dma_wait3A_164 = arith.constant 0 : i32
        %dma_wait3A_165 = tpu.memref_slice %arg6[%dma_wait3A_163, %dma_wait3A_164] : memref<624x16xf32, #tpu.memory_space<hbm>> -> memref<16x16xf32, #tpu.memory_space<hbm>>
        tpu.wait_dma2 semaphore(%run_scoped3A_154 : memref<!tpu.dma_semaphore, #tpu.memory_space<semaphore_mem>>) src(%dma_wait3A_165 : memref<16x16xf32, #tpu.memory_space<hbm>>) dst(%dma_wait3A_162 : memref<16x16xf32, #tpu.memory_space<vmem_shared>>)
        tpu.yield
      }) : () -> ()
    } else {
    }
    %barrier3A = arith.constant 0 : index
    tpu.barrier barrier_id(%barrier3A)
    %scan3A = arith.constant 0 : i32
    %scan3A_136 = arith.constant 0 : i32
    %scan3A_137 = arith.constant 5 : i32
    %scan3A_138 = arith.addi %scan3A_136, %scan3A_137 : i32
    %scan3A_139 = arith.constant 1 : i32
    scf.for %scan3A_154 = %scan3A_136 to %scan3A_138 step %scan3A_139  : i32 {
      %rem3A = arith.constant 2 : i32
      %rem3A_155 = arith.remsi %scan3A_154, %rem3A : i32
      %add3A = arith.constant 1 : i32
      %add3A_156 = arith.addi %scan3A_154, %add3A : i32
      %lt3A = arith.constant 5 : i32
      %lt3A_157 = arith.cmpi slt, %add3A_156, %lt3A : i32
      %convert_element_type3A_158 = arith.extui %lt3A_157 : i1 to i32
      %cond3A_159 = arith.constant 0 : i32
      %cond3A_160 = arith.cmpi ne, %convert_element_type3A_158, %cond3A_159 : i32
      scf.if %cond3A_160 {
        %add3A_180 = arith.constant 1 : i32
        %add3A_181 = arith.addi %scan3A_154, %add3A_180 : i32
        %rem3A_182 = arith.constant 2 : i32
        %rem3A_183 = arith.remsi %add3A_181, %rem3A_182 : i32
        %add3A_184 = arith.constant 1 : i32
        %add3A_185 = arith.addi %scan3A_154, %add3A_184 : i32
        %mul3A_186 = arith.constant 50 : i32
        %mul3A_187 = arith.muli %add3A_185, %mul3A_186 : i32
        %dma_start3A_188 = arith.constant 0 : i32
        %dma_start3A_189 = arith.constant 0 : i32
        %dma_start3A_190 = tpu.memref_slice %arg10[%rem3A_183, %dma_start3A_188, %dma_start3A_189] : memref<2x50x80xi32, #tpu.memory_space<vmem>> -> memref<1x50x80xi32, #tpu.memory_space<vmem>>
        %dma_start3A_191 = tpu.memref_squeeze %dma_start3A_190 : memref<1x50x80xi32, #tpu.memory_space<vmem>> -> memref<50x80xi32, #tpu.memory_space<vmem>>
        %dma_start3A_192 = arith.constant 0 : i32
        %dma_start3A_193 = tpu.memref_slice %arg3[%arg1, %mul3A_187, %dma_start3A_192] : memref<16x250x80xi32, #tpu.memory_space<hbm>> -> memref<1x50x80xi32, #tpu.memory_space<hbm>>
        %dma_start3A_194 = tpu.memref_squeeze %dma_start3A_193 : memref<1x50x80xi32, #tpu.memory_space<hbm>> -> memref<50x80xi32, #tpu.memory_space<hbm>>
        %dma_start3A_195 = arith.constant 0 : i32
        %dma_start3A_196 = arith.constant 0 : i32
        %dma_start3A_197 = tpu.memref_slice %arg10[%rem3A_183, %dma_start3A_195, %dma_start3A_196] : memref<2x50x80xi32, #tpu.memory_space<vmem>> -> memref<1x50x80xi32, #tpu.memory_space<vmem>>
        %dma_start3A_198 = tpu.memref_squeeze %dma_start3A_197 : memref<1x50x80xi32, #tpu.memory_space<vmem>> -> memref<50x80xi32, #tpu.memory_space<vmem>>
        %dma_start3A_199 = arith.constant 0 : i32
        %dma_start3A_200 = tpu.memref_slice %arg3[%arg1, %mul3A_187, %dma_start3A_199] : memref<16x250x80xi32, #tpu.memory_space<hbm>> -> memref<1x50x80xi32, #tpu.memory_space<hbm>>
        %dma_start3A_201 = tpu.memref_squeeze %dma_start3A_200 : memref<1x50x80xi32, #tpu.memory_space<hbm>> -> memref<50x80xi32, #tpu.memory_space<hbm>>
        tpu.enqueue_dma source(%dma_start3A_201 : memref<50x80xi32, #tpu.memory_space<hbm>>) target(%dma_start3A_198 : memref<50x80xi32, #tpu.memory_space<vmem>>) target_semaphore(%arg18 : memref<!tpu.dma_semaphore, #tpu.memory_space<semaphore_mem>>)
        %add3A_202 = arith.constant 1 : i32
        %add3A_203 = arith.addi %scan3A_154, %add3A_202 : i32
        %mul3A_204 = arith.constant 50 : i32
        %mul3A_205 = arith.muli %add3A_203, %mul3A_204 : i32
        %dma_start3A_206 = arith.constant 0 : i32
        %dma_start3A_207 = arith.constant 0 : i32
        %dma_start3A_208 = tpu.memref_slice %arg11[%rem3A_183, %dma_start3A_206, %dma_start3A_207] : memref<2x50x80xi32, #tpu.memory_space<vmem>> -> memref<1x50x80xi32, #tpu.memory_space<vmem>>
        %dma_start3A_209 = tpu.memref_squeeze %dma_start3A_208 : memref<1x50x80xi32, #tpu.memory_space<vmem>> -> memref<50x80xi32, #tpu.memory_space<vmem>>
        %dma_start3A_210 = arith.constant 0 : i32
        %dma_start3A_211 = tpu.memref_slice %arg4[%arg1, %mul3A_205, %dma_start3A_210] : memref<16x250x80xi32, #tpu.memory_space<hbm>> -> memref<1x50x80xi32, #tpu.memory_space<hbm>>
        %dma_start3A_212 = tpu.memref_squeeze %dma_start3A_211 : memref<1x50x80xi32, #tpu.memory_space<hbm>> -> memref<50x80xi32, #tpu.memory_space<hbm>>
        %dma_start3A_213 = arith.constant 0 : i32
        %dma_start3A_214 = arith.constant 0 : i32
        %dma_start3A_215 = tpu.memref_slice %arg11[%rem3A_183, %dma_start3A_213, %dma_start3A_214] : memref<2x50x80xi32, #tpu.memory_space<vmem>> -> memref<1x50x80xi32, #tpu.memory_space<vmem>>
        %dma_start3A_216 = tpu.memref_squeeze %dma_start3A_215 : memref<1x50x80xi32, #tpu.memory_space<vmem>> -> memref<50x80xi32, #tpu.memory_space<vmem>>
        %dma_start3A_217 = arith.constant 0 : i32
        %dma_start3A_218 = tpu.memref_slice %arg4[%arg1, %mul3A_205, %dma_start3A_217] : memref<16x250x80xi32, #tpu.memory_space<hbm>> -> memref<1x50x80xi32, #tpu.memory_space<hbm>>
        %dma_start3A_219 = tpu.memref_squeeze %dma_start3A_218 : memref<1x50x80xi32, #tpu.memory_space<hbm>> -> memref<50x80xi32, #tpu.memory_space<hbm>>
        tpu.enqueue_dma source(%dma_start3A_219 : memref<50x80xi32, #tpu.memory_space<hbm>>) target(%dma_start3A_216 : memref<50x80xi32, #tpu.memory_space<vmem>>) target_semaphore(%arg18 : memref<!tpu.dma_semaphore, #tpu.memory_space<semaphore_mem>>)
      } else {
      }
      %scan3A_161 = arith.constant 0 : i32
      %scan3A_162 = arith.constant 0 : i32
      %scan3A_163 = arith.constant 8 : i32
      %scan3A_164 = arith.addi %scan3A_162, %scan3A_163 : i32
      %scan3A_165 = arith.constant 1 : i32
      scf.for %scan3A_180 = %scan3A_162 to %scan3A_164 step %scan3A_165  : i32 {
        %mul3A_181 = arith.constant 10 : i32
        %mul3A_182 = arith.muli %scan3A_154, %mul3A_181 : i32
        %add3A_183 = arith.addi %mul3A_182, %scan3A_180 : i32
        %rem3A_184 = arith.constant 2 : i32
        %rem3A_185 = arith.remsi %add3A_183, %rem3A_184 : i32
        %mul3A_186 = arith.constant 400 : i32
        %mul3A_187 = arith.muli %rem3A_185, %mul3A_186 : i32
        %mul3A_188 = arith.constant 50 : i32
        %mul3A_189 = arith.muli %scan3A_154, %mul3A_188 : i32
        %mul3A_190 = arith.constant 5 : i32
        %mul3A_191 = arith.muli %scan3A_180, %mul3A_190 : i32
        %add3A_192 = arith.addi %mul3A_189, %mul3A_191 : i32
        %mul3A_193 = arith.constant 5 : i32
        %mul3A_194 = arith.muli %scan3A_180, %mul3A_193 : i32
        %dma_wait3A = arith.constant 0 : i32
        %dma_wait3A_195 = arith.constant 0 : i32
        %dma_wait3A_196 = tpu.memref_slice %arg12[%dma_wait3A, %dma_wait3A_195] : memref<800x64xf32, #tpu.memory_space<vmem>> -> memref<400x64xf32, #tpu.memory_space<vmem>>
        %dma_wait3A_197 = arith.constant 0 : i32
        %dma_wait3A_198 = arith.constant 0 : i32
        %dma_wait3A_199 = tpu.memref_slice %arg2[%dma_wait3A_197, %dma_wait3A_198] : memref<20000x64xf32, #tpu.memory_space<hbm>> -> memref<400x64xf32, #tpu.memory_space<hbm>>
        %dma_wait3A_200 = arith.constant 0 : i32
        %dma_wait3A_201 = arith.constant 0 : i32
        %dma_wait3A_202 = tpu.memref_slice %arg12[%dma_wait3A_200, %dma_wait3A_201] : memref<800x64xf32, #tpu.memory_space<vmem>> -> memref<400x64xf32, #tpu.memory_space<vmem>>
        %dma_wait3A_203 = arith.constant 0 : i32
        %dma_wait3A_204 = arith.constant 0 : i32
        %dma_wait3A_205 = tpu.memref_slice %arg2[%dma_wait3A_203, %dma_wait3A_204] : memref<20000x64xf32, #tpu.memory_space<hbm>> -> memref<400x64xf32, #tpu.memory_space<hbm>>
        tpu.wait_dma2 semaphore(%arg16 : memref<!tpu.dma_semaphore, #tpu.memory_space<semaphore_mem>>) src(%dma_wait3A_205 : memref<400x64xf32, #tpu.memory_space<hbm>>) dst(%dma_wait3A_202 : memref<400x64xf32, #tpu.memory_space<vmem>>)
        %add3A_206 = arith.constant 0 : i32
        %add3A_207 = arith.addi %mul3A_187, %add3A_206 : i32
        %add3A_208 = arith.constant 0 : i32
        %add3A_209 = arith.addi %mul3A_194, %add3A_208 : i32
        %dma_start3A_210 = arith.constant 0 : i32
        %dma_start3A_211 = tpu.memref_slice %arg12[%add3A_207, %dma_start3A_210] : memref<800x64xf32, #tpu.memory_space<vmem>> -> memref<80x64xf32, #tpu.memory_space<vmem>>
        %dma_start3A_212 = arith.constant 0 : i32
        %dma_start3A_213 = tpu.memref_slice %arg11[%rem3A_155, %add3A_209, %dma_start3A_212] : memref<2x50x80xi32, #tpu.memory_space<vmem>> -> memref<1x1x80xi32, #tpu.memory_space<vmem>>
        %dma_start3A_214 = tpu.memref_squeeze %dma_start3A_213 : memref<1x1x80xi32, #tpu.memory_space<vmem>> -> memref<80xi32, #tpu.memory_space<vmem>>
        %dma_start3A_215 = arith.constant 0 : i32
        %dma_start3A_216 = arith.constant 0 : i32
        %dma_start3A_217 = tpu.memref_slice %arg14[%dma_start3A_215, %dma_start3A_216] : memref<10000x64xf32, #tpu.memory_space<vmem_shared>> -> memref<10000x64xf32, #tpu.memory_space<vmem_shared>>
        tpu.enqueue_indirect_dma source(%dma_start3A_211 : memref<80x64xf32, #tpu.memory_space<vmem>>) target(%dma_start3A_217 : memref<10000x64xf32, #tpu.memory_space<vmem_shared>>) offsets(%dma_start3A_214 : memref<80xi32, #tpu.memory_space<vmem>>) semaphore(%arg17 : memref<!tpu.dma_semaphore, #tpu.memory_space<semaphore_mem>>) {add = true}
        %add3A_218 = arith.constant 0 : i32
        %add3A_219 = arith.addi %add3A_192, %add3A_218 : i32
        %rem3A_220 = arith.constant 2 : i32
        %rem3A_221 = arith.remsi %add3A_219, %rem3A_220 : i32
        %eq3A_222 = arith.cmpi eq, %rem3A_221, %arg0 : i32
        %convert_element_type3A_223 = arith.extui %eq3A_222 : i1 to i32
        %cond3A_224 = arith.constant 0 : i32
        %cond3A_225 = arith.cmpi ne, %convert_element_type3A_223, %cond3A_224 : i32
        scf.if %cond3A_225 {
          %add3A_521 = arith.constant 0 : i32
          %add3A_522 = arith.addi %mul3A_194, %add3A_521 : i32
          %dma_start3A_523 = arith.constant 0 : i32
          %dma_start3A_524 = tpu.memref_slice %arg11[%rem3A_155, %add3A_522, %dma_start3A_523] : memref<2x50x80xi32, #tpu.memory_space<vmem>> -> memref<1x1x80xi32, #tpu.memory_space<vmem>>
          %dma_start3A_525 = tpu.memref_squeeze %dma_start3A_524 : memref<1x1x80xi32, #tpu.memory_space<vmem>> -> memref<80xi32, #tpu.memory_space<vmem>>
          %dma_start3A_526 = arith.constant 0 : i32
          %dma_start3A_527 = arith.constant 0 : i32
          %dma_start3A_528 = tpu.memref_slice %arg15[%dma_start3A_526, %dma_start3A_527] : memref<10000x16xf32, #tpu.memory_space<vmem_shared>> -> memref<10000x16xf32, #tpu.memory_space<vmem_shared>>
          tpu.enqueue_indirect_dma source(%arg13 : memref<80x16xf32, #tpu.memory_space<vmem>>) target(%dma_start3A_528 : memref<10000x16xf32, #tpu.memory_space<vmem_shared>>) offsets(%dma_start3A_525 : memref<80xi32, #tpu.memory_space<vmem>>) semaphore(%arg19 : memref<!tpu.dma_semaphore, #tpu.memory_space<semaphore_mem>>) {add = true}
        } else {
        }
        %add3A_226 = arith.constant 80 : i32
        %add3A_227 = arith.addi %mul3A_187, %add3A_226 : i32
        %add3A_228 = arith.constant 1 : i32
        %add3A_229 = arith.addi %mul3A_194, %add3A_228 : i32
        %dma_start3A_230 = arith.constant 0 : i32
        %dma_start3A_231 = tpu.memref_slice %arg12[%add3A_227, %dma_start3A_230] : memref<800x64xf32, #tpu.memory_space<vmem>> -> memref<80x64xf32, #tpu.memory_space<vmem>>
        %dma_start3A_232 = arith.constant 0 : i32
        %dma_start3A_233 = tpu.memref_slice %arg11[%rem3A_155, %add3A_229, %dma_start3A_232] : memref<2x50x80xi32, #tpu.memory_space<vmem>> -> memref<1x1x80xi32, #tpu.memory_space<vmem>>
        %dma_start3A_234 = tpu.memref_squeeze %dma_start3A_233 : memref<1x1x80xi32, #tpu.memory_space<vmem>> -> memref<80xi32, #tpu.memory_space<vmem>>
        %dma_start3A_235 = arith.constant 0 : i32
        %dma_start3A_236 = arith.constant 0 : i32
        %dma_start3A_237 = tpu.memref_slice %arg14[%dma_start3A_235, %dma_start3A_236] : memref<10000x64xf32, #tpu.memory_space<vmem_shared>> -> memref<10000x64xf32, #tpu.memory_space<vmem_shared>>
        tpu.enqueue_indirect_dma source(%dma_start3A_231 : memref<80x64xf32, #tpu.memory_space<vmem>>) target(%dma_start3A_237 : memref<10000x64xf32, #tpu.memory_space<vmem_shared>>) offsets(%dma_start3A_234 : memref<80xi32, #tpu.memory_space<vmem>>) semaphore(%arg17 : memref<!tpu.dma_semaphore, #tpu.memory_space<semaphore_mem>>) {add = true}
        %add3A_238 = arith.constant 1 : i32
        %add3A_239 = arith.addi %add3A_192, %add3A_238 : i32
        %rem3A_240 = arith.constant 2 : i32
        %rem3A_241 = arith.remsi %add3A_239, %rem3A_240 : i32
        %eq3A_242 = arith.cmpi eq, %rem3A_241, %arg0 : i32
        %convert_element_type3A_243 = arith.extui %eq3A_242 : i1 to i32
        %cond3A_244 = arith.constant 0 : i32
        %cond3A_245 = arith.cmpi ne, %convert_element_type3A_243, %cond3A_244 : i32
        scf.if %cond3A_245 {
          %add3A_521 = arith.constant 1 : i32
          %add3A_522 = arith.addi %mul3A_194, %add3A_521 : i32
          %dma_start3A_523 = arith.constant 0 : i32
          %dma_start3A_524 = tpu.memref_slice %arg11[%rem3A_155, %add3A_522, %dma_start3A_523] : memref<2x50x80xi32, #tpu.memory_space<vmem>> -> memref<1x1x80xi32, #tpu.memory_space<vmem>>
          %dma_start3A_525 = tpu.memref_squeeze %dma_start3A_524 : memref<1x1x80xi32, #tpu.memory_space<vmem>> -> memref<80xi32, #tpu.memory_space<vmem>>
          %dma_start3A_526 = arith.constant 0 : i32
          %dma_start3A_527 = arith.constant 0 : i32
          %dma_start3A_528 = tpu.memref_slice %arg15[%dma_start3A_526, %dma_start3A_527] : memref<10000x16xf32, #tpu.memory_space<vmem_shared>> -> memref<10000x16xf32, #tpu.memory_space<vmem_shared>>
          tpu.enqueue_indirect_dma source(%arg13 : memref<80x16xf32, #tpu.memory_space<vmem>>) target(%dma_start3A_528 : memref<10000x16xf32, #tpu.memory_space<vmem_shared>>) offsets(%dma_start3A_525 : memref<80xi32, #tpu.memory_space<vmem>>) semaphore(%arg19 : memref<!tpu.dma_semaphore, #tpu.memory_space<semaphore_mem>>) {add = true}
        } else {
        }
        %add3A_246 = arith.constant 160 : i32
        %add3A_247 = arith.addi %mul3A_187, %add3A_246 : i32
        %add3A_248 = arith.constant 2 : i32
        %add3A_249 = arith.addi %mul3A_194, %add3A_248 : i32
        %dma_start3A_250 = arith.constant 0 : i32
        %dma_start3A_251 = tpu.memref_slice %arg12[%add3A_247, %dma_start3A_250] : memref<800x64xf32, #tpu.memory_space<vmem>> -> memref<80x64xf32, #tpu.memory_space<vmem>>
        %dma_start3A_252 = arith.constant 0 : i32
        %dma_start3A_253 = tpu.memref_slice %arg11[%rem3A_155, %add3A_249, %dma_start3A_252] : memref<2x50x80xi32, #tpu.memory_space<vmem>> -> memref<1x1x80xi32, #tpu.memory_space<vmem>>
        %dma_start3A_254 = tpu.memref_squeeze %dma_start3A_253 : memref<1x1x80xi32, #tpu.memory_space<vmem>> -> memref<80xi32, #tpu.memory_space<vmem>>
        %dma_start3A_255 = arith.constant 0 : i32
        %dma_start3A_256 = arith.constant 0 : i32
        %dma_start3A_257 = tpu.memref_slice %arg14[%dma_start3A_255, %dma_start3A_256] : memref<10000x64xf32, #tpu.memory_space<vmem_shared>> -> memref<10000x64xf32, #tpu.memory_space<vmem_shared>>
        tpu.enqueue_indirect_dma source(%dma_start3A_251 : memref<80x64xf32, #tpu.memory_space<vmem>>) target(%dma_start3A_257 : memref<10000x64xf32, #tpu.memory_space<vmem_shared>>) offsets(%dma_start3A_254 : memref<80xi32, #tpu.memory_space<vmem>>) semaphore(%arg17 : memref<!tpu.dma_semaphore, #tpu.memory_space<semaphore_mem>>) {add = true}
        %add3A_258 = arith.constant 2 : i32
        %add3A_259 = arith.addi %add3A_192, %add3A_258 : i32
        %rem3A_260 = arith.constant 2 : i32
        %rem3A_261 = arith.remsi %add3A_259, %rem3A_260 : i32
        %eq3A_262 = arith.cmpi eq, %rem3A_261, %arg0 : i32
        %convert_element_type3A_263 = arith.extui %eq3A_262 : i1 to i32
        %cond3A_264 = arith.constant 0 : i32
        %cond3A_265 = arith.cmpi ne, %convert_element_type3A_263, %cond3A_264 : i32
        scf.if %cond3A_265 {
          %add3A_521 = arith.constant 2 : i32
          %add3A_522 = arith.addi %mul3A_194, %add3A_521 : i32
          %dma_start3A_523 = arith.constant 0 : i32
          %dma_start3A_524 = tpu.memref_slice %arg11[%rem3A_155, %add3A_522, %dma_start3A_523] : memref<2x50x80xi32, #tpu.memory_space<vmem>> -> memref<1x1x80xi32, #tpu.memory_space<vmem>>
          %dma_start3A_525 = tpu.memref_squeeze %dma_start3A_524 : memref<1x1x80xi32, #tpu.memory_space<vmem>> -> memref<80xi32, #tpu.memory_space<vmem>>
          %dma_start3A_526 = arith.constant 0 : i32
          %dma_start3A_527 = arith.constant 0 : i32
          %dma_start3A_528 = tpu.memref_slice %arg15[%dma_start3A_526, %dma_start3A_527] : memref<10000x16xf32, #tpu.memory_space<vmem_shared>> -> memref<10000x16xf32, #tpu.memory_space<vmem_shared>>
          tpu.enqueue_indirect_dma source(%arg13 : memref<80x16xf32, #tpu.memory_space<vmem>>) target(%dma_start3A_528 : memref<10000x16xf32, #tpu.memory_space<vmem_shared>>) offsets(%dma_start3A_525 : memref<80xi32, #tpu.memory_space<vmem>>) semaphore(%arg19 : memref<!tpu.dma_semaphore, #tpu.memory_space<semaphore_mem>>) {add = true}
        } else {
        }
        %add3A_266 = arith.constant 240 : i32
        %add3A_267 = arith.addi %mul3A_187, %add3A_266 : i32
        %add3A_268 = arith.constant 3 : i32
        %add3A_269 = arith.addi %mul3A_194, %add3A_268 : i32
        %dma_start3A_270 = arith.constant 0 : i32
        %dma_start3A_271 = tpu.memref_slice %arg12[%add3A_267, %dma_start3A_270] : memref<800x64xf32, #tpu.memory_space<vmem>> -> memref<80x64xf32, #tpu.memory_space<vmem>>
        %dma_start3A_272 = arith.constant 0 : i32
        %dma_start3A_273 = tpu.memref_slice %arg11[%rem3A_155, %add3A_269, %dma_start3A_272] : memref<2x50x80xi32, #tpu.memory_space<vmem>> -> memref<1x1x80xi32, #tpu.memory_space<vmem>>
        %dma_start3A_274 = tpu.memref_squeeze %dma_start3A_273 : memref<1x1x80xi32, #tpu.memory_space<vmem>> -> memref<80xi32, #tpu.memory_space<vmem>>
        %dma_start3A_275 = arith.constant 0 : i32
        %dma_start3A_276 = arith.constant 0 : i32
        %dma_start3A_277 = tpu.memref_slice %arg14[%dma_start3A_275, %dma_start3A_276] : memref<10000x64xf32, #tpu.memory_space<vmem_shared>> -> memref<10000x64xf32, #tpu.memory_space<vmem_shared>>
        tpu.enqueue_indirect_dma source(%dma_start3A_271 : memref<80x64xf32, #tpu.memory_space<vmem>>) target(%dma_start3A_277 : memref<10000x64xf32, #tpu.memory_space<vmem_shared>>) offsets(%dma_start3A_274 : memref<80xi32, #tpu.memory_space<vmem>>) semaphore(%arg17 : memref<!tpu.dma_semaphore, #tpu.memory_space<semaphore_mem>>) {add = true}
        %add3A_278 = arith.constant 3 : i32
        %add3A_279 = arith.addi %add3A_192, %add3A_278 : i32
        %rem3A_280 = arith.constant 2 : i32
        %rem3A_281 = arith.remsi %add3A_279, %rem3A_280 : i32
        %eq3A_282 = arith.cmpi eq, %rem3A_281, %arg0 : i32
        %convert_element_type3A_283 = arith.extui %eq3A_282 : i1 to i32
        %cond3A_284 = arith.constant 0 : i32
        %cond3A_285 = arith.cmpi ne, %convert_element_type3A_283, %cond3A_284 : i32
        scf.if %cond3A_285 {
          %add3A_521 = arith.constant 3 : i32
          %add3A_522 = arith.addi %mul3A_194, %add3A_521 : i32
          %dma_start3A_523 = arith.constant 0 : i32
          %dma_start3A_524 = tpu.memref_slice %arg11[%rem3A_155, %add3A_522, %dma_start3A_523] : memref<2x50x80xi32, #tpu.memory_space<vmem>> -> memref<1x1x80xi32, #tpu.memory_space<vmem>>
          %dma_start3A_525 = tpu.memref_squeeze %dma_start3A_524 : memref<1x1x80xi32, #tpu.memory_space<vmem>> -> memref<80xi32, #tpu.memory_space<vmem>>
          %dma_start3A_526 = arith.constant 0 : i32
          %dma_start3A_527 = arith.constant 0 : i32
          %dma_start3A_528 = tpu.memref_slice %arg15[%dma_start3A_526, %dma_start3A_527] : memref<10000x16xf32, #tpu.memory_space<vmem_shared>> -> memref<10000x16xf32, #tpu.memory_space<vmem_shared>>
          tpu.enqueue_indirect_dma source(%arg13 : memref<80x16xf32, #tpu.memory_space<vmem>>) target(%dma_start3A_528 : memref<10000x16xf32, #tpu.memory_space<vmem_shared>>) offsets(%dma_start3A_525 : memref<80xi32, #tpu.memory_space<vmem>>) semaphore(%arg19 : memref<!tpu.dma_semaphore, #tpu.memory_space<semaphore_mem>>) {add = true}
        } else {
        }
        %add3A_286 = arith.constant 320 : i32
        %add3A_287 = arith.addi %mul3A_187, %add3A_286 : i32
        %add3A_288 = arith.constant 4 : i32
        %add3A_289 = arith.addi %mul3A_194, %add3A_288 : i32
        %dma_start3A_290 = arith.constant 0 : i32
        %dma_start3A_291 = tpu.memref_slice %arg12[%add3A_287, %dma_start3A_290] : memref<800x64xf32, #tpu.memory_space<vmem>> -> memref<80x64xf32, #tpu.memory_space<vmem>>
        %dma_start3A_292 = arith.constant 0 : i32
        %dma_start3A_293 = tpu.memref_slice %arg11[%rem3A_155, %add3A_289, %dma_start3A_292] : memref<2x50x80xi32, #tpu.memory_space<vmem>> -> memref<1x1x80xi32, #tpu.memory_space<vmem>>
        %dma_start3A_294 = tpu.memref_squeeze %dma_start3A_293 : memref<1x1x80xi32, #tpu.memory_space<vmem>> -> memref<80xi32, #tpu.memory_space<vmem>>
        %dma_start3A_295 = arith.constant 0 : i32
        %dma_start3A_296 = arith.constant 0 : i32
        %dma_start3A_297 = tpu.memref_slice %arg14[%dma_start3A_295, %dma_start3A_296] : memref<10000x64xf32, #tpu.memory_space<vmem_shared>> -> memref<10000x64xf32, #tpu.memory_space<vmem_shared>>
        tpu.enqueue_indirect_dma source(%dma_start3A_291 : memref<80x64xf32, #tpu.memory_space<vmem>>) target(%dma_start3A_297 : memref<10000x64xf32, #tpu.memory_space<vmem_shared>>) offsets(%dma_start3A_294 : memref<80xi32, #tpu.memory_space<vmem>>) semaphore(%arg17 : memref<!tpu.dma_semaphore, #tpu.memory_space<semaphore_mem>>) {add = true}
        %add3A_298 = arith.constant 4 : i32
        %add3A_299 = arith.addi %add3A_192, %add3A_298 : i32
        %rem3A_300 = arith.constant 2 : i32
        %rem3A_301 = arith.remsi %add3A_299, %rem3A_300 : i32
        %eq3A_302 = arith.cmpi eq, %rem3A_301, %arg0 : i32
        %convert_element_type3A_303 = arith.extui %eq3A_302 : i1 to i32
        %cond3A_304 = arith.constant 0 : i32
        %cond3A_305 = arith.cmpi ne, %convert_element_type3A_303, %cond3A_304 : i32
        scf.if %cond3A_305 {
          %add3A_521 = arith.constant 4 : i32
          %add3A_522 = arith.addi %mul3A_194, %add3A_521 : i32
          %dma_start3A_523 = arith.constant 0 : i32
          %dma_start3A_524 = tpu.memref_slice %arg11[%rem3A_155, %add3A_522, %dma_start3A_523] : memref<2x50x80xi32, #tpu.memory_space<vmem>> -> memref<1x1x80xi32, #tpu.memory_space<vmem>>
          %dma_start3A_525 = tpu.memref_squeeze %dma_start3A_524 : memref<1x1x80xi32, #tpu.memory_space<vmem>> -> memref<80xi32, #tpu.memory_space<vmem>>
          %dma_start3A_526 = arith.constant 0 : i32
          %dma_start3A_527 = arith.constant 0 : i32
          %dma_start3A_528 = tpu.memref_slice %arg15[%dma_start3A_526, %dma_start3A_527] : memref<10000x16xf32, #tpu.memory_space<vmem_shared>> -> memref<10000x16xf32, #tpu.memory_space<vmem_shared>>
          tpu.enqueue_indirect_dma source(%arg13 : memref<80x16xf32, #tpu.memory_space<vmem>>) target(%dma_start3A_528 : memref<10000x16xf32, #tpu.memory_space<vmem_shared>>) offsets(%dma_start3A_525 : memref<80xi32, #tpu.memory_space<vmem>>) semaphore(%arg19 : memref<!tpu.dma_semaphore, #tpu.memory_space<semaphore_mem>>) {add = true}
        } else {
        }
        %dma_wait3A_306 = arith.constant 0 : i32
        %dma_wait3A_307 = arith.constant 0 : i32
        %dma_wait3A_308 = tpu.memref_slice %arg12[%dma_wait3A_306, %dma_wait3A_307] : memref<800x64xf32, #tpu.memory_space<vmem>> -> memref<400x64xf32, #tpu.memory_space<vmem>>
        %dma_wait3A_309 = arith.constant 0 : i32
        %dma_wait3A_310 = arith.constant 0 : i32
        %dma_wait3A_311 = tpu.memref_slice %arg14[%dma_wait3A_309, %dma_wait3A_310] : memref<10000x64xf32, #tpu.memory_space<vmem_shared>> -> memref<400x64xf32, #tpu.memory_space<vmem_shared>>
        %dma_wait3A_312 = arith.constant 0 : i32
        %dma_wait3A_313 = arith.constant 0 : i32
        %dma_wait3A_314 = tpu.memref_slice %arg14[%dma_wait3A_312, %dma_wait3A_313] : memref<10000x64xf32, #tpu.memory_space<vmem_shared>> -> memref<400x64xf32, #tpu.memory_space<vmem_shared>>
        %dma_wait3A_315 = arith.constant 0 : i32
        %dma_wait3A_316 = arith.constant 0 : i32
        %dma_wait3A_317 = tpu.memref_slice %arg12[%dma_wait3A_315, %dma_wait3A_316] : memref<800x64xf32, #tpu.memory_space<vmem>> -> memref<400x64xf32, #tpu.memory_space<vmem>>
        tpu.wait_dma2 semaphore(%arg17 : memref<!tpu.dma_semaphore, #tpu.memory_space<semaphore_mem>>) src(%dma_wait3A_317 : memref<400x64xf32, #tpu.memory_space<vmem>>) dst(%dma_wait3A_314 : memref<400x64xf32, #tpu.memory_space<vmem_shared>>)
        %add3A_318 = arith.constant 10 : i32
        %add3A_319 = arith.addi %add3A_192, %add3A_318 : i32
        %add3A_320 = arith.constant 0 : i32
        %add3A_321 = arith.addi %add3A_319, %add3A_320 : i32
        %add3A_322 = arith.constant 10 : i32
        %add3A_323 = arith.addi %mul3A_194, %add3A_322 : i32
        %add3A_324 = arith.constant 0 : i32
        %add3A_325 = arith.addi %add3A_323, %add3A_324 : i32
        %jit3A = arith.constant 50 : i32
        %div3A = arith.divsi %add3A_325, %jit3A : i32
        %sign3A = arith.constant 0 : i32
        %sign3A_326 = arith.cmpi sgt, %add3A_325, %sign3A : i32
        %sign3A_327 = arith.extui %sign3A_326 : i1 to i32
        %sign3A_328 = arith.constant 0 : i32
        %sign3A_329 = arith.cmpi slt, %add3A_325, %sign3A_328 : i32
        %sign3A_330 = arith.extui %sign3A_329 : i1 to i32
        %sign3A_331 = arith.subi %sign3A_327, %sign3A_330 : i32
        %sign3A_332 = arith.constant 0 : i32
        %sign3A_333 = arith.cmpi sgt, %jit3A, %sign3A_332 : i32
        %sign3A_334 = arith.extui %sign3A_333 : i1 to i32
        %sign3A_335 = arith.constant 0 : i32
        %sign3A_336 = arith.cmpi slt, %jit3A, %sign3A_335 : i32
        %sign3A_337 = arith.extui %sign3A_336 : i1 to i32
        %sign3A_338 = arith.subi %sign3A_334, %sign3A_337 : i32
        %ne3A = arith.cmpi ne, %sign3A_331, %sign3A_338 : i32
        %rem3A_339 = arith.remsi %add3A_325, %jit3A : i32
        %ne3A_340 = arith.constant 0 : i32
        %ne3A_341 = arith.cmpi ne, %rem3A_339, %ne3A_340 : i32
        %and3A = arith.andi %ne3A, %ne3A_341 : i1
        %sub3A = arith.constant 1 : i32
        %sub3A_342 = arith.subi %div3A, %sub3A : i32
        %select_n3A = arith.select %and3A, %sub3A_342, %div3A : i32
        %add3A_343 = arith.addi %rem3A_155, %select_n3A : i32
        %rem3A_344 = arith.constant 2 : i32
        %rem3A_345 = arith.remsi %add3A_343, %rem3A_344 : i32
        %rem3A_346 = arith.constant 50 : i32
        %rem3A_347 = arith.remsi %add3A_325, %rem3A_346 : i32
        %lt3A_348 = arith.constant 250 : i32
        %lt3A_349 = arith.cmpi slt, %add3A_321, %lt3A_348 : i32
        %convert_element_type3A_350 = arith.extui %lt3A_349 : i1 to i32
        %cond3A_351 = arith.constant 0 : i32
        %cond3A_352 = arith.cmpi ne, %convert_element_type3A_350, %cond3A_351 : i32
        scf.if %cond3A_352 {
          %add3A_521 = arith.constant 0 : i32
          %add3A_522 = arith.addi %mul3A_187, %add3A_521 : i32
          %dma_start3A_523 = arith.constant 0 : i32
          %dma_start3A_524 = tpu.memref_slice %arg12[%add3A_522, %dma_start3A_523] : memref<800x64xf32, #tpu.memory_space<vmem>> -> memref<80x64xf32, #tpu.memory_space<vmem>>
          %dma_start3A_525 = arith.constant 0 : i32
          %dma_start3A_526 = tpu.memref_slice %arg10[%rem3A_345, %rem3A_347, %dma_start3A_525] : memref<2x50x80xi32, #tpu.memory_space<vmem>> -> memref<1x1x80xi32, #tpu.memory_space<vmem>>
          %dma_start3A_527 = tpu.memref_squeeze %dma_start3A_526 : memref<1x1x80xi32, #tpu.memory_space<vmem>> -> memref<80xi32, #tpu.memory_space<vmem>>
          %dma_start3A_528 = arith.constant 0 : i32
          %dma_start3A_529 = tpu.memref_slice %arg2[%arg0, %dma_start3A_528] : memref<20000x64xf32, #tpu.memory_space<hbm>> -> memref<19999x64xf32, #tpu.memory_space<hbm>>
          %dma_start3A_530 = arith.constant 0 : i32
          %dma_start3A_531 = arith.constant 0 : i32
          %dma_start3A_532 = tpu.memref_slice %dma_start3A_529[%dma_start3A_530, %dma_start3A_531] : memref<19999x64xf32, #tpu.memory_space<hbm>> -> memref<19999x64xf32, #tpu.memory_space<hbm>>
          tpu.enqueue_indirect_dma source(%dma_start3A_532 : memref<19999x64xf32, #tpu.memory_space<hbm>>) target(%dma_start3A_524 : memref<80x64xf32, #tpu.memory_space<vmem>>) offsets(%dma_start3A_527 : memref<80xi32, #tpu.memory_space<vmem>>) semaphore(%arg16 : memref<!tpu.dma_semaphore, #tpu.memory_space<semaphore_mem>>)
        } else {
        }
        %add3A_353 = arith.constant 10 : i32
        %add3A_354 = arith.addi %add3A_192, %add3A_353 : i32
        %add3A_355 = arith.constant 1 : i32
        %add3A_356 = arith.addi %add3A_354, %add3A_355 : i32
        %add3A_357 = arith.constant 10 : i32
        %add3A_358 = arith.addi %mul3A_194, %add3A_357 : i32
        %add3A_359 = arith.constant 1 : i32
        %add3A_360 = arith.addi %add3A_358, %add3A_359 : i32
        %jit3A_361 = arith.constant 50 : i32
        %div3A_362 = arith.divsi %add3A_360, %jit3A_361 : i32
        %sign3A_363 = arith.constant 0 : i32
        %sign3A_364 = arith.cmpi sgt, %add3A_360, %sign3A_363 : i32
        %sign3A_365 = arith.extui %sign3A_364 : i1 to i32
        %sign3A_366 = arith.constant 0 : i32
        %sign3A_367 = arith.cmpi slt, %add3A_360, %sign3A_366 : i32
        %sign3A_368 = arith.extui %sign3A_367 : i1 to i32
        %sign3A_369 = arith.subi %sign3A_365, %sign3A_368 : i32
        %sign3A_370 = arith.constant 0 : i32
        %sign3A_371 = arith.cmpi sgt, %jit3A_361, %sign3A_370 : i32
        %sign3A_372 = arith.extui %sign3A_371 : i1 to i32
        %sign3A_373 = arith.constant 0 : i32
        %sign3A_374 = arith.cmpi slt, %jit3A_361, %sign3A_373 : i32
        %sign3A_375 = arith.extui %sign3A_374 : i1 to i32
        %sign3A_376 = arith.subi %sign3A_372, %sign3A_375 : i32
        %ne3A_377 = arith.cmpi ne, %sign3A_369, %sign3A_376 : i32
        %rem3A_378 = arith.remsi %add3A_360, %jit3A_361 : i32
        %ne3A_379 = arith.constant 0 : i32
        %ne3A_380 = arith.cmpi ne, %rem3A_378, %ne3A_379 : i32
        %and3A_381 = arith.andi %ne3A_377, %ne3A_380 : i1
        %sub3A_382 = arith.constant 1 : i32
        %sub3A_383 = arith.subi %div3A_362, %sub3A_382 : i32
        %select_n3A_384 = arith.select %and3A_381, %sub3A_383, %div3A_362 : i32
        %add3A_385 = arith.addi %rem3A_155, %select_n3A_384 : i32
        %rem3A_386 = arith.constant 2 : i32
        %rem3A_387 = arith.remsi %add3A_385, %rem3A_386 : i32
        %rem3A_388 = arith.constant 50 : i32
        %rem3A_389 = arith.remsi %add3A_360, %rem3A_388 : i32
        %lt3A_390 = arith.constant 250 : i32
        %lt3A_391 = arith.cmpi slt, %add3A_356, %lt3A_390 : i32
        %convert_element_type3A_392 = arith.extui %lt3A_391 : i1 to i32
        %cond3A_393 = arith.constant 0 : i32
        %cond3A_394 = arith.cmpi ne, %convert_element_type3A_392, %cond3A_393 : i32
        scf.if %cond3A_394 {
          %add3A_521 = arith.constant 80 : i32
          %add3A_522 = arith.addi %mul3A_187, %add3A_521 : i32
          %dma_start3A_523 = arith.constant 0 : i32
          %dma_start3A_524 = tpu.memref_slice %arg12[%add3A_522, %dma_start3A_523] : memref<800x64xf32, #tpu.memory_space<vmem>> -> memref<80x64xf32, #tpu.memory_space<vmem>>
          %dma_start3A_525 = arith.constant 0 : i32
          %dma_start3A_526 = tpu.memref_slice %arg10[%rem3A_387, %rem3A_389, %dma_start3A_525] : memref<2x50x80xi32, #tpu.memory_space<vmem>> -> memref<1x1x80xi32, #tpu.memory_space<vmem>>
          %dma_start3A_527 = tpu.memref_squeeze %dma_start3A_526 : memref<1x1x80xi32, #tpu.memory_space<vmem>> -> memref<80xi32, #tpu.memory_space<vmem>>
          %dma_start3A_528 = arith.constant 0 : i32
          %dma_start3A_529 = tpu.memref_slice %arg2[%arg0, %dma_start3A_528] : memref<20000x64xf32, #tpu.memory_space<hbm>> -> memref<19999x64xf32, #tpu.memory_space<hbm>>
          %dma_start3A_530 = arith.constant 0 : i32
          %dma_start3A_531 = arith.constant 0 : i32
          %dma_start3A_532 = tpu.memref_slice %dma_start3A_529[%dma_start3A_530, %dma_start3A_531] : memref<19999x64xf32, #tpu.memory_space<hbm>> -> memref<19999x64xf32, #tpu.memory_space<hbm>>
          tpu.enqueue_indirect_dma source(%dma_start3A_532 : memref<19999x64xf32, #tpu.memory_space<hbm>>) target(%dma_start3A_524 : memref<80x64xf32, #tpu.memory_space<vmem>>) offsets(%dma_start3A_527 : memref<80xi32, #tpu.memory_space<vmem>>) semaphore(%arg16 : memref<!tpu.dma_semaphore, #tpu.memory_space<semaphore_mem>>)
        } else {
        }
        %add3A_395 = arith.constant 10 : i32
        %add3A_396 = arith.addi %add3A_192, %add3A_395 : i32
        %add3A_397 = arith.constant 2 : i32
        %add3A_398 = arith.addi %add3A_396, %add3A_397 : i32
        %add3A_399 = arith.constant 10 : i32
        %add3A_400 = arith.addi %mul3A_194, %add3A_399 : i32
        %add3A_401 = arith.constant 2 : i32
        %add3A_402 = arith.addi %add3A_400, %add3A_401 : i32
        %jit3A_403 = arith.constant 50 : i32
        %div3A_404 = arith.divsi %add3A_402, %jit3A_403 : i32
        %sign3A_405 = arith.constant 0 : i32
        %sign3A_406 = arith.cmpi sgt, %add3A_402, %sign3A_405 : i32
        %sign3A_407 = arith.extui %sign3A_406 : i1 to i32
        %sign3A_408 = arith.constant 0 : i32
        %sign3A_409 = arith.cmpi slt, %add3A_402, %sign3A_408 : i32
        %sign3A_410 = arith.extui %sign3A_409 : i1 to i32
        %sign3A_411 = arith.subi %sign3A_407, %sign3A_410 : i32
        %sign3A_412 = arith.constant 0 : i32
        %sign3A_413 = arith.cmpi sgt, %jit3A_403, %sign3A_412 : i32
        %sign3A_414 = arith.extui %sign3A_413 : i1 to i32
        %sign3A_415 = arith.constant 0 : i32
        %sign3A_416 = arith.cmpi slt, %jit3A_403, %sign3A_415 : i32
        %sign3A_417 = arith.extui %sign3A_416 : i1 to i32
        %sign3A_418 = arith.subi %sign3A_414, %sign3A_417 : i32
        %ne3A_419 = arith.cmpi ne, %sign3A_411, %sign3A_418 : i32
        %rem3A_420 = arith.remsi %add3A_402, %jit3A_403 : i32
        %ne3A_421 = arith.constant 0 : i32
        %ne3A_422 = arith.cmpi ne, %rem3A_420, %ne3A_421 : i32
        %and3A_423 = arith.andi %ne3A_419, %ne3A_422 : i1
        %sub3A_424 = arith.constant 1 : i32
        %sub3A_425 = arith.subi %div3A_404, %sub3A_424 : i32
        %select_n3A_426 = arith.select %and3A_423, %sub3A_425, %div3A_404 : i32
        %add3A_427 = arith.addi %rem3A_155, %select_n3A_426 : i32
        %rem3A_428 = arith.constant 2 : i32
        %rem3A_429 = arith.remsi %add3A_427, %rem3A_428 : i32
        %rem3A_430 = arith.constant 50 : i32
        %rem3A_431 = arith.remsi %add3A_402, %rem3A_430 : i32
        %lt3A_432 = arith.constant 250 : i32
        %lt3A_433 = arith.cmpi slt, %add3A_398, %lt3A_432 : i32
        %convert_element_type3A_434 = arith.extui %lt3A_433 : i1 to i32
        %cond3A_435 = arith.constant 0 : i32
        %cond3A_436 = arith.cmpi ne, %convert_element_type3A_434, %cond3A_435 : i32
        scf.if %cond3A_436 {
          %add3A_521 = arith.constant 160 : i32
          %add3A_522 = arith.addi %mul3A_187, %add3A_521 : i32
          %dma_start3A_523 = arith.constant 0 : i32
          %dma_start3A_524 = tpu.memref_slice %arg12[%add3A_522, %dma_start3A_523] : memref<800x64xf32, #tpu.memory_space<vmem>> -> memref<80x64xf32, #tpu.memory_space<vmem>>
          %dma_start3A_525 = arith.constant 0 : i32
          %dma_start3A_526 = tpu.memref_slice %arg10[%rem3A_429, %rem3A_431, %dma_start3A_525] : memref<2x50x80xi32, #tpu.memory_space<vmem>> -> memref<1x1x80xi32, #tpu.memory_space<vmem>>
          %dma_start3A_527 = tpu.memref_squeeze %dma_start3A_526 : memref<1x1x80xi32, #tpu.memory_space<vmem>> -> memref<80xi32, #tpu.memory_space<vmem>>
          %dma_start3A_528 = arith.constant 0 : i32
          %dma_start3A_529 = tpu.memref_slice %arg2[%arg0, %dma_start3A_528] : memref<20000x64xf32, #tpu.memory_space<hbm>> -> memref<19999x64xf32, #tpu.memory_space<hbm>>
          %dma_start3A_530 = arith.constant 0 : i32
          %dma_start3A_531 = arith.constant 0 : i32
          %dma_start3A_532 = tpu.memref_slice %dma_start3A_529[%dma_start3A_530, %dma_start3A_531] : memref<19999x64xf32, #tpu.memory_space<hbm>> -> memref<19999x64xf32, #tpu.memory_space<hbm>>
          tpu.enqueue_indirect_dma source(%dma_start3A_532 : memref<19999x64xf32, #tpu.memory_space<hbm>>) target(%dma_start3A_524 : memref<80x64xf32, #tpu.memory_space<vmem>>) offsets(%dma_start3A_527 : memref<80xi32, #tpu.memory_space<vmem>>) semaphore(%arg16 : memref<!tpu.dma_semaphore, #tpu.memory_space<semaphore_mem>>)
        } else {
        }
        %add3A_437 = arith.constant 10 : i32
        %add3A_438 = arith.addi %add3A_192, %add3A_437 : i32
        %add3A_439 = arith.constant 3 : i32
        %add3A_440 = arith.addi %add3A_438, %add3A_439 : i32
        %add3A_441 = arith.constant 10 : i32
        %add3A_442 = arith.addi %mul3A_194, %add3A_441 : i32
        %add3A_443 = arith.constant 3 : i32
        %add3A_444 = arith.addi %add3A_442, %add3A_443 : i32
        %jit3A_445 = arith.constant 50 : i32
        %div3A_446 = arith.divsi %add3A_444, %jit3A_445 : i32
        %sign3A_447 = arith.constant 0 : i32
        %sign3A_448 = arith.cmpi sgt, %add3A_444, %sign3A_447 : i32
        %sign3A_449 = arith.extui %sign3A_448 : i1 to i32
        %sign3A_450 = arith.constant 0 : i32
        %sign3A_451 = arith.cmpi slt, %add3A_444, %sign3A_450 : i32
        %sign3A_452 = arith.extui %sign3A_451 : i1 to i32
        %sign3A_453 = arith.subi %sign3A_449, %sign3A_452 : i32
        %sign3A_454 = arith.constant 0 : i32
        %sign3A_455 = arith.cmpi sgt, %jit3A_445, %sign3A_454 : i32
        %sign3A_456 = arith.extui %sign3A_455 : i1 to i32
        %sign3A_457 = arith.constant 0 : i32
        %sign3A_458 = arith.cmpi slt, %jit3A_445, %sign3A_457 : i32
        %sign3A_459 = arith.extui %sign3A_458 : i1 to i32
        %sign3A_460 = arith.subi %sign3A_456, %sign3A_459 : i32
        %ne3A_461 = arith.cmpi ne, %sign3A_453, %sign3A_460 : i32
        %rem3A_462 = arith.remsi %add3A_444, %jit3A_445 : i32
        %ne3A_463 = arith.constant 0 : i32
        %ne3A_464 = arith.cmpi ne, %rem3A_462, %ne3A_463 : i32
        %and3A_465 = arith.andi %ne3A_461, %ne3A_464 : i1
        %sub3A_466 = arith.constant 1 : i32
        %sub3A_467 = arith.subi %div3A_446, %sub3A_466 : i32
        %select_n3A_468 = arith.select %and3A_465, %sub3A_467, %div3A_446 : i32
        %add3A_469 = arith.addi %rem3A_155, %select_n3A_468 : i32
        %rem3A_470 = arith.constant 2 : i32
        %rem3A_471 = arith.remsi %add3A_469, %rem3A_470 : i32
        %rem3A_472 = arith.constant 50 : i32
        %rem3A_473 = arith.remsi %add3A_444, %rem3A_472 : i32
        %lt3A_474 = arith.constant 250 : i32
        %lt3A_475 = arith.cmpi slt, %add3A_440, %lt3A_474 : i32
        %convert_element_type3A_476 = arith.extui %lt3A_475 : i1 to i32
        %cond3A_477 = arith.constant 0 : i32
        %cond3A_478 = arith.cmpi ne, %convert_element_type3A_476, %cond3A_477 : i32
        scf.if %cond3A_478 {
          %add3A_521 = arith.constant 240 : i32
          %add3A_522 = arith.addi %mul3A_187, %add3A_521 : i32
          %dma_start3A_523 = arith.constant 0 : i32
          %dma_start3A_524 = tpu.memref_slice %arg12[%add3A_522, %dma_start3A_523] : memref<800x64xf32, #tpu.memory_space<vmem>> -> memref<80x64xf32, #tpu.memory_space<vmem>>
          %dma_start3A_525 = arith.constant 0 : i32
          %dma_start3A_526 = tpu.memref_slice %arg10[%rem3A_471, %rem3A_473, %dma_start3A_525] : memref<2x50x80xi32, #tpu.memory_space<vmem>> -> memref<1x1x80xi32, #tpu.memory_space<vmem>>
          %dma_start3A_527 = tpu.memref_squeeze %dma_start3A_526 : memref<1x1x80xi32, #tpu.memory_space<vmem>> -> memref<80xi32, #tpu.memory_space<vmem>>
          %dma_start3A_528 = arith.constant 0 : i32
          %dma_start3A_529 = tpu.memref_slice %arg2[%arg0, %dma_start3A_528] : memref<20000x64xf32, #tpu.memory_space<hbm>> -> memref<19999x64xf32, #tpu.memory_space<hbm>>
          %dma_start3A_530 = arith.constant 0 : i32
          %dma_start3A_531 = arith.constant 0 : i32
          %dma_start3A_532 = tpu.memref_slice %dma_start3A_529[%dma_start3A_530, %dma_start3A_531] : memref<19999x64xf32, #tpu.memory_space<hbm>> -> memref<19999x64xf32, #tpu.memory_space<hbm>>
          tpu.enqueue_indirect_dma source(%dma_start3A_532 : memref<19999x64xf32, #tpu.memory_space<hbm>>) target(%dma_start3A_524 : memref<80x64xf32, #tpu.memory_space<vmem>>) offsets(%dma_start3A_527 : memref<80xi32, #tpu.memory_space<vmem>>) semaphore(%arg16 : memref<!tpu.dma_semaphore, #tpu.memory_space<semaphore_mem>>)
        } else {
        }
        %add3A_479 = arith.constant 10 : i32
        %add3A_480 = arith.addi %add3A_192, %add3A_479 : i32
        %add3A_481 = arith.constant 4 : i32
        %add3A_482 = arith.addi %add3A_480, %add3A_481 : i32
        %add3A_483 = arith.constant 10 : i32
        %add3A_484 = arith.addi %mul3A_194, %add3A_483 : i32
        %add3A_485 = arith.constant 4 : i32
        %add3A_486 = arith.addi %add3A_484, %add3A_485 : i32
        %jit3A_487 = arith.constant 50 : i32
        %div3A_488 = arith.divsi %add3A_486, %jit3A_487 : i32
        %sign3A_489 = arith.constant 0 : i32
        %sign3A_490 = arith.cmpi sgt, %add3A_486, %sign3A_489 : i32
        %sign3A_491 = arith.extui %sign3A_490 : i1 to i32
        %sign3A_492 = arith.constant 0 : i32
        %sign3A_493 = arith.cmpi slt, %add3A_486, %sign3A_492 : i32
        %sign3A_494 = arith.extui %sign3A_493 : i1 to i32
        %sign3A_495 = arith.subi %sign3A_491, %sign3A_494 : i32
        %sign3A_496 = arith.constant 0 : i32
        %sign3A_497 = arith.cmpi sgt, %jit3A_487, %sign3A_496 : i32
        %sign3A_498 = arith.extui %sign3A_497 : i1 to i32
        %sign3A_499 = arith.constant 0 : i32
        %sign3A_500 = arith.cmpi slt, %jit3A_487, %sign3A_499 : i32
        %sign3A_501 = arith.extui %sign3A_500 : i1 to i32
        %sign3A_502 = arith.subi %sign3A_498, %sign3A_501 : i32
        %ne3A_503 = arith.cmpi ne, %sign3A_495, %sign3A_502 : i32
        %rem3A_504 = arith.remsi %add3A_486, %jit3A_487 : i32
        %ne3A_505 = arith.constant 0 : i32
        %ne3A_506 = arith.cmpi ne, %rem3A_504, %ne3A_505 : i32
        %and3A_507 = arith.andi %ne3A_503, %ne3A_506 : i1
        %sub3A_508 = arith.constant 1 : i32
        %sub3A_509 = arith.subi %div3A_488, %sub3A_508 : i32
        %select_n3A_510 = arith.select %and3A_507, %sub3A_509, %div3A_488 : i32
        %add3A_511 = arith.addi %rem3A_155, %select_n3A_510 : i32
        %rem3A_512 = arith.constant 2 : i32
        %rem3A_513 = arith.remsi %add3A_511, %rem3A_512 : i32
        %rem3A_514 = arith.constant 50 : i32
        %rem3A_515 = arith.remsi %add3A_486, %rem3A_514 : i32
        %lt3A_516 = arith.constant 250 : i32
        %lt3A_517 = arith.cmpi slt, %add3A_482, %lt3A_516 : i32
        %convert_element_type3A_518 = arith.extui %lt3A_517 : i1 to i32
        %cond3A_519 = arith.constant 0 : i32
        %cond3A_520 = arith.cmpi ne, %convert_element_type3A_518, %cond3A_519 : i32
        scf.if %cond3A_520 {
          %add3A_521 = arith.constant 320 : i32
          %add3A_522 = arith.addi %mul3A_187, %add3A_521 : i32
          %dma_start3A_523 = arith.constant 0 : i32
          %dma_start3A_524 = tpu.memref_slice %arg12[%add3A_522, %dma_start3A_523] : memref<800x64xf32, #tpu.memory_space<vmem>> -> memref<80x64xf32, #tpu.memory_space<vmem>>
          %dma_start3A_525 = arith.constant 0 : i32
          %dma_start3A_526 = tpu.memref_slice %arg10[%rem3A_513, %rem3A_515, %dma_start3A_525] : memref<2x50x80xi32, #tpu.memory_space<vmem>> -> memref<1x1x80xi32, #tpu.memory_space<vmem>>
          %dma_start3A_527 = tpu.memref_squeeze %dma_start3A_526 : memref<1x1x80xi32, #tpu.memory_space<vmem>> -> memref<80xi32, #tpu.memory_space<vmem>>
          %dma_start3A_528 = arith.constant 0 : i32
          %dma_start3A_529 = tpu.memref_slice %arg2[%arg0, %dma_start3A_528] : memref<20000x64xf32, #tpu.memory_space<hbm>> -> memref<19999x64xf32, #tpu.memory_space<hbm>>
          %dma_start3A_530 = arith.constant 0 : i32
          %dma_start3A_531 = arith.constant 0 : i32
          %dma_start3A_532 = tpu.memref_slice %dma_start3A_529[%dma_start3A_530, %dma_start3A_531] : memref<19999x64xf32, #tpu.memory_space<hbm>> -> memref<19999x64xf32, #tpu.memory_space<hbm>>
          tpu.enqueue_indirect_dma source(%dma_start3A_532 : memref<19999x64xf32, #tpu.memory_space<hbm>>) target(%dma_start3A_524 : memref<80x64xf32, #tpu.memory_space<vmem>>) offsets(%dma_start3A_527 : memref<80xi32, #tpu.memory_space<vmem>>) semaphore(%arg16 : memref<!tpu.dma_semaphore, #tpu.memory_space<semaphore_mem>>)
        } else {
        }
      }
      %scan3A_166 = arith.constant 8 : i32
      %add3A_167 = arith.constant 1 : i32
      %add3A_168 = arith.addi %scan3A_154, %add3A_167 : i32
      %lt3A_169 = arith.constant 5 : i32
      %lt3A_170 = arith.cmpi slt, %add3A_168, %lt3A_169 : i32
      %convert_element_type3A_171 = arith.extui %lt3A_170 : i1 to i32
      %cond3A_172 = arith.constant 0 : i32
      %cond3A_173 = arith.cmpi ne, %convert_element_type3A_171, %cond3A_172 : i32
      scf.if %cond3A_173 {
        %dma_wait3A = arith.constant 0 : i32
        %dma_wait3A_180 = arith.constant 0 : i32
        %dma_wait3A_181 = arith.constant 0 : i32
        %dma_wait3A_182 = tpu.memref_slice %arg10[%dma_wait3A, %dma_wait3A_180, %dma_wait3A_181] : memref<2x50x80xi32, #tpu.memory_space<vmem>> -> memref<1x50x80xi32, #tpu.memory_space<vmem>>
        %dma_wait3A_183 = tpu.memref_squeeze %dma_wait3A_182 : memref<1x50x80xi32, #tpu.memory_space<vmem>> -> memref<50x80xi32, #tpu.memory_space<vmem>>
        %dma_wait3A_184 = arith.constant 0 : i32
        %dma_wait3A_185 = arith.constant 0 : i32
        %dma_wait3A_186 = tpu.memref_slice %arg3[%arg1, %dma_wait3A_184, %dma_wait3A_185] : memref<16x250x80xi32, #tpu.memory_space<hbm>> -> memref<1x50x80xi32, #tpu.memory_space<hbm>>
        %dma_wait3A_187 = tpu.memref_squeeze %dma_wait3A_186 : memref<1x50x80xi32, #tpu.memory_space<hbm>> -> memref<50x80xi32, #tpu.memory_space<hbm>>
        %dma_wait3A_188 = arith.constant 0 : i32
        %dma_wait3A_189 = arith.constant 0 : i32
        %dma_wait3A_190 = tpu.memref_slice %arg10[%dma_wait3A, %dma_wait3A_188, %dma_wait3A_189] : memref<2x50x80xi32, #tpu.memory_space<vmem>> -> memref<1x50x80xi32, #tpu.memory_space<vmem>>
        %dma_wait3A_191 = tpu.memref_squeeze %dma_wait3A_190 : memref<1x50x80xi32, #tpu.memory_space<vmem>> -> memref<50x80xi32, #tpu.memory_space<vmem>>
        %dma_wait3A_192 = arith.constant 0 : i32
        %dma_wait3A_193 = arith.constant 0 : i32
        %dma_wait3A_194 = tpu.memref_slice %arg3[%arg1, %dma_wait3A_192, %dma_wait3A_193] : memref<16x250x80xi32, #tpu.memory_space<hbm>> -> memref<1x50x80xi32, #tpu.memory_space<hbm>>
        %dma_wait3A_195 = tpu.memref_squeeze %dma_wait3A_194 : memref<1x50x80xi32, #tpu.memory_space<hbm>> -> memref<50x80xi32, #tpu.memory_space<hbm>>
        tpu.wait_dma2 semaphore(%arg18 : memref<!tpu.dma_semaphore, #tpu.memory_space<semaphore_mem>>) src(%dma_wait3A_195 : memref<50x80xi32, #tpu.memory_space<hbm>>) dst(%dma_wait3A_191 : memref<50x80xi32, #tpu.memory_space<vmem>>)
        %dma_wait3A_196 = arith.constant 0 : i32
        %dma_wait3A_197 = arith.constant 0 : i32
        %dma_wait3A_198 = arith.constant 0 : i32
        %dma_wait3A_199 = tpu.memref_slice %arg11[%dma_wait3A_196, %dma_wait3A_197, %dma_wait3A_198] : memref<2x50x80xi32, #tpu.memory_space<vmem>> -> memref<1x50x80xi32, #tpu.memory_space<vmem>>
        %dma_wait3A_200 = tpu.memref_squeeze %dma_wait3A_199 : memref<1x50x80xi32, #tpu.memory_space<vmem>> -> memref<50x80xi32, #tpu.memory_space<vmem>>
        %dma_wait3A_201 = arith.constant 0 : i32
        %dma_wait3A_202 = arith.constant 0 : i32
        %dma_wait3A_203 = tpu.memref_slice %arg4[%arg1, %dma_wait3A_201, %dma_wait3A_202] : memref<16x250x80xi32, #tpu.memory_space<hbm>> -> memref<1x50x80xi32, #tpu.memory_space<hbm>>
        %dma_wait3A_204 = tpu.memref_squeeze %dma_wait3A_203 : memref<1x50x80xi32, #tpu.memory_space<hbm>> -> memref<50x80xi32, #tpu.memory_space<hbm>>
        %dma_wait3A_205 = arith.constant 0 : i32
        %dma_wait3A_206 = arith.constant 0 : i32
        %dma_wait3A_207 = tpu.memref_slice %arg11[%dma_wait3A_196, %dma_wait3A_205, %dma_wait3A_206] : memref<2x50x80xi32, #tpu.memory_space<vmem>> -> memref<1x50x80xi32, #tpu.memory_space<vmem>>
        %dma_wait3A_208 = tpu.memref_squeeze %dma_wait3A_207 : memref<1x50x80xi32, #tpu.memory_space<vmem>> -> memref<50x80xi32, #tpu.memory_space<vmem>>
        %dma_wait3A_209 = arith.constant 0 : i32
        %dma_wait3A_210 = arith.constant 0 : i32
        %dma_wait3A_211 = tpu.memref_slice %arg4[%arg1, %dma_wait3A_209, %dma_wait3A_210] : memref<16x250x80xi32, #tpu.memory_space<hbm>> -> memref<1x50x80xi32, #tpu.memory_space<hbm>>
        %dma_wait3A_212 = tpu.memref_squeeze %dma_wait3A_211 : memref<1x50x80xi32, #tpu.memory_space<hbm>> -> memref<50x80xi32, #tpu.memory_space<hbm>>
        tpu.wait_dma2 semaphore(%arg18 : memref<!tpu.dma_semaphore, #tpu.memory_space<semaphore_mem>>) src(%dma_wait3A_212 : memref<50x80xi32, #tpu.memory_space<hbm>>) dst(%dma_wait3A_208 : memref<50x80xi32, #tpu.memory_space<vmem>>)
      } else {
      }
      %scan3A_174 = arith.constant 0 : i32
      %scan3A_175 = arith.constant 8 : i32
      %scan3A_176 = arith.constant 2 : i32
      %scan3A_177 = arith.addi %scan3A_175, %scan3A_176 : i32
      %scan3A_178 = arith.constant 1 : i32
      scf.for %scan3A_180 = %scan3A_175 to %scan3A_177 step %scan3A_178  : i32 {
        %mul3A_181 = arith.constant 10 : i32
        %mul3A_182 = arith.muli %scan3A_154, %mul3A_181 : i32
        %add3A_183 = arith.addi %mul3A_182, %scan3A_180 : i32
        %rem3A_184 = arith.constant 2 : i32
        %rem3A_185 = arith.remsi %add3A_183, %rem3A_184 : i32
        %mul3A_186 = arith.constant 400 : i32
        %mul3A_187 = arith.muli %rem3A_185, %mul3A_186 : i32
        %mul3A_188 = arith.constant 50 : i32
        %mul3A_189 = arith.muli %scan3A_154, %mul3A_188 : i32
        %mul3A_190 = arith.constant 5 : i32
        %mul3A_191 = arith.muli %scan3A_180, %mul3A_190 : i32
        %add3A_192 = arith.addi %mul3A_189, %mul3A_191 : i32
        %mul3A_193 = arith.constant 5 : i32
        %mul3A_194 = arith.muli %scan3A_180, %mul3A_193 : i32
        %dma_wait3A = arith.constant 0 : i32
        %dma_wait3A_195 = arith.constant 0 : i32
        %dma_wait3A_196 = tpu.memref_slice %arg12[%dma_wait3A, %dma_wait3A_195] : memref<800x64xf32, #tpu.memory_space<vmem>> -> memref<400x64xf32, #tpu.memory_space<vmem>>
        %dma_wait3A_197 = arith.constant 0 : i32
        %dma_wait3A_198 = arith.constant 0 : i32
        %dma_wait3A_199 = tpu.memref_slice %arg2[%dma_wait3A_197, %dma_wait3A_198] : memref<20000x64xf32, #tpu.memory_space<hbm>> -> memref<400x64xf32, #tpu.memory_space<hbm>>
        %dma_wait3A_200 = arith.constant 0 : i32
        %dma_wait3A_201 = arith.constant 0 : i32
        %dma_wait3A_202 = tpu.memref_slice %arg12[%dma_wait3A_200, %dma_wait3A_201] : memref<800x64xf32, #tpu.memory_space<vmem>> -> memref<400x64xf32, #tpu.memory_space<vmem>>
        %dma_wait3A_203 = arith.constant 0 : i32
        %dma_wait3A_204 = arith.constant 0 : i32
        %dma_wait3A_205 = tpu.memref_slice %arg2[%dma_wait3A_203, %dma_wait3A_204] : memref<20000x64xf32, #tpu.memory_space<hbm>> -> memref<400x64xf32, #tpu.memory_space<hbm>>
        tpu.wait_dma2 semaphore(%arg16 : memref<!tpu.dma_semaphore, #tpu.memory_space<semaphore_mem>>) src(%dma_wait3A_205 : memref<400x64xf32, #tpu.memory_space<hbm>>) dst(%dma_wait3A_202 : memref<400x64xf32, #tpu.memory_space<vmem>>)
        %add3A_206 = arith.constant 0 : i32
        %add3A_207 = arith.addi %mul3A_187, %add3A_206 : i32
        %add3A_208 = arith.constant 0 : i32
        %add3A_209 = arith.addi %mul3A_194, %add3A_208 : i32
        %dma_start3A_210 = arith.constant 0 : i32
        %dma_start3A_211 = tpu.memref_slice %arg12[%add3A_207, %dma_start3A_210] : memref<800x64xf32, #tpu.memory_space<vmem>> -> memref<80x64xf32, #tpu.memory_space<vmem>>
        %dma_start3A_212 = arith.constant 0 : i32
        %dma_start3A_213 = tpu.memref_slice %arg11[%rem3A_155, %add3A_209, %dma_start3A_212] : memref<2x50x80xi32, #tpu.memory_space<vmem>> -> memref<1x1x80xi32, #tpu.memory_space<vmem>>
        %dma_start3A_214 = tpu.memref_squeeze %dma_start3A_213 : memref<1x1x80xi32, #tpu.memory_space<vmem>> -> memref<80xi32, #tpu.memory_space<vmem>>
        %dma_start3A_215 = arith.constant 0 : i32
        %dma_start3A_216 = arith.constant 0 : i32
        %dma_start3A_217 = tpu.memref_slice %arg14[%dma_start3A_215, %dma_start3A_216] : memref<10000x64xf32, #tpu.memory_space<vmem_shared>> -> memref<10000x64xf32, #tpu.memory_space<vmem_shared>>
        tpu.enqueue_indirect_dma source(%dma_start3A_211 : memref<80x64xf32, #tpu.memory_space<vmem>>) target(%dma_start3A_217 : memref<10000x64xf32, #tpu.memory_space<vmem_shared>>) offsets(%dma_start3A_214 : memref<80xi32, #tpu.memory_space<vmem>>) semaphore(%arg17 : memref<!tpu.dma_semaphore, #tpu.memory_space<semaphore_mem>>) {add = true}
        %add3A_218 = arith.constant 0 : i32
        %add3A_219 = arith.addi %add3A_192, %add3A_218 : i32
        %rem3A_220 = arith.constant 2 : i32
        %rem3A_221 = arith.remsi %add3A_219, %rem3A_220 : i32
        %eq3A_222 = arith.cmpi eq, %rem3A_221, %arg0 : i32
        %convert_element_type3A_223 = arith.extui %eq3A_222 : i1 to i32
        %cond3A_224 = arith.constant 0 : i32
        %cond3A_225 = arith.cmpi ne, %convert_element_type3A_223, %cond3A_224 : i32
        scf.if %cond3A_225 {
          %add3A_521 = arith.constant 0 : i32
          %add3A_522 = arith.addi %mul3A_194, %add3A_521 : i32
          %dma_start3A_523 = arith.constant 0 : i32
          %dma_start3A_524 = tpu.memref_slice %arg11[%rem3A_155, %add3A_522, %dma_start3A_523] : memref<2x50x80xi32, #tpu.memory_space<vmem>> -> memref<1x1x80xi32, #tpu.memory_space<vmem>>
          %dma_start3A_525 = tpu.memref_squeeze %dma_start3A_524 : memref<1x1x80xi32, #tpu.memory_space<vmem>> -> memref<80xi32, #tpu.memory_space<vmem>>
          %dma_start3A_526 = arith.constant 0 : i32
          %dma_start3A_527 = arith.constant 0 : i32
          %dma_start3A_528 = tpu.memref_slice %arg15[%dma_start3A_526, %dma_start3A_527] : memref<10000x16xf32, #tpu.memory_space<vmem_shared>> -> memref<10000x16xf32, #tpu.memory_space<vmem_shared>>
          tpu.enqueue_indirect_dma source(%arg13 : memref<80x16xf32, #tpu.memory_space<vmem>>) target(%dma_start3A_528 : memref<10000x16xf32, #tpu.memory_space<vmem_shared>>) offsets(%dma_start3A_525 : memref<80xi32, #tpu.memory_space<vmem>>) semaphore(%arg19 : memref<!tpu.dma_semaphore, #tpu.memory_space<semaphore_mem>>) {add = true}
        } else {
        }
        %add3A_226 = arith.constant 80 : i32
        %add3A_227 = arith.addi %mul3A_187, %add3A_226 : i32
        %add3A_228 = arith.constant 1 : i32
        %add3A_229 = arith.addi %mul3A_194, %add3A_228 : i32
        %dma_start3A_230 = arith.constant 0 : i32
        %dma_start3A_231 = tpu.memref_slice %arg12[%add3A_227, %dma_start3A_230] : memref<800x64xf32, #tpu.memory_space<vmem>> -> memref<80x64xf32, #tpu.memory_space<vmem>>
        %dma_start3A_232 = arith.constant 0 : i32
        %dma_start3A_233 = tpu.memref_slice %arg11[%rem3A_155, %add3A_229, %dma_start3A_232] : memref<2x50x80xi32, #tpu.memory_space<vmem>> -> memref<1x1x80xi32, #tpu.memory_space<vmem>>
        %dma_start3A_234 = tpu.memref_squeeze %dma_start3A_233 : memref<1x1x80xi32, #tpu.memory_space<vmem>> -> memref<80xi32, #tpu.memory_space<vmem>>
        %dma_start3A_235 = arith.constant 0 : i32
        %dma_start3A_236 = arith.constant 0 : i32
        %dma_start3A_237 = tpu.memref_slice %arg14[%dma_start3A_235, %dma_start3A_236] : memref<10000x64xf32, #tpu.memory_space<vmem_shared>> -> memref<10000x64xf32, #tpu.memory_space<vmem_shared>>
        tpu.enqueue_indirect_dma source(%dma_start3A_231 : memref<80x64xf32, #tpu.memory_space<vmem>>) target(%dma_start3A_237 : memref<10000x64xf32, #tpu.memory_space<vmem_shared>>) offsets(%dma_start3A_234 : memref<80xi32, #tpu.memory_space<vmem>>) semaphore(%arg17 : memref<!tpu.dma_semaphore, #tpu.memory_space<semaphore_mem>>) {add = true}
        %add3A_238 = arith.constant 1 : i32
        %add3A_239 = arith.addi %add3A_192, %add3A_238 : i32
        %rem3A_240 = arith.constant 2 : i32
        %rem3A_241 = arith.remsi %add3A_239, %rem3A_240 : i32
        %eq3A_242 = arith.cmpi eq, %rem3A_241, %arg0 : i32
        %convert_element_type3A_243 = arith.extui %eq3A_242 : i1 to i32
        %cond3A_244 = arith.constant 0 : i32
        %cond3A_245 = arith.cmpi ne, %convert_element_type3A_243, %cond3A_244 : i32
        scf.if %cond3A_245 {
          %add3A_521 = arith.constant 1 : i32
          %add3A_522 = arith.addi %mul3A_194, %add3A_521 : i32
          %dma_start3A_523 = arith.constant 0 : i32
          %dma_start3A_524 = tpu.memref_slice %arg11[%rem3A_155, %add3A_522, %dma_start3A_523] : memref<2x50x80xi32, #tpu.memory_space<vmem>> -> memref<1x1x80xi32, #tpu.memory_space<vmem>>
          %dma_start3A_525 = tpu.memref_squeeze %dma_start3A_524 : memref<1x1x80xi32, #tpu.memory_space<vmem>> -> memref<80xi32, #tpu.memory_space<vmem>>
          %dma_start3A_526 = arith.constant 0 : i32
          %dma_start3A_527 = arith.constant 0 : i32
          %dma_start3A_528 = tpu.memref_slice %arg15[%dma_start3A_526, %dma_start3A_527] : memref<10000x16xf32, #tpu.memory_space<vmem_shared>> -> memref<10000x16xf32, #tpu.memory_space<vmem_shared>>
          tpu.enqueue_indirect_dma source(%arg13 : memref<80x16xf32, #tpu.memory_space<vmem>>) target(%dma_start3A_528 : memref<10000x16xf32, #tpu.memory_space<vmem_shared>>) offsets(%dma_start3A_525 : memref<80xi32, #tpu.memory_space<vmem>>) semaphore(%arg19 : memref<!tpu.dma_semaphore, #tpu.memory_space<semaphore_mem>>) {add = true}
        } else {
        }
        %add3A_246 = arith.constant 160 : i32
        %add3A_247 = arith.addi %mul3A_187, %add3A_246 : i32
        %add3A_248 = arith.constant 2 : i32
        %add3A_249 = arith.addi %mul3A_194, %add3A_248 : i32
        %dma_start3A_250 = arith.constant 0 : i32
        %dma_start3A_251 = tpu.memref_slice %arg12[%add3A_247, %dma_start3A_250] : memref<800x64xf32, #tpu.memory_space<vmem>> -> memref<80x64xf32, #tpu.memory_space<vmem>>
        %dma_start3A_252 = arith.constant 0 : i32
        %dma_start3A_253 = tpu.memref_slice %arg11[%rem3A_155, %add3A_249, %dma_start3A_252] : memref<2x50x80xi32, #tpu.memory_space<vmem>> -> memref<1x1x80xi32, #tpu.memory_space<vmem>>
        %dma_start3A_254 = tpu.memref_squeeze %dma_start3A_253 : memref<1x1x80xi32, #tpu.memory_space<vmem>> -> memref<80xi32, #tpu.memory_space<vmem>>
        %dma_start3A_255 = arith.constant 0 : i32
        %dma_start3A_256 = arith.constant 0 : i32
        %dma_start3A_257 = tpu.memref_slice %arg14[%dma_start3A_255, %dma_start3A_256] : memref<10000x64xf32, #tpu.memory_space<vmem_shared>> -> memref<10000x64xf32, #tpu.memory_space<vmem_shared>>
        tpu.enqueue_indirect_dma source(%dma_start3A_251 : memref<80x64xf32, #tpu.memory_space<vmem>>) target(%dma_start3A_257 : memref<10000x64xf32, #tpu.memory_space<vmem_shared>>) offsets(%dma_start3A_254 : memref<80xi32, #tpu.memory_space<vmem>>) semaphore(%arg17 : memref<!tpu.dma_semaphore, #tpu.memory_space<semaphore_mem>>) {add = true}
        %add3A_258 = arith.constant 2 : i32
        %add3A_259 = arith.addi %add3A_192, %add3A_258 : i32
        %rem3A_260 = arith.constant 2 : i32
        %rem3A_261 = arith.remsi %add3A_259, %rem3A_260 : i32
        %eq3A_262 = arith.cmpi eq, %rem3A_261, %arg0 : i32
        %convert_element_type3A_263 = arith.extui %eq3A_262 : i1 to i32
        %cond3A_264 = arith.constant 0 : i32
        %cond3A_265 = arith.cmpi ne, %convert_element_type3A_263, %cond3A_264 : i32
        scf.if %cond3A_265 {
          %add3A_521 = arith.constant 2 : i32
          %add3A_522 = arith.addi %mul3A_194, %add3A_521 : i32
          %dma_start3A_523 = arith.constant 0 : i32
          %dma_start3A_524 = tpu.memref_slice %arg11[%rem3A_155, %add3A_522, %dma_start3A_523] : memref<2x50x80xi32, #tpu.memory_space<vmem>> -> memref<1x1x80xi32, #tpu.memory_space<vmem>>
          %dma_start3A_525 = tpu.memref_squeeze %dma_start3A_524 : memref<1x1x80xi32, #tpu.memory_space<vmem>> -> memref<80xi32, #tpu.memory_space<vmem>>
          %dma_start3A_526 = arith.constant 0 : i32
          %dma_start3A_527 = arith.constant 0 : i32
          %dma_start3A_528 = tpu.memref_slice %arg15[%dma_start3A_526, %dma_start3A_527] : memref<10000x16xf32, #tpu.memory_space<vmem_shared>> -> memref<10000x16xf32, #tpu.memory_space<vmem_shared>>
          tpu.enqueue_indirect_dma source(%arg13 : memref<80x16xf32, #tpu.memory_space<vmem>>) target(%dma_start3A_528 : memref<10000x16xf32, #tpu.memory_space<vmem_shared>>) offsets(%dma_start3A_525 : memref<80xi32, #tpu.memory_space<vmem>>) semaphore(%arg19 : memref<!tpu.dma_semaphore, #tpu.memory_space<semaphore_mem>>) {add = true}
        } else {
        }
        %add3A_266 = arith.constant 240 : i32
        %add3A_267 = arith.addi %mul3A_187, %add3A_266 : i32
        %add3A_268 = arith.constant 3 : i32
        %add3A_269 = arith.addi %mul3A_194, %add3A_268 : i32
        %dma_start3A_270 = arith.constant 0 : i32
        %dma_start3A_271 = tpu.memref_slice %arg12[%add3A_267, %dma_start3A_270] : memref<800x64xf32, #tpu.memory_space<vmem>> -> memref<80x64xf32, #tpu.memory_space<vmem>>
        %dma_start3A_272 = arith.constant 0 : i32
        %dma_start3A_273 = tpu.memref_slice %arg11[%rem3A_155, %add3A_269, %dma_start3A_272] : memref<2x50x80xi32, #tpu.memory_space<vmem>> -> memref<1x1x80xi32, #tpu.memory_space<vmem>>
        %dma_start3A_274 = tpu.memref_squeeze %dma_start3A_273 : memref<1x1x80xi32, #tpu.memory_space<vmem>> -> memref<80xi32, #tpu.memory_space<vmem>>
        %dma_start3A_275 = arith.constant 0 : i32
        %dma_start3A_276 = arith.constant 0 : i32
        %dma_start3A_277 = tpu.memref_slice %arg14[%dma_start3A_275, %dma_start3A_276] : memref<10000x64xf32, #tpu.memory_space<vmem_shared>> -> memref<10000x64xf32, #tpu.memory_space<vmem_shared>>
        tpu.enqueue_indirect_dma source(%dma_start3A_271 : memref<80x64xf32, #tpu.memory_space<vmem>>) target(%dma_start3A_277 : memref<10000x64xf32, #tpu.memory_space<vmem_shared>>) offsets(%dma_start3A_274 : memref<80xi32, #tpu.memory_space<vmem>>) semaphore(%arg17 : memref<!tpu.dma_semaphore, #tpu.memory_space<semaphore_mem>>) {add = true}
        %add3A_278 = arith.constant 3 : i32
        %add3A_279 = arith.addi %add3A_192, %add3A_278 : i32
        %rem3A_280 = arith.constant 2 : i32
        %rem3A_281 = arith.remsi %add3A_279, %rem3A_280 : i32
        %eq3A_282 = arith.cmpi eq, %rem3A_281, %arg0 : i32
        %convert_element_type3A_283 = arith.extui %eq3A_282 : i1 to i32
        %cond3A_284 = arith.constant 0 : i32
        %cond3A_285 = arith.cmpi ne, %convert_element_type3A_283, %cond3A_284 : i32
        scf.if %cond3A_285 {
          %add3A_521 = arith.constant 3 : i32
          %add3A_522 = arith.addi %mul3A_194, %add3A_521 : i32
          %dma_start3A_523 = arith.constant 0 : i32
          %dma_start3A_524 = tpu.memref_slice %arg11[%rem3A_155, %add3A_522, %dma_start3A_523] : memref<2x50x80xi32, #tpu.memory_space<vmem>> -> memref<1x1x80xi32, #tpu.memory_space<vmem>>
          %dma_start3A_525 = tpu.memref_squeeze %dma_start3A_524 : memref<1x1x80xi32, #tpu.memory_space<vmem>> -> memref<80xi32, #tpu.memory_space<vmem>>
          %dma_start3A_526 = arith.constant 0 : i32
          %dma_start3A_527 = arith.constant 0 : i32
          %dma_start3A_528 = tpu.memref_slice %arg15[%dma_start3A_526, %dma_start3A_527] : memref<10000x16xf32, #tpu.memory_space<vmem_shared>> -> memref<10000x16xf32, #tpu.memory_space<vmem_shared>>
          tpu.enqueue_indirect_dma source(%arg13 : memref<80x16xf32, #tpu.memory_space<vmem>>) target(%dma_start3A_528 : memref<10000x16xf32, #tpu.memory_space<vmem_shared>>) offsets(%dma_start3A_525 : memref<80xi32, #tpu.memory_space<vmem>>) semaphore(%arg19 : memref<!tpu.dma_semaphore, #tpu.memory_space<semaphore_mem>>) {add = true}
        } else {
        }
        %add3A_286 = arith.constant 320 : i32
        %add3A_287 = arith.addi %mul3A_187, %add3A_286 : i32
        %add3A_288 = arith.constant 4 : i32
        %add3A_289 = arith.addi %mul3A_194, %add3A_288 : i32
        %dma_start3A_290 = arith.constant 0 : i32
        %dma_start3A_291 = tpu.memref_slice %arg12[%add3A_287, %dma_start3A_290] : memref<800x64xf32, #tpu.memory_space<vmem>> -> memref<80x64xf32, #tpu.memory_space<vmem>>
        %dma_start3A_292 = arith.constant 0 : i32
        %dma_start3A_293 = tpu.memref_slice %arg11[%rem3A_155, %add3A_289, %dma_start3A_292] : memref<2x50x80xi32, #tpu.memory_space<vmem>> -> memref<1x1x80xi32, #tpu.memory_space<vmem>>
        %dma_start3A_294 = tpu.memref_squeeze %dma_start3A_293 : memref<1x1x80xi32, #tpu.memory_space<vmem>> -> memref<80xi32, #tpu.memory_space<vmem>>
        %dma_start3A_295 = arith.constant 0 : i32
        %dma_start3A_296 = arith.constant 0 : i32
        %dma_start3A_297 = tpu.memref_slice %arg14[%dma_start3A_295, %dma_start3A_296] : memref<10000x64xf32, #tpu.memory_space<vmem_shared>> -> memref<10000x64xf32, #tpu.memory_space<vmem_shared>>
        tpu.enqueue_indirect_dma source(%dma_start3A_291 : memref<80x64xf32, #tpu.memory_space<vmem>>) target(%dma_start3A_297 : memref<10000x64xf32, #tpu.memory_space<vmem_shared>>) offsets(%dma_start3A_294 : memref<80xi32, #tpu.memory_space<vmem>>) semaphore(%arg17 : memref<!tpu.dma_semaphore, #tpu.memory_space<semaphore_mem>>) {add = true}
        %add3A_298 = arith.constant 4 : i32
        %add3A_299 = arith.addi %add3A_192, %add3A_298 : i32
        %rem3A_300 = arith.constant 2 : i32
        %rem3A_301 = arith.remsi %add3A_299, %rem3A_300 : i32
        %eq3A_302 = arith.cmpi eq, %rem3A_301, %arg0 : i32
        %convert_element_type3A_303 = arith.extui %eq3A_302 : i1 to i32
        %cond3A_304 = arith.constant 0 : i32
        %cond3A_305 = arith.cmpi ne, %convert_element_type3A_303, %cond3A_304 : i32
        scf.if %cond3A_305 {
          %add3A_521 = arith.constant 4 : i32
          %add3A_522 = arith.addi %mul3A_194, %add3A_521 : i32
          %dma_start3A_523 = arith.constant 0 : i32
          %dma_start3A_524 = tpu.memref_slice %arg11[%rem3A_155, %add3A_522, %dma_start3A_523] : memref<2x50x80xi32, #tpu.memory_space<vmem>> -> memref<1x1x80xi32, #tpu.memory_space<vmem>>
          %dma_start3A_525 = tpu.memref_squeeze %dma_start3A_524 : memref<1x1x80xi32, #tpu.memory_space<vmem>> -> memref<80xi32, #tpu.memory_space<vmem>>
          %dma_start3A_526 = arith.constant 0 : i32
          %dma_start3A_527 = arith.constant 0 : i32
          %dma_start3A_528 = tpu.memref_slice %arg15[%dma_start3A_526, %dma_start3A_527] : memref<10000x16xf32, #tpu.memory_space<vmem_shared>> -> memref<10000x16xf32, #tpu.memory_space<vmem_shared>>
          tpu.enqueue_indirect_dma source(%arg13 : memref<80x16xf32, #tpu.memory_space<vmem>>) target(%dma_start3A_528 : memref<10000x16xf32, #tpu.memory_space<vmem_shared>>) offsets(%dma_start3A_525 : memref<80xi32, #tpu.memory_space<vmem>>) semaphore(%arg19 : memref<!tpu.dma_semaphore, #tpu.memory_space<semaphore_mem>>) {add = true}
        } else {
        }
        %dma_wait3A_306 = arith.constant 0 : i32
        %dma_wait3A_307 = arith.constant 0 : i32
        %dma_wait3A_308 = tpu.memref_slice %arg12[%dma_wait3A_306, %dma_wait3A_307] : memref<800x64xf32, #tpu.memory_space<vmem>> -> memref<400x64xf32, #tpu.memory_space<vmem>>
        %dma_wait3A_309 = arith.constant 0 : i32
        %dma_wait3A_310 = arith.constant 0 : i32
        %dma_wait3A_311 = tpu.memref_slice %arg14[%dma_wait3A_309, %dma_wait3A_310] : memref<10000x64xf32, #tpu.memory_space<vmem_shared>> -> memref<400x64xf32, #tpu.memory_space<vmem_shared>>
        %dma_wait3A_312 = arith.constant 0 : i32
        %dma_wait3A_313 = arith.constant 0 : i32
        %dma_wait3A_314 = tpu.memref_slice %arg14[%dma_wait3A_312, %dma_wait3A_313] : memref<10000x64xf32, #tpu.memory_space<vmem_shared>> -> memref<400x64xf32, #tpu.memory_space<vmem_shared>>
        %dma_wait3A_315 = arith.constant 0 : i32
        %dma_wait3A_316 = arith.constant 0 : i32
        %dma_wait3A_317 = tpu.memref_slice %arg12[%dma_wait3A_315, %dma_wait3A_316] : memref<800x64xf32, #tpu.memory_space<vmem>> -> memref<400x64xf32, #tpu.memory_space<vmem>>
        tpu.wait_dma2 semaphore(%arg17 : memref<!tpu.dma_semaphore, #tpu.memory_space<semaphore_mem>>) src(%dma_wait3A_317 : memref<400x64xf32, #tpu.memory_space<vmem>>) dst(%dma_wait3A_314 : memref<400x64xf32, #tpu.memory_space<vmem_shared>>)
        %add3A_318 = arith.constant 10 : i32
        %add3A_319 = arith.addi %add3A_192, %add3A_318 : i32
        %add3A_320 = arith.constant 0 : i32
        %add3A_321 = arith.addi %add3A_319, %add3A_320 : i32
        %add3A_322 = arith.constant 10 : i32
        %add3A_323 = arith.addi %mul3A_194, %add3A_322 : i32
        %add3A_324 = arith.constant 0 : i32
        %add3A_325 = arith.addi %add3A_323, %add3A_324 : i32
        %jit3A = arith.constant 50 : i32
        %div3A = arith.divsi %add3A_325, %jit3A : i32
        %sign3A = arith.constant 0 : i32
        %sign3A_326 = arith.cmpi sgt, %add3A_325, %sign3A : i32
        %sign3A_327 = arith.extui %sign3A_326 : i1 to i32
        %sign3A_328 = arith.constant 0 : i32
        %sign3A_329 = arith.cmpi slt, %add3A_325, %sign3A_328 : i32
        %sign3A_330 = arith.extui %sign3A_329 : i1 to i32
        %sign3A_331 = arith.subi %sign3A_327, %sign3A_330 : i32
        %sign3A_332 = arith.constant 0 : i32
        %sign3A_333 = arith.cmpi sgt, %jit3A, %sign3A_332 : i32
        %sign3A_334 = arith.extui %sign3A_333 : i1 to i32
        %sign3A_335 = arith.constant 0 : i32
        %sign3A_336 = arith.cmpi slt, %jit3A, %sign3A_335 : i32
        %sign3A_337 = arith.extui %sign3A_336 : i1 to i32
        %sign3A_338 = arith.subi %sign3A_334, %sign3A_337 : i32
        %ne3A = arith.cmpi ne, %sign3A_331, %sign3A_338 : i32
        %rem3A_339 = arith.remsi %add3A_325, %jit3A : i32
        %ne3A_340 = arith.constant 0 : i32
        %ne3A_341 = arith.cmpi ne, %rem3A_339, %ne3A_340 : i32
        %and3A = arith.andi %ne3A, %ne3A_341 : i1
        %sub3A = arith.constant 1 : i32
        %sub3A_342 = arith.subi %div3A, %sub3A : i32
        %select_n3A = arith.select %and3A, %sub3A_342, %div3A : i32
        %add3A_343 = arith.addi %rem3A_155, %select_n3A : i32
        %rem3A_344 = arith.constant 2 : i32
        %rem3A_345 = arith.remsi %add3A_343, %rem3A_344 : i32
        %rem3A_346 = arith.constant 50 : i32
        %rem3A_347 = arith.remsi %add3A_325, %rem3A_346 : i32
        %lt3A_348 = arith.constant 250 : i32
        %lt3A_349 = arith.cmpi slt, %add3A_321, %lt3A_348 : i32
        %convert_element_type3A_350 = arith.extui %lt3A_349 : i1 to i32
        %cond3A_351 = arith.constant 0 : i32
        %cond3A_352 = arith.cmpi ne, %convert_element_type3A_350, %cond3A_351 : i32
        scf.if %cond3A_352 {
          %add3A_521 = arith.constant 0 : i32
          %add3A_522 = arith.addi %mul3A_187, %add3A_521 : i32
          %dma_start3A_523 = arith.constant 0 : i32
          %dma_start3A_524 = tpu.memref_slice %arg12[%add3A_522, %dma_start3A_523] : memref<800x64xf32, #tpu.memory_space<vmem>> -> memref<80x64xf32, #tpu.memory_space<vmem>>
          %dma_start3A_525 = arith.constant 0 : i32
          %dma_start3A_526 = tpu.memref_slice %arg10[%rem3A_345, %rem3A_347, %dma_start3A_525] : memref<2x50x80xi32, #tpu.memory_space<vmem>> -> memref<1x1x80xi32, #tpu.memory_space<vmem>>
          %dma_start3A_527 = tpu.memref_squeeze %dma_start3A_526 : memref<1x1x80xi32, #tpu.memory_space<vmem>> -> memref<80xi32, #tpu.memory_space<vmem>>
          %dma_start3A_528 = arith.constant 0 : i32
          %dma_start3A_529 = tpu.memref_slice %arg2[%arg0, %dma_start3A_528] : memref<20000x64xf32, #tpu.memory_space<hbm>> -> memref<19999x64xf32, #tpu.memory_space<hbm>>
          %dma_start3A_530 = arith.constant 0 : i32
          %dma_start3A_531 = arith.constant 0 : i32
          %dma_start3A_532 = tpu.memref_slice %dma_start3A_529[%dma_start3A_530, %dma_start3A_531] : memref<19999x64xf32, #tpu.memory_space<hbm>> -> memref<19999x64xf32, #tpu.memory_space<hbm>>
          tpu.enqueue_indirect_dma source(%dma_start3A_532 : memref<19999x64xf32, #tpu.memory_space<hbm>>) target(%dma_start3A_524 : memref<80x64xf32, #tpu.memory_space<vmem>>) offsets(%dma_start3A_527 : memref<80xi32, #tpu.memory_space<vmem>>) semaphore(%arg16 : memref<!tpu.dma_semaphore, #tpu.memory_space<semaphore_mem>>)
        } else {
        }
        %add3A_353 = arith.constant 10 : i32
        %add3A_354 = arith.addi %add3A_192, %add3A_353 : i32
        %add3A_355 = arith.constant 1 : i32
        %add3A_356 = arith.addi %add3A_354, %add3A_355 : i32
        %add3A_357 = arith.constant 10 : i32
        %add3A_358 = arith.addi %mul3A_194, %add3A_357 : i32
        %add3A_359 = arith.constant 1 : i32
        %add3A_360 = arith.addi %add3A_358, %add3A_359 : i32
        %jit3A_361 = arith.constant 50 : i32
        %div3A_362 = arith.divsi %add3A_360, %jit3A_361 : i32
        %sign3A_363 = arith.constant 0 : i32
        %sign3A_364 = arith.cmpi sgt, %add3A_360, %sign3A_363 : i32
        %sign3A_365 = arith.extui %sign3A_364 : i1 to i32
        %sign3A_366 = arith.constant 0 : i32
        %sign3A_367 = arith.cmpi slt, %add3A_360, %sign3A_366 : i32
        %sign3A_368 = arith.extui %sign3A_367 : i1 to i32
        %sign3A_369 = arith.subi %sign3A_365, %sign3A_368 : i32
        %sign3A_370 = arith.constant 0 : i32
        %sign3A_371 = arith.cmpi sgt, %jit3A_361, %sign3A_370 : i32
        %sign3A_372 = arith.extui %sign3A_371 : i1 to i32
        %sign3A_373 = arith.constant 0 : i32
        %sign3A_374 = arith.cmpi slt, %jit3A_361, %sign3A_373 : i32
        %sign3A_375 = arith.extui %sign3A_374 : i1 to i32
        %sign3A_376 = arith.subi %sign3A_372, %sign3A_375 : i32
        %ne3A_377 = arith.cmpi ne, %sign3A_369, %sign3A_376 : i32
        %rem3A_378 = arith.remsi %add3A_360, %jit3A_361 : i32
        %ne3A_379 = arith.constant 0 : i32
        %ne3A_380 = arith.cmpi ne, %rem3A_378, %ne3A_379 : i32
        %and3A_381 = arith.andi %ne3A_377, %ne3A_380 : i1
        %sub3A_382 = arith.constant 1 : i32
        %sub3A_383 = arith.subi %div3A_362, %sub3A_382 : i32
        %select_n3A_384 = arith.select %and3A_381, %sub3A_383, %div3A_362 : i32
        %add3A_385 = arith.addi %rem3A_155, %select_n3A_384 : i32
        %rem3A_386 = arith.constant 2 : i32
        %rem3A_387 = arith.remsi %add3A_385, %rem3A_386 : i32
        %rem3A_388 = arith.constant 50 : i32
        %rem3A_389 = arith.remsi %add3A_360, %rem3A_388 : i32
        %lt3A_390 = arith.constant 250 : i32
        %lt3A_391 = arith.cmpi slt, %add3A_356, %lt3A_390 : i32
        %convert_element_type3A_392 = arith.extui %lt3A_391 : i1 to i32
        %cond3A_393 = arith.constant 0 : i32
        %cond3A_394 = arith.cmpi ne, %convert_element_type3A_392, %cond3A_393 : i32
        scf.if %cond3A_394 {
          %add3A_521 = arith.constant 80 : i32
          %add3A_522 = arith.addi %mul3A_187, %add3A_521 : i32
          %dma_start3A_523 = arith.constant 0 : i32
          %dma_start3A_524 = tpu.memref_slice %arg12[%add3A_522, %dma_start3A_523] : memref<800x64xf32, #tpu.memory_space<vmem>> -> memref<80x64xf32, #tpu.memory_space<vmem>>
          %dma_start3A_525 = arith.constant 0 : i32
          %dma_start3A_526 = tpu.memref_slice %arg10[%rem3A_387, %rem3A_389, %dma_start3A_525] : memref<2x50x80xi32, #tpu.memory_space<vmem>> -> memref<1x1x80xi32, #tpu.memory_space<vmem>>
          %dma_start3A_527 = tpu.memref_squeeze %dma_start3A_526 : memref<1x1x80xi32, #tpu.memory_space<vmem>> -> memref<80xi32, #tpu.memory_space<vmem>>
          %dma_start3A_528 = arith.constant 0 : i32
          %dma_start3A_529 = tpu.memref_slice %arg2[%arg0, %dma_start3A_528] : memref<20000x64xf32, #tpu.memory_space<hbm>> -> memref<19999x64xf32, #tpu.memory_space<hbm>>
          %dma_start3A_530 = arith.constant 0 : i32
          %dma_start3A_531 = arith.constant 0 : i32
          %dma_start3A_532 = tpu.memref_slice %dma_start3A_529[%dma_start3A_530, %dma_start3A_531] : memref<19999x64xf32, #tpu.memory_space<hbm>> -> memref<19999x64xf32, #tpu.memory_space<hbm>>
          tpu.enqueue_indirect_dma source(%dma_start3A_532 : memref<19999x64xf32, #tpu.memory_space<hbm>>) target(%dma_start3A_524 : memref<80x64xf32, #tpu.memory_space<vmem>>) offsets(%dma_start3A_527 : memref<80xi32, #tpu.memory_space<vmem>>) semaphore(%arg16 : memref<!tpu.dma_semaphore, #tpu.memory_space<semaphore_mem>>)
        } else {
        }
        %add3A_395 = arith.constant 10 : i32
        %add3A_396 = arith.addi %add3A_192, %add3A_395 : i32
        %add3A_397 = arith.constant 2 : i32
        %add3A_398 = arith.addi %add3A_396, %add3A_397 : i32
        %add3A_399 = arith.constant 10 : i32
        %add3A_400 = arith.addi %mul3A_194, %add3A_399 : i32
        %add3A_401 = arith.constant 2 : i32
        %add3A_402 = arith.addi %add3A_400, %add3A_401 : i32
        %jit3A_403 = arith.constant 50 : i32
        %div3A_404 = arith.divsi %add3A_402, %jit3A_403 : i32
        %sign3A_405 = arith.constant 0 : i32
        %sign3A_406 = arith.cmpi sgt, %add3A_402, %sign3A_405 : i32
        %sign3A_407 = arith.extui %sign3A_406 : i1 to i32
        %sign3A_408 = arith.constant 0 : i32
        %sign3A_409 = arith.cmpi slt, %add3A_402, %sign3A_408 : i32
        %sign3A_410 = arith.extui %sign3A_409 : i1 to i32
        %sign3A_411 = arith.subi %sign3A_407, %sign3A_410 : i32
        %sign3A_412 = arith.constant 0 : i32
        %sign3A_413 = arith.cmpi sgt, %jit3A_403, %sign3A_412 : i32
        %sign3A_414 = arith.extui %sign3A_413 : i1 to i32
        %sign3A_415 = arith.constant 0 : i32
        %sign3A_416 = arith.cmpi slt, %jit3A_403, %sign3A_415 : i32
        %sign3A_417 = arith.extui %sign3A_416 : i1 to i32
        %sign3A_418 = arith.subi %sign3A_414, %sign3A_417 : i32
        %ne3A_419 = arith.cmpi ne, %sign3A_411, %sign3A_418 : i32
        %rem3A_420 = arith.remsi %add3A_402, %jit3A_403 : i32
        %ne3A_421 = arith.constant 0 : i32
        %ne3A_422 = arith.cmpi ne, %rem3A_420, %ne3A_421 : i32
        %and3A_423 = arith.andi %ne3A_419, %ne3A_422 : i1
        %sub3A_424 = arith.constant 1 : i32
        %sub3A_425 = arith.subi %div3A_404, %sub3A_424 : i32
        %select_n3A_426 = arith.select %and3A_423, %sub3A_425, %div3A_404 : i32
        %add3A_427 = arith.addi %rem3A_155, %select_n3A_426 : i32
        %rem3A_428 = arith.constant 2 : i32
        %rem3A_429 = arith.remsi %add3A_427, %rem3A_428 : i32
        %rem3A_430 = arith.constant 50 : i32
        %rem3A_431 = arith.remsi %add3A_402, %rem3A_430 : i32
        %lt3A_432 = arith.constant 250 : i32
        %lt3A_433 = arith.cmpi slt, %add3A_398, %lt3A_432 : i32
        %convert_element_type3A_434 = arith.extui %lt3A_433 : i1 to i32
        %cond3A_435 = arith.constant 0 : i32
        %cond3A_436 = arith.cmpi ne, %convert_element_type3A_434, %cond3A_435 : i32
        scf.if %cond3A_436 {
          %add3A_521 = arith.constant 160 : i32
          %add3A_522 = arith.addi %mul3A_187, %add3A_521 : i32
          %dma_start3A_523 = arith.constant 0 : i32
          %dma_start3A_524 = tpu.memref_slice %arg12[%add3A_522, %dma_start3A_523] : memref<800x64xf32, #tpu.memory_space<vmem>> -> memref<80x64xf32, #tpu.memory_space<vmem>>
          %dma_start3A_525 = arith.constant 0 : i32
          %dma_start3A_526 = tpu.memref_slice %arg10[%rem3A_429, %rem3A_431, %dma_start3A_525] : memref<2x50x80xi32, #tpu.memory_space<vmem>> -> memref<1x1x80xi32, #tpu.memory_space<vmem>>
          %dma_start3A_527 = tpu.memref_squeeze %dma_start3A_526 : memref<1x1x80xi32, #tpu.memory_space<vmem>> -> memref<80xi32, #tpu.memory_space<vmem>>
          %dma_start3A_528 = arith.constant 0 : i32
          %dma_start3A_529 = tpu.memref_slice %arg2[%arg0, %dma_start3A_528] : memref<20000x64xf32, #tpu.memory_space<hbm>> -> memref<19999x64xf32, #tpu.memory_space<hbm>>
          %dma_start3A_530 = arith.constant 0 : i32
          %dma_start3A_531 = arith.constant 0 : i32
          %dma_start3A_532 = tpu.memref_slice %dma_start3A_529[%dma_start3A_530, %dma_start3A_531] : memref<19999x64xf32, #tpu.memory_space<hbm>> -> memref<19999x64xf32, #tpu.memory_space<hbm>>
          tpu.enqueue_indirect_dma source(%dma_start3A_532 : memref<19999x64xf32, #tpu.memory_space<hbm>>) target(%dma_start3A_524 : memref<80x64xf32, #tpu.memory_space<vmem>>) offsets(%dma_start3A_527 : memref<80xi32, #tpu.memory_space<vmem>>) semaphore(%arg16 : memref<!tpu.dma_semaphore, #tpu.memory_space<semaphore_mem>>)
        } else {
        }
        %add3A_437 = arith.constant 10 : i32
        %add3A_438 = arith.addi %add3A_192, %add3A_437 : i32
        %add3A_439 = arith.constant 3 : i32
        %add3A_440 = arith.addi %add3A_438, %add3A_439 : i32
        %add3A_441 = arith.constant 10 : i32
        %add3A_442 = arith.addi %mul3A_194, %add3A_441 : i32
        %add3A_443 = arith.constant 3 : i32
        %add3A_444 = arith.addi %add3A_442, %add3A_443 : i32
        %jit3A_445 = arith.constant 50 : i32
        %div3A_446 = arith.divsi %add3A_444, %jit3A_445 : i32
        %sign3A_447 = arith.constant 0 : i32
        %sign3A_448 = arith.cmpi sgt, %add3A_444, %sign3A_447 : i32
        %sign3A_449 = arith.extui %sign3A_448 : i1 to i32
        %sign3A_450 = arith.constant 0 : i32
        %sign3A_451 = arith.cmpi slt, %add3A_444, %sign3A_450 : i32
        %sign3A_452 = arith.extui %sign3A_451 : i1 to i32
        %sign3A_453 = arith.subi %sign3A_449, %sign3A_452 : i32
        %sign3A_454 = arith.constant 0 : i32
        %sign3A_455 = arith.cmpi sgt, %jit3A_445, %sign3A_454 : i32
        %sign3A_456 = arith.extui %sign3A_455 : i1 to i32
        %sign3A_457 = arith.constant 0 : i32
        %sign3A_458 = arith.cmpi slt, %jit3A_445, %sign3A_457 : i32
        %sign3A_459 = arith.extui %sign3A_458 : i1 to i32
        %sign3A_460 = arith.subi %sign3A_456, %sign3A_459 : i32
        %ne3A_461 = arith.cmpi ne, %sign3A_453, %sign3A_460 : i32
        %rem3A_462 = arith.remsi %add3A_444, %jit3A_445 : i32
        %ne3A_463 = arith.constant 0 : i32
        %ne3A_464 = arith.cmpi ne, %rem3A_462, %ne3A_463 : i32
        %and3A_465 = arith.andi %ne3A_461, %ne3A_464 : i1
        %sub3A_466 = arith.constant 1 : i32
        %sub3A_467 = arith.subi %div3A_446, %sub3A_466 : i32
        %select_n3A_468 = arith.select %and3A_465, %sub3A_467, %div3A_446 : i32
        %add3A_469 = arith.addi %rem3A_155, %select_n3A_468 : i32
        %rem3A_470 = arith.constant 2 : i32
        %rem3A_471 = arith.remsi %add3A_469, %rem3A_470 : i32
        %rem3A_472 = arith.constant 50 : i32
        %rem3A_473 = arith.remsi %add3A_444, %rem3A_472 : i32
        %lt3A_474 = arith.constant 250 : i32
        %lt3A_475 = arith.cmpi slt, %add3A_440, %lt3A_474 : i32
        %convert_element_type3A_476 = arith.extui %lt3A_475 : i1 to i32
        %cond3A_477 = arith.constant 0 : i32
        %cond3A_478 = arith.cmpi ne, %convert_element_type3A_476, %cond3A_477 : i32
        scf.if %cond3A_478 {
          %add3A_521 = arith.constant 240 : i32
          %add3A_522 = arith.addi %mul3A_187, %add3A_521 : i32
          %dma_start3A_523 = arith.constant 0 : i32
          %dma_start3A_524 = tpu.memref_slice %arg12[%add3A_522, %dma_start3A_523] : memref<800x64xf32, #tpu.memory_space<vmem>> -> memref<80x64xf32, #tpu.memory_space<vmem>>
          %dma_start3A_525 = arith.constant 0 : i32
          %dma_start3A_526 = tpu.memref_slice %arg10[%rem3A_471, %rem3A_473, %dma_start3A_525] : memref<2x50x80xi32, #tpu.memory_space<vmem>> -> memref<1x1x80xi32, #tpu.memory_space<vmem>>
          %dma_start3A_527 = tpu.memref_squeeze %dma_start3A_526 : memref<1x1x80xi32, #tpu.memory_space<vmem>> -> memref<80xi32, #tpu.memory_space<vmem>>
          %dma_start3A_528 = arith.constant 0 : i32
          %dma_start3A_529 = tpu.memref_slice %arg2[%arg0, %dma_start3A_528] : memref<20000x64xf32, #tpu.memory_space<hbm>> -> memref<19999x64xf32, #tpu.memory_space<hbm>>
          %dma_start3A_530 = arith.constant 0 : i32
          %dma_start3A_531 = arith.constant 0 : i32
          %dma_start3A_532 = tpu.memref_slice %dma_start3A_529[%dma_start3A_530, %dma_start3A_531] : memref<19999x64xf32, #tpu.memory_space<hbm>> -> memref<19999x64xf32, #tpu.memory_space<hbm>>
          tpu.enqueue_indirect_dma source(%dma_start3A_532 : memref<19999x64xf32, #tpu.memory_space<hbm>>) target(%dma_start3A_524 : memref<80x64xf32, #tpu.memory_space<vmem>>) offsets(%dma_start3A_527 : memref<80xi32, #tpu.memory_space<vmem>>) semaphore(%arg16 : memref<!tpu.dma_semaphore, #tpu.memory_space<semaphore_mem>>)
        } else {
        }
        %add3A_479 = arith.constant 10 : i32
        %add3A_480 = arith.addi %add3A_192, %add3A_479 : i32
        %add3A_481 = arith.constant 4 : i32
        %add3A_482 = arith.addi %add3A_480, %add3A_481 : i32
        %add3A_483 = arith.constant 10 : i32
        %add3A_484 = arith.addi %mul3A_194, %add3A_483 : i32
        %add3A_485 = arith.constant 4 : i32
        %add3A_486 = arith.addi %add3A_484, %add3A_485 : i32
        %jit3A_487 = arith.constant 50 : i32
        %div3A_488 = arith.divsi %add3A_486, %jit3A_487 : i32
        %sign3A_489 = arith.constant 0 : i32
        %sign3A_490 = arith.cmpi sgt, %add3A_486, %sign3A_489 : i32
        %sign3A_491 = arith.extui %sign3A_490 : i1 to i32
        %sign3A_492 = arith.constant 0 : i32
        %sign3A_493 = arith.cmpi slt, %add3A_486, %sign3A_492 : i32
        %sign3A_494 = arith.extui %sign3A_493 : i1 to i32
        %sign3A_495 = arith.subi %sign3A_491, %sign3A_494 : i32
        %sign3A_496 = arith.constant 0 : i32
        %sign3A_497 = arith.cmpi sgt, %jit3A_487, %sign3A_496 : i32
        %sign3A_498 = arith.extui %sign3A_497 : i1 to i32
        %sign3A_499 = arith.constant 0 : i32
        %sign3A_500 = arith.cmpi slt, %jit3A_487, %sign3A_499 : i32
        %sign3A_501 = arith.extui %sign3A_500 : i1 to i32
        %sign3A_502 = arith.subi %sign3A_498, %sign3A_501 : i32
        %ne3A_503 = arith.cmpi ne, %sign3A_495, %sign3A_502 : i32
        %rem3A_504 = arith.remsi %add3A_486, %jit3A_487 : i32
        %ne3A_505 = arith.constant 0 : i32
        %ne3A_506 = arith.cmpi ne, %rem3A_504, %ne3A_505 : i32
        %and3A_507 = arith.andi %ne3A_503, %ne3A_506 : i1
        %sub3A_508 = arith.constant 1 : i32
        %sub3A_509 = arith.subi %div3A_488, %sub3A_508 : i32
        %select_n3A_510 = arith.select %and3A_507, %sub3A_509, %div3A_488 : i32
        %add3A_511 = arith.addi %rem3A_155, %select_n3A_510 : i32
        %rem3A_512 = arith.constant 2 : i32
        %rem3A_513 = arith.remsi %add3A_511, %rem3A_512 : i32
        %rem3A_514 = arith.constant 50 : i32
        %rem3A_515 = arith.remsi %add3A_486, %rem3A_514 : i32
        %lt3A_516 = arith.constant 250 : i32
        %lt3A_517 = arith.cmpi slt, %add3A_482, %lt3A_516 : i32
        %convert_element_type3A_518 = arith.extui %lt3A_517 : i1 to i32
        %cond3A_519 = arith.constant 0 : i32
        %cond3A_520 = arith.cmpi ne, %convert_element_type3A_518, %cond3A_519 : i32
        scf.if %cond3A_520 {
          %add3A_521 = arith.constant 320 : i32
          %add3A_522 = arith.addi %mul3A_187, %add3A_521 : i32
          %dma_start3A_523 = arith.constant 0 : i32
          %dma_start3A_524 = tpu.memref_slice %arg12[%add3A_522, %dma_start3A_523] : memref<800x64xf32, #tpu.memory_space<vmem>> -> memref<80x64xf32, #tpu.memory_space<vmem>>
          %dma_start3A_525 = arith.constant 0 : i32
          %dma_start3A_526 = tpu.memref_slice %arg10[%rem3A_513, %rem3A_515, %dma_start3A_525] : memref<2x50x80xi32, #tpu.memory_space<vmem>> -> memref<1x1x80xi32, #tpu.memory_space<vmem>>
          %dma_start3A_527 = tpu.memref_squeeze %dma_start3A_526 : memref<1x1x80xi32, #tpu.memory_space<vmem>> -> memref<80xi32, #tpu.memory_space<vmem>>
          %dma_start3A_528 = arith.constant 0 : i32
          %dma_start3A_529 = tpu.memref_slice %arg2[%arg0, %dma_start3A_528] : memref<20000x64xf32, #tpu.memory_space<hbm>> -> memref<19999x64xf32, #tpu.memory_space<hbm>>
          %dma_start3A_530 = arith.constant 0 : i32
          %dma_start3A_531 = arith.constant 0 : i32
          %dma_start3A_532 = tpu.memref_slice %dma_start3A_529[%dma_start3A_530, %dma_start3A_531] : memref<19999x64xf32, #tpu.memory_space<hbm>> -> memref<19999x64xf32, #tpu.memory_space<hbm>>
          tpu.enqueue_indirect_dma source(%dma_start3A_532 : memref<19999x64xf32, #tpu.memory_space<hbm>>) target(%dma_start3A_524 : memref<80x64xf32, #tpu.memory_space<vmem>>) offsets(%dma_start3A_527 : memref<80xi32, #tpu.memory_space<vmem>>) semaphore(%arg16 : memref<!tpu.dma_semaphore, #tpu.memory_space<semaphore_mem>>)
        } else {
        }
      }
      %scan3A_179 = arith.constant 2 : i32
    }
    %scan3A_140 = arith.constant 5 : i32
    %scan3A_141 = arith.constant 0 : i32
    %scan3A_142 = arith.constant 0 : i32
    %scan3A_143 = arith.constant 125 : i32
    %scan3A_144 = arith.addi %scan3A_142, %scan3A_143 : i32
    %scan3A_145 = arith.constant 1 : i32
    scf.for %scan3A_154 = %scan3A_142 to %scan3A_144 step %scan3A_145  : i32 {
      %dma_wait3A = arith.constant 0 : i32
      %dma_wait3A_155 = arith.constant 0 : i32
      %dma_wait3A_156 = arith.constant 0 : i32
      %dma_wait3A_157 = tpu.memref_slice %arg11[%dma_wait3A, %dma_wait3A_155, %dma_wait3A_156] : memref<2x50x80xi32, #tpu.memory_space<vmem>> -> memref<1x50x80xi32, #tpu.memory_space<vmem>>
      %dma_wait3A_158 = tpu.memref_squeeze %dma_wait3A_157 : memref<1x50x80xi32, #tpu.memory_space<vmem>> -> memref<50x80xi32, #tpu.memory_space<vmem>>
      %dma_wait3A_159 = arith.constant 0 : i32
      %dma_wait3A_160 = arith.constant 0 : i32
      %dma_wait3A_161 = tpu.memref_slice %arg15[%dma_wait3A_159, %dma_wait3A_160] : memref<10000x16xf32, #tpu.memory_space<vmem_shared>> -> memref<10000x16xf32, #tpu.memory_space<vmem_shared>>
      tpu.wait_indirect_dma semaphore(%arg19 : memref<!tpu.dma_semaphore, #tpu.memory_space<semaphore_mem>>) src(%arg13 : memref<80x16xf32, #tpu.memory_space<vmem>>) dst(%dma_wait3A_161 : memref<10000x16xf32, #tpu.memory_space<vmem_shared>>)
    }
    %scan3A_146 = arith.constant 125 : i32
    %barrier3A_147 = arith.constant 0 : index
    tpu.barrier barrier_id(%barrier3A_147)
    "tpu.region"() ({
      %run_scoped3A_154 = tpu.sem_alloc : memref<!tpu.dma_semaphore, #tpu.memory_space<semaphore_mem>>
      %dma_start3A_155 = arith.constant 0 : i32
      %dma_start3A_156 = tpu.memref_slice %arg8[%arg0, %multiple_of3A, %dma_start3A_155] : memref<2x10000x64xf32, #tpu.memory_space<hbm>> -> memref<1x624x64xf32, #tpu.memory_space<hbm>>
      %dma_start3A_157 = tpu.memref_squeeze %dma_start3A_156 : memref<1x624x64xf32, #tpu.memory_space<hbm>> -> memref<624x64xf32, #tpu.memory_space<hbm>>
      %dma_start3A_158 = arith.constant 0 : i32
      %dma_start3A_159 = tpu.memref_slice %arg14[%multiple_of3A, %dma_start3A_158] : memref<10000x64xf32, #tpu.memory_space<vmem_shared>> -> memref<624x64xf32, #tpu.memory_space<vmem_shared>>
      tpu.enqueue_dma source(%dma_start3A_159 : memref<624x64xf32, #tpu.memory_space<vmem_shared>>) target(%dma_start3A_157 : memref<624x64xf32, #tpu.memory_space<hbm>>) target_semaphore(%run_scoped3A_154 : memref<!tpu.dma_semaphore, #tpu.memory_space<semaphore_mem>>)
      %dma_wait3A = arith.constant 0 : i32
      %dma_wait3A_160 = tpu.memref_slice %arg8[%arg0, %multiple_of3A, %dma_wait3A] : memref<2x10000x64xf32, #tpu.memory_space<hbm>> -> memref<1x624x64xf32, #tpu.memory_space<hbm>>
      %dma_wait3A_161 = tpu.memref_squeeze %dma_wait3A_160 : memref<1x624x64xf32, #tpu.memory_space<hbm>> -> memref<624x64xf32, #tpu.memory_space<hbm>>
      %dma_wait3A_162 = arith.constant 0 : i32
      %dma_wait3A_163 = tpu.memref_slice %arg14[%multiple_of3A, %dma_wait3A_162] : memref<10000x64xf32, #tpu.memory_space<vmem_shared>> -> memref<624x64xf32, #tpu.memory_space<vmem_shared>>
      tpu.wait_dma2 semaphore(%run_scoped3A_154 : memref<!tpu.dma_semaphore, #tpu.memory_space<semaphore_mem>>) src(%dma_wait3A_163 : memref<624x64xf32, #tpu.memory_space<vmem_shared>>) dst(%dma_wait3A_161 : memref<624x64xf32, #tpu.memory_space<hbm>>)
      tpu.yield
    }) : () -> ()
    %convert_element_type3A_148 = arith.extui %eq3A_0 : i1 to i32
    %cond3A_149 = arith.constant 0 : i32
    %cond3A_150 = arith.cmpi ne, %convert_element_type3A_148, %cond3A_149 : i32
    scf.if %cond3A_150 {
      "tpu.region"() ({
        %run_scoped3A_154 = tpu.sem_alloc : memref<!tpu.dma_semaphore, #tpu.memory_space<semaphore_mem>>
        %dma_start3A_155 = arith.constant 9984 : i32
        %dma_start3A_156 = arith.constant 0 : i32
        %dma_start3A_157 = tpu.memref_slice %arg8[%arg0, %dma_start3A_155, %dma_start3A_156] : memref<2x10000x64xf32, #tpu.memory_space<hbm>> -> memref<1x16x64xf32, #tpu.memory_space<hbm>>
        %dma_start3A_158 = tpu.memref_squeeze %dma_start3A_157 : memref<1x16x64xf32, #tpu.memory_space<hbm>> -> memref<16x64xf32, #tpu.memory_space<hbm>>
        %dma_start3A_159 = arith.constant 9984 : i32
        %dma_start3A_160 = arith.constant 0 : i32
        %dma_start3A_161 = tpu.memref_slice %arg14[%dma_start3A_159, %dma_start3A_160] : memref<10000x64xf32, #tpu.memory_space<vmem_shared>> -> memref<16x64xf32, #tpu.memory_space<vmem_shared>>
        tpu.enqueue_dma source(%dma_start3A_161 : memref<16x64xf32, #tpu.memory_space<vmem_shared>>) target(%dma_start3A_158 : memref<16x64xf32, #tpu.memory_space<hbm>>) target_semaphore(%run_scoped3A_154 : memref<!tpu.dma_semaphore, #tpu.memory_space<semaphore_mem>>)
        %dma_wait3A = arith.constant 9984 : i32
        %dma_wait3A_162 = arith.constant 0 : i32
        %dma_wait3A_163 = tpu.memref_slice %arg8[%arg0, %dma_wait3A, %dma_wait3A_162] : memref<2x10000x64xf32, #tpu.memory_space<hbm>> -> memref<1x16x64xf32, #tpu.memory_space<hbm>>
        %dma_wait3A_164 = tpu.memref_squeeze %dma_wait3A_163 : memref<1x16x64xf32, #tpu.memory_space<hbm>> -> memref<16x64xf32, #tpu.memory_space<hbm>>
        %dma_wait3A_165 = arith.constant 9984 : i32
        %dma_wait3A_166 = arith.constant 0 : i32
        %dma_wait3A_167 = tpu.memref_slice %arg14[%dma_wait3A_165, %dma_wait3A_166] : memref<10000x64xf32, #tpu.memory_space<vmem_shared>> -> memref<16x64xf32, #tpu.memory_space<vmem_shared>>
        tpu.wait_dma2 semaphore(%run_scoped3A_154 : memref<!tpu.dma_semaphore, #tpu.memory_space<semaphore_mem>>) src(%dma_wait3A_167 : memref<16x64xf32, #tpu.memory_space<vmem_shared>>) dst(%dma_wait3A_164 : memref<16x64xf32, #tpu.memory_space<hbm>>)
        tpu.yield
      }) : () -> ()
    } else {
    }
    "tpu.region"() ({
      %run_scoped3A_154 = tpu.sem_alloc : memref<!tpu.dma_semaphore, #tpu.memory_space<semaphore_mem>>
      %dma_start3A_155 = arith.constant 0 : i32
      %dma_start3A_156 = tpu.memref_slice %arg9[%arg0, %multiple_of3A, %dma_start3A_155] : memref<2x10000x16xf32, #tpu.memory_space<hbm>> -> memref<1x624x16xf32, #tpu.memory_space<hbm>>
      %dma_start3A_157 = tpu.memref_squeeze %dma_start3A_156 : memref<1x624x16xf32, #tpu.memory_space<hbm>> -> memref<624x16xf32, #tpu.memory_space<hbm>>
      %dma_start3A_158 = arith.constant 0 : i32
      %dma_start3A_159 = tpu.memref_slice %arg15[%multiple_of3A, %dma_start3A_158] : memref<10000x16xf32, #tpu.memory_space<vmem_shared>> -> memref<624x16xf32, #tpu.memory_space<vmem_shared>>
      tpu.enqueue_dma source(%dma_start3A_159 : memref<624x16xf32, #tpu.memory_space<vmem_shared>>) target(%dma_start3A_157 : memref<624x16xf32, #tpu.memory_space<hbm>>) target_semaphore(%run_scoped3A_154 : memref<!tpu.dma_semaphore, #tpu.memory_space<semaphore_mem>>)
      %dma_wait3A = arith.constant 0 : i32
      %dma_wait3A_160 = tpu.memref_slice %arg9[%arg0, %multiple_of3A, %dma_wait3A] : memref<2x10000x16xf32, #tpu.memory_space<hbm>> -> memref<1x624x16xf32, #tpu.memory_space<hbm>>
      %dma_wait3A_161 = tpu.memref_squeeze %dma_wait3A_160 : memref<1x624x16xf32, #tpu.memory_space<hbm>> -> memref<624x16xf32, #tpu.memory_space<hbm>>
      %dma_wait3A_162 = arith.constant 0 : i32
      %dma_wait3A_163 = tpu.memref_slice %arg15[%multiple_of3A, %dma_wait3A_162] : memref<10000x16xf32, #tpu.memory_space<vmem_shared>> -> memref<624x16xf32, #tpu.memory_space<vmem_shared>>
      tpu.wait_dma2 semaphore(%run_scoped3A_154 : memref<!tpu.dma_semaphore, #tpu.memory_space<semaphore_mem>>) src(%dma_wait3A_163 : memref<624x16xf32, #tpu.memory_space<vmem_shared>>) dst(%dma_wait3A_161 : memref<624x16xf32, #tpu.memory_space<hbm>>)
      tpu.yield
    }) : () -> ()
    %convert_element_type3A_151 = arith.extui %eq3A_0 : i1 to i32
    %cond3A_152 = arith.constant 0 : i32
    %cond3A_153 = arith.cmpi ne, %convert_element_type3A_151, %cond3A_152 : i32
    scf.if %cond3A_153 {
      "tpu.region"() ({
        %run_scoped3A_154 = tpu.sem_alloc : memref<!tpu.dma_semaphore, #tpu.memory_space<semaphore_mem>>
        %dma_start3A_155 = arith.constant 9984 : i32
        %dma_start3A_156 = arith.constant 0 : i32
        %dma_start3A_157 = tpu.memref_slice %arg9[%arg0, %dma_start3A_155, %dma_start3A_156] : memref<2x10000x16xf32, #tpu.memory_space<hbm>> -> memref<1x16x16xf32, #tpu.memory_space<hbm>>
        %dma_start3A_158 = tpu.memref_squeeze %dma_start3A_157 : memref<1x16x16xf32, #tpu.memory_space<hbm>> -> memref<16x16xf32, #tpu.memory_space<hbm>>
        %dma_start3A_159 = arith.constant 9984 : i32
        %dma_start3A_160 = arith.constant 0 : i32
        %dma_start3A_161 = tpu.memref_slice %arg15[%dma_start3A_159, %dma_start3A_160] : memref<10000x16xf32, #tpu.memory_space<vmem_shared>> -> memref<16x16xf32, #tpu.memory_space<vmem_shared>>
        tpu.enqueue_dma source(%dma_start3A_161 : memref<16x16xf32, #tpu.memory_space<vmem_shared>>) target(%dma_start3A_158 : memref<16x16xf32, #tpu.memory_space<hbm>>) target_semaphore(%run_scoped3A_154 : memref<!tpu.dma_semaphore, #tpu.memory_space<semaphore_mem>>)
        %dma_wait3A = arith.constant 9984 : i32
        %dma_wait3A_162 = arith.constant 0 : i32
        %dma_wait3A_163 = tpu.memref_slice %arg9[%arg0, %dma_wait3A, %dma_wait3A_162] : memref<2x10000x16xf32, #tpu.memory_space<hbm>> -> memref<1x16x16xf32, #tpu.memory_space<hbm>>
        %dma_wait3A_164 = tpu.memref_squeeze %dma_wait3A_163 : memref<1x16x16xf32, #tpu.memory_space<hbm>> -> memref<16x16xf32, #tpu.memory_space<hbm>>
        %dma_wait3A_165 = arith.constant 9984 : i32
        %dma_wait3A_166 = arith.constant 0 : i32
        %dma_wait3A_167 = tpu.memref_slice %arg15[%dma_wait3A_165, %dma_wait3A_166] : memref<10000x16xf32, #tpu.memory_space<vmem_shared>> -> memref<16x16xf32, #tpu.memory_space<vmem_shared>>
        tpu.wait_dma2 semaphore(%run_scoped3A_154 : memref<!tpu.dma_semaphore, #tpu.memory_space<semaphore_mem>>) src(%dma_wait3A_167 : memref<16x16xf32, #tpu.memory_space<vmem_shared>>) dst(%dma_wait3A_164 : memref<16x16xf32, #tpu.memory_space<hbm>>)
        tpu.yield
      }) : () -> ()
    } else {
    }
    return
  }
}

module attributes {stable_mosaic.version = 14 : i64} {
  func.func @_tc_layer_body(%arg0: i32, %arg1: memref<2x2000x64xf32, #tpu.memory_space<vmem>>, %arg2: memref<2x2000x16xf32, #tpu.memory_space<vmem>>, %arg3: memref<2000x128xf32, #tpu.memory_space<vmem>>, %arg4: memref<128x128xf32, #tpu.memory_space<vmem>>, %arg5: memref<128x128xf32, #tpu.memory_space<vmem>>, %arg6: memref<1x128xf32, #tpu.memory_space<vmem>>, %arg7: memref<2000x128xf32, #tpu.memory_space<vmem>>) attributes {dimension_semantics = [#tpu.dimension_semantics<arbitrary>], iteration_bounds = array<i64: 5>, scalar_prefetch = 0 : i64, scratch_operands = 0 : i64, tpu.core_type = #tpu.core_type<tc>, window_params = [{transform_indices = @transform_0, window_bounds = array<i64: 2, 2000, 64>}, {transform_indices = @transform_1, window_bounds = array<i64: 2, 2000, 16>}, {transform_indices = @transform_2, window_bounds = array<i64: 2000, 128>}, {pipeline_mode = #tpu.pipeline_mode<synchronous>, transform_indices = @transform_3, window_bounds = array<i64: 128, 128>}, {pipeline_mode = #tpu.pipeline_mode<synchronous>, transform_indices = @transform_4, window_bounds = array<i64: 128, 128>}, {pipeline_mode = #tpu.pipeline_mode<synchronous>, transform_indices = @transform_5, window_bounds = array<i64: 1, 128>}, {transform_indices = @transform_6, window_bounds = array<i64: 2000, 128>}]} {
    %get3A = arith.constant 0 : index
    %get3A_0 = arith.constant 0 : index
    %get3A_1 = arith.constant 0 : index
    %get3A_2 = vector.load %arg2[%get3A, %get3A_0, %get3A_1] : memref<2x2000x16xf32, #tpu.memory_space<vmem>>, vector<1x2000x1xf32>
    %get3A_3 = vector.shape_cast %get3A_2 : vector<1x2000x1xf32> to vector<2000x1xf32>
    %get3A_4 = arith.constant 1 : index
    %get3A_5 = arith.constant 0 : index
    %get3A_6 = arith.constant 0 : index
    %get3A_7 = vector.load %arg2[%get3A_4, %get3A_5, %get3A_6] : memref<2x2000x16xf32, #tpu.memory_space<vmem>>, vector<1x2000x1xf32>
    %get3A_8 = vector.shape_cast %get3A_7 : vector<1x2000x1xf32> to vector<2000x1xf32>
    %add3A = arith.addf %get3A_3, %get3A_8 : vector<2000x1xf32>
    %max3A = arith.constant 1.000000e+00 : f32
    %max3A_9 = vector.broadcast %max3A : f32 to vector<2000x1xf32>
    %max3A_10 = arith.maximumf %add3A, %max3A_9 : vector<2000x1xf32>
    %div3A = arith.constant 1.000000e+00 : f32
    %div3A_11 = vector.broadcast %div3A : f32 to vector<2000x1xf32>
    %div3A_12 = arith.divf %div3A_11, %max3A_10 : vector<2000x1xf32>
    %get3A_13 = arith.constant 0 : index
    %get3A_14 = arith.constant 0 : index
    %get3A_15 = arith.constant 0 : index
    %get3A_16 = vector.load %arg1[%get3A_13, %get3A_14, %get3A_15] : memref<2x2000x64xf32, #tpu.memory_space<vmem>>, vector<1x2000x64xf32>
    %get3A_17 = vector.shape_cast %get3A_16 : vector<1x2000x64xf32> to vector<2000x64xf32>
    %mul3A = vector.broadcast %div3A_12 : vector<2000x1xf32> to vector<2000x64xf32>
    %mul3A_18 = arith.mulf %get3A_17, %mul3A : vector<2000x64xf32>
    %get3A_19 = arith.constant 0 : index
    %get3A_20 = arith.constant 0 : index
    %get3A_21 = vector.load %arg4[%get3A_19, %get3A_20] : memref<128x128xf32, #tpu.memory_space<vmem>>, vector<64x128xf32>
    %dot_general3A = arith.constant dense<0.000000e+00> : vector<2000x128xf32>
    %dot_general3A_22 = tpu.matmul %mul3A_18, %get3A_21, %dot_general3A {dimension_numbers = #tpu.dot_dimension_numbers<[1], [0], [0], [1], [0, 0, 1, 1], [], []>, transpose_lhs_hint = false} : vector<2000x64xf32>, vector<64x128xf32>, vector<2000x128xf32> -> vector<2000x128xf32>
    %get3A_23 = arith.constant 1 : index
    %get3A_24 = arith.constant 0 : index
    %get3A_25 = arith.constant 0 : index
    %get3A_26 = vector.load %arg1[%get3A_23, %get3A_24, %get3A_25] : memref<2x2000x64xf32, #tpu.memory_space<vmem>>, vector<1x2000x64xf32>
    %get3A_27 = vector.shape_cast %get3A_26 : vector<1x2000x64xf32> to vector<2000x64xf32>
    %mul3A_28 = vector.broadcast %div3A_12 : vector<2000x1xf32> to vector<2000x64xf32>
    %mul3A_29 = arith.mulf %get3A_27, %mul3A_28 : vector<2000x64xf32>
    %get3A_30 = arith.constant 64 : index
    %get3A_31 = arith.constant 0 : index
    %get3A_32 = vector.load %arg4[%get3A_30, %get3A_31] : memref<128x128xf32, #tpu.memory_space<vmem>>, vector<64x128xf32>
    %dot_general3A_33 = arith.constant dense<0.000000e+00> : vector<2000x128xf32>
    %dot_general3A_34 = tpu.matmul %mul3A_29, %get3A_32, %dot_general3A_33 {dimension_numbers = #tpu.dot_dimension_numbers<[1], [0], [0], [1], [0, 0, 1, 1], [], []>, transpose_lhs_hint = false} : vector<2000x64xf32>, vector<64x128xf32>, vector<2000x128xf32> -> vector<2000x128xf32>
    %add3A_35 = arith.addf %dot_general3A_22, %dot_general3A_34 : vector<2000x128xf32>
    %get3A_36 = arith.constant 0 : index
    %get3A_37 = arith.constant 0 : index
    %get3A_38 = vector.load %arg3[%get3A_36, %get3A_37] : memref<2000x128xf32, #tpu.memory_space<vmem>>, vector<2000x128xf32>
    %get3A_39 = arith.constant 0 : index
    %get3A_40 = arith.constant 0 : index
    %get3A_41 = vector.load %arg5[%get3A_39, %get3A_40] : memref<128x128xf32, #tpu.memory_space<vmem>>, vector<128x128xf32>
    %dot_general3A_42 = arith.constant dense<0.000000e+00> : vector<2000x128xf32>
    %dot_general3A_43 = tpu.matmul %get3A_38, %get3A_41, %dot_general3A_42 {dimension_numbers = #tpu.dot_dimension_numbers<[1], [0], [0], [1], [0, 0, 1, 1], [], []>, transpose_lhs_hint = false} : vector<2000x128xf32>, vector<128x128xf32>, vector<2000x128xf32> -> vector<2000x128xf32>
    %add3A_44 = arith.addf %add3A_35, %dot_general3A_43 : vector<2000x128xf32>
    %get3A_45 = arith.constant 0 : index
    %get3A_46 = arith.constant 0 : index
    %get3A_47 = vector.load %arg6[%get3A_45, %get3A_46] : memref<1x128xf32, #tpu.memory_space<vmem>>, vector<1x128xf32>
    %add3A_48 = vector.broadcast %get3A_47 : vector<1x128xf32> to vector<2000x128xf32>
    %add3A_49 = arith.addf %add3A_44, %add3A_48 : vector<2000x128xf32>
    %max3A_50 = arith.constant 0.000000e+00 : f32
    %max3A_51 = vector.broadcast %max3A_50 : f32 to vector<2000x128xf32>
    %max3A_52 = arith.maximumf %add3A_49, %max3A_51 : vector<2000x128xf32>
    %swap3A = arith.constant 0 : index
    %swap3A_53 = arith.constant 0 : index
    %swap3A_54 = vector.load %arg7[%swap3A, %swap3A_53] : memref<2000x128xf32, #tpu.memory_space<vmem>>, vector<2000x128xf32>
    tpu.vector_store %arg7[%swap3A, %swap3A_53], %max3A_52 {strides = array<i32>} : memref<2000x128xf32, #tpu.memory_space<vmem>>, vector<2000x128xf32>,
    return
  }
  func.func @transform_0(%arg0: i32) -> (i32, i32, i32) {
    %c0_i32 = arith.constant 0 : i32
    %c0_i32_0 = arith.constant 0 : i32
    %c0_i32_1 = arith.constant 0 : i32
    return %c0_i32, %arg0, %c0_i32_0 : i32, i32, i32
  }
  func.func @transform_1(%arg0: i32) -> (i32, i32, i32) {
    %c0_i32 = arith.constant 0 : i32
    %c0_i32_0 = arith.constant 0 : i32
    %c0_i32_1 = arith.constant 0 : i32
    return %c0_i32, %arg0, %c0_i32_0 : i32, i32, i32
  }
  func.func @transform_2(%arg0: i32) -> (i32, i32) {
    %c0_i32 = arith.constant 0 : i32
    %c0_i32_0 = arith.constant 0 : i32
    return %arg0, %c0_i32 : i32, i32
  }
  func.func @transform_3(%arg0: i32) -> (i32, i32) {
    %c0_i32 = arith.constant 0 : i32
    %c0_i32_0 = arith.constant 0 : i32
    %c0_i32_1 = arith.constant 0 : i32
    return %c0_i32, %c0_i32_0 : i32, i32
  }
  func.func @transform_4(%arg0: i32) -> (i32, i32) {
    %c0_i32 = arith.constant 0 : i32
    %c0_i32_0 = arith.constant 0 : i32
    %c0_i32_1 = arith.constant 0 : i32
    return %c0_i32, %c0_i32_0 : i32, i32
  }
  func.func @transform_5(%arg0: i32) -> (i32, i32) {
    %c0_i32 = arith.constant 0 : i32
    %c0_i32_0 = arith.constant 0 : i32
    %c0_i32_1 = arith.constant 0 : i32
    return %c0_i32, %c0_i32_0 : i32, i32
  }
  func.func @transform_6(%arg0: i32) -> (i32, i32) {
    %c0_i32 = arith.constant 0 : i32
    %c0_i32_0 = arith.constant 0 : i32
    return %arg0, %c0_i32 : i32, i32
  }
}

module attributes {stable_mosaic.version = 14 : i64} {
  func.func @_tc_layer_body(%arg0: i32, %arg1: memref<2x2000x64xf32, #tpu.memory_space<vmem>>, %arg2: memref<2x2000x16xf32, #tpu.memory_space<vmem>>, %arg3: memref<2000x128xf32, #tpu.memory_space<vmem>>, %arg4: memref<128x128xf32, #tpu.memory_space<vmem>>, %arg5: memref<128x128xf32, #tpu.memory_space<vmem>>, %arg6: memref<1x128xf32, #tpu.memory_space<vmem>>, %arg7: memref<2000x128xf32, #tpu.memory_space<vmem>>) attributes {dimension_semantics = [#tpu.dimension_semantics<arbitrary>], iteration_bounds = array<i64: 5>, scalar_prefetch = 0 : i64, scratch_operands = 0 : i64, tpu.core_type = #tpu.core_type<tc>, window_params = [{transform_indices = @transform_0, window_bounds = array<i64: 2, 2000, 64>}, {transform_indices = @transform_1, window_bounds = array<i64: 2, 2000, 16>}, {transform_indices = @transform_2, window_bounds = array<i64: 2000, 128>}, {pipeline_mode = #tpu.pipeline_mode<synchronous>, transform_indices = @transform_3, window_bounds = array<i64: 128, 128>}, {pipeline_mode = #tpu.pipeline_mode<synchronous>, transform_indices = @transform_4, window_bounds = array<i64: 128, 128>}, {pipeline_mode = #tpu.pipeline_mode<synchronous>, transform_indices = @transform_5, window_bounds = array<i64: 1, 128>}, {transform_indices = @transform_6, window_bounds = array<i64: 2000, 128>}]} {
    %get3A = arith.constant 0 : index
    %get3A_0 = arith.constant 0 : index
    %get3A_1 = arith.constant 0 : index
    %get3A_2 = vector.load %arg2[%get3A, %get3A_0, %get3A_1] : memref<2x2000x16xf32, #tpu.memory_space<vmem>>, vector<1x2000x1xf32>
    %get3A_3 = vector.shape_cast %get3A_2 : vector<1x2000x1xf32> to vector<2000x1xf32>
    %get3A_4 = arith.constant 1 : index
    %get3A_5 = arith.constant 0 : index
    %get3A_6 = arith.constant 0 : index
    %get3A_7 = vector.load %arg2[%get3A_4, %get3A_5, %get3A_6] : memref<2x2000x16xf32, #tpu.memory_space<vmem>>, vector<1x2000x1xf32>
    %get3A_8 = vector.shape_cast %get3A_7 : vector<1x2000x1xf32> to vector<2000x1xf32>
    %add3A = arith.addf %get3A_3, %get3A_8 : vector<2000x1xf32>
    %max3A = arith.constant 1.000000e+00 : f32
    %max3A_9 = vector.broadcast %max3A : f32 to vector<2000x1xf32>
    %max3A_10 = arith.maximumf %add3A, %max3A_9 : vector<2000x1xf32>
    %div3A = arith.constant 1.000000e+00 : f32
    %div3A_11 = vector.broadcast %div3A : f32 to vector<2000x1xf32>
    %div3A_12 = arith.divf %div3A_11, %max3A_10 : vector<2000x1xf32>
    %get3A_13 = arith.constant 0 : index
    %get3A_14 = arith.constant 0 : index
    %get3A_15 = arith.constant 0 : index
    %get3A_16 = vector.load %arg1[%get3A_13, %get3A_14, %get3A_15] : memref<2x2000x64xf32, #tpu.memory_space<vmem>>, vector<1x2000x64xf32>
    %get3A_17 = vector.shape_cast %get3A_16 : vector<1x2000x64xf32> to vector<2000x64xf32>
    %mul3A = vector.broadcast %div3A_12 : vector<2000x1xf32> to vector<2000x64xf32>
    %mul3A_18 = arith.mulf %get3A_17, %mul3A : vector<2000x64xf32>
    %get3A_19 = arith.constant 0 : index
    %get3A_20 = arith.constant 0 : index
    %get3A_21 = vector.load %arg4[%get3A_19, %get3A_20] : memref<128x128xf32, #tpu.memory_space<vmem>>, vector<64x128xf32>
    %dot_general3A = arith.constant dense<0.000000e+00> : vector<2000x128xf32>
    %dot_general3A_22 = tpu.matmul %mul3A_18, %get3A_21, %dot_general3A {dimension_numbers = #tpu.dot_dimension_numbers<[1], [0], [0], [1], [0, 0, 1, 1], [], []>, transpose_lhs_hint = false} : vector<2000x64xf32>, vector<64x128xf32>, vector<2000x128xf32> -> vector<2000x128xf32>
    %get3A_23 = arith.constant 1 : index
    %get3A_24 = arith.constant 0 : index
    %get3A_25 = arith.constant 0 : index
    %get3A_26 = vector.load %arg1[%get3A_23, %get3A_24, %get3A_25] : memref<2x2000x64xf32, #tpu.memory_space<vmem>>, vector<1x2000x64xf32>
    %get3A_27 = vector.shape_cast %get3A_26 : vector<1x2000x64xf32> to vector<2000x64xf32>
    %mul3A_28 = vector.broadcast %div3A_12 : vector<2000x1xf32> to vector<2000x64xf32>
    %mul3A_29 = arith.mulf %get3A_27, %mul3A_28 : vector<2000x64xf32>
    %get3A_30 = arith.constant 64 : index
    %get3A_31 = arith.constant 0 : index
    %get3A_32 = vector.load %arg4[%get3A_30, %get3A_31] : memref<128x128xf32, #tpu.memory_space<vmem>>, vector<64x128xf32>
    %dot_general3A_33 = arith.constant dense<0.000000e+00> : vector<2000x128xf32>
    %dot_general3A_34 = tpu.matmul %mul3A_29, %get3A_32, %dot_general3A_33 {dimension_numbers = #tpu.dot_dimension_numbers<[1], [0], [0], [1], [0, 0, 1, 1], [], []>, transpose_lhs_hint = false} : vector<2000x64xf32>, vector<64x128xf32>, vector<2000x128xf32> -> vector<2000x128xf32>
    %add3A_35 = arith.addf %dot_general3A_22, %dot_general3A_34 : vector<2000x128xf32>
    %get3A_36 = arith.constant 0 : index
    %get3A_37 = arith.constant 0 : index
    %get3A_38 = vector.load %arg3[%get3A_36, %get3A_37] : memref<2000x128xf32, #tpu.memory_space<vmem>>, vector<2000x128xf32>
    %get3A_39 = arith.constant 0 : index
    %get3A_40 = arith.constant 0 : index
    %get3A_41 = vector.load %arg5[%get3A_39, %get3A_40] : memref<128x128xf32, #tpu.memory_space<vmem>>, vector<128x128xf32>
    %dot_general3A_42 = arith.constant dense<0.000000e+00> : vector<2000x128xf32>
    %dot_general3A_43 = tpu.matmul %get3A_38, %get3A_41, %dot_general3A_42 {dimension_numbers = #tpu.dot_dimension_numbers<[1], [0], [0], [1], [0, 0, 1, 1], [], []>, transpose_lhs_hint = false} : vector<2000x128xf32>, vector<128x128xf32>, vector<2000x128xf32> -> vector<2000x128xf32>
    %add3A_44 = arith.addf %add3A_35, %dot_general3A_43 : vector<2000x128xf32>
    %get3A_45 = arith.constant 0 : index
    %get3A_46 = arith.constant 0 : index
    %get3A_47 = vector.load %arg6[%get3A_45, %get3A_46] : memref<1x128xf32, #tpu.memory_space<vmem>>, vector<1x128xf32>
    %add3A_48 = vector.broadcast %get3A_47 : vector<1x128xf32> to vector<2000x128xf32>
    %add3A_49 = arith.addf %add3A_44, %add3A_48 : vector<2000x128xf32>
    %swap3A = arith.constant 0 : index
    %swap3A_50 = arith.constant 0 : index
    %swap3A_51 = vector.load %arg7[%swap3A, %swap3A_50] : memref<2000x128xf32, #tpu.memory_space<vmem>>, vector<2000x128xf32>
    tpu.vector_store %arg7[%swap3A, %swap3A_50], %add3A_49 {strides = array<i32>} : memref<2000x128xf32, #tpu.memory_space<vmem>>, vector<2000x128xf32>,
    return
  }
  func.func @transform_0(%arg0: i32) -> (i32, i32, i32) {
    %c0_i32 = arith.constant 0 : i32
    %c0_i32_0 = arith.constant 0 : i32
    %c0_i32_1 = arith.constant 0 : i32
    return %c0_i32, %arg0, %c0_i32_0 : i32, i32, i32
  }
  func.func @transform_1(%arg0: i32) -> (i32, i32, i32) {
    %c0_i32 = arith.constant 0 : i32
    %c0_i32_0 = arith.constant 0 : i32
    %c0_i32_1 = arith.constant 0 : i32
    return %c0_i32, %arg0, %c0_i32_0 : i32, i32, i32
  }
  func.func @transform_2(%arg0: i32) -> (i32, i32) {
    %c0_i32 = arith.constant 0 : i32
    %c0_i32_0 = arith.constant 0 : i32
    return %arg0, %c0_i32 : i32, i32
  }
  func.func @transform_3(%arg0: i32) -> (i32, i32) {
    %c0_i32 = arith.constant 0 : i32
    %c0_i32_0 = arith.constant 0 : i32
    %c0_i32_1 = arith.constant 0 : i32
    return %c0_i32, %c0_i32_0 : i32, i32
  }
  func.func @transform_4(%arg0: i32) -> (i32, i32) {
    %c0_i32 = arith.constant 0 : i32
    %c0_i32_0 = arith.constant 0 : i32
    %c0_i32_1 = arith.constant 0 : i32
    return %c0_i32, %c0_i32_0 : i32, i32
  }
  func.func @transform_5(%arg0: i32) -> (i32, i32) {
    %c0_i32 = arith.constant 0 : i32
    %c0_i32_0 = arith.constant 0 : i32
    %c0_i32_1 = arith.constant 0 : i32
    return %c0_i32, %c0_i32_0 : i32, i32
  }
  func.func @transform_6(%arg0: i32) -> (i32, i32) {
    %c0_i32 = arith.constant 0 : i32
    %c0_i32_0 = arith.constant 0 : i32
    return %arg0, %c0_i32 : i32, i32
  }
}

</mosaic_0001>

<sc_bundles>
// kernel: kernel.6.cloned.1.call-start
scs
__scs_entry_jumppad:
0x0: {  	(pc) =	sbr.rel $0x88, $3  }
0x1: {  	(tag) =	ssettag $0x0;
	lr =	simm.s32 $0x1  }
0x2: {  	[smem:$0x3F99] =	sst lr;
	_ =	strace $0xD0000000  }
0x3: {  	_ = 	snop  }
0x4: {  	_ = 	snop  }
0x5: {  	_ = 	snop  }
0x6: {  	_ = 	snop  }
0x7: {  	_ = 	snop  }
__scs_overlays_trampoline_lowered:
0x8: {  	[smem:$0x3FA8] =	sst s0  }
0x9: {  	[smem:$0x3FA9] =	sst s1  }
0xa: {  	[smem:$0x3FAA] =	sst s2  }
0xb: {  	[smem:$0x3FAB] =	sst s3  }
0xc: {  	[smem:$0x3FAC] =	sst s4  }
0xd: {  	[smem:$0x3FAD] =	sst s5  }
0xe: {  	[smem:$0x3FAE] =	sst s6  }
0xf: {  	[smem:$0x3FAF] =	sst s7  }
0x10: {  	[smem:$0x3FB0] =	sst s8  }
0x11: {  	[smem:$0x3FB1] =	sst s9;
	s0 =	simm.s32 @!p0 $0x0  }
0x12: {  	s1 =	sld [smem:$0x3F97];
	s0 =	simm.s32 @p0 $0x1  }
0x13: {  	[smem:$0x3FB2] =	sst s0;
	s0 =	simm.s32 @!p1 $0x0  }
0x14: {  	s2 =	sld [smem:$0x3F96];
	s0 =	simm.s32 @p1 $0x1  }
0x15: {  	[smem:$0x3FB3] =	sst s0;
	s0 =	simm.s32 @!p2 $0x0  }
0x16: {  	s3 =	sld [smem:$0x3FDB];
	s0 =	simm.s32 @p2 $0x1  }
0x17: {  	s4 =	simm.s32 $0x1BF5;
	[smem:$0x3FB5] =	sst s0  }
0x18: {  	s0 =	sld [smem:$0x3F98];
	_ =	swait.ge [sflag:s4], $0x0  }
0x19: {  	s7 =	sld [smem:$0x3F99]  }
0x1a: {  	s8 =	sadd.s32 $0xFFFFE003, lr  }
0x1b: {  	s9 =	sadd.s32 $0xFFFFFEF7, lr;
	s5 =	simm.s32 $0xFFFFFFFF;
	p2 =	slt.u32 s8, $0xFFFFF086  }
0x1c: {  	p1 =	slt.u32 s9, $0xF7A;
	s5 =	simm.s32 @!p2 $0x0  }
0x1d: {  	s5 =	simm.s32 @p1 $0x1;
	p0 =	seq.s32 s7, s2  }
0x1e: {  	s7 =	smul.u32 @!p0 $0xF7A, s2;
	p2 =	seq.s32 @!p0 s5, $0x0  }
0x1f: {  	s9 =	smul.u32 $0xF7A, s1;
	s8 =	simm.s32 @!p0 $0x1BF5;
	p2 =	por !p2, p0  }
0x20: {  	[sflag:s8] =	ssyncset.s32 @!p0 $0xFFFFF086;
	s6 =	sadd.s32 @!p0 s3, s7;
	s7 =	simm.s32 @!p0 $0x108  }
0x21: {  	s3 =	sadd.s32 s3, s9;
	s6 =	sadd.s32 @!p0 $0x88, s6;
	s7 =	simm.s32 @p2 $0x1082  }
0x22: {  	[simem:s7], [sflag:s8] =	dma.local @!p0 [hbm:s6], $0xF7A  }
0x23: {  	s9 =	sor.u32 $0xD0000000, s2;
	s6 =	simm.s32 $0x108;
	_ =	swait.ge @!p0 [sflag:s8], $0x0  }
0x24: {  	s3 =	sadd.s32 $0x88, s3;
	s6 =	simm.s32 @!p1 $0x1082;
	[sflag:s4] =	ssyncset.s32 $0xFFFFF086  }
0x25: {  	[simem:s6], [sflag:s4] =	dma.local [hbm:s3], $0xF7A  }
0x26: {  	[smem:$0x3F99] =	sst s1;
	(tag) =	ssettag s2;
	_ =	strace s9  }
0x27: {  	s1 =	sld [smem:$0x3FA9]  }
0x28: {  	s2 =	sld [smem:$0x3FAA]  }
0x29: {  	s4 =	sld [smem:$0x3FAC]  }
0x2a: {  	p0 =	seq.s32 s5, $0x0;
	s5 =	sld [smem:$0x3FAD]  }
0x2b: {  	s6 =	sld [smem:$0x3FAE]  }
0x2c: {  	s7 =	sld [smem:$0x3FAF]  }
0x2d: {  	s3 =	simm.s32 $0x108;
	s8 =	sld [smem:$0x3FB0]  }
0x2e: {  	s3 =	simm.s32 @!p0 $0x1082;
	s9 =	sld [smem:$0x3FB1]  }
0x2f: {  	lr =	sadd.s32 s0, s3;
	s0 =	sld [smem:$0x3FA8]  }
0x30: {  	s3 =	sld [smem:$0x3FAB]  }
0x31: {  	[smem:$0x3FB4] =	sst s10  }
0x32: {  	s10 =	sld [smem:$0x3FB2];
	_ =	sdelay $0x3  }
0x33: {  	p0 =	seq.s32 s10, $0x1;
	s10 =	sld [smem:$0x3FB4];
	_ =	sdelay $0x3  }
0x34: {  	[smem:$0x3FB4] =	sst s10  }
0x35: {  	s10 =	sld [smem:$0x3FB3];
	_ =	sdelay $0x3  }
0x36: {  	p1 =	seq.s32 s10, $0x1;
	s10 =	sld [smem:$0x3FB4];
	_ =	sdelay $0x3  }
0x37: {  	[smem:$0x3FB4] =	sst s10  }
0x38: {  	s10 =	sld [smem:$0x3FB5]  }
0x39: {  	_ = 	snop;
	(pc) =	sbr.ind lr, $3  }
0x3a: {  	_ = 	snop  }
0x3b: {  	_ = 	snop  }
0x3c: {  	p2 =	seq.s32 s10, $0x1;
	s10 =	sld [smem:$0x3FB4]  }
0x3d: {  	_ =	shalt  }
0x3e: {  	_ =	shalt  }
0x3f: {  	_ =	shalt  }
0x40: {  	_ =	shalt  }
0x41: {  	_ =	shalt  }
0x42: {  	_ =	shalt  }
0x43: {  	_ =	shalt  }
0x44: {  	_ =	shalt  }
0x45: {  	_ =	shalt  }
0x46: {  	_ =	shalt  }
0x47: {  	_ =	shalt  }
0x48: {  	_ =	shalt  }
0x49: {  	_ =	shalt  }
0x4a: {  	_ =	shalt  }
0x4b: {  	_ =	shalt  }
0x4c: {  	_ =	shalt  }
0x4d: {  	_ =	shalt  }
0x4e: {  	_ =	shalt  }
0x4f: {  	_ =	shalt  }
0x50: {  	_ =	shalt  }
0x51: {  	_ =	shalt  }
0x52: {  	_ =	shalt  }
0x53: {  	_ =	shalt  }
0x54: {  	_ =	shalt  }
0x55: {  	_ =	shalt  }
0x56: {  	_ =	shalt  }
0x57: {  	_ =	shalt  }
0x58: {  	_ =	shalt  }
0x59: {  	_ =	shalt  }
0x5a: {  	_ =	shalt  }
0x5b: {  	_ =	shalt  }
0x5c: {  	_ =	shalt  }
0x5d: {  	_ =	shalt  }
0x5e: {  	_ =	shalt  }
0x5f: {  	_ =	shalt  }
0x60: {  	_ =	shalt  }
0x61: {  	_ =	shalt  }
0x62: {  	_ =	shalt  }
0x63: {  	_ =	shalt  }
0x64: {  	_ =	shalt  }
0x65: {  	_ =	shalt  }
0x66: {  	_ =	shalt  }
0x67: {  	_ =	shalt  }
0x68: {  	_ =	shalt  }
0x69: {  	_ =	shalt  }
0x6a: {  	_ =	shalt  }
0x6b: {  	_ =	shalt  }
0x6c: {  	_ =	shalt  }
0x6d: {  	_ =	shalt  }
0x6e: {  	_ =	shalt  }
0x6f: {  	_ =	shalt  }
0x70: {  	_ =	shalt  }
0x71: {  	_ =	shalt  }
0x72: {  	_ =	shalt  }
0x73: {  	_ =	shalt  }
0x74: {  	_ =	shalt  }
0x75: {  	_ =	shalt  }
0x76: {  	_ =	shalt  }
0x77: {  	_ =	shalt  }
0x78: {  	_ =	shalt  }
0x79: {  	_ =	shalt  }
0x7a: {  	_ =	shalt  }
0x7b: {  	_ =	shalt  }
0x7c: {  	_ =	shalt  }
0x7d: {  	_ =	shalt  }
0x7e: {  	_ =	shalt  }
0x7f: {  	_ =	shalt  }
0x80: {  	_ =	shalt  }
0x81: {  	_ =	shalt  }
0x82: {  	_ =	shalt  }
0x83: {  	_ =	shalt  }
0x84: {  	_ =	shalt  }
0x85: {  	_ =	shalt  }
0x86: {  	_ =	shalt  }
0x87: {  	_ =	shalt  }
.Lfunc_end0:
.L_simem_size_0:
called_computation_lowered:
.L_overlay_start_0:
0x88: {  	s2 =	sld [smem:$0x3FD9]  }
0x89: {  	s3 =	sld [smem:$0x3FFE];
	_ =	sdelay $0x1  }
0x8a: {  	s1 =	srdreg.scid  }
0x8b: {  	s0 =	sand.u32 $0x1, s1  }
0x8c: {  	s17 =	sshll.u32 s0, $0xA;
	s2 =	sadd.s32 s3, s2  }
0x8d: {  	s2 =	sadd.s32 s2, s17  }
0x8e: {  	[smem:$0x3FC0] =	sst s2  }
0x8f: {  	_ = 	snop  }
0x90: {  	s2 =	sld [smem:$0x3FC9]  }
0x91: {  	s18 =	sld [smem:$0x3FD0];
	(tm) =	ssettm $0x1  }
0x92: {  	s4 =	sld [smem:$0x3FFB];
	_ =	sdelay $0x3  }
0x93: {  	_ =	strace s4  }
0x94: {  	s4 =	sld [smem:$0x3FFC];
	_ =	sdelay $0x3  }
0x95: {  	_ =	strace s4  }
0x96: {  	s4 =	sld [smem:$0x3FFD];
	_ =	sdelay $0x3  }
0x97: {  	_ =	strace s4  }
0x98: {  	_ =	strace $0x8FFFFFFF  }
0x99: {  	s19 =	sld [smem:$0x3FDB];
	_ =	sdelay $0x1  }
0x9a: {  	s5 =	simm.s32 $_scs_section_size  }
0x9b: {  	s6 =	simm.s32 $_size__tile_overlayer_lowered;
	s7 =	simm.s32 $_tile_overlayer_lowered  }
0x9c: {  	s22 =	simm.s32 $0x1BFF;
	s21 =	sshll.u32 s7, $0x1;
	s4 =	sadd.s32 s5, s19  }
0x9d: {  	s8 =	simm.s32 $0x0;
	s20 =	sshll.u32 s6, $0x1;
	s6 =	sadd.s32 s21, s4  }
0x9e: {  	[timem:s8], [sflag:s22] =	dma.local [hbm:s6], s20  }
0x9f: {  	_ =	swait.ge [sflag:s22], s20  }
0xa0: {  	s5 =	ssub.s32 $0x0, s20;
	[sflag:s22] =	ssyncset.done $0x0  }
0xa1: {  	[sflag:s22] =	ssyncadd.s32 s5;
	_ =	sdelay $0x1  }
0xa2: {  	s23 =	simm.s32 $0x1B8B  }
0xa3: {  	_ =	swait.ge [sflag:s23], $0x1  }
0xa4: {  	[sflag:s23] =	ssyncset.done $0x0  }
0xa5: {  	s25 =	simm.s32 $0x1B8E;
	s24 =	sld [smem:$0x3FFE];
	[sflag:s23] =	ssyncadd.s32 $0xFFFFFFFF  }
0xa6: {  	s26 =	simm.s32 $execute0_lowered;
	[smem:$0x3FD2] =	sst s25  }
0xa7: {  	s6 =	sshll.u32 s26, $0x1;
	_ =	strace $0x80000046;
	[dreg:$0x1] =	wrdreg $0xFFFFFFFF  }
0xa8: {  	s28 =	simm.s32 $_size_execute0_lowered;
	s4 =	sadd.s32 s4, s6;
	[dreg:$0x0] =	wrdreg $0x0  }
0xa9: {  	s6 =	sshll.u32 s28, $0x1;
	[dreg:$0x2] =	wrdreg s4  }
0xaa: {  	[dreg:$0x3] =	wrdreg s6  }
0xab: {  	[dreg:$0x4] =	wrdreg $0xC0  }
0xac: {  	_ =	task [dreg:s8], $0x5FFFF  }
0xad: {  	[dreg:$0x1] =	wrdreg $0xFFFFFFFF  }
0xae: {  	[dreg:$0x0] =	wrdreg $0x60  }
0xaf: {  	[dreg:$0x2] =	wrdreg s2  }
0xb0: {  	[dreg:$0x3] =	wrdreg s24  }
0xb1: {  	[dreg:$0x4] =	wrdreg s18  }
0xb2: {  	[dreg:$0x5] =	wrdreg $0x10B800  }
0xb3: {  	[dreg:$0x6] =	wrdreg $0x1A7C00  }
0xb4: {  	[dreg:$0x7] =	wrdreg $0x9  }
0xb5: {  	_ =	task.clear_ibuf [dreg:s8], $0x8FFFF;
	_ =	strace $0x90000046  }
0xb6: {  	s29 =	simm.s32 $0x9;
	_ =	strace $0x80000048  }
0xb7: {  	_ =	swait.ge [sflag:s29], $0x1  }
0xb8: {  	[sflag:s29] =	ssyncadd.s32 $0xFFFFFFFF  }
0xb9: {  	_ =	strace $0x90000048  }
0xba: {  	_ =	sfence  }
0xbb: {  	s30 =	sld [smem:$0x0];
	_ =	sdelay $0x2  }
0xbc: {  	s31 =	sshll.u32 s1, $0xD;
	s1 =	sshrl.u32 s1, $0x2  }
0xbd: {  	s3 =	sand.u32 $0x4000, s31;
	s1 =	sadd.s32 s1, s30  }
0xbe: {  	s0 =	sor.u32 s3, s0;
	s1 =	sshll.u32 s1, $0x11  }
0xbf: {  	s0 =	sor.u32 s1, s0  }
0xc0: {  	s0 =	sadd.s32 $0x8F2B, s0  }
0xc1: {  	[sflag:s0] =	ssyncadd.remote.s32 $0x1  }
0xc2: {  	_ =	sfence.sel $0xFFFF  }
0xc3: {  	[dreg:$0x0] =	wrdreg $0xFFFFFFFF;
	(pc) =	sbr.abs _section_cstart, $3  }
0xc4: {  	[dreg:$0x1] =	wrdreg $0xFFFFFFFF  }
0xc5: {  	_ =	task.clear_ibuf [dreg:s8], $0x2FFFF;
	_ =	strace $0x9FFFFFFF  }
0xc6: {  	(tm) =	ssettm $0x7FFFFFFF  }
0xc7: {  	_ =	shalt  }
tec
execute0_lowered:
.L_overlay_start_1:
0x0: {  	(tag) =	ssettag $0x1  }
0x1: {  	s0 =	rddreg [dreg:$0x0]  }
0x2: {  	s3 =	rddreg [dreg:$0x1]  }
0x3: {  	s4 =	rddreg [dreg:$0x2]  }
0x4: {  	s1 =	rddreg [dreg:$0x3]  }
0x5: {  	s2 =	rddreg [dreg:$0x4]  }
0x6: {  	s5 =	simm.s32 $0x0;
	s7 =	srdreg.scid;
	s28 =	simm.s32 $0x6400  }
0x7: {  	s29 =	simm.s32 $0x50;
	[smem:$0x7FF] =	sst s5;
	s13 =	sadd.s32 $0xC200, s3  }
0x8: {  	s14 =	sadd.s32 $0x2400, s3;
	s5 =	stileid.u32;
	s6 =	sadd.s32 $0x16800, s3  }
0x9: {  	s9 =	sand.u32 $0x1, s7;
	s8 =	sadd.s32 $0x16200, s3;
	s12 =	sadd.s32 $0x16000, s3  }
0xa: {  	s3 =	sadd.s32 $0x17C00, s3;
	_ =	strace $0x80000047;
	[dreg:$0x9] =	wrdreg s6  }
0xb: {  	s21 =	sadd.s32 $0x9C000, s1;
	s10 =	smul.u32 $0x4E20, s5;
	[dreg:$0xb] =	wrdreg s8  }
0xc: {  	s24 =	sadd.s32 $0x27000, s2;
	[dreg:$0xc] =	wrdreg s12;
	s16 =	smul.u32 $0x9C00, s5  }
0xd: {  	s15 =	ssub.s32 $0x2, s9;
	s18 =	smul.u32 $0x9C400, s9;
	[dreg:$0x10] =	wrdreg s21  }
0xe: {  	s6 =	smov.u32 s13;
	s20 =	smul.u32 $0x2700, s5;
	[dreg:$0x13] =	wrdreg s24  }
0xf: {  	s17 =	sshll.u32 s9, $0x3;
	s22 =	smul.u32 $0x27100, s9;
	[dreg:$0x6] =	wrdreg s28  }
0x10: {  	p3 =	sne.s32 s5, $0xF;
	p1 =	sne.s32 s9, $0x0;
	p2 =	seq.s32 s9, $0x0  }
0x11: {  	s21 =	simm.s32 $0x2;
	s5 =	simm.s32 $0x0;
	s11 =	sshrl.u32 s15, $0x1  }
0x12: {  	[dreg:$0xa] =	wrdreg s10;
	s12 =	sshrl.u32 s10, $0x3;
	s8 =	ssub.s32 s15, s11  }
0x13: {  	s15 =	sadd.s32 s0, s17;
	s19 =	sadd.s32 s16, s1;
	s11 =	sadd.s32 s16, s18  }
0x14: {  	s23 =	sadd.s32 s20, s2;
	s0 =	sadd.s32 s20, s22;
	[dreg:$0xf] =	wrdreg s19  }
0x15: {  	s25 =	sshrl.u32 s22, $0x3;
	s10 =	sadd.s32 s13, s12;
	[dreg:$0x11] =	wrdreg s23  }
0x16: {  	s20 =	simm.s32 $0x1;
	s12 =	sadd.s32 s14, s12;
	[dreg:$0xd] =	wrdreg s10  }
0x17: {  	s11 =	sshrl.u32 s11, $0x3;
	s31 =	smax.u32 s8, $0x1;
	[dreg:$0xe] =	wrdreg s12  }
0x18: {  	s0 =	sshrl.u32 s0, $0x3;
	s11 =	sadd.s32 s4, s11;
	[dreg:$0x18] =	wrdreg s31  }
0x19: {  	s26 =	sadd.s32 s3, s25;
	s0 =	sadd.s32 s3, s0;
	[dreg:$0x12] =	wrdreg s11  }
0x1a: {  	s13 =	sshrl.u32 s18, $0x3;
	s30 =	sadd.s32 $0x4920, s26;
	[dreg:$0x14] =	wrdreg s0  }
0x1b: {  	s4 =	sadd.s32 s4, s13;
	[dreg:$0x16] =	wrdreg s30;
	s0 =	sadd.s32 $0x4E00, s26  }
0x1c: {  	s4 =	sadd.s32 $0x13800, s4;
	[dreg:$0x17] =	wrdreg s0;
	s0 =	simm.s32 @!p3 $0x0  }
0x1d: {  	s22 =	simm.s32 $0x4;
	[dreg:$0x15] =	wrdreg s4;
	s0 =	simm.s32 @p3 $0x1  }
0x1e: {  	s10 =	smov.u32 s14;
	s4 =	simm.s32 $0x5;
	[smem:$0x7FD] =	sst s0  }
.LBB2_1:
0x1f: {  	[dreg:$0x19] =	wrdreg s5  }
0x20: {  	s0 =	simm.s32 $0x0;
	s3 =	rddreg [dreg:$0xd]  }
0x21: {  	[tilespmem:s0], [sflag:$0x5] =	stream.linear.gather [hbm4b:s3+s0], $0xFA0, $0x38;
	[tilespmem:$0x1CED0] =	vst v63  }
0x22: {  	_ =	swait.ge [sflag:s4], $0xFA0  }
0x23: {  	[sflag:s4] =	ssyncset.done $0x0  }
0x24: {  	s25 =	simm.s32 $0x1F40;
	s24 =	rddreg [dreg:$0xe];
	[sflag:s4] =	ssyncadd.s32 $0xFFFFF060  }
0x25: {  	[tilespmem:s25], [sflag:$0x5] =	stream.linear.gather [hbm4b:s24+s0], $0xFA0, $0x38;
	[tilespmem:$0x1CED0] =	vst v63  }
0x26: {  	_ =	swait.ge [sflag:s4], $0xFA0  }
0x27: {  	[sflag:s4] =	ssyncset.done $0x0  }
0x28: {  	s26 =	simm.s32 $0x3E80;
	[sflag:s4] =	ssyncadd.s32 $0xFFFFF060  }
0x29: {  	[tilespmem:s26], [sflag:$0x1] =	stream.indirect.gather [hbm4b:s15+s29], $0x40, s0, s29, $0xb8;
	[tilespmem:$0x1CED0] =	vst v63  }
0x2a: {  	s28 =	simm.s32 $0x5280  }
0x2b: {  	[tilespmem:s28], [sflag:$0x1] =	stream.indirect.gather [hbm4b:s15+s29], $0x40, s29, s29, $0xb8;
	[tilespmem:$0x1CED0] =	vst v63  }
0x2c: {  	s30 =	simm.s32 $0xA0;
	s31 =	simm.s32 $0x6680  }
0x2d: {  	[tilespmem:s31], [sflag:$0x1] =	stream.indirect.gather [hbm4b:s15+s29], $0x40, s30, s29, $0xb8;
	[tilespmem:$0x1CED0] =	vst v63  }
0x2e: {  	s5 =	simm.s32 $0x7A80;
	s8 =	simm.s32 $0x140;
	s3 =	simm.s32 $0xF0  }
0x2f: {  	[tilespmem:s5], [sflag:$0x1] =	stream.indirect.gather [hbm4b:s15+s29], $0x40, s3, s29, $0xb8;
	[tilespmem:$0x1CED0] =	vst v63  }
0x30: {  	s11 =	simm.s32 $0x8E80;
	s12 =	simm.s32 $0x190;
	s13 =	simm.s32 $0xA280  }
0x31: {  	[tilespmem:s11], [sflag:$0x1] =	stream.indirect.gather [hbm4b:s15+s29], $0x40, s8, s29, $0xb8;
	[tilespmem:$0x1CED0] =	vst v63  }
0x32: {  	s14 =	simm.s32 $0x1E0;
	s16 =	simm.s32 $0xB680;
	s17 =	simm.s32 $0x230  }
0x33: {  	[tilespmem:s13], [sflag:$0x1] =	stream.indirect.gather [hbm4b:s15+s29], $0x40, s12, s29, $0xb8;
	[tilespmem:$0x1CED0] =	vst v63  }
0x34: {  	s18 =	simm.s32 $0xCA80;
	s19 =	simm.s32 $0x280;
	s23 =	simm.s32 $0xDE80  }
0x35: {  	[tilespmem:s16], [sflag:$0x1] =	stream.indirect.gather [hbm4b:s15+s29], $0x40, s14, s29, $0xb8;
	[tilespmem:$0x1CED0] =	vst v63  }
0x36: {  	s24 =	simm.s32 $0x2D0;
	s26 =	stileid.u32;
	s30 =	rddreg [dreg:$0xf]  }
0x37: {  	[tilespmem:s18], [sflag:$0x1] =	stream.indirect.gather [hbm4b:s15+s29], $0x40, s17, s29, $0xb8;
	[tilespmem:$0x1CED0] =	vst v63  }
0x38: {  	s0 =	rddreg [dreg:$0x9];
	s28 =	sshll.u32 s26, $0x6;
	s31 =	sshrl.u32 s30, $0x3  }
0x39: {  	[tilespmem:s23], [sflag:$0x1] =	stream.indirect.gather [hbm4b:s15+s29], $0x40, s19, s29, $0xb8;
	[tilespmem:$0x1CED0] =	vst v63  }
0x3a: {  	s25 =	simm.s32 $0xF280;
	[dreg:$0x1b] =	wrdreg s31;
	s13 =	sor.u32 $0x1C05, s28  }
0x3b: {  	[tilespmem:s25], [sflag:$0x1] =	stream.indirect.gather [hbm4b:s15+s29], $0x40, s24, s29, $0xb8;
	[tilespmem:$0x1CED0] =	vst v63  }
0x3c: {  	[spmem:s31], [sflag:s13] =	dma.local [hbm:s0], $0x1380  }
0x3d: {  	_ =	swait.ge [sflag:s4], $0x1380  }
0x3e: {  	s3 =	simm.s32 @p3 $0x0;
	[sflag:s4] =	ssyncset.done $0x0  }
0x3f: {  	s8 =	simm.s32 @p3 $0x10680;
	s5 =	rddreg [dreg:$0xc];
	[sflag:s4] =	ssyncadd.s32 $0xFFFFEC80  }
0x40: {  	[tilespmem:s8], [sflag:$0x5] =	stream.linear.gather @p3 [hbm4b:s5+s3], $0x500, $0x38;
	[tilespmem:$0x1CED0] =	vst v63  }
0x41: {  	s3 =	simm.s32 @p3 $0x5  }
0x42: {  	_ =	swait.ge @p3 [sflag:s3], $0x500  }
0x43: {  	s12 =	rddreg [dreg:$0x11]  }
0x44: {  	[sflag:s3] =	ssyncset.done @p3 $0x0;
	s4 =	rddreg [dreg:$0xb];
	s8 =	sshrl.u32 @p3 s12, $0x3  }
0x45: {  	[sflag:s3] =	ssyncadd.s32 @p3 $0xFFFFFB00;
	[dreg:$0x1c] =	wrdreg s8  }
0x46: {  	[spmem:s8], [sflag:s13] =	dma.local @p3 [hbm:s4], $0x4E0  }
0x47: {  	_ =	swait.ge @p3 [sflag:s3], $0x4E0  }
0x48: {  	[sflag:s3] =	ssyncset.done @p3 $0x0  }
0x49: {  	[sflag:s3] =	ssyncadd.s32 @p3 $0xFFFFFB20;
	s3 =	rddreg [dreg:$0x10]  }
0x4a: {  	s3 =	sshrl.u32 @!p3 s3, $0x3  }
0x4b: {  	[dreg:$0x1d] =	wrdreg s3  }
0x4c: {  	[spmem:s3], [sflag:s13] =	dma.local @!p3 [hbm:s0], $0x80  }
0x4d: {  	s3 =	simm.s32 @!p3 $0x5  }
0x4e: {  	_ =	swait.ge @!p3 [sflag:s3], $0x80  }
0x4f: {  	[sflag:s3] =	ssyncset.done @!p3 $0x0  }
0x50: {  	s11 =	simm.s32 @!p3 $0x10680;
	s8 =	simm.s32 @!p3 $0x0;
	[sflag:s3] =	ssyncadd.s32 @!p3 $0xFFFFFF80  }
0x51: {  	[tilespmem:s11], [sflag:$0x5] =	stream.linear.gather @!p3 [hbm4b:s5+s8], $0x500, $0x38;
	[tilespmem:$0x1CED0] =	vst v63  }
0x52: {  	_ =	swait.ge @!p3 [sflag:s3], $0x500  }
0x53: {  	s0 =	sshrl.u32 @!p3 s12, $0x3;
	[sflag:s3] =	ssyncset.done @!p3 $0x0  }
0x54: {  	[dreg:$0x1e] =	wrdreg s0;
	[sflag:s3] =	ssyncadd.s32 @!p3 $0xFFFFFB00  }
0x55: {  	[spmem:s0], [sflag:s13] =	dma.local @!p3 [hbm:s4], $0x4E0  }
0x56: {  	_ =	swait.ge @!p3 [sflag:s3], $0x4E0  }
0x57: {  	s0 =	rddreg [dreg:$0x13]  }
0x58: {  	[dreg:$0x1a] =	wrdreg s13;
	[sflag:s3] =	ssyncset.done @!p3 $0x0;
	s0 =	sshrl.u32 @!p3 s0, $0x3  }
0x59: {  	[sflag:s3] =	ssyncadd.s32 @!p3 $0xFFFFFB20;
	[dreg:$0x1f] =	wrdreg s0  }
0x5a: {  	[spmem:s0], [sflag:s13] =	dma.local @!p3 [hbm:s4], $0x20  }
0x5b: {  	_ =	swait.ge @!p3 [sflag:s3], $0x20  }
0x5c: {  	[sflag:s3] =	ssyncset.done @!p3 $0x0  }
0x5d: {  	[sflag:s3] =	ssyncadd.s32 @!p3 $0xFFFFFFE0  }
0x5e: {  	s11 =	simm.s32 $0x0;
	p3 =	por $0x0, $0x0;
	[bflag:$0x0] =	sbarrier.arrive $0xFFFF  }
.LBB2_2:
0x5f: {  	s3 =	simm.s32 $0x1;
	s25 =	sadd.s32 $0x1, s11;
	p4 =	seq.s32 s11, $0x4  }
0x60: {  	s3 =	simm.s32 @!p3 $0x0;
	s8 =	smul.u32 @!p4 $0xFA0, s25  }
0x61: {  	s3 =	smul.u32 $0x3E80, s3  }
0x62: {  	s0 =	rddreg [dreg:$0xa];
	s12 =	sand.u32 @!p4 $0x1, s25  }
0x63: {  	p0 =	seq.s32 @!p4 s12, $0x1;
	s18 =	sshrl.u32 s3, $0x2;
	s3 =	sadd.s32 @!p4 s0, s8  }
0x64: {  	p0 =	por !p0, p4;
	s8 =	simm.s32 @!p4 $0xFA0;
	s12 =	sshrl.u32 @!p4 s3, $0x3  }
0x65: {  	s23 =	simm.s32 @!p4 $0x0;
	s8 =	simm.s32 @p0 $0x0;
	s3 =	sadd.s32 @!p4 s6, s12  }
0x66: {  	[tilespmem:s8], [sflag:$0x3] =	stream.linear.gather @!p4 [hbm4b:s3+s23], $0xFA0, $0x38;
	[tilespmem:$0x1CED0] =	vst v63  }
0x67: {  	s12 =	sadd.s32 @!p4 s10, s12;
	s3 =	sand.u32 $0x1, s11;
	s8 =	sadd.s32 @!p4 $0x1F40, s8  }
0x68: {  	[tilespmem:s8], [sflag:$0x3] =	stream.linear.gather @!p4 [hbm4b:s12+s23], $0xFA0, $0x38;
	[tilespmem:$0x1CED0] =	vst v63  }
0x69: {  	s31 =	sadd.s32 $0x1F40, s18;
	p0 =	seq.s32 s3, $0x1;
	s12 =	simm.s32 $0xFA0  }
0x6a: {  	[dreg:$0x7] =	wrdreg s31;
	s12 =	simm.s32 @!p0 $0x0  }
0x6b: {  	[dreg:$0x8] =	wrdreg s12  }
0x6c: {  	s12 =	simm.s32 $0x0;
	_ =	swait.ge [sflag:s20], $0x6400  }
0x6d: {  	s0 =	sand.u32 $0x1, s12;
	s8 =	rddreg [dreg:$0x6]  }
0x6e: {  	s13 =	sxor.u32 s7, s12;
	s4 =	rddreg [dreg:$0x7];
	p0 =	seq.s32 s0, $0x1  }
0x6f: {  	[sflag:s20] =	ssyncset.done $0x0;
	p5 =	sne.s32 s0, s9;
	s8 =	simm.s32 @!p0 $0x0  }
0x70: {  	[sflag:s20] =	ssyncadd.s32 $0xFFFF9C00;
	s24 =	sadd.s32 $0x0, s4;
	s5 =	sadd.s32 $0x3E80, s8  }
0x71: {  	[spmem:s1] =	stream.indirect.scatter.add.f32 [tilespmem:s5], [sflag:$0x2], $0x40, s24, s29, $0xb8;
	[tilespmem:$0x1CED0] =	vst v63  }
0x72: {  	s23 =	sand.u32 $0x1, s13;
	s26 =	simm.s32 @!p5 $0x50;
	s30 =	simm.s32 @!p5 $0x10680  }
0x73: {  	[spmem:s2] =	stream.indirect.scatter.add.f32 @!p5 [tilespmem:s30], [sflag:$0x4], $0x10, s24, s26, $0xb8;
	[tilespmem:$0x1CED0] =	vst v63  }
0x74: {  	p0 =	seq.s32 s23, $0x0;
	s31 =	sadd.s32 $0x5280, s8;
	s28 =	sadd.s32 $0x50, s24  }
0x75: {  	[spmem:s1] =	stream.indirect.scatter.add.f32 [tilespmem:s31], [sflag:$0x2], $0x40, s28, s29, $0xb8;
	[tilespmem:$0x1CED0] =	vst v63  }
0x76: {  	s23 =	simm.s32 @!p0 $0x50;
	s0 =	simm.s32 @!p0 $0x10680  }
0x77: {  	[spmem:s2] =	stream.indirect.scatter.add.f32 @!p0 [tilespmem:s0], [sflag:$0x4], $0x10, s28, s23, $0xb8;
	[tilespmem:$0x1CED0] =	vst v63  }
0x78: {  	s14 =	sadd.s32 $0x6680, s8;
	s4 =	sadd.s32 $0xA0, s24  }
0x79: {  	[spmem:s1] =	stream.indirect.scatter.add.f32 [tilespmem:s14], [sflag:$0x2], $0x40, s4, s29, $0xb8;
	[tilespmem:$0x1CED0] =	vst v63  }
0x7a: {  	_ = 	snop  }
0x7b: {  	[spmem:s2] =	stream.indirect.scatter.add.f32 @!p5 [tilespmem:s30], [sflag:$0x4], $0x10, s4, s26, $0xb8;
	[tilespmem:$0x1CED0] =	vst v63  }
0x7c: {  	s16 =	sadd.s32 $0x7A80, s8;
	s13 =	sadd.s32 $0xF0, s24  }
0x7d: {  	[spmem:s1] =	stream.indirect.scatter.add.f32 [tilespmem:s16], [sflag:$0x2], $0x40, s13, s29, $0xb8;
	[tilespmem:$0x1CED0] =	vst v63  }
0x7e: {  	_ = 	snop  }
0x7f: {  	[spmem:s2] =	stream.indirect.scatter.add.f32 @!p0 [tilespmem:s0], [sflag:$0x4], $0x10, s13, s23, $0xb8;
	[tilespmem:$0x1CED0] =	vst v63  }
0x80: {  	s23 =	sadd.s32 $0x8E80, s8;
	s0 =	sadd.s32 $0x140, s24  }
0x81: {  	[spmem:s1] =	stream.indirect.scatter.add.f32 [tilespmem:s23], [sflag:$0x2], $0x40, s0, s29, $0xb8;
	[tilespmem:$0x1CED0] =	vst v63  }
0x82: {  	_ = 	snop  }
0x83: {  	[spmem:s2] =	stream.indirect.scatter.add.f32 @!p5 [tilespmem:s30], [sflag:$0x4], $0x10, s0, s26, $0xb8;
	[tilespmem:$0x1CED0] =	vst v63  }
0x84: {  	_ =	swait.ge [sflag:s21], $0x6400  }
0x85: {  	s17 =	rddreg [dreg:$0x8]  }
0x86: {  	[sflag:s21] =	ssyncset.done $0x0;
	s0 =	sadd.s32 $0x0, s17  }
0x87: {  	[sflag:s21] =	ssyncadd.s32 $0xFFFF9C00;
	s19 =	sadd.s32 $0x320, s0  }
0x88: {  	[tilespmem:s5], [sflag:$0x1] =	stream.indirect.gather [hbm4b:s15+s29], $0x40, s19, s29, $0xb8;
	[tilespmem:$0x1CED0] =	vst v63  }
0x89: {  	s30 =	smul.u32 $0x3E80, s3;
	s24 =	sadd.s32 $0x370, s0  }
0x8a: {  	[tilespmem:s31], [sflag:$0x1] =	stream.indirect.gather [hbm4b:s15+s29], $0x40, s24, s29, $0xb8;
	[tilespmem:$0x1CED0] =	vst v63  }
0x8b: {  	s18 =	simm.s32 $0x640;
	s8 =	sshrl.u32 s30, $0x2;
	s26 =	sadd.s32 $0x3C0, s0  }
0x8c: {  	[tilespmem:s14], [sflag:$0x1] =	stream.indirect.gather [hbm4b:s15+s29], $0x40, s26, s29, $0xb8;
	[tilespmem:$0x1CED0] =	vst v63  }
0x8d: {  	s31 =	sadd.s32 $0x410, s0;
	s24 =	sadd.s32 $0x460, s0;
	s26 =	simm.s32 $0x0  }
0x8e: {  	[tilespmem:s16], [sflag:$0x1] =	stream.indirect.gather [hbm4b:s15+s29], $0x40, s31, s29, $0xb8;
	[tilespmem:$0x1CED0] =	vst v63  }
.LBB2_3:
0x8f: {  	s12 =	sadd.s32 $0x1, s12;
	s26 =	sadd.s32 $0x5, s26  }
0x90: {  	[tilespmem:s23], [sflag:$0x1] =	stream.indirect.gather [hbm4b:s15+s29], $0x40, s24, s29, $0xb8;
	[tilespmem:$0x1CED0] =	vst v63  }
0x91: {  	s0 =	smov.u32 s18;
	_ =	swait.ge [sflag:s20], $0x6400;
	s13 =	sand.u32 $0x1, s12  }
0x92: {  	s24 =	sshra.s32 s0, $0x2;
	s14 =	sand.u32 $0x1, s26;
	s4 =	rddreg [dreg:$0x6]  }
0x93: {  	s16 =	sxor.u32 s7, s26;
	s5 =	rddreg [dreg:$0x7];
	p0 =	seq.s32 s13, $0x1  }
0x94: {  	[sflag:s20] =	ssyncset.done $0x0;
	p6 =	sne.s32 s14, s9;
	s4 =	simm.s32 @!p0 $0x0  }
0x95: {  	[sflag:s20] =	ssyncadd.s32 $0xFFFF9C00;
	s13 =	sadd.s32 s24, s5;
	s0 =	sadd.s32 $0x3E80, s4  }
0x96: {  	[spmem:s1] =	stream.indirect.scatter.add.f32 [tilespmem:s0], [sflag:$0x2], $0x40, s13, s29, $0xb8;
	[tilespmem:$0x1CED0] =	vst v63  }
0x97: {  	s23 =	sand.u32 $0x1, s16;
	s28 =	simm.s32 @!p6 $0x50;
	s30 =	simm.s32 @!p6 $0x10680  }
0x98: {  	[spmem:s2] =	stream.indirect.scatter.add.f32 @!p6 [tilespmem:s30], [sflag:$0x4], $0x10, s13, s28, $0xb8;
	[tilespmem:$0x1CED0] =	vst v63  }
0x99: {  	p0 =	seq.s32 s23, $0x0;
	s31 =	sadd.s32 $0x5280, s4;
	s14 =	sadd.s32 $0x50, s13  }
0x9a: {  	[spmem:s1] =	stream.indirect.scatter.add.f32 [tilespmem:s31], [sflag:$0x2], $0x40, s14, s29, $0xb8;
	[tilespmem:$0x1CED0] =	vst v63  }
0x9b: {  	s16 =	simm.s32 @!p0 $0x50;
	s17 =	simm.s32 @!p0 $0x10680  }
0x9c: {  	[spmem:s2] =	stream.indirect.scatter.add.f32 @!p0 [tilespmem:s17], [sflag:$0x4], $0x10, s14, s16, $0xb8;
	[tilespmem:$0x1CED0] =	vst v63  }
0x9d: {  	s23 =	sadd.s32 $0xA0, s13;
	s14 =	sadd.s32 $0x6680, s4  }
0x9e: {  	[spmem:s1] =	stream.indirect.scatter.add.f32 [tilespmem:s14], [sflag:$0x2], $0x40, s23, s29, $0xb8;
	[tilespmem:$0x1CED0] =	vst v63  }
0x9f: {  	_ = 	snop  }
0xa0: {  	[spmem:s2] =	stream.indirect.scatter.add.f32 @!p6 [tilespmem:s30], [sflag:$0x4], $0x10, s23, s28, $0xb8;
	[tilespmem:$0x1CED0] =	vst v63  }
0xa1: {  	s19 =	sadd.s32 $0x7A80, s4;
	s5 =	sadd.s32 $0xF0, s13  }
0xa2: {  	[spmem:s1] =	stream.indirect.scatter.add.f32 [tilespmem:s19], [sflag:$0x2], $0x40, s5, s29, $0xb8;
	[tilespmem:$0x1CED0] =	vst v63  }
0xa3: {  	_ = 	snop  }
0xa4: {  	[spmem:s2] =	stream.indirect.scatter.add.f32 @!p0 [tilespmem:s17], [sflag:$0x4], $0x10, s5, s16, $0xb8;
	[tilespmem:$0x1CED0] =	vst v63  }
0xa5: {  	s23 =	sadd.s32 $0x8E80, s4;
	s4 =	sadd.s32 $0x140, s13  }
0xa6: {  	[spmem:s1] =	stream.indirect.scatter.add.f32 [tilespmem:s23], [sflag:$0x2], $0x40, s4, s29, $0xb8;
	[tilespmem:$0x1CED0] =	vst v63  }
0xa7: {  	_ = 	snop  }
0xa8: {  	[spmem:s2] =	stream.indirect.scatter.add.f32 @!p6 [tilespmem:s30], [sflag:$0x4], $0x10, s4, s28, $0xb8;
	[tilespmem:$0x1CED0] =	vst v63  }
0xa9: {  	_ =	swait.ge [sflag:s21], $0x6400  }
0xaa: {  	s17 =	rddreg [dreg:$0x8]  }
0xab: {  	[sflag:s21] =	ssyncset.done $0x0;
	s4 =	sadd.s32 s24, s17  }
0xac: {  	s18 =	sadd.s32 $0x640, s18;
	[sflag:s21] =	ssyncadd.s32 $0xFFFF9C00;
	s24 =	sadd.s32 $0x320, s4  }
0xad: {  	[tilespmem:s0], [sflag:$0x1] =	stream.indirect.gather [hbm4b:s15+s29], $0x40, s24, s29, $0xb8;
	[tilespmem:$0x1CED0] =	vst v63  }
0xae: {  	p5 =	sne.s32 s18, $0x3200;
	s28 =	sadd.s32 $0x370, s4  }
0xaf: {  	[tilespmem:s31], [sflag:$0x1] =	stream.indirect.gather [hbm4b:s15+s29], $0x40, s28, s29, $0xb8;
	[tilespmem:$0x1CED0] =	vst v63  }
.Ltmp0:
0xb0: {  	_ = 	snop;
	(pc) =	sbr.rel @p5 .LBB2_3-.Ltmp0, $4  }
0xb1: {  	s30 =	sadd.s32 $0x3C0, s4  }
0xb2: {  	[tilespmem:s14], [sflag:$0x1] =	stream.indirect.gather [hbm4b:s15+s29], $0x40, s30, s29, $0xb8;
	[tilespmem:$0x1CED0] =	vst v63  }
0xb3: {  	s24 =	sadd.s32 $0x460, s4;
	s31 =	sadd.s32 $0x410, s4  }
0xb4: {  	[tilespmem:s19], [sflag:$0x1] =	stream.indirect.gather [hbm4b:s15+s29], $0x40, s31, s29, $0xb8;
	[tilespmem:$0x1CED0] =	vst v63  }
0xb5: {  	[tilespmem:s23], [sflag:$0x1] =	stream.indirect.gather [hbm4b:s15+s29], $0x40, s24, s29, $0xb8;
	[tilespmem:$0x1CED0] =	vst v63  }
0xb6: {  	s0 =	simm.s32 @!p4 $0x3  }
0xb7: {  	_ =	swait.ge @!p4 [sflag:s0], $0xFA0  }
0xb8: {  	[sflag:s0] =	ssyncset.done @!p4 $0x0  }
0xb9: {  	[sflag:s0] =	ssyncadd.s32 @!p4 $0xFFFFF060  }
0xba: {  	_ =	swait.ge @!p4 [sflag:s0], $0xFA0  }
0xbb: {  	[sflag:s0] =	ssyncset.done @!p4 $0x0  }
0xbc: {  	[sflag:s0] =	ssyncadd.s32 @!p4 $0xFFFFF060  }
0xbd: {  	_ =	swait.ge [sflag:s20], $0x6400  }
0xbe: {  	[sflag:s20] =	ssyncset.done $0x0  }
0xbf: {  	s4 =	simm.s32 $0x3E80;
	s0 =	sadd.s32 $0x2BC0, s8;
	[sflag:s20] =	ssyncadd.s32 $0xFFFF9C00  }
0xc0: {  	[spmem:s1] =	stream.indirect.scatter.add.f32 [tilespmem:s4], [sflag:$0x2], $0x40, s0, s29, $0xb8;
	[tilespmem:$0x1CED0] =	vst v63  }
0xc1: {  	s5 =	simm.s32 @!p1 $0x10680;
	s4 =	simm.s32 @!p1 $0x50  }
0xc2: {  	[spmem:s2] =	stream.indirect.scatter.add.f32 @!p1 [tilespmem:s5], [sflag:$0x4], $0x10, s0, s4, $0xb8;
	[tilespmem:$0x1CED0] =	vst v63  }
0xc3: {  	s12 =	simm.s32 $0x5280;
	s0 =	sadd.s32 $0x2C10, s8  }
0xc4: {  	[spmem:s1] =	stream.indirect.scatter.add.f32 [tilespmem:s12], [sflag:$0x2], $0x40, s0, s29, $0xb8;
	[tilespmem:$0x1CED0] =	vst v63  }
0xc5: {  	s13 =	simm.s32 @!p2 $0x10680;
	s12 =	simm.s32 @!p2 $0x50  }
0xc6: {  	[spmem:s2] =	stream.indirect.scatter.add.f32 @!p2 [tilespmem:s13], [sflag:$0x4], $0x10, s0, s12, $0xb8;
	[tilespmem:$0x1CED0] =	vst v63  }
0xc7: {  	s14 =	simm.s32 $0x6680;
	s0 =	sadd.s32 $0x2C60, s8  }
0xc8: {  	[spmem:s1] =	stream.indirect.scatter.add.f32 [tilespmem:s14], [sflag:$0x2], $0x40, s0, s29, $0xb8;
	[tilespmem:$0x1CED0] =	vst v63  }
0xc9: {  	_ = 	snop  }
0xca: {  	[spmem:s2] =	stream.indirect.scatter.add.f32 @!p1 [tilespmem:s5], [sflag:$0x4], $0x10, s0, s4, $0xb8;
	[tilespmem:$0x1CED0] =	vst v63  }
0xcb: {  	s17 =	simm.s32 $0x7A80;
	s0 =	sadd.s32 $0x2CB0, s8  }
0xcc: {  	[spmem:s1] =	stream.indirect.scatter.add.f32 [tilespmem:s17], [sflag:$0x2], $0x40, s0, s29, $0xb8;
	[tilespmem:$0x1CED0] =	vst v63  }
0xcd: {  	_ = 	snop  }
0xce: {  	[spmem:s2] =	stream.indirect.scatter.add.f32 @!p2 [tilespmem:s13], [sflag:$0x4], $0x10, s0, s12, $0xb8;
	[tilespmem:$0x1CED0] =	vst v63  }
0xcf: {  	s18 =	sxor.u32 $0x1, s3;
	s3 =	sadd.s32 $0x2D00, s8;
	s19 =	simm.s32 $0x8E80  }
0xd0: {  	[spmem:s1] =	stream.indirect.scatter.add.f32 [tilespmem:s19], [sflag:$0x2], $0x40, s3, s29, $0xb8;
	[tilespmem:$0x1CED0] =	vst v63  }
0xd1: {  	_ = 	snop  }
0xd2: {  	[spmem:s2] =	stream.indirect.scatter.add.f32 @!p1 [tilespmem:s5], [sflag:$0x4], $0x10, s3, s4, $0xb8;
	[tilespmem:$0x1CED0] =	vst v63  }
0xd3: {  	p4 =	sgt.u32 s11, $0x3;
	s0 =	smul.u32 $0x3E80, s18;
	_ =	swait.ge [sflag:s21], $0x6400  }
0xd4: {  	s14 =	simm.s32 @!p4 $0x3E80;
	[sflag:s21] =	ssyncset.done $0x0  }
0xd5: {  	s0 =	sshrl.u32 s0, $0x2;
	s3 =	simm.s32 @!p4 $0x50;
	[sflag:s21] =	ssyncadd.s32 $0xFFFF9C00  }
0xd6: {  	[tilespmem:s14], [sflag:$0x1] =	stream.indirect.gather @!p4 [hbm4b:s15+s3], $0x40, s0, s3, $0xb8;
	[tilespmem:$0x1CED0] =	vst v63  }
0xd7: {  	s16 =	simm.s32 @!p4 $0x5280;
	s14 =	sadd.s32 @!p4 $0x50, s0  }
0xd8: {  	[tilespmem:s16], [sflag:$0x1] =	stream.indirect.gather @!p4 [hbm4b:s15+s3], $0x40, s14, s3, $0xb8;
	[tilespmem:$0x1CED0] =	vst v63  }
0xd9: {  	s14 =	sadd.s32 @!p4 $0xA0, s0;
	s16 =	simm.s32 @!p4 $0x6680  }
0xda: {  	[tilespmem:s16], [sflag:$0x1] =	stream.indirect.gather @!p4 [hbm4b:s15+s3], $0x40, s14, s3, $0xb8;
	[tilespmem:$0x1CED0] =	vst v63  }
0xdb: {  	s14 =	sadd.s32 @!p4 $0xF0, s0;
	s16 =	simm.s32 @!p4 $0x7A80  }
0xdc: {  	[tilespmem:s16], [sflag:$0x1] =	stream.indirect.gather @!p4 [hbm4b:s15+s3], $0x40, s14, s3, $0xb8;
	[tilespmem:$0x1CED0] =	vst v63  }
0xdd: {  	s14 =	sadd.s32 @!p4 $0x140, s0;
	s16 =	simm.s32 @!p4 $0x8E80  }
0xde: {  	[tilespmem:s16], [sflag:$0x1] =	stream.indirect.gather @!p4 [hbm4b:s15+s3], $0x40, s14, s3, $0xb8;
	[tilespmem:$0x1CED0] =	vst v63  }
0xdf: {  	_ =	swait.ge [sflag:s20], $0x6400  }
0xe0: {  	[sflag:s20] =	ssyncset.done $0x0  }
0xe1: {  	s23 =	simm.s32 $0xA280;
	s14 =	sadd.s32 $0x2D50, s8;
	[sflag:s20] =	ssyncadd.s32 $0xFFFF9C00  }
0xe2: {  	[spmem:s1] =	stream.indirect.scatter.add.f32 [tilespmem:s23], [sflag:$0x2], $0x40, s14, s29, $0xb8;
	[tilespmem:$0x1CED0] =	vst v63  }
0xe3: {  	_ = 	snop  }
0xe4: {  	[spmem:s2] =	stream.indirect.scatter.add.f32 @!p2 [tilespmem:s13], [sflag:$0x4], $0x10, s14, s12, $0xb8;
	[tilespmem:$0x1CED0] =	vst v63  }
0xe5: {  	s24 =	simm.s32 $0xB680;
	s14 =	sadd.s32 $0x2DA0, s8  }
0xe6: {  	[spmem:s1] =	stream.indirect.scatter.add.f32 [tilespmem:s24], [sflag:$0x2], $0x40, s14, s29, $0xb8;
	[tilespmem:$0x1CED0] =	vst v63  }
0xe7: {  	_ = 	snop  }
0xe8: {  	[spmem:s2] =	stream.indirect.scatter.add.f32 @!p1 [tilespmem:s5], [sflag:$0x4], $0x10, s14, s4, $0xb8;
	[tilespmem:$0x1CED0] =	vst v63  }
0xe9: {  	s26 =	simm.s32 $0xCA80;
	s14 =	sadd.s32 $0x2DF0, s8  }
0xea: {  	[spmem:s1] =	stream.indirect.scatter.add.f32 [tilespmem:s26], [sflag:$0x2], $0x40, s14, s29, $0xb8;
	[tilespmem:$0x1CED0] =	vst v63  }
0xeb: {  	_ = 	snop  }
0xec: {  	[spmem:s2] =	stream.indirect.scatter.add.f32 @!p2 [tilespmem:s13], [sflag:$0x4], $0x10, s14, s12, $0xb8;
	[tilespmem:$0x1CED0] =	vst v63  }
0xed: {  	s28 =	simm.s32 $0xDE80;
	s14 =	sadd.s32 $0x2E40, s8  }
0xee: {  	[spmem:s1] =	stream.indirect.scatter.add.f32 [tilespmem:s28], [sflag:$0x2], $0x40, s14, s29, $0xb8;
	[tilespmem:$0x1CED0] =	vst v63  }
0xef: {  	_ = 	snop  }
0xf0: {  	[spmem:s2] =	stream.indirect.scatter.add.f32 @!p1 [tilespmem:s5], [sflag:$0x4], $0x10, s14, s4, $0xb8;
	[tilespmem:$0x1CED0] =	vst v63  }
0xf1: {  	s30 =	simm.s32 $0xF280;
	s4 =	sadd.s32 $0x2E90, s8  }
0xf2: {  	[spmem:s1] =	stream.indirect.scatter.add.f32 [tilespmem:s30], [sflag:$0x2], $0x40, s4, s29, $0xb8;
	[tilespmem:$0x1CED0] =	vst v63  }
0xf3: {  	s31 =	smul.u32 $0x32, s11  }
0xf4: {  	[spmem:s2] =	stream.indirect.scatter.add.f32 @!p2 [tilespmem:s13], [sflag:$0x4], $0x10, s4, s12, $0xb8;
	[tilespmem:$0x1CED0] =	vst v63  }
0xf5: {  	s4 =	sadd.s32 $0x2D, s31;
	_ =	swait.ge [sflag:s21], $0x6400  }
0xf6: {  	s5 =	sadd.s32 @!p4 $0x190, s0;
	p0 =	seq.s32 @!p4 s4, $0xEF;
	[sflag:s21] =	ssyncset.done $0x0  }
0xf7: {  	s8 =	simm.s32 @!p4 $0xA280;
	p5 =	por p0, p4;
	[sflag:s21] =	ssyncadd.s32 $0xFFFF9C00  }
0xf8: {  	[tilespmem:s8], [sflag:$0x1] =	stream.indirect.gather @!p4 [hbm4b:s15+s3], $0x40, s5, s3, $0xb8;
	[tilespmem:$0x1CED0] =	vst v63  }
0xf9: {  	s3 =	sadd.s32 @!p5 $0x1E0, s0;
	s5 =	simm.s32 @!p5 $0x50;
	s8 =	simm.s32 @!p5 $0xB680  }
0xfa: {  	[tilespmem:s8], [sflag:$0x1] =	stream.indirect.gather @!p5 [hbm4b:s15+s5], $0x40, s3, s5, $0xb8;
	[tilespmem:$0x1CED0] =	vst v63  }
0xfb: {  	s3 =	sadd.s32 @!p5 $0x230, s0;
	s8 =	simm.s32 @!p5 $0xCA80  }
0xfc: {  	[tilespmem:s8], [sflag:$0x1] =	stream.indirect.gather @!p5 [hbm4b:s15+s5], $0x40, s3, s5, $0xb8;
	[tilespmem:$0x1CED0] =	vst v63  }
0xfd: {  	p5 =	seq.s32 @!p5 s4, $0xED  }
0xfe: {  	p0 =	por @!p4 p5, p0  }
0xff: {  	p0 =	por p0, p4  }
0x100: {  	s3 =	sadd.s32 @!p0 $0x280, s0;
	s4 =	simm.s32 @!p0 $0x50;
	s5 =	simm.s32 @!p0 $0xDE80  }
0x101: {  	[tilespmem:s5], [sflag:$0x1] =	stream.indirect.gather @!p0 [hbm4b:s15+s4], $0x40, s3, s4, $0xb8;
	[tilespmem:$0x1CED0] =	vst v63  }
0x102: {  	s0 =	sadd.s32 @!p0 $0x2D0, s0;
	s3 =	simm.s32 @!p0 $0xF280  }
0x103: {  	[tilespmem:s3], [sflag:$0x1] =	stream.indirect.gather @!p0 [hbm4b:s15+s4], $0x40, s0, s4, $0xb8;
	[tilespmem:$0x1CED0] =	vst v63  }
0x104: {  	p0 =	sne.s32 s25, $0x5  }
.Ltmp1:
0x105: {  	_ = 	snop;
	(pc) =	sbr.rel @p0 .LBB2_2-.Ltmp1, $2  }
0x106: {  	_ =	sdelay $0x2  }
0x107: {  	p3 =	por !p3, !p3;
	s11 =	smov.u32 s25  }
0x108: {  	_ =	swait.ge [sflag:s22], $0x500  }
0x109: {  	s3 =	simm.s32 $0x7C;
	[sflag:s22] =	ssyncset.done $0x0;
	s5 =	rddreg [dreg:$0x19]  }
.LBB2_6:
0x10a: {  	p0 =	sne.s32 s3, $0x1;
	s3 =	sadd.s32 $0xFFFFFFFF, s3;
	[sflag:s22] =	ssyncadd.s32 $0xFFFFFB00  }
.Ltmp2:
0x10b: {  	(pc) =	sbr.rel @p0 .LBB2_6-.Ltmp2, $3  }
0x10c: {  	_ =	sdelay $0x1  }
0x10d: {  	_ =	swait.ge [sflag:s22], $0x500  }
0x10e: {  	[sflag:s22] =	ssyncset.done $0x0  }
0x10f: {  	[sflag:s22] =	ssyncadd.s32 $0xFFFFFB00  }
0x110: {  	[bflag:$0x0] =	sbarrier.arrive $0xFFFF  }
0x111: {  	s0 =	rddreg [dreg:$0x12]  }
0x112: {  	s8 =	rddreg [dreg:$0x1a]  }
0x113: {  	s4 =	simm.s32 $0x5;
	s3 =	rddreg [dreg:$0x1b]  }
0x114: {  	[hbm:s0], [sflag:s8] =	dma.local [spmem:s3], $0x1380  }
0x115: {  	_ =	swait.ge [sflag:s4], $0x1380  }
0x116: {  	s30 =	sld [smem:$0x7FD];
	_ =	sdelay $0x1  }
0x117: {  	[sflag:s4] =	ssyncset.done $0x0;
	s0 =	rddreg [dreg:$0x14]  }
0x118: {  	s3 =	rddreg [dreg:$0x1c];
	[sflag:s4] =	ssyncadd.s32 $0xFFFFEC80;
	p3 =	seq.s32 s30, $0x1  }
0x119: {  	[hbm:s0], [sflag:s8] =	dma.local @p3 [spmem:s3], $0x4E0  }
0x11a: {  	s0 =	simm.s32 @p3 $0x5  }
0x11b: {  	_ =	swait.ge @p3 [sflag:s0], $0x4E0  }
0x11c: {  	[sflag:s0] =	ssyncset.done @p3 $0x0;
	s3 =	rddreg [dreg:$0x1d]  }
0x11d: {  	[sflag:s0] =	ssyncadd.s32 @p3 $0xFFFFFB20;
	s0 =	rddreg [dreg:$0x15]  }
0x11e: {  	[hbm:s0], [sflag:s8] =	dma.local @!p3 [spmem:s3], $0x80  }
0x11f: {  	s0 =	simm.s32 @!p3 $0x5  }
0x120: {  	_ =	swait.ge @!p3 [sflag:s0], $0x80  }
0x121: {  	[sflag:s0] =	ssyncset.done @!p3 $0x0;
	s3 =	rddreg [dreg:$0x16]  }
0x122: {  	s11 =	rddreg [dreg:$0x1e];
	[sflag:s0] =	ssyncadd.s32 @!p3 $0xFFFFFF80  }
0x123: {  	[hbm:s3], [sflag:s8] =	dma.local @!p3 [spmem:s11], $0x4E0  }
0x124: {  	_ =	swait.ge @!p3 [sflag:s0], $0x4E0  }
0x125: {  	[sflag:s0] =	ssyncset.done @!p3 $0x0;
	s3 =	rddreg [dreg:$0x17]  }
0x126: {  	s11 =	rddreg [dreg:$0x1f];
	[sflag:s0] =	ssyncadd.s32 @!p3 $0xFFFFFB20  }
0x127: {  	[hbm:s3], [sflag:s8] =	dma.local @!p3 [spmem:s11], $0x20  }
0x128: {  	_ =	swait.ge @!p3 [sflag:s0], $0x20  }
0x129: {  	s5 =	sadd.s32 $0x1, s5;
	s31 =	rddreg [dreg:$0x18]  }
0x12a: {  	p0 =	sne.s32 s5, s31  }
.Ltmp3:
0x12b: {  	_ = 	snop;
	(pc) =	sbr.rel @p0 .LBB2_1-.Ltmp3, $3  }
0x12c: {  	_ =	sdelay $0x1  }
0x12d: {  	[sflag:s0] =	ssyncset.done @!p3 $0x0  }
0x12e: {  	[sflag:s0] =	ssyncadd.s32 @!p3 $0xFFFFFFE0  }
0x12f: {  	_ =	sfence.sel $0x180000  }
0x130: {  	[bflag:$0x0] =	sbarrier.arrive $0xFFFF  }
0x131: {  	_ =	strace $0x90000047  }
0x132: {  	s0 =	stileid.u32;
	[bflag:$0x2] =	sbarrier.arrive $0xFFFF  }
0x133: {  	p0 =	sne.s32 s0, $0x0;
	s0 =	rddreg [dreg:$0x5]  }
0x134: {  	s0 =	sadd.s32 @!p0 $0x100000, s0  }
0x135: {  	[sflag:s0] =	ssyncadd.tile.s32 @!p0 $0x1;
	_ =	shalt  }
.Lfunc_end2:
_tile_overlayer_lowered:
.L_overlay_start_2:
0x136: {  	(tag) =	ssettag $0x2  }
0x137: {  	s0 =	rddreg [dreg:$0x0];
	s2 =	stileid.u32  }
0x138: {  	s1 =	rddreg [dreg:$0x1];
	p0 =	sne.s32 s2, $0x0  }
0x139: {  	s3 =	rddreg [dreg:$0x2];
	[bflag:$0x3] =	sbarrier.arrive $0xFFFF;
	s2 =	simm.s32 @!p0 $0x1C05  }
0x13a: {  	[timem:s3], [sflag:s2] =	dma.local @!p0 [hbm:s0], s1  }
0x13b: {  	s0 =	simm.s32 @!p0 $0x5  }
0x13c: {  	_ =	swait.ge @!p0 [sflag:s0], s1  }
0x13d: {  	s1 =	ssub.s32 @!p0 $0x0, s1;
	[sflag:s0] =	ssyncset.done @!p0 $0x0  }
0x13e: {  	[sflag:s0] =	ssyncadd.s32 @!p0 s1  }
0x13f: {  	[bflag:$0x3] =	sbarrier.arrive $0xFFFF  }
0x140: {  	_ =	shalt  }

// kernel: kernel.9.cloned.1.call-start
scs
__scs_entry_jumppad:
0x0: {  	(pc) =	sbr.rel $0x88, $3  }
0x1: {  	(tag) =	ssettag $0x0;
	lr =	simm.s32 $0x1  }
0x2: {  	[smem:$0x3F99] =	sst lr;
	_ =	strace $0xD0000000  }
0x3: {  	_ = 	snop  }
0x4: {  	_ = 	snop  }
0x5: {  	_ = 	snop  }
0x6: {  	_ = 	snop  }
0x7: {  	_ = 	snop  }
__scs_overlays_trampoline_lowered:
0x8: {  	[smem:$0x3FA8] =	sst s0  }
0x9: {  	[smem:$0x3FA9] =	sst s1  }
0xa: {  	[smem:$0x3FAA] =	sst s2  }
0xb: {  	[smem:$0x3FAB] =	sst s3  }
0xc: {  	[smem:$0x3FAC] =	sst s4  }
0xd: {  	[smem:$0x3FAD] =	sst s5  }
0xe: {  	[smem:$0x3FAE] =	sst s6  }
0xf: {  	[smem:$0x3FAF] =	sst s7  }
0x10: {  	[smem:$0x3FB0] =	sst s8  }
0x11: {  	[smem:$0x3FB1] =	sst s9;
	s0 =	simm.s32 @!p0 $0x0  }
0x12: {  	s1 =	sld [smem:$0x3F97];
	s0 =	simm.s32 @p0 $0x1  }
0x13: {  	[smem:$0x3FB2] =	sst s0;
	s0 =	simm.s32 @!p1 $0x0  }
0x14: {  	s2 =	sld [smem:$0x3F96];
	s0 =	simm.s32 @p1 $0x1  }
0x15: {  	[smem:$0x3FB3] =	sst s0;
	s0 =	simm.s32 @!p2 $0x0  }
0x16: {  	s3 =	sld [smem:$0x3FDB];
	s0 =	simm.s32 @p2 $0x1  }
0x17: {  	s4 =	simm.s32 $0x1BF5;
	[smem:$0x3FB5] =	sst s0  }
0x18: {  	s0 =	sld [smem:$0x3F98];
	_ =	swait.ge [sflag:s4], $0x0  }
0x19: {  	s7 =	sld [smem:$0x3F99]  }
0x1a: {  	s8 =	sadd.s32 $0xFFFFE003, lr  }
0x1b: {  	s9 =	sadd.s32 $0xFFFFFEF7, lr;
	s5 =	simm.s32 $0xFFFFFFFF;
	p2 =	slt.u32 s8, $0xFFFFF086  }
0x1c: {  	p1 =	slt.u32 s9, $0xF7A;
	s5 =	simm.s32 @!p2 $0x0  }
0x1d: {  	s5 =	simm.s32 @p1 $0x1;
	p0 =	seq.s32 s7, s2  }
0x1e: {  	s7 =	smul.u32 @!p0 $0xF7A, s2;
	p2 =	seq.s32 @!p0 s5, $0x0  }
0x1f: {  	s9 =	smul.u32 $0xF7A, s1;
	s8 =	simm.s32 @!p0 $0x1BF5;
	p2 =	por !p2, p0  }
0x20: {  	[sflag:s8] =	ssyncset.s32 @!p0 $0xFFFFF086;
	s6 =	sadd.s32 @!p0 s3, s7;
	s7 =	simm.s32 @!p0 $0x108  }
0x21: {  	s3 =	sadd.s32 s3, s9;
	s6 =	sadd.s32 @!p0 $0x88, s6;
	s7 =	simm.s32 @p2 $0x1082  }
0x22: {  	[simem:s7], [sflag:s8] =	dma.local @!p0 [hbm:s6], $0xF7A  }
0x23: {  	s9 =	sor.u32 $0xD0000000, s2;
	s6 =	simm.s32 $0x108;
	_ =	swait.ge @!p0 [sflag:s8], $0x0  }
0x24: {  	s3 =	sadd.s32 $0x88, s3;
	s6 =	simm.s32 @!p1 $0x1082;
	[sflag:s4] =	ssyncset.s32 $0xFFFFF086  }
0x25: {  	[simem:s6], [sflag:s4] =	dma.local [hbm:s3], $0xF7A  }
0x26: {  	[smem:$0x3F99] =	sst s1;
	(tag) =	ssettag s2;
	_ =	strace s9  }
0x27: {  	s1 =	sld [smem:$0x3FA9]  }
0x28: {  	s2 =	sld [smem:$0x3FAA]  }
0x29: {  	s4 =	sld [smem:$0x3FAC]  }
0x2a: {  	p0 =	seq.s32 s5, $0x0;
	s5 =	sld [smem:$0x3FAD]  }
0x2b: {  	s6 =	sld [smem:$0x3FAE]  }
0x2c: {  	s7 =	sld [smem:$0x3FAF]  }
0x2d: {  	s3 =	simm.s32 $0x108;
	s8 =	sld [smem:$0x3FB0]  }
0x2e: {  	s3 =	simm.s32 @!p0 $0x1082;
	s9 =	sld [smem:$0x3FB1]  }
0x2f: {  	lr =	sadd.s32 s0, s3;
	s0 =	sld [smem:$0x3FA8]  }
0x30: {  	s3 =	sld [smem:$0x3FAB]  }
0x31: {  	[smem:$0x3FB4] =	sst s10  }
0x32: {  	s10 =	sld [smem:$0x3FB2];
	_ =	sdelay $0x3  }
0x33: {  	p0 =	seq.s32 s10, $0x1;
	s10 =	sld [smem:$0x3FB4];
	_ =	sdelay $0x3  }
0x34: {  	[smem:$0x3FB4] =	sst s10  }
0x35: {  	s10 =	sld [smem:$0x3FB3];
	_ =	sdelay $0x3  }
0x36: {  	p1 =	seq.s32 s10, $0x1;
	s10 =	sld [smem:$0x3FB4];
	_ =	sdelay $0x3  }
0x37: {  	[smem:$0x3FB4] =	sst s10  }
0x38: {  	s10 =	sld [smem:$0x3FB5]  }
0x39: {  	_ = 	snop;
	(pc) =	sbr.ind lr, $3  }
0x3a: {  	_ = 	snop  }
0x3b: {  	_ = 	snop  }
0x3c: {  	p2 =	seq.s32 s10, $0x1;
	s10 =	sld [smem:$0x3FB4]  }
0x3d: {  	_ =	shalt  }
0x3e: {  	_ =	shalt  }
0x3f: {  	_ =	shalt  }
0x40: {  	_ =	shalt  }
0x41: {  	_ =	shalt  }
0x42: {  	_ =	shalt  }
0x43: {  	_ =	shalt  }
0x44: {  	_ =	shalt  }
0x45: {  	_ =	shalt  }
0x46: {  	_ =	shalt  }
0x47: {  	_ =	shalt  }
0x48: {  	_ =	shalt  }
0x49: {  	_ =	shalt  }
0x4a: {  	_ =	shalt  }
0x4b: {  	_ =	shalt  }
0x4c: {  	_ =	shalt  }
0x4d: {  	_ =	shalt  }
0x4e: {  	_ =	shalt  }
0x4f: {  	_ =	shalt  }
0x50: {  	_ =	shalt  }
0x51: {  	_ =	shalt  }
0x52: {  	_ =	shalt  }
0x53: {  	_ =	shalt  }
0x54: {  	_ =	shalt  }
0x55: {  	_ =	shalt  }
0x56: {  	_ =	shalt  }
0x57: {  	_ =	shalt  }
0x58: {  	_ =	shalt  }
0x59: {  	_ =	shalt  }
0x5a: {  	_ =	shalt  }
0x5b: {  	_ =	shalt  }
0x5c: {  	_ =	shalt  }
0x5d: {  	_ =	shalt  }
0x5e: {  	_ =	shalt  }
0x5f: {  	_ =	shalt  }
0x60: {  	_ =	shalt  }
0x61: {  	_ =	shalt  }
0x62: {  	_ =	shalt  }
0x63: {  	_ =	shalt  }
0x64: {  	_ =	shalt  }
0x65: {  	_ =	shalt  }
0x66: {  	_ =	shalt  }
0x67: {  	_ =	shalt  }
0x68: {  	_ =	shalt  }
0x69: {  	_ =	shalt  }
0x6a: {  	_ =	shalt  }
0x6b: {  	_ =	shalt  }
0x6c: {  	_ =	shalt  }
0x6d: {  	_ =	shalt  }
0x6e: {  	_ =	shalt  }
0x6f: {  	_ =	shalt  }
0x70: {  	_ =	shalt  }
0x71: {  	_ =	shalt  }
0x72: {  	_ =	shalt  }
0x73: {  	_ =	shalt  }
0x74: {  	_ =	shalt  }
0x75: {  	_ =	shalt  }
0x76: {  	_ =	shalt  }
0x77: {  	_ =	shalt  }
0x78: {  	_ =	shalt  }
0x79: {  	_ =	shalt  }
0x7a: {  	_ =	shalt  }
0x7b: {  	_ =	shalt  }
0x7c: {  	_ =	shalt  }
0x7d: {  	_ =	shalt  }
0x7e: {  	_ =	shalt  }
0x7f: {  	_ =	shalt  }
0x80: {  	_ =	shalt  }
0x81: {  	_ =	shalt  }
0x82: {  	_ =	shalt  }
0x83: {  	_ =	shalt  }
0x84: {  	_ =	shalt  }
0x85: {  	_ =	shalt  }
0x86: {  	_ =	shalt  }
0x87: {  	_ =	shalt  }
.Lfunc_end0:
.L_simem_size_0:
called_computation.1_lowered:
.L_overlay_start_0:
0x88: {  	s2 =	sld [smem:$0x3FD9]  }
0x89: {  	s3 =	sld [smem:$0x3FFE];
	_ =	sdelay $0x1  }
0x8a: {  	s1 =	srdreg.scid  }
0x8b: {  	s0 =	sand.u32 $0x1, s1  }
0x8c: {  	s17 =	sshll.u32 s0, $0xA;
	s2 =	sadd.s32 s3, s2  }
0x8d: {  	s2 =	sadd.s32 s2, s17  }
0x8e: {  	[smem:$0x3FC0] =	sst s2  }
0x8f: {  	_ = 	snop  }
0x90: {  	s2 =	sld [smem:$0x3FD0];
	(tm) =	ssettm $0x1  }
0x91: {  	s18 =	sld [smem:$0x3FFB];
	_ =	sdelay $0x3  }
0x92: {  	_ =	strace s18  }
0x93: {  	s3 =	sld [smem:$0x3FFC];
	_ =	sdelay $0x3  }
0x94: {  	_ =	strace s3  }
0x95: {  	s3 =	sld [smem:$0x3FFD];
	_ =	sdelay $0x3  }
0x96: {  	_ =	strace s3  }
0x97: {  	_ =	strace $0x8FFFFFFF  }
0x98: {  	s19 =	sld [smem:$0x3FDB];
	_ =	sdelay $0x1  }
0x99: {  	s4 =	simm.s32 $_scs_section_size  }
0x9a: {  	s5 =	simm.s32 $_size__tile_overlayer_lowered;
	s6 =	simm.s32 $_tile_overlayer_lowered  }
0x9b: {  	s22 =	simm.s32 $0x1BFF;
	s21 =	sshll.u32 s6, $0x1;
	s3 =	sadd.s32 s4, s19  }
0x9c: {  	s7 =	simm.s32 $0x0;
	s20 =	sshll.u32 s5, $0x1;
	s5 =	sadd.s32 s21, s3  }
0x9d: {  	[timem:s7], [sflag:s22] =	dma.local [hbm:s5], s20  }
0x9e: {  	_ =	swait.ge [sflag:s22], s20  }
0x9f: {  	s4 =	ssub.s32 $0x0, s20;
	[sflag:s22] =	ssyncset.done $0x0  }
0xa0: {  	[sflag:s22] =	ssyncadd.s32 s4;
	_ =	sdelay $0x1  }
0xa1: {  	s23 =	simm.s32 $0x1B8B  }
0xa2: {  	_ =	swait.ge [sflag:s23], $0x1  }
0xa3: {  	[sflag:s23] =	ssyncset.done $0x0  }
0xa4: {  	s25 =	simm.s32 $0x1B8E;
	s24 =	sld [smem:$0x3FFE];
	[sflag:s23] =	ssyncadd.s32 $0xFFFFFFFF  }
0xa5: {  	s26 =	simm.s32 $execute0_lowered;
	[smem:$0x3FD2] =	sst s25  }
0xa6: {  	s5 =	sshll.u32 s26, $0x1;
	_ =	strace $0x80000049;
	[dreg:$0x1] =	wrdreg $0xFFFFFFFF  }
0xa7: {  	s28 =	simm.s32 $_size_execute0_lowered;
	s3 =	sadd.s32 s3, s5;
	[dreg:$0x0] =	wrdreg $0x0  }
0xa8: {  	s5 =	sshll.u32 s28, $0x1;
	[dreg:$0x2] =	wrdreg s3  }
0xa9: {  	[dreg:$0x3] =	wrdreg s5  }
0xaa: {  	[dreg:$0x4] =	wrdreg $0xC0  }
0xab: {  	_ =	task [dreg:s7], $0x5FFFF  }
0xac: {  	[dreg:$0x1] =	wrdreg $0xFFFFFFFF  }
0xad: {  	[dreg:$0x0] =	wrdreg $0x60  }
0xae: {  	[dreg:$0x2] =	wrdreg s2  }
0xaf: {  	[dreg:$0x3] =	wrdreg s24  }
0xb0: {  	[dreg:$0x4] =	wrdreg $0x106800  }
0xb1: {  	[dreg:$0x5] =	wrdreg $0x9  }
0xb2: {  	_ =	task.clear_ibuf [dreg:s7], $0x6FFFF;
	_ =	strace $0x90000049  }
0xb3: {  	s29 =	simm.s32 $0x9;
	_ =	strace $0x8000004B  }
0xb4: {  	_ =	swait.ge [sflag:s29], $0x1  }
0xb5: {  	[sflag:s29] =	ssyncadd.s32 $0xFFFFFFFF  }
0xb6: {  	_ =	strace $0x9000004B  }
0xb7: {  	_ =	sfence  }
0xb8: {  	s30 =	sld [smem:$0x0];
	_ =	sdelay $0x2  }
0xb9: {  	s31 =	sshll.u32 s1, $0xD;
	s1 =	sshrl.u32 s1, $0x2  }
0xba: {  	s3 =	sand.u32 $0x4000, s31;
	s1 =	sadd.s32 s1, s30  }
0xbb: {  	s0 =	sor.u32 s3, s0;
	s1 =	sshll.u32 s1, $0x11  }
0xbc: {  	s0 =	sor.u32 s1, s0  }
0xbd: {  	s0 =	sadd.s32 $0x8F2B, s0  }
0xbe: {  	[sflag:s0] =	ssyncadd.remote.s32 $0x1  }
0xbf: {  	_ =	sfence.sel $0xFFFF  }
0xc0: {  	[dreg:$0x0] =	wrdreg $0xFFFFFFFF;
	(pc) =	sbr.abs _section_cstart, $3  }
0xc1: {  	[dreg:$0x1] =	wrdreg $0xFFFFFFFF  }
0xc2: {  	_ =	task.clear_ibuf [dreg:s7], $0x2FFFF;
	_ =	strace $0x9FFFFFFF  }
0xc3: {  	(tm) =	ssettm $0x7FFFFFFF  }
tec
execute0_lowered:
.L_overlay_start_1:
0x0: {  	(tag) =	ssettag $0x1  }
0x1: {  	s0 =	rddreg [dreg:$0x0]  }
0x2: {  	s2 =	rddreg [dreg:$0x1]  }
0x3: {  	s1 =	rddreg [dreg:$0x2]  }
0x4: {  	s3 =	simm.s32 $0x0;
	s5 =	srdreg.scid;
	s12 =	stileid.u32  }
0x5: {  	s15 =	simm.s32 $0x50;
	s16 =	simm.s32 $0x3E80;
	s31 =	simm.s32 $0xFA0  }
0x6: {  	s28 =	simm.s32 $0xB680;
	s30 =	simm.s32 $0xCA80;
	[smem:$0x7FF] =	sst s3  }
0x7: {  	s17 =	sadd.s32 $0xC200, s2;
	s4 =	sadd.s32 $0x2400, s2;
	s18 =	smul.u32 $0x4E20, s12  }
0x8: {  	s6 =	sadd.s32 $0x16800, s2;
	s5 =	sand.u32 $0x1, s5;
	s8 =	smul.u32 $0x9C00, s12  }
0x9: {  	s2 =	sadd.s32 $0x65E00, s2;
	s11 =	smul.u32 $0x9C4, s12;
	s23 =	sadd.s32 $0x9C000, s1  }
0xa: {  	p0 =	sne.s32 s12, $0xF;
	_ =	strace $0x8000004A;
	[dreg:$0x7] =	wrdreg s6  }
0xb: {  	s7 =	ssub.s32 $0x2, s5;
	s10 =	smul.u32 $0x9C400, s5;
	[dreg:$0xb] =	wrdreg s23  }
0xc: {  	s5 =	sshll.u32 s5, $0x3;
	s23 =	simm.s32 $0x8E80;
	[dreg:$0x6] =	wrdreg s31  }
0xd: {  	s9 =	sshrl.u32 s7, $0x1;
	s6 =	sshrl.u32 s18, $0x3;
	s21 =	sadd.s32 s8, s1  }
0xe: {  	s24 =	sadd.s32 s11, s4;
	s3 =	sadd.s32 s11, s17;
	s18 =	simm.s32 $0xF280  }
0xf: {  	s9 =	ssub.s32 s7, s9;
	s19 =	sadd.s32 s17, s6;
	s6 =	sadd.s32 s4, s6  }
0x10: {  	s20 =	sadd.s32 s8, s10;
	s7 =	sadd.s32 s0, s5;
	[dreg:$0xa] =	wrdreg s21  }
0x11: {  	s25 =	sshrl.u32 s10, $0x3;
	s26 =	sadd.s32 $0x1F4, s3;
	s4 =	simm.s32 $0x4  }
0x12: {  	s17 =	simm.s32 $0x5280;
	s21 =	simm.s32 $0x7A80;
	[dreg:$0x8] =	wrdreg s19  }
0x13: {  	s5 =	simm.s32 $0x0;
	[dreg:$0x9] =	wrdreg s6;
	s22 =	sshrl.u32 s20, $0x3  }
0x14: {  	s29 =	smax.u32 s9, $0x1;
	[dreg:$0x5] =	wrdreg s26;
	s19 =	simm.s32 $0x6680  }
0x15: {  	s20 =	simm.s32 $0x1;
	s0 =	sadd.s32 s2, s22;
	[dreg:$0xe] =	wrdreg s29  }
0x16: {  	s2 =	sadd.s32 s2, s25;
	[dreg:$0xc] =	wrdreg s0;
	s0 =	sadd.s32 $0x1F4, s24  }
0x17: {  	s25 =	simm.s32 $0xA280;
	s2 =	sadd.s32 $0x13800, s2;
	[dreg:$0x4] =	wrdreg s0  }
0x18: {  	s22 =	simm.s32 $0x2;
	[dreg:$0xd] =	wrdreg s2;
	s0 =	simm.s32 $0xDE80  }
.LBB2_1:
0x19: {  	[dreg:$0xf] =	wrdreg s5  }
0x1a: {  	s3 =	simm.s32 $0x0;
	s2 =	rddreg [dreg:$0x8]  }
0x1b: {  	[tilespmem:s3], [sflag:$0x4] =	stream.linear.gather [hbm4b:s2+s3], $0xFA0, $0x38;
	[tilespmem:$0x1A2C0] =	vst v63  }
0x1c: {  	_ =	swait.ge [sflag:s4], $0xFA0  }
0x1d: {  	[sflag:s4] =	ssyncset.done $0x0  }
0x1e: {  	s8 =	simm.s32 $0x1F40;
	s6 =	rddreg [dreg:$0x9];
	[sflag:s4] =	ssyncadd.s32 $0xFFFFF060  }
0x1f: {  	[tilespmem:s8], [sflag:$0x4] =	stream.linear.gather [hbm4b:s6+s3], $0xFA0, $0x38;
	[tilespmem:$0x1A2C0] =	vst v63  }
0x20: {  	_ =	swait.ge [sflag:s4], $0xFA0  }
0x21: {  	[sflag:s4] =	ssyncset.done $0x0  }
0x22: {  	[sflag:s4] =	ssyncadd.s32 $0xFFFFF060  }
0x23: {  	[tilespmem:s16], [sflag:$0x1] =	stream.indirect.gather [hbm4b:s7+s15], $0x40, s3, s15, $0xb8;
	[tilespmem:$0x1A2C0] =	vst v63  }
0x24: {  	_ = 	snop  }
0x25: {  	[tilespmem:s17], [sflag:$0x1] =	stream.indirect.gather [hbm4b:s7+s15], $0x40, s15, s15, $0xb8;
	[tilespmem:$0x1A2C0] =	vst v63  }
0x26: {  	s9 =	simm.s32 $0xA0  }
0x27: {  	[tilespmem:s19], [sflag:$0x1] =	stream.indirect.gather [hbm4b:s7+s15], $0x40, s9, s15, $0xb8;
	[tilespmem:$0x1A2C0] =	vst v63  }
0x28: {  	s10 =	simm.s32 $0xF0  }
0x29: {  	[tilespmem:s21], [sflag:$0x1] =	stream.indirect.gather [hbm4b:s7+s15], $0x40, s10, s15, $0xb8;
	[tilespmem:$0x1A2C0] =	vst v63  }
0x2a: {  	s11 =	simm.s32 $0x140  }
0x2b: {  	[tilespmem:s23], [sflag:$0x1] =	stream.indirect.gather [hbm4b:s7+s15], $0x40, s11, s15, $0xb8;
	[tilespmem:$0x1A2C0] =	vst v63  }
0x2c: {  	s12 =	simm.s32 $0x190  }
0x2d: {  	[tilespmem:s25], [sflag:$0x1] =	stream.indirect.gather [hbm4b:s7+s15], $0x40, s12, s15, $0xb8;
	[tilespmem:$0x1A2C0] =	vst v63  }
0x2e: {  	s13 =	simm.s32 $0x1E0;
	s14 =	simm.s32 $0x230;
	s5 =	stileid.u32  }
0x2f: {  	[tilespmem:s28], [sflag:$0x1] =	stream.indirect.gather [hbm4b:s7+s15], $0x40, s13, s15, $0xb8;
	[tilespmem:$0x1A2C0] =	vst v63  }
0x30: {  	s24 =	simm.s32 $0x280;
	s2 =	sshll.u32 s5, $0x6;
	s6 =	rddreg [dreg:$0xa]  }
0x31: {  	[tilespmem:s30], [sflag:$0x1] =	stream.indirect.gather [hbm4b:s7+s15], $0x40, s14, s15, $0xb8;
	[tilespmem:$0x1A2C0] =	vst v63  }
0x32: {  	s5 =	sor.u32 $0x1C04, s2;
	s2 =	rddreg [dreg:$0x7];
	s6 =	sshrl.u32 s6, $0x3  }
0x33: {  	[tilespmem:s0], [sflag:$0x1] =	stream.indirect.gather [hbm4b:s7+s15], $0x40, s24, s15, $0xb8;
	[tilespmem:$0x1A2C0] =	vst v63  }
0x34: {  	s26 =	simm.s32 $0x2D0;
	[dreg:$0x11] =	wrdreg s6  }
0x35: {  	[tilespmem:s18], [sflag:$0x1] =	stream.indirect.gather [hbm4b:s7+s15], $0x40, s26, s15, $0xb8;
	[tilespmem:$0x1A2C0] =	vst v63  }
0x36: {  	[spmem:s6], [sflag:s5] =	dma.local [hbm:s2], $0x1380  }
0x37: {  	_ =	swait.ge [sflag:s4], $0x1380  }
0x38: {  	[sflag:s4] =	ssyncset.done $0x0  }
0x39: {  	[sflag:s4] =	ssyncadd.s32 $0xFFFFEC80;
	s4 =	rddreg [dreg:$0xb]  }
0x3a: {  	[dreg:$0x10] =	wrdreg s5;
	s4 =	sshrl.u32 @!p0 s4, $0x3  }
0x3b: {  	[dreg:$0x12] =	wrdreg s4  }
0x3c: {  	[spmem:s4], [sflag:s5] =	dma.local @!p0 [hbm:s2], $0x80  }
0x3d: {  	s2 =	simm.s32 @!p0 $0x4  }
0x3e: {  	_ =	swait.ge @!p0 [sflag:s2], $0x80  }
0x3f: {  	p1 =	por $0x0, $0x0;
	s14 =	simm.s32 $0x1;
	[sflag:s2] =	ssyncset.done @!p0 $0x0  }
0x40: {  	s3 =	sand.u32 $0x1, s3;
	[sflag:s2] =	ssyncadd.s32 @!p0 $0xFFFFFF80;
	s2 =	sand.u32 @!p1 $0x1, s14  }
0x41: {  	s6 =	simm.s32 @!p1 $0xFA0;
	[bflag:$0x0] =	sbarrier.arrive $0xFFFF;
	p2 =	seq.s32 @!p1 s2, $0x1  }
0x42: {  	s2 =	simm.s32 @!p1 $0x0;
	s4 =	rddreg [dreg:$0x5];
	p2 =	por !p2, p1  }
0x43: {  	s5 =	rddreg [dreg:$0x4];
	s6 =	simm.s32 @p2 $0x0;
	s4 =	sadd.s32 @!p1 $0x0, s4  }
0x44: {  	[tilespmem:s6], [sflag:$0x3] =	stream.linear.gather @!p1 [hbm4b:s4+s2], $0xFA0, $0x38;
	[tilespmem:$0x1A2C0] =	vst v63  }
0x45: {  	s8 =	smul.u32 $0x3E80, s3;
	s4 =	sadd.s32 @!p1 $0x1F40, s6;
	s6 =	sadd.s32 @!p1 $0x0, s5  }
0x46: {  	[tilespmem:s4], [sflag:$0x3] =	stream.linear.gather @!p1 [hbm4b:s6+s2], $0xFA0, $0x38;
	[tilespmem:$0x1A2C0] =	vst v63  }
0x47: {  	s5 =	rddreg [dreg:$0x6];
	_ =	swait.ge [sflag:s20], $0x6400  }
0x48: {  	s6 =	sshrl.u32 s8, $0x2;
	[sflag:s20] =	ssyncset.done $0x0  }
0x49: {  	s8 =	sadd.s32 $0x1F40, s6;
	[sflag:s20] =	ssyncadd.s32 $0xFFFF9C00  }
0x4a: {  	[spmem:s1] =	stream.indirect.scatter.add.f32 [tilespmem:s16], [sflag:$0x2], $0x40, s8, s15, $0xb8;
	[tilespmem:$0x1A2C0] =	vst v63  }
0x4b: {  	s9 =	sadd.s32 $0x1F90, s6  }
0x4c: {  	[spmem:s1] =	stream.indirect.scatter.add.f32 [tilespmem:s17], [sflag:$0x2], $0x40, s9, s15, $0xb8;
	[tilespmem:$0x1A2C0] =	vst v63  }
0x4d: {  	s10 =	sadd.s32 $0x1FE0, s6  }
0x4e: {  	[spmem:s1] =	stream.indirect.scatter.add.f32 [tilespmem:s19], [sflag:$0x2], $0x40, s10, s15, $0xb8;
	[tilespmem:$0x1A2C0] =	vst v63  }
0x4f: {  	s11 =	sadd.s32 $0x2030, s6  }
0x50: {  	[spmem:s1] =	stream.indirect.scatter.add.f32 [tilespmem:s21], [sflag:$0x2], $0x40, s11, s15, $0xb8;
	[tilespmem:$0x1A2C0] =	vst v63  }
0x51: {  	s12 =	sadd.s32 $0x2080, s6  }
0x52: {  	[spmem:s1] =	stream.indirect.scatter.add.f32 [tilespmem:s23], [sflag:$0x2], $0x40, s12, s15, $0xb8;
	[tilespmem:$0x1A2C0] =	vst v63  }
0x53: {  	p2 =	seq.s32 s3, $0x1;
	_ =	swait.ge [sflag:s22], $0x6400  }
0x54: {  	s5 =	simm.s32 @!p2 $0x0;
	[sflag:s22] =	ssyncset.done $0x0  }
0x55: {  	s13 =	sadd.s32 $0x320, s5;
	[sflag:s22] =	ssyncadd.s32 $0xFFFF9C00  }
0x56: {  	[tilespmem:s16], [sflag:$0x1] =	stream.indirect.gather [hbm4b:s7+s15], $0x40, s13, s15, $0xb8;
	[tilespmem:$0x1A2C0] =	vst v63  }
0x57: {  	s24 =	sadd.s32 $0x370, s5  }
0x58: {  	[tilespmem:s17], [sflag:$0x1] =	stream.indirect.gather [hbm4b:s7+s15], $0x40, s24, s15, $0xb8;
	[tilespmem:$0x1A2C0] =	vst v63  }
0x59: {  	s26 =	sadd.s32 $0x3C0, s5  }
0x5a: {  	[tilespmem:s19], [sflag:$0x1] =	stream.indirect.gather [hbm4b:s7+s15], $0x40, s26, s15, $0xb8;
	[tilespmem:$0x1A2C0] =	vst v63  }
0x5b: {  	s4 =	sadd.s32 $0x410, s5  }
0x5c: {  	[tilespmem:s21], [sflag:$0x1] =	stream.indirect.gather [hbm4b:s7+s15], $0x40, s4, s15, $0xb8;
	[tilespmem:$0x1A2C0] =	vst v63  }
0x5d: {  	s8 =	sadd.s32 $0x460, s5  }
0x5e: {  	[tilespmem:s23], [sflag:$0x1] =	stream.indirect.gather [hbm4b:s7+s15], $0x40, s8, s15, $0xb8;
	[tilespmem:$0x1A2C0] =	vst v63  }
0x5f: {  	_ =	swait.ge [sflag:s20], $0x6400  }
0x60: {  	[sflag:s20] =	ssyncset.done $0x0  }
0x61: {  	s9 =	sadd.s32 $0x20D0, s6;
	[sflag:s20] =	ssyncadd.s32 $0xFFFF9C00  }
0x62: {  	[spmem:s1] =	stream.indirect.scatter.add.f32 [tilespmem:s25], [sflag:$0x2], $0x40, s9, s15, $0xb8;
	[tilespmem:$0x1A2C0] =	vst v63  }
0x63: {  	s10 =	sadd.s32 $0x2120, s6  }
0x64: {  	[spmem:s1] =	stream.indirect.scatter.add.f32 [tilespmem:s28], [sflag:$0x2], $0x40, s10, s15, $0xb8;
	[tilespmem:$0x1A2C0] =	vst v63  }
0x65: {  	s11 =	sadd.s32 $0x2170, s6  }
0x66: {  	[spmem:s1] =	stream.indirect.scatter.add.f32 [tilespmem:s30], [sflag:$0x2], $0x40, s11, s15, $0xb8;
	[tilespmem:$0x1A2C0] =	vst v63  }
0x67: {  	s12 =	sadd.s32 $0x21C0, s6  }
0x68: {  	[spmem:s1] =	stream.indirect.scatter.add.f32 [tilespmem:s0], [sflag:$0x2], $0x40, s12, s15, $0xb8;
	[tilespmem:$0x1A2C0] =	vst v63  }
0x69: {  	s13 =	sadd.s32 $0x2210, s6  }
0x6a: {  	[spmem:s1] =	stream.indirect.scatter.add.f32 [tilespmem:s18], [sflag:$0x2], $0x40, s13, s15, $0xb8;
	[tilespmem:$0x1A2C0] =	vst v63  }
0x6b: {  	_ =	swait.ge [sflag:s22], $0x6400  }
0x6c: {  	[sflag:s22] =	ssyncset.done $0x0  }
0x6d: {  	s24 =	sadd.s32 $0x4B0, s5;
	[sflag:s22] =	ssyncadd.s32 $0xFFFF9C00  }
0x6e: {  	[tilespmem:s25], [sflag:$0x1] =	stream.indirect.gather [hbm4b:s7+s15], $0x40, s24, s15, $0xb8;
	[tilespmem:$0x1A2C0] =	vst v63  }
0x6f: {  	s26 =	sadd.s32 $0x500, s5  }
0x70: {  	[tilespmem:s28], [sflag:$0x1] =	stream.indirect.gather [hbm4b:s7+s15], $0x40, s26, s15, $0xb8;
	[tilespmem:$0x1A2C0] =	vst v63  }
0x71: {  	s4 =	sadd.s32 $0x550, s5  }
0x72: {  	[tilespmem:s30], [sflag:$0x1] =	stream.indirect.gather [hbm4b:s7+s15], $0x40, s4, s15, $0xb8;
	[tilespmem:$0x1A2C0] =	vst v63  }
0x73: {  	s8 =	sadd.s32 $0x5A0, s5  }
0x74: {  	[tilespmem:s0], [sflag:$0x1] =	stream.indirect.gather [hbm4b:s7+s15], $0x40, s8, s15, $0xb8;
	[tilespmem:$0x1A2C0] =	vst v63  }
0x75: {  	s9 =	sadd.s32 $0x5F0, s5  }
0x76: {  	[tilespmem:s18], [sflag:$0x1] =	stream.indirect.gather [hbm4b:s7+s15], $0x40, s9, s15, $0xb8;
	[tilespmem:$0x1A2C0] =	vst v63  }
0x77: {  	_ =	swait.ge [sflag:s20], $0x6400  }
0x78: {  	[sflag:s20] =	ssyncset.done $0x0  }
0x79: {  	s10 =	sadd.s32 $0x2260, s6;
	[sflag:s20] =	ssyncadd.s32 $0xFFFF9C00  }
0x7a: {  	[spmem:s1] =	stream.indirect.scatter.add.f32 [tilespmem:s16], [sflag:$0x2], $0x40, s10, s15, $0xb8;
	[tilespmem:$0x1A2C0] =	vst v63  }
0x7b: {  	s11 =	sadd.s32 $0x22B0, s6  }
0x7c: {  	[spmem:s1] =	stream.indirect.scatter.add.f32 [tilespmem:s17], [sflag:$0x2], $0x40, s11, s15, $0xb8;
	[tilespmem:$0x1A2C0] =	vst v63  }
0x7d: {  	s12 =	sadd.s32 $0x2300, s6  }
0x7e: {  	[spmem:s1] =	stream.indirect.scatter.add.f32 [tilespmem:s19], [sflag:$0x2], $0x40, s12, s15, $0xb8;
	[tilespmem:$0x1A2C0] =	vst v63  }
0x7f: {  	s13 =	sadd.s32 $0x2350, s6  }
0x80: {  	[spmem:s1] =	stream.indirect.scatter.add.f32 [tilespmem:s21], [sflag:$0x2], $0x40, s13, s15, $0xb8;
	[tilespmem:$0x1A2C0] =	vst v63  }
0x81: {  	s24 =	sadd.s32 $0x23A0, s6  }
0x82: {  	[spmem:s1] =	stream.indirect.scatter.add.f32 [tilespmem:s23], [sflag:$0x2], $0x40, s24, s15, $0xb8;
	[tilespmem:$0x1A2C0] =	vst v63  }
0x83: {  	_ =	swait.ge [sflag:s22], $0x6400  }
0x84: {  	[sflag:s22] =	ssyncset.done $0x0  }
0x85: {  	s26 =	sadd.s32 $0x640, s5;
	[sflag:s22] =	ssyncadd.s32 $0xFFFF9C00  }
0x86: {  	[tilespmem:s16], [sflag:$0x1] =	stream.indirect.gather [hbm4b:s7+s15], $0x40, s26, s15, $0xb8;
	[tilespmem:$0x1A2C0] =	vst v63  }
0x87: {  	s4 =	sadd.s32 $0x690, s5  }
0x88: {  	[tilespmem:s17], [sflag:$0x1] =	stream.indirect.gather [hbm4b:s7+s15], $0x40, s4, s15, $0xb8;
	[tilespmem:$0x1A2C0] =	vst v63  }
0x89: {  	s8 =	sadd.s32 $0x6E0, s5  }
0x8a: {  	[tilespmem:s19], [sflag:$0x1] =	stream.indirect.gather [hbm4b:s7+s15], $0x40, s8, s15, $0xb8;
	[tilespmem:$0x1A2C0] =	vst v63  }
0x8b: {  	s9 =	sadd.s32 $0x730, s5  }
0x8c: {  	[tilespmem:s21], [sflag:$0x1] =	stream.indirect.gather [hbm4b:s7+s15], $0x40, s9, s15, $0xb8;
	[tilespmem:$0x1A2C0] =	vst v63  }
0x8d: {  	s10 =	sadd.s32 $0x780, s5  }
0x8e: {  	[tilespmem:s23], [sflag:$0x1] =	stream.indirect.gather [hbm4b:s7+s15], $0x40, s10, s15, $0xb8;
	[tilespmem:$0x1A2C0] =	vst v63  }
0x8f: {  	_ =	swait.ge [sflag:s20], $0x6400  }
0x90: {  	[sflag:s20] =	ssyncset.done $0x0  }
0x91: {  	s11 =	sadd.s32 $0x23F0, s6;
	[sflag:s20] =	ssyncadd.s32 $0xFFFF9C00  }
0x92: {  	[spmem:s1] =	stream.indirect.scatter.add.f32 [tilespmem:s25], [sflag:$0x2], $0x40, s11, s15, $0xb8;
	[tilespmem:$0x1A2C0] =	vst v63  }
0x93: {  	s12 =	sadd.s32 $0x2440, s6  }
0x94: {  	[spmem:s1] =	stream.indirect.scatter.add.f32 [tilespmem:s28], [sflag:$0x2], $0x40, s12, s15, $0xb8;
	[tilespmem:$0x1A2C0] =	vst v63  }
0x95: {  	s13 =	sadd.s32 $0x2490, s6  }
0x96: {  	[spmem:s1] =	stream.indirect.scatter.add.f32 [tilespmem:s30], [sflag:$0x2], $0x40, s13, s15, $0xb8;
	[tilespmem:$0x1A2C0] =	vst v63  }
0x97: {  	s24 =	sadd.s32 $0x24E0, s6  }
0x98: {  	[spmem:s1] =	stream.indirect.scatter.add.f32 [tilespmem:s0], [sflag:$0x2], $0x40, s24, s15, $0xb8;
	[tilespmem:$0x1A2C0] =	vst v63  }
0x99: {  	s26 =	sadd.s32 $0x2530, s6  }
0x9a: {  	[spmem:s1] =	stream.indirect.scatter.add.f32 [tilespmem:s18], [sflag:$0x2], $0x40, s26, s15, $0xb8;
	[tilespmem:$0x1A2C0] =	vst v63  }
0x9b: {  	_ =	swait.ge [sflag:s22], $0x6400  }
0x9c: {  	[sflag:s22] =	ssyncset.done $0x0  }
0x9d: {  	s4 =	sadd.s32 $0x7D0, s5;
	[sflag:s22] =	ssyncadd.s32 $0xFFFF9C00  }
0x9e: {  	[tilespmem:s25], [sflag:$0x1] =	stream.indirect.gather [hbm4b:s7+s15], $0x40, s4, s15, $0xb8;
	[tilespmem:$0x1A2C0] =	vst v63  }
0x9f: {  	s8 =	sadd.s32 $0x820, s5  }
0xa0: {  	[tilespmem:s28], [sflag:$0x1] =	stream.indirect.gather [hbm4b:s7+s15], $0x40, s8, s15, $0xb8;
	[tilespmem:$0x1A2C0] =	vst v63  }
0xa1: {  	s9 =	sadd.s32 $0x870, s5  }
0xa2: {  	[tilespmem:s30], [sflag:$0x1] =	stream.indirect.gather [hbm4b:s7+s15], $0x40, s9, s15, $0xb8;
	[tilespmem:$0x1A2C0] =	vst v63  }
0xa3: {  	s10 =	sadd.s32 $0x8C0, s5  }
0xa4: {  	[tilespmem:s0], [sflag:$0x1] =	stream.indirect.gather [hbm4b:s7+s15], $0x40, s10, s15, $0xb8;
	[tilespmem:$0x1A2C0] =	vst v63  }
0xa5: {  	s11 =	sadd.s32 $0x910, s5  }
0xa6: {  	[tilespmem:s18], [sflag:$0x1] =	stream.indirect.gather [hbm4b:s7+s15], $0x40, s11, s15, $0xb8;
	[tilespmem:$0x1A2C0] =	vst v63  }
0xa7: {  	_ =	swait.ge [sflag:s20], $0x6400  }
0xa8: {  	[sflag:s20] =	ssyncset.done $0x0  }
0xa9: {  	s12 =	sadd.s32 $0x2580, s6;
	[sflag:s20] =	ssyncadd.s32 $0xFFFF9C00  }
0xaa: {  	[spmem:s1] =	stream.indirect.scatter.add.f32 [tilespmem:s16], [sflag:$0x2], $0x40, s12, s15, $0xb8;
	[tilespmem:$0x1A2C0] =	vst v63  }
0xab: {  	s13 =	sadd.s32 $0x25D0, s6  }
0xac: {  	[spmem:s1] =	stream.indirect.scatter.add.f32 [tilespmem:s17], [sflag:$0x2], $0x40, s13, s15, $0xb8;
	[tilespmem:$0x1A2C0] =	vst v63  }
0xad: {  	s24 =	sadd.s32 $0x2620, s6  }
0xae: {  	[spmem:s1] =	stream.indirect.scatter.add.f32 [tilespmem:s19], [sflag:$0x2], $0x40, s24, s15, $0xb8;
	[tilespmem:$0x1A2C0] =	vst v63  }
0xaf: {  	s26 =	sadd.s32 $0x2670, s6  }
0xb0: {  	[spmem:s1] =	stream.indirect.scatter.add.f32 [tilespmem:s21], [sflag:$0x2], $0x40, s26, s15, $0xb8;
	[tilespmem:$0x1A2C0] =	vst v63  }
0xb1: {  	s4 =	sadd.s32 $0x26C0, s6  }
0xb2: {  	[spmem:s1] =	stream.indirect.scatter.add.f32 [tilespmem:s23], [sflag:$0x2], $0x40, s4, s15, $0xb8;
	[tilespmem:$0x1A2C0] =	vst v63  }
0xb3: {  	_ =	swait.ge [sflag:s22], $0x6400  }
0xb4: {  	[sflag:s22] =	ssyncset.done $0x0  }
0xb5: {  	s8 =	sadd.s32 $0x960, s5;
	[sflag:s22] =	ssyncadd.s32 $0xFFFF9C00  }
0xb6: {  	[tilespmem:s16], [sflag:$0x1] =	stream.indirect.gather [hbm4b:s7+s15], $0x40, s8, s15, $0xb8;
	[tilespmem:$0x1A2C0] =	vst v63  }
0xb7: {  	s9 =	sadd.s32 $0x9B0, s5  }
0xb8: {  	[tilespmem:s17], [sflag:$0x1] =	stream.indirect.gather [hbm4b:s7+s15], $0x40, s9, s15, $0xb8;
	[tilespmem:$0x1A2C0] =	vst v63  }
0xb9: {  	s10 =	sadd.s32 $0xA00, s5  }
0xba: {  	[tilespmem:s19], [sflag:$0x1] =	stream.indirect.gather [hbm4b:s7+s15], $0x40, s10, s15, $0xb8;
	[tilespmem:$0x1A2C0] =	vst v63  }
0xbb: {  	s11 =	sadd.s32 $0xA50, s5  }
0xbc: {  	[tilespmem:s21], [sflag:$0x1] =	stream.indirect.gather [hbm4b:s7+s15], $0x40, s11, s15, $0xb8;
	[tilespmem:$0x1A2C0] =	vst v63  }
0xbd: {  	s12 =	sadd.s32 $0xAA0, s5  }
0xbe: {  	[tilespmem:s23], [sflag:$0x1] =	stream.indirect.gather [hbm4b:s7+s15], $0x40, s12, s15, $0xb8;
	[tilespmem:$0x1A2C0] =	vst v63  }
0xbf: {  	_ =	swait.ge [sflag:s20], $0x6400  }
0xc0: {  	[sflag:s20] =	ssyncset.done $0x0  }
0xc1: {  	s13 =	sadd.s32 $0x2710, s6;
	[sflag:s20] =	ssyncadd.s32 $0xFFFF9C00  }
0xc2: {  	[spmem:s1] =	stream.indirect.scatter.add.f32 [tilespmem:s25], [sflag:$0x2], $0x40, s13, s15, $0xb8;
	[tilespmem:$0x1A2C0] =	vst v63  }
0xc3: {  	s24 =	sadd.s32 $0x2760, s6  }
0xc4: {  	[spmem:s1] =	stream.indirect.scatter.add.f32 [tilespmem:s28], [sflag:$0x2], $0x40, s24, s15, $0xb8;
	[tilespmem:$0x1A2C0] =	vst v63  }
0xc5: {  	s26 =	sadd.s32 $0x27B0, s6  }
0xc6: {  	[spmem:s1] =	stream.indirect.scatter.add.f32 [tilespmem:s30], [sflag:$0x2], $0x40, s26, s15, $0xb8;
	[tilespmem:$0x1A2C0] =	vst v63  }
0xc7: {  	s4 =	sadd.s32 $0x2800, s6  }
0xc8: {  	[spmem:s1] =	stream.indirect.scatter.add.f32 [tilespmem:s0], [sflag:$0x2], $0x40, s4, s15, $0xb8;
	[tilespmem:$0x1A2C0] =	vst v63  }
0xc9: {  	s8 =	sadd.s32 $0x2850, s6  }
0xca: {  	[spmem:s1] =	stream.indirect.scatter.add.f32 [tilespmem:s18], [sflag:$0x2], $0x40, s8, s15, $0xb8;
	[tilespmem:$0x1A2C0] =	vst v63  }
0xcb: {  	_ =	swait.ge [sflag:s22], $0x6400  }
0xcc: {  	[sflag:s22] =	ssyncset.done $0x0  }
0xcd: {  	s9 =	sadd.s32 $0xAF0, s5;
	[sflag:s22] =	ssyncadd.s32 $0xFFFF9C00  }
0xce: {  	[tilespmem:s25], [sflag:$0x1] =	stream.indirect.gather [hbm4b:s7+s15], $0x40, s9, s15, $0xb8;
	[tilespmem:$0x1A2C0] =	vst v63  }
0xcf: {  	s10 =	sadd.s32 $0xB40, s5  }
0xd0: {  	[tilespmem:s28], [sflag:$0x1] =	stream.indirect.gather [hbm4b:s7+s15], $0x40, s10, s15, $0xb8;
	[tilespmem:$0x1A2C0] =	vst v63  }
0xd1: {  	s11 =	sadd.s32 $0xB90, s5  }
0xd2: {  	[tilespmem:s30], [sflag:$0x1] =	stream.indirect.gather [hbm4b:s7+s15], $0x40, s11, s15, $0xb8;
	[tilespmem:$0x1A2C0] =	vst v63  }
0xd3: {  	s12 =	sadd.s32 $0xBE0, s5  }
0xd4: {  	[tilespmem:s0], [sflag:$0x1] =	stream.indirect.gather [hbm4b:s7+s15], $0x40, s12, s15, $0xb8;
	[tilespmem:$0x1A2C0] =	vst v63  }
0xd5: {  	s13 =	sadd.s32 $0xC30, s5  }
0xd6: {  	[tilespmem:s18], [sflag:$0x1] =	stream.indirect.gather [hbm4b:s7+s15], $0x40, s13, s15, $0xb8;
	[tilespmem:$0x1A2C0] =	vst v63  }
0xd7: {  	_ =	swait.ge [sflag:s20], $0x6400  }
0xd8: {  	[sflag:s20] =	ssyncset.done $0x0  }
0xd9: {  	s24 =	sadd.s32 $0x28A0, s6;
	[sflag:s20] =	ssyncadd.s32 $0xFFFF9C00  }
0xda: {  	[spmem:s1] =	stream.indirect.scatter.add.f32 [tilespmem:s16], [sflag:$0x2], $0x40, s24, s15, $0xb8;
	[tilespmem:$0x1A2C0] =	vst v63  }
0xdb: {  	s26 =	sadd.s32 $0x28F0, s6  }
0xdc: {  	[spmem:s1] =	stream.indirect.scatter.add.f32 [tilespmem:s17], [sflag:$0x2], $0x40, s26, s15, $0xb8;
	[tilespmem:$0x1A2C0] =	vst v63  }
0xdd: {  	s4 =	sadd.s32 $0x2940, s6  }
0xde: {  	[spmem:s1] =	stream.indirect.scatter.add.f32 [tilespmem:s19], [sflag:$0x2], $0x40, s4, s15, $0xb8;
	[tilespmem:$0x1A2C0] =	vst v63  }
0xdf: {  	s8 =	sadd.s32 $0x2990, s6  }
0xe0: {  	[spmem:s1] =	stream.indirect.scatter.add.f32 [tilespmem:s21], [sflag:$0x2], $0x40, s8, s15, $0xb8;
	[tilespmem:$0x1A2C0] =	vst v63  }
0xe1: {  	s9 =	sadd.s32 $0x29E0, s6  }
0xe2: {  	[spmem:s1] =	stream.indirect.scatter.add.f32 [tilespmem:s23], [sflag:$0x2], $0x40, s9, s15, $0xb8;
	[tilespmem:$0x1A2C0] =	vst v63  }
0xe3: {  	_ =	swait.ge [sflag:s22], $0x6400  }
0xe4: {  	[sflag:s22] =	ssyncset.done $0x0  }
0xe5: {  	s10 =	sadd.s32 $0xC80, s5;
	[sflag:s22] =	ssyncadd.s32 $0xFFFF9C00  }
0xe6: {  	[tilespmem:s16], [sflag:$0x1] =	stream.indirect.gather [hbm4b:s7+s15], $0x40, s10, s15, $0xb8;
	[tilespmem:$0x1A2C0] =	vst v63  }
0xe7: {  	s11 =	sadd.s32 $0xCD0, s5  }
0xe8: {  	[tilespmem:s17], [sflag:$0x1] =	stream.indirect.gather [hbm4b:s7+s15], $0x40, s11, s15, $0xb8;
	[tilespmem:$0x1A2C0] =	vst v63  }
0xe9: {  	s12 =	sadd.s32 $0xD20, s5  }
0xea: {  	[tilespmem:s19], [sflag:$0x1] =	stream.indirect.gather [hbm4b:s7+s15], $0x40, s12, s15, $0xb8;
	[tilespmem:$0x1A2C0] =	vst v63  }
0xeb: {  	s13 =	sadd.s32 $0xD70, s5  }
0xec: {  	[tilespmem:s21], [sflag:$0x1] =	stream.indirect.gather [hbm4b:s7+s15], $0x40, s13, s15, $0xb8;
	[tilespmem:$0x1A2C0] =	vst v63  }
0xed: {  	s24 =	sadd.s32 $0xDC0, s5  }
0xee: {  	[tilespmem:s23], [sflag:$0x1] =	stream.indirect.gather [hbm4b:s7+s15], $0x40, s24, s15, $0xb8;
	[tilespmem:$0x1A2C0] =	vst v63  }
0xef: {  	_ =	swait.ge [sflag:s20], $0x6400  }
0xf0: {  	[sflag:s20] =	ssyncset.done $0x0  }
0xf1: {  	s26 =	sadd.s32 $0x2A30, s6;
	[sflag:s20] =	ssyncadd.s32 $0xFFFF9C00  }
0xf2: {  	[spmem:s1] =	stream.indirect.scatter.add.f32 [tilespmem:s25], [sflag:$0x2], $0x40, s26, s15, $0xb8;
	[tilespmem:$0x1A2C0] =	vst v63  }
0xf3: {  	s4 =	sadd.s32 $0x2A80, s6  }
0xf4: {  	[spmem:s1] =	stream.indirect.scatter.add.f32 [tilespmem:s28], [sflag:$0x2], $0x40, s4, s15, $0xb8;
	[tilespmem:$0x1A2C0] =	vst v63  }
0xf5: {  	s8 =	sadd.s32 $0x2AD0, s6  }
0xf6: {  	[spmem:s1] =	stream.indirect.scatter.add.f32 [tilespmem:s30], [sflag:$0x2], $0x40, s8, s15, $0xb8;
	[tilespmem:$0x1A2C0] =	vst v63  }
0xf7: {  	s9 =	sadd.s32 $0x2B20, s6  }
0xf8: {  	[spmem:s1] =	stream.indirect.scatter.add.f32 [tilespmem:s0], [sflag:$0x2], $0x40, s9, s15, $0xb8;
	[tilespmem:$0x1A2C0] =	vst v63  }
0xf9: {  	s10 =	sadd.s32 $0x2B70, s6  }
0xfa: {  	[spmem:s1] =	stream.indirect.scatter.add.f32 [tilespmem:s18], [sflag:$0x2], $0x40, s10, s15, $0xb8;
	[tilespmem:$0x1A2C0] =	vst v63  }
0xfb: {  	_ =	swait.ge [sflag:s22], $0x6400  }
0xfc: {  	[sflag:s22] =	ssyncset.done $0x0  }
0xfd: {  	s11 =	sadd.s32 $0xE10, s5;
	[sflag:s22] =	ssyncadd.s32 $0xFFFF9C00  }
0xfe: {  	[tilespmem:s25], [sflag:$0x1] =	stream.indirect.gather [hbm4b:s7+s15], $0x40, s11, s15, $0xb8;
	[tilespmem:$0x1A2C0] =	vst v63  }
0xff: {  	s12 =	sadd.s32 $0xE60, s5  }
0x100: {  	[tilespmem:s28], [sflag:$0x1] =	stream.indirect.gather [hbm4b:s7+s15], $0x40, s12, s15, $0xb8;
	[tilespmem:$0x1A2C0] =	vst v63  }
0x101: {  	s13 =	sadd.s32 $0xEB0, s5  }
0x102: {  	[tilespmem:s30], [sflag:$0x1] =	stream.indirect.gather [hbm4b:s7+s15], $0x40, s13, s15, $0xb8;
	[tilespmem:$0x1A2C0] =	vst v63  }
0x103: {  	s24 =	sadd.s32 $0xF00, s5  }
0x104: {  	[tilespmem:s0], [sflag:$0x1] =	stream.indirect.gather [hbm4b:s7+s15], $0x40, s24, s15, $0xb8;
	[tilespmem:$0x1A2C0] =	vst v63  }
0x105: {  	s26 =	sadd.s32 $0xF50, s5;
	s4 =	simm.s32 @!p1 $0x3  }
0x106: {  	[tilespmem:s18], [sflag:$0x1] =	stream.indirect.gather [hbm4b:s7+s15], $0x40, s26, s15, $0xb8;
	[tilespmem:$0x1A2C0] =	vst v63  }
0x107: {  	_ =	swait.ge @!p1 [sflag:s4], $0xFA0  }
0x108: {  	[sflag:s4] =	ssyncset.done @!p1 $0x0  }
0x109: {  	[sflag:s4] =	ssyncadd.s32 @!p1 $0xFFFFF060  }
0x10a: {  	_ =	swait.ge @!p1 [sflag:s4], $0xFA0  }
0x10b: {  	[sflag:s4] =	ssyncset.done @!p1 $0x0  }
0x10c: {  	[sflag:s4] =	ssyncadd.s32 @!p1 $0xFFFFF060  }
0x10d: {  	_ =	swait.ge [sflag:s20], $0x6400  }
0x10e: {  	[sflag:s20] =	ssyncset.done $0x0  }
0x10f: {  	s5 =	sadd.s32 $0x2BC0, s6;
	[sflag:s20] =	ssyncadd.s32 $0xFFFF9C00  }
0x110: {  	[spmem:s1] =	stream.indirect.scatter.add.f32 [tilespmem:s16], [sflag:$0x2], $0x40, s5, s15, $0xb8;
	[tilespmem:$0x1A2C0] =	vst v63  }
0x111: {  	s8 =	sadd.s32 $0x2C10, s6  }
0x112: {  	[spmem:s1] =	stream.indirect.scatter.add.f32 [tilespmem:s17], [sflag:$0x2], $0x40, s8, s15, $0xb8;
	[tilespmem:$0x1A2C0] =	vst v63  }
0x113: {  	s9 =	sadd.s32 $0x2C60, s6  }
0x114: {  	[spmem:s1] =	stream.indirect.scatter.add.f32 [tilespmem:s19], [sflag:$0x2], $0x40, s9, s15, $0xb8;
	[tilespmem:$0x1A2C0] =	vst v63  }
0x115: {  	s10 =	sxor.u32 $0x1, s3;
	s11 =	sadd.s32 $0x2CB0, s6  }
0x116: {  	[spmem:s1] =	stream.indirect.scatter.add.f32 [tilespmem:s21], [sflag:$0x2], $0x40, s11, s15, $0xb8;
	[tilespmem:$0x1A2C0] =	vst v63  }
0x117: {  	s2 =	smul.u32 $0x3E80, s10;
	s12 =	sadd.s32 $0x2D00, s6  }
0x118: {  	[spmem:s1] =	stream.indirect.scatter.add.f32 [tilespmem:s23], [sflag:$0x2], $0x40, s12, s15, $0xb8;
	[tilespmem:$0x1A2C0] =	vst v63  }
0x119: {  	_ =	swait.ge [sflag:s22], $0x6400  }
0x11a: {  	p3 =	por $0x0, $0x0;
	s10 =	sshrl.u32 s2, $0x2;
	[sflag:s22] =	ssyncset.done $0x0  }
0x11b: {  	s2 =	simm.s32 @!p3 $0x3E80;
	s12 =	simm.s32 @!p3 $0x50;
	[sflag:s22] =	ssyncadd.s32 $0xFFFF9C00  }
0x11c: {  	[tilespmem:s2], [sflag:$0x1] =	stream.indirect.gather @!p3 [hbm4b:s7+s12], $0x40, s10, s12, $0xb8;
	[tilespmem:$0x1A2C0] =	vst v63  }
0x11d: {  	s3 =	simm.s32 @!p3 $0x5280;
	s2 =	sadd.s32 @!p3 $0x50, s10  }
0x11e: {  	[tilespmem:s3], [sflag:$0x1] =	stream.indirect.gather @!p3 [hbm4b:s7+s12], $0x40, s2, s12, $0xb8;
	[tilespmem:$0x1A2C0] =	vst v63  }
0x11f: {  	s2 =	sadd.s32 @!p3 $0xA0, s10;
	s3 =	simm.s32 @!p3 $0x6680  }
0x120: {  	[tilespmem:s3], [sflag:$0x1] =	stream.indirect.gather @!p3 [hbm4b:s7+s12], $0x40, s2, s12, $0xb8;
	[tilespmem:$0x1A2C0] =	vst v63  }
0x121: {  	s2 =	sadd.s32 @!p3 $0xF0, s10;
	s3 =	simm.s32 @!p3 $0x7A80  }
0x122: {  	[tilespmem:s3], [sflag:$0x1] =	stream.indirect.gather @!p3 [hbm4b:s7+s12], $0x40, s2, s12, $0xb8;
	[tilespmem:$0x1A2C0] =	vst v63  }
0x123: {  	s2 =	sadd.s32 @!p3 $0x140, s10;
	s3 =	simm.s32 @!p3 $0x8E80  }
0x124: {  	[tilespmem:s3], [sflag:$0x1] =	stream.indirect.gather @!p3 [hbm4b:s7+s12], $0x40, s2, s12, $0xb8;
	[tilespmem:$0x1A2C0] =	vst v63  }
0x125: {  	_ =	swait.ge [sflag:s20], $0x6400  }
0x126: {  	s13 =	sadd.s32 $0x2D50, s6;
	p1 =	por @!p3 $0x0, $0x0;
	[sflag:s20] =	ssyncset.done $0x0  }
0x127: {  	s24 =	sadd.s32 $0x2DA0, s6;
	p4 =	por p1, p3;
	[sflag:s20] =	ssyncadd.s32 $0xFFFF9C00  }
0x128: {  	[spmem:s1] =	stream.indirect.scatter.add.f32 [tilespmem:s25], [sflag:$0x2], $0x40, s13, s15, $0xb8;
	[tilespmem:$0x1A2C0] =	vst v63  }
0x129: {  	s26 =	sadd.s32 $0x2DF0, s6;
	p2 =	por @!p4 $0x0, $0x0;
	s4 =	sadd.s32 @!p4 $0x230, s10  }
0x12a: {  	[spmem:s1] =	stream.indirect.scatter.add.f32 [tilespmem:s28], [sflag:$0x2], $0x40, s24, s15, $0xb8;
	[tilespmem:$0x1A2C0] =	vst v63  }
0x12b: {  	s29 =	simm.s32 @!p4 $0x50;
	s31 =	simm.s32 @!p4 $0xB680;
	p5 =	por @!p3 p2, p1  }
0x12c: {  	[spmem:s1] =	stream.indirect.scatter.add.f32 [tilespmem:s30], [sflag:$0x2], $0x40, s26, s15, $0xb8;
	[tilespmem:$0x1A2C0] =	vst v63  }
0x12d: {  	p1 =	por $0x0, $0x0;
	s5 =	simm.s32 $0x3E8;
	s8 =	sadd.s32 $0x2E40, s6  }
0x12e: {  	[spmem:s1] =	stream.indirect.scatter.add.f32 [tilespmem:s0], [sflag:$0x2], $0x40, s8, s15, $0xb8;
	[tilespmem:$0x1A2C0] =	vst v63  }
0x12f: {  	s6 =	sadd.s32 $0x2E90, s6;
	s9 =	simm.s32 @!p4 $0xCA80;
	s11 =	sand.u32 $0x1, s14  }
0x130: {  	[spmem:s1] =	stream.indirect.scatter.add.f32 [tilespmem:s18], [sflag:$0x2], $0x40, s6, s15, $0xb8;
	[tilespmem:$0x1A2C0] =	vst v63  }
0x131: {  	s3 =	simm.s32 $0x1F4;
	s2 =	sadd.s32 @!p4 $0x1E0, s10;
	_ =	swait.ge [sflag:s22], $0x6400  }
0x132: {  	s13 =	sadd.s32 @!p3 $0x190, s10;
	s6 =	simm.s32 $0x2;
	[sflag:s22] =	ssyncset.done $0x0  }
0x133: {  	s8 =	simm.s32 @!p3 $0xA280;
	s26 =	sand.u32 @!p1 $0x1, s6;
	[sflag:s22] =	ssyncadd.s32 $0xFFFF9C00  }
.LBB2_2:
0x134: {  	[tilespmem:s8], [sflag:$0x1] =	stream.indirect.gather @!p3 [hbm4b:s7+s12], $0x40, s13, s12, $0xb8;
	[tilespmem:$0x1A2C0] =	vst v63  }
0x135: {  	p2 =	seq.s32 @!p1 s26, $0x1;
	s12 =	simm.s32 @!p1 $0x0;
	s13 =	rddreg [dreg:$0x4]  }
0x136: {  	[tilespmem:s31], [sflag:$0x1] =	stream.indirect.gather @!p4 [hbm4b:s7+s29], $0x40, s2, s29, $0xb8;
	[tilespmem:$0x1A2C0] =	vst v63  }
0x137: {  	p6 =	por !p2, p1;
	p2 =	por p5, p3;
	s2 =	rddreg [dreg:$0x5]  }
0x138: {  	[tilespmem:s9], [sflag:$0x1] =	stream.indirect.gather @!p4 [hbm4b:s7+s29], $0x40, s4, s29, $0xb8;
	[tilespmem:$0x1A2C0] =	vst v63  }
0x139: {  	s26 =	sadd.s32 @!p2 $0x280, s10;
	s31 =	simm.s32 @!p2 $0xDE80;
	s9 =	simm.s32 @!p2 $0x50  }
0x13a: {  	[tilespmem:s31], [sflag:$0x1] =	stream.indirect.gather @!p2 [hbm4b:s7+s9], $0x40, s26, s9, $0xb8;
	[tilespmem:$0x1A2C0] =	vst v63  }
0x13b: {  	s24 =	sadd.s32 @!p2 $0x2D0, s10;
	s4 =	simm.s32 @!p1 $0xFA0;
	s29 =	simm.s32 @!p2 $0xF280  }
0x13c: {  	[tilespmem:s29], [sflag:$0x1] =	stream.indirect.gather @!p2 [hbm4b:s7+s9], $0x40, s24, s9, $0xb8;
	[tilespmem:$0x1A2C0] =	vst v63  }
0x13d: {  	s13 =	sadd.s32 @!p1 s3, s13;
	s2 =	sadd.s32 @!p1 s3, s2;
	s4 =	simm.s32 @p6 $0x0  }
0x13e: {  	[tilespmem:s4], [sflag:$0x3] =	stream.linear.gather @!p1 [hbm4b:s2+s12], $0xFA0, $0x38;
	[tilespmem:$0x1A2C0] =	vst v63  }
0x13f: {  	p3 =	seq.s32 s11, $0x1;
	s26 =	smul.u32 $0x3E80, s11;
	s24 =	sadd.s32 @!p1 $0x1F40, s4  }
0x140: {  	[tilespmem:s24], [sflag:$0x3] =	stream.linear.gather @!p1 [hbm4b:s13+s12], $0xFA0, $0x38;
	[tilespmem:$0x1A2C0] =	vst v63  }
0x141: {  	s10 =	sxor.u32 $0x1, s11;
	s11 =	rddreg [dreg:$0x6];
	_ =	swait.ge [sflag:s20], $0x6400  }
0x142: {  	s9 =	sshrl.u32 s26, $0x2;
	[sflag:s20] =	ssyncset.done $0x0  }
0x143: {  	s26 =	sadd.s32 $0x1F40, s9;
	[sflag:s20] =	ssyncadd.s32 $0xFFFF9C00  }
0x144: {  	[spmem:s1] =	stream.indirect.scatter.add.f32 [tilespmem:s16], [sflag:$0x2], $0x40, s26, s15, $0xb8;
	[tilespmem:$0x1A2C0] =	vst v63  }
0x145: {  	s24 =	sadd.s32 $0x1F90, s9  }
0x146: {  	[spmem:s1] =	stream.indirect.scatter.add.f32 [tilespmem:s17], [sflag:$0x2], $0x40, s24, s15, $0xb8;
	[tilespmem:$0x1A2C0] =	vst v63  }
0x147: {  	s4 =	sadd.s32 $0x1FE0, s9  }
0x148: {  	[spmem:s1] =	stream.indirect.scatter.add.f32 [tilespmem:s19], [sflag:$0x2], $0x40, s4, s15, $0xb8;
	[tilespmem:$0x1A2C0] =	vst v63  }
0x149: {  	s12 =	sadd.s32 $0x2030, s9  }
0x14a: {  	[spmem:s1] =	stream.indirect.scatter.add.f32 [tilespmem:s21], [sflag:$0x2], $0x40, s12, s15, $0xb8;
	[tilespmem:$0x1A2C0] =	vst v63  }
0x14b: {  	s13 =	sadd.s32 $0x2080, s9  }
0x14c: {  	[spmem:s1] =	stream.indirect.scatter.add.f32 [tilespmem:s23], [sflag:$0x2], $0x40, s13, s15, $0xb8;
	[tilespmem:$0x1A2C0] =	vst v63  }
0x14d: {  	_ =	swait.ge [sflag:s22], $0x6400  }
0x14e: {  	s11 =	simm.s32 @!p3 $0x0;
	[sflag:s22] =	ssyncset.done $0x0  }
0x14f: {  	s24 =	sadd.s32 $0x320, s11;
	[sflag:s22] =	ssyncadd.s32 $0xFFFF9C00  }
0x150: {  	[tilespmem:s16], [sflag:$0x1] =	stream.indirect.gather [hbm4b:s7+s15], $0x40, s24, s15, $0xb8;
	[tilespmem:$0x1A2C0] =	vst v63  }
0x151: {  	s26 =	sadd.s32 $0x370, s11  }
0x152: {  	[tilespmem:s17], [sflag:$0x1] =	stream.indirect.gather [hbm4b:s7+s15], $0x40, s26, s15, $0xb8;
	[tilespmem:$0x1A2C0] =	vst v63  }
0x153: {  	s4 =	sadd.s32 $0x3C0, s11  }
0x154: {  	[tilespmem:s19], [sflag:$0x1] =	stream.indirect.gather [hbm4b:s7+s15], $0x40, s4, s15, $0xb8;
	[tilespmem:$0x1A2C0] =	vst v63  }
0x155: {  	s12 =	sadd.s32 $0x410, s11  }
0x156: {  	[tilespmem:s21], [sflag:$0x1] =	stream.indirect.gather [hbm4b:s7+s15], $0x40, s12, s15, $0xb8;
	[tilespmem:$0x1A2C0] =	vst v63  }
0x157: {  	s13 =	sadd.s32 $0x460, s11  }
0x158: {  	[tilespmem:s23], [sflag:$0x1] =	stream.indirect.gather [hbm4b:s7+s15], $0x40, s13, s15, $0xb8;
	[tilespmem:$0x1A2C0] =	vst v63  }
0x159: {  	_ =	swait.ge [sflag:s20], $0x6400  }
0x15a: {  	[sflag:s20] =	ssyncset.done $0x0  }
0x15b: {  	s26 =	sadd.s32 $0x20D0, s9;
	[sflag:s20] =	ssyncadd.s32 $0xFFFF9C00  }
0x15c: {  	[spmem:s1] =	stream.indirect.scatter.add.f32 [tilespmem:s25], [sflag:$0x2], $0x40, s26, s15, $0xb8;
	[tilespmem:$0x1A2C0] =	vst v63  }
0x15d: {  	s24 =	sadd.s32 $0x2120, s9  }
0x15e: {  	[spmem:s1] =	stream.indirect.scatter.add.f32 [tilespmem:s28], [sflag:$0x2], $0x40, s24, s15, $0xb8;
	[tilespmem:$0x1A2C0] =	vst v63  }
0x15f: {  	s4 =	sadd.s32 $0x2170, s9  }
0x160: {  	[spmem:s1] =	stream.indirect.scatter.add.f32 [tilespmem:s30], [sflag:$0x2], $0x40, s4, s15, $0xb8;
	[tilespmem:$0x1A2C0] =	vst v63  }
0x161: {  	s12 =	sadd.s32 $0x21C0, s9  }
0x162: {  	[spmem:s1] =	stream.indirect.scatter.add.f32 [tilespmem:s0], [sflag:$0x2], $0x40, s12, s15, $0xb8;
	[tilespmem:$0x1A2C0] =	vst v63  }
0x163: {  	s13 =	sadd.s32 $0x2210, s9  }
0x164: {  	[spmem:s1] =	stream.indirect.scatter.add.f32 [tilespmem:s18], [sflag:$0x2], $0x40, s13, s15, $0xb8;
	[tilespmem:$0x1A2C0] =	vst v63  }
0x165: {  	_ =	swait.ge [sflag:s22], $0x6400  }
0x166: {  	[sflag:s22] =	ssyncset.done $0x0  }
0x167: {  	s24 =	sadd.s32 $0x4B0, s11;
	[sflag:s22] =	ssyncadd.s32 $0xFFFF9C00  }
0x168: {  	[tilespmem:s25], [sflag:$0x1] =	stream.indirect.gather [hbm4b:s7+s15], $0x40, s24, s15, $0xb8;
	[tilespmem:$0x1A2C0] =	vst v63  }
0x169: {  	s26 =	sadd.s32 $0x500, s11  }
0x16a: {  	[tilespmem:s28], [sflag:$0x1] =	stream.indirect.gather [hbm4b:s7+s15], $0x40, s26, s15, $0xb8;
	[tilespmem:$0x1A2C0] =	vst v63  }
0x16b: {  	s4 =	sadd.s32 $0x550, s11  }
0x16c: {  	[tilespmem:s30], [sflag:$0x1] =	stream.indirect.gather [hbm4b:s7+s15], $0x40, s4, s15, $0xb8;
	[tilespmem:$0x1A2C0] =	vst v63  }
0x16d: {  	s12 =	sadd.s32 $0x5A0, s11  }
0x16e: {  	[tilespmem:s0], [sflag:$0x1] =	stream.indirect.gather [hbm4b:s7+s15], $0x40, s12, s15, $0xb8;
	[tilespmem:$0x1A2C0] =	vst v63  }
0x16f: {  	s13 =	sadd.s32 $0x5F0, s11  }
0x170: {  	[tilespmem:s18], [sflag:$0x1] =	stream.indirect.gather [hbm4b:s7+s15], $0x40, s13, s15, $0xb8;
	[tilespmem:$0x1A2C0] =	vst v63  }
0x171: {  	_ =	swait.ge [sflag:s20], $0x6400  }
0x172: {  	[sflag:s20] =	ssyncset.done $0x0  }
0x173: {  	s26 =	sadd.s32 $0x2260, s9;
	[sflag:s20] =	ssyncadd.s32 $0xFFFF9C00  }
0x174: {  	[spmem:s1] =	stream.indirect.scatter.add.f32 [tilespmem:s16], [sflag:$0x2], $0x40, s26, s15, $0xb8;
	[tilespmem:$0x1A2C0] =	vst v63  }
0x175: {  	s24 =	sadd.s32 $0x22B0, s9  }
0x176: {  	[spmem:s1] =	stream.indirect.scatter.add.f32 [tilespmem:s17], [sflag:$0x2], $0x40, s24, s15, $0xb8;
	[tilespmem:$0x1A2C0] =	vst v63  }
0x177: {  	s4 =	sadd.s32 $0x2300, s9  }
0x178: {  	[spmem:s1] =	stream.indirect.scatter.add.f32 [tilespmem:s19], [sflag:$0x2], $0x40, s4, s15, $0xb8;
	[tilespmem:$0x1A2C0] =	vst v63  }
0x179: {  	s12 =	sadd.s32 $0x2350, s9  }
0x17a: {  	[spmem:s1] =	stream.indirect.scatter.add.f32 [tilespmem:s21], [sflag:$0x2], $0x40, s12, s15, $0xb8;
	[tilespmem:$0x1A2C0] =	vst v63  }
0x17b: {  	s13 =	sadd.s32 $0x23A0, s9  }
0x17c: {  	[spmem:s1] =	stream.indirect.scatter.add.f32 [tilespmem:s23], [sflag:$0x2], $0x40, s13, s15, $0xb8;
	[tilespmem:$0x1A2C0] =	vst v63  }
0x17d: {  	_ =	swait.ge [sflag:s22], $0x6400  }
0x17e: {  	[sflag:s22] =	ssyncset.done $0x0  }
0x17f: {  	s24 =	sadd.s32 $0x640, s11;
	[sflag:s22] =	ssyncadd.s32 $0xFFFF9C00  }
0x180: {  	[tilespmem:s16], [sflag:$0x1] =	stream.indirect.gather [hbm4b:s7+s15], $0x40, s24, s15, $0xb8;
	[tilespmem:$0x1A2C0] =	vst v63  }
0x181: {  	s26 =	sadd.s32 $0x690, s11  }
0x182: {  	[tilespmem:s17], [sflag:$0x1] =	stream.indirect.gather [hbm4b:s7+s15], $0x40, s26, s15, $0xb8;
	[tilespmem:$0x1A2C0] =	vst v63  }
0x183: {  	s4 =	sadd.s32 $0x6E0, s11  }
0x184: {  	[tilespmem:s19], [sflag:$0x1] =	stream.indirect.gather [hbm4b:s7+s15], $0x40, s4, s15, $0xb8;
	[tilespmem:$0x1A2C0] =	vst v63  }
0x185: {  	s12 =	sadd.s32 $0x730, s11  }
0x186: {  	[tilespmem:s21], [sflag:$0x1] =	stream.indirect.gather [hbm4b:s7+s15], $0x40, s12, s15, $0xb8;
	[tilespmem:$0x1A2C0] =	vst v63  }
0x187: {  	s13 =	sadd.s32 $0x780, s11  }
0x188: {  	[tilespmem:s23], [sflag:$0x1] =	stream.indirect.gather [hbm4b:s7+s15], $0x40, s13, s15, $0xb8;
	[tilespmem:$0x1A2C0] =	vst v63  }
0x189: {  	_ =	swait.ge [sflag:s20], $0x6400  }
0x18a: {  	[sflag:s20] =	ssyncset.done $0x0  }
0x18b: {  	s26 =	sadd.s32 $0x23F0, s9;
	[sflag:s20] =	ssyncadd.s32 $0xFFFF9C00  }
0x18c: {  	[spmem:s1] =	stream.indirect.scatter.add.f32 [tilespmem:s25], [sflag:$0x2], $0x40, s26, s15, $0xb8;
	[tilespmem:$0x1A2C0] =	vst v63  }
0x18d: {  	s24 =	sadd.s32 $0x2440, s9  }
0x18e: {  	[spmem:s1] =	stream.indirect.scatter.add.f32 [tilespmem:s28], [sflag:$0x2], $0x40, s24, s15, $0xb8;
	[tilespmem:$0x1A2C0] =	vst v63  }
0x18f: {  	s4 =	sadd.s32 $0x2490, s9  }
0x190: {  	[spmem:s1] =	stream.indirect.scatter.add.f32 [tilespmem:s30], [sflag:$0x2], $0x40, s4, s15, $0xb8;
	[tilespmem:$0x1A2C0] =	vst v63  }
0x191: {  	s12 =	sadd.s32 $0x24E0, s9  }
0x192: {  	[spmem:s1] =	stream.indirect.scatter.add.f32 [tilespmem:s0], [sflag:$0x2], $0x40, s12, s15, $0xb8;
	[tilespmem:$0x1A2C0] =	vst v63  }
0x193: {  	s13 =	sadd.s32 $0x2530, s9  }
0x194: {  	[spmem:s1] =	stream.indirect.scatter.add.f32 [tilespmem:s18], [sflag:$0x2], $0x40, s13, s15, $0xb8;
	[tilespmem:$0x1A2C0] =	vst v63  }
0x195: {  	_ =	swait.ge [sflag:s22], $0x6400  }
0x196: {  	[sflag:s22] =	ssyncset.done $0x0  }
0x197: {  	s24 =	sadd.s32 $0x7D0, s11;
	[sflag:s22] =	ssyncadd.s32 $0xFFFF9C00  }
0x198: {  	[tilespmem:s25], [sflag:$0x1] =	stream.indirect.gather [hbm4b:s7+s15], $0x40, s24, s15, $0xb8;
	[tilespmem:$0x1A2C0] =	vst v63  }
0x199: {  	s26 =	sadd.s32 $0x820, s11  }
0x19a: {  	[tilespmem:s28], [sflag:$0x1] =	stream.indirect.gather [hbm4b:s7+s15], $0x40, s26, s15, $0xb8;
	[tilespmem:$0x1A2C0] =	vst v63  }
0x19b: {  	s4 =	sadd.s32 $0x870, s11  }
0x19c: {  	[tilespmem:s30], [sflag:$0x1] =	stream.indirect.gather [hbm4b:s7+s15], $0x40, s4, s15, $0xb8;
	[tilespmem:$0x1A2C0] =	vst v63  }
0x19d: {  	s12 =	sadd.s32 $0x8C0, s11  }
0x19e: {  	[tilespmem:s0], [sflag:$0x1] =	stream.indirect.gather [hbm4b:s7+s15], $0x40, s12, s15, $0xb8;
	[tilespmem:$0x1A2C0] =	vst v63  }
0x19f: {  	s13 =	sadd.s32 $0x910, s11  }
0x1a0: {  	[tilespmem:s18], [sflag:$0x1] =	stream.indirect.gather [hbm4b:s7+s15], $0x40, s13, s15, $0xb8;
	[tilespmem:$0x1A2C0] =	vst v63  }
0x1a1: {  	_ =	swait.ge [sflag:s20], $0x6400  }
0x1a2: {  	[sflag:s20] =	ssyncset.done $0x0  }
0x1a3: {  	s26 =	sadd.s32 $0x2580, s9;
	[sflag:s20] =	ssyncadd.s32 $0xFFFF9C00  }
0x1a4: {  	[spmem:s1] =	stream.indirect.scatter.add.f32 [tilespmem:s16], [sflag:$0x2], $0x40, s26, s15, $0xb8;
	[tilespmem:$0x1A2C0] =	vst v63  }
0x1a5: {  	s24 =	sadd.s32 $0x25D0, s9  }
0x1a6: {  	[spmem:s1] =	stream.indirect.scatter.add.f32 [tilespmem:s17], [sflag:$0x2], $0x40, s24, s15, $0xb8;
	[tilespmem:$0x1A2C0] =	vst v63  }
0x1a7: {  	s4 =	sadd.s32 $0x2620, s9  }
0x1a8: {  	[spmem:s1] =	stream.indirect.scatter.add.f32 [tilespmem:s19], [sflag:$0x2], $0x40, s4, s15, $0xb8;
	[tilespmem:$0x1A2C0] =	vst v63  }
0x1a9: {  	s12 =	sadd.s32 $0x2670, s9  }
0x1aa: {  	[spmem:s1] =	stream.indirect.scatter.add.f32 [tilespmem:s21], [sflag:$0x2], $0x40, s12, s15, $0xb8;
	[tilespmem:$0x1A2C0] =	vst v63  }
0x1ab: {  	s13 =	sadd.s32 $0x26C0, s9  }
0x1ac: {  	[spmem:s1] =	stream.indirect.scatter.add.f32 [tilespmem:s23], [sflag:$0x2], $0x40, s13, s15, $0xb8;
	[tilespmem:$0x1A2C0] =	vst v63  }
0x1ad: {  	_ =	swait.ge [sflag:s22], $0x6400  }
0x1ae: {  	[sflag:s22] =	ssyncset.done $0x0  }
0x1af: {  	s24 =	sadd.s32 $0x960, s11;
	[sflag:s22] =	ssyncadd.s32 $0xFFFF9C00  }
0x1b0: {  	[tilespmem:s16], [sflag:$0x1] =	stream.indirect.gather [hbm4b:s7+s15], $0x40, s24, s15, $0xb8;
	[tilespmem:$0x1A2C0] =	vst v63  }
0x1b1: {  	s26 =	sadd.s32 $0x9B0, s11  }
0x1b2: {  	[tilespmem:s17], [sflag:$0x1] =	stream.indirect.gather [hbm4b:s7+s15], $0x40, s26, s15, $0xb8;
	[tilespmem:$0x1A2C0] =	vst v63  }
0x1b3: {  	s4 =	sadd.s32 $0xA00, s11  }
0x1b4: {  	[tilespmem:s19], [sflag:$0x1] =	stream.indirect.gather [hbm4b:s7+s15], $0x40, s4, s15, $0xb8;
	[tilespmem:$0x1A2C0] =	vst v63  }
0x1b5: {  	s12 =	sadd.s32 $0xA50, s11  }
0x1b6: {  	[tilespmem:s21], [sflag:$0x1] =	stream.indirect.gather [hbm4b:s7+s15], $0x40, s12, s15, $0xb8;
	[tilespmem:$0x1A2C0] =	vst v63  }
0x1b7: {  	s13 =	sadd.s32 $0xAA0, s11  }
0x1b8: {  	[tilespmem:s23], [sflag:$0x1] =	stream.indirect.gather [hbm4b:s7+s15], $0x40, s13, s15, $0xb8;
	[tilespmem:$0x1A2C0] =	vst v63  }
0x1b9: {  	_ =	swait.ge [sflag:s20], $0x6400  }
0x1ba: {  	[sflag:s20] =	ssyncset.done $0x0  }
0x1bb: {  	s26 =	sadd.s32 $0x2710, s9;
	[sflag:s20] =	ssyncadd.s32 $0xFFFF9C00  }
0x1bc: {  	[spmem:s1] =	stream.indirect.scatter.add.f32 [tilespmem:s25], [sflag:$0x2], $0x40, s26, s15, $0xb8;
	[tilespmem:$0x1A2C0] =	vst v63  }
0x1bd: {  	s24 =	sadd.s32 $0x2760, s9  }
0x1be: {  	[spmem:s1] =	stream.indirect.scatter.add.f32 [tilespmem:s28], [sflag:$0x2], $0x40, s24, s15, $0xb8;
	[tilespmem:$0x1A2C0] =	vst v63  }
0x1bf: {  	s4 =	sadd.s32 $0x27B0, s9  }
0x1c0: {  	[spmem:s1] =	stream.indirect.scatter.add.f32 [tilespmem:s30], [sflag:$0x2], $0x40, s4, s15, $0xb8;
	[tilespmem:$0x1A2C0] =	vst v63  }
0x1c1: {  	s12 =	sadd.s32 $0x2800, s9  }
0x1c2: {  	[spmem:s1] =	stream.indirect.scatter.add.f32 [tilespmem:s0], [sflag:$0x2], $0x40, s12, s15, $0xb8;
	[tilespmem:$0x1A2C0] =	vst v63  }
0x1c3: {  	s13 =	sadd.s32 $0x2850, s9  }
0x1c4: {  	[spmem:s1] =	stream.indirect.scatter.add.f32 [tilespmem:s18], [sflag:$0x2], $0x40, s13, s15, $0xb8;
	[tilespmem:$0x1A2C0] =	vst v63  }
0x1c5: {  	_ =	swait.ge [sflag:s22], $0x6400  }
0x1c6: {  	[sflag:s22] =	ssyncset.done $0x0  }
0x1c7: {  	s24 =	sadd.s32 $0xAF0, s11;
	[sflag:s22] =	ssyncadd.s32 $0xFFFF9C00  }
0x1c8: {  	[tilespmem:s25], [sflag:$0x1] =	stream.indirect.gather [hbm4b:s7+s15], $0x40, s24, s15, $0xb8;
	[tilespmem:$0x1A2C0] =	vst v63  }
0x1c9: {  	s26 =	sadd.s32 $0xB40, s11  }
0x1ca: {  	[tilespmem:s28], [sflag:$0x1] =	stream.indirect.gather [hbm4b:s7+s15], $0x40, s26, s15, $0xb8;
	[tilespmem:$0x1A2C0] =	vst v63  }
0x1cb: {  	s4 =	sadd.s32 $0xB90, s11  }
0x1cc: {  	[tilespmem:s30], [sflag:$0x1] =	stream.indirect.gather [hbm4b:s7+s15], $0x40, s4, s15, $0xb8;
	[tilespmem:$0x1A2C0] =	vst v63  }
0x1cd: {  	s12 =	sadd.s32 $0xBE0, s11  }
0x1ce: {  	[tilespmem:s0], [sflag:$0x1] =	stream.indirect.gather [hbm4b:s7+s15], $0x40, s12, s15, $0xb8;
	[tilespmem:$0x1A2C0] =	vst v63  }
0x1cf: {  	s13 =	sadd.s32 $0xC30, s11  }
0x1d0: {  	[tilespmem:s18], [sflag:$0x1] =	stream.indirect.gather [hbm4b:s7+s15], $0x40, s13, s15, $0xb8;
	[tilespmem:$0x1A2C0] =	vst v63  }
0x1d1: {  	_ =	swait.ge [sflag:s20], $0x6400  }
0x1d2: {  	[sflag:s20] =	ssyncset.done $0x0  }
0x1d3: {  	s26 =	sadd.s32 $0x28A0, s9;
	[sflag:s20] =	ssyncadd.s32 $0xFFFF9C00  }
0x1d4: {  	[spmem:s1] =	stream.indirect.scatter.add.f32 [tilespmem:s16], [sflag:$0x2], $0x40, s26, s15, $0xb8;
	[tilespmem:$0x1A2C0] =	vst v63  }
0x1d5: {  	s24 =	sadd.s32 $0x28F0, s9  }
0x1d6: {  	[spmem:s1] =	stream.indirect.scatter.add.f32 [tilespmem:s17], [sflag:$0x2], $0x40, s24, s15, $0xb8;
	[tilespmem:$0x1A2C0] =	vst v63  }
0x1d7: {  	s4 =	sadd.s32 $0x2940, s9  }
0x1d8: {  	[spmem:s1] =	stream.indirect.scatter.add.f32 [tilespmem:s19], [sflag:$0x2], $0x40, s4, s15, $0xb8;
	[tilespmem:$0x1A2C0] =	vst v63  }
0x1d9: {  	s12 =	sadd.s32 $0x2990, s9  }
0x1da: {  	[spmem:s1] =	stream.indirect.scatter.add.f32 [tilespmem:s21], [sflag:$0x2], $0x40, s12, s15, $0xb8;
	[tilespmem:$0x1A2C0] =	vst v63  }
0x1db: {  	s13 =	sadd.s32 $0x29E0, s9  }
0x1dc: {  	[spmem:s1] =	stream.indirect.scatter.add.f32 [tilespmem:s23], [sflag:$0x2], $0x40, s13, s15, $0xb8;
	[tilespmem:$0x1A2C0] =	vst v63  }
0x1dd: {  	_ =	swait.ge [sflag:s22], $0x6400  }
0x1de: {  	[sflag:s22] =	ssyncset.done $0x0  }
0x1df: {  	s24 =	sadd.s32 $0xC80, s11;
	[sflag:s22] =	ssyncadd.s32 $0xFFFF9C00  }
0x1e0: {  	[tilespmem:s16], [sflag:$0x1] =	stream.indirect.gather [hbm4b:s7+s15], $0x40, s24, s15, $0xb8;
	[tilespmem:$0x1A2C0] =	vst v63  }
0x1e1: {  	s26 =	sadd.s32 $0xCD0, s11  }
0x1e2: {  	[tilespmem:s17], [sflag:$0x1] =	stream.indirect.gather [hbm4b:s7+s15], $0x40, s26, s15, $0xb8;
	[tilespmem:$0x1A2C0] =	vst v63  }
0x1e3: {  	s4 =	sadd.s32 $0xD20, s11  }
0x1e4: {  	[tilespmem:s19], [sflag:$0x1] =	stream.indirect.gather [hbm4b:s7+s15], $0x40, s4, s15, $0xb8;
	[tilespmem:$0x1A2C0] =	vst v63  }
0x1e5: {  	s12 =	sadd.s32 $0xD70, s11  }
0x1e6: {  	[tilespmem:s21], [sflag:$0x1] =	stream.indirect.gather [hbm4b:s7+s15], $0x40, s12, s15, $0xb8;
	[tilespmem:$0x1A2C0] =	vst v63  }
0x1e7: {  	s13 =	sadd.s32 $0xDC0, s11  }
0x1e8: {  	[tilespmem:s23], [sflag:$0x1] =	stream.indirect.gather [hbm4b:s7+s15], $0x40, s13, s15, $0xb8;
	[tilespmem:$0x1A2C0] =	vst v63  }
0x1e9: {  	_ =	swait.ge [sflag:s20], $0x6400  }
0x1ea: {  	[sflag:s20] =	ssyncset.done $0x0  }
0x1eb: {  	s26 =	sadd.s32 $0x2A30, s9;
	[sflag:s20] =	ssyncadd.s32 $0xFFFF9C00  }
0x1ec: {  	[spmem:s1] =	stream.indirect.scatter.add.f32 [tilespmem:s25], [sflag:$0x2], $0x40, s26, s15, $0xb8;
	[tilespmem:$0x1A2C0] =	vst v63  }
0x1ed: {  	s24 =	sadd.s32 $0x2A80, s9  }
0x1ee: {  	[spmem:s1] =	stream.indirect.scatter.add.f32 [tilespmem:s28], [sflag:$0x2], $0x40, s24, s15, $0xb8;
	[tilespmem:$0x1A2C0] =	vst v63  }
0x1ef: {  	s4 =	sadd.s32 $0x2AD0, s9  }
0x1f0: {  	[spmem:s1] =	stream.indirect.scatter.add.f32 [tilespmem:s30], [sflag:$0x2], $0x40, s4, s15, $0xb8;
	[tilespmem:$0x1A2C0] =	vst v63  }
0x1f1: {  	s12 =	sadd.s32 $0x2B20, s9  }
0x1f2: {  	[spmem:s1] =	stream.indirect.scatter.add.f32 [tilespmem:s0], [sflag:$0x2], $0x40, s12, s15, $0xb8;
	[tilespmem:$0x1A2C0] =	vst v63  }
0x1f3: {  	s13 =	sadd.s32 $0x2B70, s9  }
0x1f4: {  	[spmem:s1] =	stream.indirect.scatter.add.f32 [tilespmem:s18], [sflag:$0x2], $0x40, s13, s15, $0xb8;
	[tilespmem:$0x1A2C0] =	vst v63  }
0x1f5: {  	_ =	swait.ge [sflag:s22], $0x6400  }
0x1f6: {  	[sflag:s22] =	ssyncset.done $0x0  }
0x1f7: {  	s24 =	sadd.s32 $0xE10, s11;
	[sflag:s22] =	ssyncadd.s32 $0xFFFF9C00  }
0x1f8: {  	[tilespmem:s25], [sflag:$0x1] =	stream.indirect.gather [hbm4b:s7+s15], $0x40, s24, s15, $0xb8;
	[tilespmem:$0x1A2C0] =	vst v63  }
0x1f9: {  	s26 =	sadd.s32 $0xE60, s11  }
0x1fa: {  	[tilespmem:s28], [sflag:$0x1] =	stream.indirect.gather [hbm4b:s7+s15], $0x40, s26, s15, $0xb8;
	[tilespmem:$0x1A2C0] =	vst v63  }
0x1fb: {  	s4 =	sadd.s32 $0xEB0, s11  }
0x1fc: {  	[tilespmem:s30], [sflag:$0x1] =	stream.indirect.gather [hbm4b:s7+s15], $0x40, s4, s15, $0xb8;
	[tilespmem:$0x1A2C0] =	vst v63  }
0x1fd: {  	s12 =	sadd.s32 $0xF00, s11  }
0x1fe: {  	[tilespmem:s0], [sflag:$0x1] =	stream.indirect.gather [hbm4b:s7+s15], $0x40, s12, s15, $0xb8;
	[tilespmem:$0x1A2C0] =	vst v63  }
0x1ff: {  	s13 =	sadd.s32 $0xF50, s11;
	s4 =	simm.s32 @!p1 $0x3  }
0x200: {  	[tilespmem:s18], [sflag:$0x1] =	stream.indirect.gather [hbm4b:s7+s15], $0x40, s13, s15, $0xb8;
	[tilespmem:$0x1A2C0] =	vst v63  }
0x201: {  	_ =	swait.ge @!p1 [sflag:s4], $0xFA0  }
0x202: {  	[sflag:s4] =	ssyncset.done @!p1 $0x0  }
0x203: {  	[sflag:s4] =	ssyncadd.s32 @!p1 $0xFFFFF060  }
0x204: {  	_ =	swait.ge @!p1 [sflag:s4], $0xFA0  }
0x205: {  	[sflag:s4] =	ssyncset.done @!p1 $0x0  }
0x206: {  	[sflag:s4] =	ssyncadd.s32 @!p1 $0xFFFFF060  }
0x207: {  	_ =	swait.ge [sflag:s20], $0x6400  }
0x208: {  	[sflag:s20] =	ssyncset.done $0x0  }
0x209: {  	s24 =	sadd.s32 $0x2BC0, s9;
	[sflag:s20] =	ssyncadd.s32 $0xFFFF9C00  }
0x20a: {  	[spmem:s1] =	stream.indirect.scatter.add.f32 [tilespmem:s16], [sflag:$0x2], $0x40, s24, s15, $0xb8;
	[tilespmem:$0x1A2C0] =	vst v63  }
0x20b: {  	s26 =	sadd.s32 $0x2C10, s9  }
0x20c: {  	[spmem:s1] =	stream.indirect.scatter.add.f32 [tilespmem:s17], [sflag:$0x2], $0x40, s26, s15, $0xb8;
	[tilespmem:$0x1A2C0] =	vst v63  }
0x20d: {  	s4 =	sadd.s32 $0x2C60, s9  }
0x20e: {  	[spmem:s1] =	stream.indirect.scatter.add.f32 [tilespmem:s19], [sflag:$0x2], $0x40, s4, s15, $0xb8;
	[tilespmem:$0x1A2C0] =	vst v63  }
0x20f: {  	s11 =	sadd.s32 $0x2CB0, s9  }
0x210: {  	[spmem:s1] =	stream.indirect.scatter.add.f32 [tilespmem:s21], [sflag:$0x2], $0x40, s11, s15, $0xb8;
	[tilespmem:$0x1A2C0] =	vst v63  }
0x211: {  	s13 =	sadd.s32 $0x2D00, s9  }
0x212: {  	[spmem:s1] =	stream.indirect.scatter.add.f32 [tilespmem:s23], [sflag:$0x2], $0x40, s13, s15, $0xb8;
	[tilespmem:$0x1A2C0] =	vst v63  }
0x213: {  	p3 =	sgt.u32 s14, $0x3;
	s12 =	smul.u32 $0x3E80, s10;
	_ =	swait.ge [sflag:s22], $0x6400  }
0x214: {  	s2 =	simm.s32 @!p3 $0x3E80;
	[sflag:s22] =	ssyncset.done $0x0  }
0x215: {  	s10 =	sshrl.u32 s12, $0x2;
	s12 =	simm.s32 @!p3 $0x50;
	[sflag:s22] =	ssyncadd.s32 $0xFFFF9C00  }
0x216: {  	[tilespmem:s2], [sflag:$0x1] =	stream.indirect.gather @!p3 [hbm4b:s7+s12], $0x40, s10, s12, $0xb8;
	[tilespmem:$0x1A2C0] =	vst v63  }
0x217: {  	p1 =	seq.s32 @!p3 s3, $0x794;
	s4 =	sadd.s32 @!p3 $0x50, s10;
	s11 =	simm.s32 @!p3 $0x5280  }
0x218: {  	[tilespmem:s11], [sflag:$0x1] =	stream.indirect.gather @!p3 [hbm4b:s7+s12], $0x40, s4, s12, $0xb8;
	[tilespmem:$0x1A2C0] =	vst v63  }
0x219: {  	p4 =	por p1, p3;
	s4 =	sadd.s32 @!p3 $0xA0, s10;
	s11 =	simm.s32 @!p3 $0x6680  }
0x21a: {  	[tilespmem:s11], [sflag:$0x1] =	stream.indirect.gather @!p3 [hbm4b:s7+s12], $0x40, s4, s12, $0xb8;
	[tilespmem:$0x1A2C0] =	vst v63  }
0x21b: {  	p5 =	seq.s32 @!p4 s3, $0x780;
	s3 =	sadd.s32 @!p3 $0xF0, s10;
	s4 =	simm.s32 @!p3 $0x7A80  }
0x21c: {  	[tilespmem:s4], [sflag:$0x1] =	stream.indirect.gather @!p3 [hbm4b:s7+s12], $0x40, s3, s12, $0xb8;
	[tilespmem:$0x1A2C0] =	vst v63  }
0x21d: {  	s11 =	simm.s32 @!p3 $0x8E80;
	s3 =	sadd.s32 @!p3 $0x140, s10  }
0x21e: {  	[tilespmem:s11], [sflag:$0x1] =	stream.indirect.gather @!p3 [hbm4b:s7+s12], $0x40, s3, s12, $0xb8;
	[tilespmem:$0x1A2C0] =	vst v63  }
0x21f: {  	s8 =	smov.u32 s5;
	_ =	swait.ge [sflag:s20], $0x6400  }
0x220: {  	s5 =	sadd.s32 $0x1F4, s5;
	s14 =	smov.u32 s6;
	[sflag:s20] =	ssyncset.done $0x0  }
0x221: {  	p2 =	sne.s32 s5, $0x9C4;
	s26 =	sadd.s32 $0x2D50, s9;
	[sflag:s20] =	ssyncadd.s32 $0xFFFF9C00  }
0x222: {  	[spmem:s1] =	stream.indirect.scatter.add.f32 [tilespmem:s25], [sflag:$0x2], $0x40, s26, s15, $0xb8;
	[tilespmem:$0x1A2C0] =	vst v63  }
0x223: {  	s29 =	simm.s32 @!p4 $0x50;
	s31 =	simm.s32 @!p4 $0xB680;
	s24 =	sadd.s32 $0x2DA0, s9  }
0x224: {  	[spmem:s1] =	stream.indirect.scatter.add.f32 [tilespmem:s28], [sflag:$0x2], $0x40, s24, s15, $0xb8;
	[tilespmem:$0x1A2C0] =	vst v63  }
0x225: {  	p5 =	por @!p3 p5, p1;
	s13 =	sadd.s32 $0x2DF0, s9;
	s2 =	sadd.s32 @!p4 $0x1E0, s10  }
0x226: {  	[spmem:s1] =	stream.indirect.scatter.add.f32 [tilespmem:s30], [sflag:$0x2], $0x40, s13, s15, $0xb8;
	[tilespmem:$0x1A2C0] =	vst v63  }
0x227: {  	s4 =	sadd.s32 @!p4 $0x230, s10;
	s3 =	smov.u32 s8;
	s24 =	sadd.s32 $0x2E40, s9  }
0x228: {  	[spmem:s1] =	stream.indirect.scatter.add.f32 [tilespmem:s0], [sflag:$0x2], $0x40, s24, s15, $0xb8;
	[tilespmem:$0x1A2C0] =	vst v63  }
.Ltmp0:
0x229: {  	s11 =	sand.u32 $0x1, s6;
	s26 =	sadd.s32 $0x2E90, s9;
	(pc) =	sbr.rel @p2 .LBB2_2-.Ltmp0, $4  }
0x22a: {  	[spmem:s1] =	stream.indirect.scatter.add.f32 [tilespmem:s18], [sflag:$0x2], $0x40, s26, s15, $0xb8;
	[tilespmem:$0x1A2C0] =	vst v63  }
0x22b: {  	s8 =	simm.s32 @!p3 $0xA280;
	s6 =	sadd.s32 $0x1, s6;
	_ =	swait.ge [sflag:s22], $0x6400  }
0x22c: {  	p1 =	seq.s32 s3, $0x7D0;
	s9 =	simm.s32 @!p4 $0xCA80;
	[sflag:s22] =	ssyncset.done $0x0  }
0x22d: {  	s13 =	sadd.s32 @!p3 $0x190, s10;
	s26 =	sand.u32 @!p1 $0x1, s6;
	[sflag:s22] =	ssyncadd.s32 $0xFFFF9C00  }
0x22e: {  	[tilespmem:s8], [sflag:$0x1] =	stream.indirect.gather @!p3 [hbm4b:s7+s12], $0x40, s13, s12, $0xb8;
	[tilespmem:$0x1A2C0] =	vst v63  }
0x22f: {  	_ = 	snop  }
0x230: {  	[tilespmem:s31], [sflag:$0x1] =	stream.indirect.gather @!p4 [hbm4b:s7+s29], $0x40, s2, s29, $0xb8;
	[tilespmem:$0x1A2C0] =	vst v63  }
0x231: {  	p2 =	seq.s32 @!p1 s26, $0x1;
	p3 =	por p5, p3  }
0x232: {  	[tilespmem:s9], [sflag:$0x1] =	stream.indirect.gather @!p4 [hbm4b:s7+s29], $0x40, s4, s29, $0xb8;
	[tilespmem:$0x1A2C0] =	vst v63  }
0x233: {  	s5 =	simm.s32 @!p3 $0x50;
	s2 =	sadd.s32 @!p3 $0x280, s10;
	s4 =	simm.s32 @!p3 $0xDE80  }
0x234: {  	[tilespmem:s4], [sflag:$0x1] =	stream.indirect.gather @!p3 [hbm4b:s7+s5], $0x40, s2, s5, $0xb8;
	[tilespmem:$0x1A2C0] =	vst v63  }
0x235: {  	s6 =	simm.s32 @!p3 $0xF280;
	s2 =	rddreg [dreg:$0x5];
	s4 =	sadd.s32 @!p3 $0x2D0, s10  }
0x236: {  	[tilespmem:s6], [sflag:$0x1] =	stream.indirect.gather @!p3 [hbm4b:s7+s5], $0x40, s4, s5, $0xb8;
	[tilespmem:$0x1A2C0] =	vst v63  }
0x237: {  	p2 =	por !p2, p1;
	s2 =	sadd.s32 @!p1 s3, s2;
	s5 =	simm.s32 @!p1 $0xFA0  }
0x238: {  	s4 =	rddreg [dreg:$0x4];
	s6 =	simm.s32 @!p1 $0x0;
	s5 =	simm.s32 @p2 $0x0  }
0x239: {  	[tilespmem:s5], [sflag:$0x3] =	stream.linear.gather @!p1 [hbm4b:s2+s6], $0xFA0, $0x38;
	[tilespmem:$0x1A2C0] =	vst v63  }
0x23a: {  	s31 =	smul.u32 $0x3E80, s11;
	s4 =	sadd.s32 @!p1 s3, s4;
	s2 =	sadd.s32 @!p1 $0x1F40, s5  }
0x23b: {  	[tilespmem:s2], [sflag:$0x3] =	stream.linear.gather @!p1 [hbm4b:s4+s6], $0xFA0, $0x38;
	[tilespmem:$0x1A2C0] =	vst v63  }
0x23c: {  	s6 =	rddreg [dreg:$0x6];
	_ =	swait.ge [sflag:s20], $0x6400  }
0x23d: {  	s5 =	sshrl.u32 s31, $0x2;
	[sflag:s20] =	ssyncset.done $0x0  }
0x23e: {  	s2 =	sadd.s32 $0x1F40, s5;
	[sflag:s20] =	ssyncadd.s32 $0xFFFF9C00  }
0x23f: {  	[spmem:s1] =	stream.indirect.scatter.add.f32 [tilespmem:s16], [sflag:$0x2], $0x40, s2, s15, $0xb8;
	[tilespmem:$0x1A2C0] =	vst v63  }
0x240: {  	s4 =	sadd.s32 $0x1F90, s5  }
0x241: {  	[spmem:s1] =	stream.indirect.scatter.add.f32 [tilespmem:s17], [sflag:$0x2], $0x40, s4, s15, $0xb8;
	[tilespmem:$0x1A2C0] =	vst v63  }
0x242: {  	s8 =	sadd.s32 $0x1FE0, s5  }
0x243: {  	[spmem:s1] =	stream.indirect.scatter.add.f32 [tilespmem:s19], [sflag:$0x2], $0x40, s8, s15, $0xb8;
	[tilespmem:$0x1A2C0] =	vst v63  }
0x244: {  	s9 =	sadd.s32 $0x2030, s5  }
0x245: {  	[spmem:s1] =	stream.indirect.scatter.add.f32 [tilespmem:s21], [sflag:$0x2], $0x40, s9, s15, $0xb8;
	[tilespmem:$0x1A2C0] =	vst v63  }
0x246: {  	s10 =	sadd.s32 $0x2080, s5  }
0x247: {  	[spmem:s1] =	stream.indirect.scatter.add.f32 [tilespmem:s23], [sflag:$0x2], $0x40, s10, s15, $0xb8;
	[tilespmem:$0x1A2C0] =	vst v63  }
0x248: {  	p2 =	seq.s32 s11, $0x1;
	_ =	swait.ge [sflag:s22], $0x6400  }
0x249: {  	s6 =	simm.s32 @!p2 $0x0;
	[sflag:s22] =	ssyncset.done $0x0  }
0x24a: {  	s12 =	sadd.s32 $0x320, s6;
	[sflag:s22] =	ssyncadd.s32 $0xFFFF9C00  }
0x24b: {  	[tilespmem:s16], [sflag:$0x1] =	stream.indirect.gather [hbm4b:s7+s15], $0x40, s12, s15, $0xb8;
	[tilespmem:$0x1A2C0] =	vst v63  }
0x24c: {  	s13 =	sadd.s32 $0x370, s6  }
0x24d: {  	[tilespmem:s17], [sflag:$0x1] =	stream.indirect.gather [hbm4b:s7+s15], $0x40, s13, s15, $0xb8;
	[tilespmem:$0x1A2C0] =	vst v63  }
0x24e: {  	s24 =	sadd.s32 $0x3C0, s6  }
0x24f: {  	[tilespmem:s19], [sflag:$0x1] =	stream.indirect.gather [hbm4b:s7+s15], $0x40, s24, s15, $0xb8;
	[tilespmem:$0x1A2C0] =	vst v63  }
0x250: {  	s26 =	sadd.s32 $0x410, s6  }
0x251: {  	[tilespmem:s21], [sflag:$0x1] =	stream.indirect.gather [hbm4b:s7+s15], $0x40, s26, s15, $0xb8;
	[tilespmem:$0x1A2C0] =	vst v63  }
0x252: {  	s29 =	sadd.s32 $0x460, s6  }
0x253: {  	[tilespmem:s23], [sflag:$0x1] =	stream.indirect.gather [hbm4b:s7+s15], $0x40, s29, s15, $0xb8;
	[tilespmem:$0x1A2C0] =	vst v63  }
0x254: {  	_ =	swait.ge [sflag:s20], $0x6400  }
0x255: {  	[sflag:s20] =	ssyncset.done $0x0  }
0x256: {  	s31 =	sadd.s32 $0x20D0, s5;
	[sflag:s20] =	ssyncadd.s32 $0xFFFF9C00  }
0x257: {  	[spmem:s1] =	stream.indirect.scatter.add.f32 [tilespmem:s25], [sflag:$0x2], $0x40, s31, s15, $0xb8;
	[tilespmem:$0x1A2C0] =	vst v63  }
0x258: {  	s4 =	sadd.s32 $0x2120, s5  }
0x259: {  	[spmem:s1] =	stream.indirect.scatter.add.f32 [tilespmem:s28], [sflag:$0x2], $0x40, s4, s15, $0xb8;
	[tilespmem:$0x1A2C0] =	vst v63  }
0x25a: {  	s8 =	sadd.s32 $0x2170, s5  }
0x25b: {  	[spmem:s1] =	stream.indirect.scatter.add.f32 [tilespmem:s30], [sflag:$0x2], $0x40, s8, s15, $0xb8;
	[tilespmem:$0x1A2C0] =	vst v63  }
0x25c: {  	s9 =	sadd.s32 $0x21C0, s5  }
0x25d: {  	[spmem:s1] =	stream.indirect.scatter.add.f32 [tilespmem:s0], [sflag:$0x2], $0x40, s9, s15, $0xb8;
	[tilespmem:$0x1A2C0] =	vst v63  }
0x25e: {  	s10 =	sadd.s32 $0x2210, s5  }
0x25f: {  	[spmem:s1] =	stream.indirect.scatter.add.f32 [tilespmem:s18], [sflag:$0x2], $0x40, s10, s15, $0xb8;
	[tilespmem:$0x1A2C0] =	vst v63  }
0x260: {  	_ =	swait.ge [sflag:s22], $0x6400  }
0x261: {  	[sflag:s22] =	ssyncset.done $0x0  }
0x262: {  	s12 =	sadd.s32 $0x4B0, s6;
	[sflag:s22] =	ssyncadd.s32 $0xFFFF9C00  }
0x263: {  	[tilespmem:s25], [sflag:$0x1] =	stream.indirect.gather [hbm4b:s7+s15], $0x40, s12, s15, $0xb8;
	[tilespmem:$0x1A2C0] =	vst v63  }
0x264: {  	s13 =	sadd.s32 $0x500, s6  }
0x265: {  	[tilespmem:s28], [sflag:$0x1] =	stream.indirect.gather [hbm4b:s7+s15], $0x40, s13, s15, $0xb8;
	[tilespmem:$0x1A2C0] =	vst v63  }
0x266: {  	s24 =	sadd.s32 $0x550, s6  }
0x267: {  	[tilespmem:s30], [sflag:$0x1] =	stream.indirect.gather [hbm4b:s7+s15], $0x40, s24, s15, $0xb8;
	[tilespmem:$0x1A2C0] =	vst v63  }
0x268: {  	s26 =	sadd.s32 $0x5A0, s6  }
0x269: {  	[tilespmem:s0], [sflag:$0x1] =	stream.indirect.gather [hbm4b:s7+s15], $0x40, s26, s15, $0xb8;
	[tilespmem:$0x1A2C0] =	vst v63  }
0x26a: {  	s29 =	sadd.s32 $0x5F0, s6  }
0x26b: {  	[tilespmem:s18], [sflag:$0x1] =	stream.indirect.gather [hbm4b:s7+s15], $0x40, s29, s15, $0xb8;
	[tilespmem:$0x1A2C0] =	vst v63  }
0x26c: {  	_ =	swait.ge [sflag:s20], $0x6400  }
0x26d: {  	[sflag:s20] =	ssyncset.done $0x0  }
0x26e: {  	s31 =	sadd.s32 $0x2260, s5;
	[sflag:s20] =	ssyncadd.s32 $0xFFFF9C00  }
0x26f: {  	[spmem:s1] =	stream.indirect.scatter.add.f32 [tilespmem:s16], [sflag:$0x2], $0x40, s31, s15, $0xb8;
	[tilespmem:$0x1A2C0] =	vst v63  }
0x270: {  	s4 =	sadd.s32 $0x22B0, s5  }
0x271: {  	[spmem:s1] =	stream.indirect.scatter.add.f32 [tilespmem:s17], [sflag:$0x2], $0x40, s4, s15, $0xb8;
	[tilespmem:$0x1A2C0] =	vst v63  }
0x272: {  	s8 =	sadd.s32 $0x2300, s5  }
0x273: {  	[spmem:s1] =	stream.indirect.scatter.add.f32 [tilespmem:s19], [sflag:$0x2], $0x40, s8, s15, $0xb8;
	[tilespmem:$0x1A2C0] =	vst v63  }
0x274: {  	s9 =	sadd.s32 $0x2350, s5  }
0x275: {  	[spmem:s1] =	stream.indirect.scatter.add.f32 [tilespmem:s21], [sflag:$0x2], $0x40, s9, s15, $0xb8;
	[tilespmem:$0x1A2C0] =	vst v63  }
0x276: {  	s10 =	sadd.s32 $0x23A0, s5  }
0x277: {  	[spmem:s1] =	stream.indirect.scatter.add.f32 [tilespmem:s23], [sflag:$0x2], $0x40, s10, s15, $0xb8;
	[tilespmem:$0x1A2C0] =	vst v63  }
0x278: {  	_ =	swait.ge [sflag:s22], $0x6400  }
0x279: {  	[sflag:s22] =	ssyncset.done $0x0  }
0x27a: {  	s12 =	sadd.s32 $0x640, s6;
	[sflag:s22] =	ssyncadd.s32 $0xFFFF9C00  }
0x27b: {  	[tilespmem:s16], [sflag:$0x1] =	stream.indirect.gather [hbm4b:s7+s15], $0x40, s12, s15, $0xb8;
	[tilespmem:$0x1A2C0] =	vst v63  }
0x27c: {  	s13 =	sadd.s32 $0x690, s6  }
0x27d: {  	[tilespmem:s17], [sflag:$0x1] =	stream.indirect.gather [hbm4b:s7+s15], $0x40, s13, s15, $0xb8;
	[tilespmem:$0x1A2C0] =	vst v63  }
0x27e: {  	s24 =	sadd.s32 $0x6E0, s6  }
0x27f: {  	[tilespmem:s19], [sflag:$0x1] =	stream.indirect.gather [hbm4b:s7+s15], $0x40, s24, s15, $0xb8;
	[tilespmem:$0x1A2C0] =	vst v63  }
0x280: {  	s26 =	sadd.s32 $0x730, s6  }
0x281: {  	[tilespmem:s21], [sflag:$0x1] =	stream.indirect.gather [hbm4b:s7+s15], $0x40, s26, s15, $0xb8;
	[tilespmem:$0x1A2C0] =	vst v63  }
0x282: {  	s29 =	sadd.s32 $0x780, s6  }
0x283: {  	[tilespmem:s23], [sflag:$0x1] =	stream.indirect.gather [hbm4b:s7+s15], $0x40, s29, s15, $0xb8;
	[tilespmem:$0x1A2C0] =	vst v63  }
0x284: {  	_ =	swait.ge [sflag:s20], $0x6400  }
0x285: {  	[sflag:s20] =	ssyncset.done $0x0  }
0x286: {  	s31 =	sadd.s32 $0x23F0, s5;
	[sflag:s20] =	ssyncadd.s32 $0xFFFF9C00  }
0x287: {  	[spmem:s1] =	stream.indirect.scatter.add.f32 [tilespmem:s25], [sflag:$0x2], $0x40, s31, s15, $0xb8;
	[tilespmem:$0x1A2C0] =	vst v63  }
0x288: {  	s4 =	sadd.s32 $0x2440, s5  }
0x289: {  	[spmem:s1] =	stream.indirect.scatter.add.f32 [tilespmem:s28], [sflag:$0x2], $0x40, s4, s15, $0xb8;
	[tilespmem:$0x1A2C0] =	vst v63  }
0x28a: {  	s8 =	sadd.s32 $0x2490, s5  }
0x28b: {  	[spmem:s1] =	stream.indirect.scatter.add.f32 [tilespmem:s30], [sflag:$0x2], $0x40, s8, s15, $0xb8;
	[tilespmem:$0x1A2C0] =	vst v63  }
0x28c: {  	s9 =	sadd.s32 $0x24E0, s5  }
0x28d: {  	[spmem:s1] =	stream.indirect.scatter.add.f32 [tilespmem:s0], [sflag:$0x2], $0x40, s9, s15, $0xb8;
	[tilespmem:$0x1A2C0] =	vst v63  }
0x28e: {  	s10 =	sadd.s32 $0x2530, s5  }
0x28f: {  	[spmem:s1] =	stream.indirect.scatter.add.f32 [tilespmem:s18], [sflag:$0x2], $0x40, s10, s15, $0xb8;
	[tilespmem:$0x1A2C0] =	vst v63  }
0x290: {  	_ =	swait.ge [sflag:s22], $0x6400  }
0x291: {  	[sflag:s22] =	ssyncset.done $0x0  }
0x292: {  	s12 =	sadd.s32 $0x7D0, s6;
	[sflag:s22] =	ssyncadd.s32 $0xFFFF9C00  }
0x293: {  	[tilespmem:s25], [sflag:$0x1] =	stream.indirect.gather [hbm4b:s7+s15], $0x40, s12, s15, $0xb8;
	[tilespmem:$0x1A2C0] =	vst v63  }
0x294: {  	s13 =	sadd.s32 $0x820, s6  }
0x295: {  	[tilespmem:s28], [sflag:$0x1] =	stream.indirect.gather [hbm4b:s7+s15], $0x40, s13, s15, $0xb8;
	[tilespmem:$0x1A2C0] =	vst v63  }
0x296: {  	s24 =	sadd.s32 $0x870, s6  }
0x297: {  	[tilespmem:s30], [sflag:$0x1] =	stream.indirect.gather [hbm4b:s7+s15], $0x40, s24, s15, $0xb8;
	[tilespmem:$0x1A2C0] =	vst v63  }
0x298: {  	s26 =	sadd.s32 $0x8C0, s6  }
0x299: {  	[tilespmem:s0], [sflag:$0x1] =	stream.indirect.gather [hbm4b:s7+s15], $0x40, s26, s15, $0xb8;
	[tilespmem:$0x1A2C0] =	vst v63  }
0x29a: {  	s29 =	sadd.s32 $0x910, s6  }
0x29b: {  	[tilespmem:s18], [sflag:$0x1] =	stream.indirect.gather [hbm4b:s7+s15], $0x40, s29, s15, $0xb8;
	[tilespmem:$0x1A2C0] =	vst v63  }
0x29c: {  	_ =	swait.ge [sflag:s20], $0x6400  }
0x29d: {  	[sflag:s20] =	ssyncset.done $0x0  }
0x29e: {  	s31 =	sadd.s32 $0x2580, s5;
	[sflag:s20] =	ssyncadd.s32 $0xFFFF9C00  }
0x29f: {  	[spmem:s1] =	stream.indirect.scatter.add.f32 [tilespmem:s16], [sflag:$0x2], $0x40, s31, s15, $0xb8;
	[tilespmem:$0x1A2C0] =	vst v63  }
0x2a0: {  	s4 =	sadd.s32 $0x25D0, s5  }
0x2a1: {  	[spmem:s1] =	stream.indirect.scatter.add.f32 [tilespmem:s17], [sflag:$0x2], $0x40, s4, s15, $0xb8;
	[tilespmem:$0x1A2C0] =	vst v63  }
0x2a2: {  	s8 =	sadd.s32 $0x2620, s5  }
0x2a3: {  	[spmem:s1] =	stream.indirect.scatter.add.f32 [tilespmem:s19], [sflag:$0x2], $0x40, s8, s15, $0xb8;
	[tilespmem:$0x1A2C0] =	vst v63  }
0x2a4: {  	s9 =	sadd.s32 $0x2670, s5  }
0x2a5: {  	[spmem:s1] =	stream.indirect.scatter.add.f32 [tilespmem:s21], [sflag:$0x2], $0x40, s9, s15, $0xb8;
	[tilespmem:$0x1A2C0] =	vst v63  }
0x2a6: {  	s10 =	sadd.s32 $0x26C0, s5  }
0x2a7: {  	[spmem:s1] =	stream.indirect.scatter.add.f32 [tilespmem:s23], [sflag:$0x2], $0x40, s10, s15, $0xb8;
	[tilespmem:$0x1A2C0] =	vst v63  }
0x2a8: {  	_ =	swait.ge [sflag:s22], $0x6400  }
0x2a9: {  	[sflag:s22] =	ssyncset.done $0x0  }
0x2aa: {  	s12 =	sadd.s32 $0x960, s6;
	[sflag:s22] =	ssyncadd.s32 $0xFFFF9C00  }
0x2ab: {  	[tilespmem:s16], [sflag:$0x1] =	stream.indirect.gather [hbm4b:s7+s15], $0x40, s12, s15, $0xb8;
	[tilespmem:$0x1A2C0] =	vst v63  }
0x2ac: {  	s13 =	sadd.s32 $0x9B0, s6  }
0x2ad: {  	[tilespmem:s17], [sflag:$0x1] =	stream.indirect.gather [hbm4b:s7+s15], $0x40, s13, s15, $0xb8;
	[tilespmem:$0x1A2C0] =	vst v63  }
0x2ae: {  	s24 =	sadd.s32 $0xA00, s6  }
0x2af: {  	[tilespmem:s19], [sflag:$0x1] =	stream.indirect.gather [hbm4b:s7+s15], $0x40, s24, s15, $0xb8;
	[tilespmem:$0x1A2C0] =	vst v63  }
0x2b0: {  	s26 =	sadd.s32 $0xA50, s6  }
0x2b1: {  	[tilespmem:s21], [sflag:$0x1] =	stream.indirect.gather [hbm4b:s7+s15], $0x40, s26, s15, $0xb8;
	[tilespmem:$0x1A2C0] =	vst v63  }
0x2b2: {  	s29 =	sadd.s32 $0xAA0, s6  }
0x2b3: {  	[tilespmem:s23], [sflag:$0x1] =	stream.indirect.gather [hbm4b:s7+s15], $0x40, s29, s15, $0xb8;
	[tilespmem:$0x1A2C0] =	vst v63  }
0x2b4: {  	_ =	swait.ge [sflag:s20], $0x6400  }
0x2b5: {  	[sflag:s20] =	ssyncset.done $0x0  }
0x2b6: {  	s31 =	sadd.s32 $0x2710, s5;
	[sflag:s20] =	ssyncadd.s32 $0xFFFF9C00  }
0x2b7: {  	[spmem:s1] =	stream.indirect.scatter.add.f32 [tilespmem:s25], [sflag:$0x2], $0x40, s31, s15, $0xb8;
	[tilespmem:$0x1A2C0] =	vst v63  }
0x2b8: {  	s4 =	sadd.s32 $0x2760, s5  }
0x2b9: {  	[spmem:s1] =	stream.indirect.scatter.add.f32 [tilespmem:s28], [sflag:$0x2], $0x40, s4, s15, $0xb8;
	[tilespmem:$0x1A2C0] =	vst v63  }
0x2ba: {  	s8 =	sadd.s32 $0x27B0, s5  }
0x2bb: {  	[spmem:s1] =	stream.indirect.scatter.add.f32 [tilespmem:s30], [sflag:$0x2], $0x40, s8, s15, $0xb8;
	[tilespmem:$0x1A2C0] =	vst v63  }
0x2bc: {  	s9 =	sadd.s32 $0x2800, s5  }
0x2bd: {  	[spmem:s1] =	stream.indirect.scatter.add.f32 [tilespmem:s0], [sflag:$0x2], $0x40, s9, s15, $0xb8;
	[tilespmem:$0x1A2C0] =	vst v63  }
0x2be: {  	s10 =	sadd.s32 $0x2850, s5  }
0x2bf: {  	[spmem:s1] =	stream.indirect.scatter.add.f32 [tilespmem:s18], [sflag:$0x2], $0x40, s10, s15, $0xb8;
	[tilespmem:$0x1A2C0] =	vst v63  }
0x2c0: {  	_ =	swait.ge [sflag:s22], $0x6400  }
0x2c1: {  	[sflag:s22] =	ssyncset.done $0x0  }
0x2c2: {  	s12 =	sadd.s32 $0xAF0, s6;
	[sflag:s22] =	ssyncadd.s32 $0xFFFF9C00  }
0x2c3: {  	[tilespmem:s25], [sflag:$0x1] =	stream.indirect.gather [hbm4b:s7+s15], $0x40, s12, s15, $0xb8;
	[tilespmem:$0x1A2C0] =	vst v63  }
0x2c4: {  	s13 =	sadd.s32 $0xB40, s6  }
0x2c5: {  	[tilespmem:s28], [sflag:$0x1] =	stream.indirect.gather [hbm4b:s7+s15], $0x40, s13, s15, $0xb8;
	[tilespmem:$0x1A2C0] =	vst v63  }
0x2c6: {  	s24 =	sadd.s32 $0xB90, s6  }
0x2c7: {  	[tilespmem:s30], [sflag:$0x1] =	stream.indirect.gather [hbm4b:s7+s15], $0x40, s24, s15, $0xb8;
	[tilespmem:$0x1A2C0] =	vst v63  }
0x2c8: {  	s26 =	sadd.s32 $0xBE0, s6  }
0x2c9: {  	[tilespmem:s0], [sflag:$0x1] =	stream.indirect.gather [hbm4b:s7+s15], $0x40, s26, s15, $0xb8;
	[tilespmem:$0x1A2C0] =	vst v63  }
0x2ca: {  	s29 =	sadd.s32 $0xC30, s6  }
0x2cb: {  	[tilespmem:s18], [sflag:$0x1] =	stream.indirect.gather [hbm4b:s7+s15], $0x40, s29, s15, $0xb8;
	[tilespmem:$0x1A2C0] =	vst v63  }
0x2cc: {  	_ =	swait.ge [sflag:s20], $0x6400  }
0x2cd: {  	[sflag:s20] =	ssyncset.done $0x0  }
0x2ce: {  	s31 =	sadd.s32 $0x28A0, s5;
	[sflag:s20] =	ssyncadd.s32 $0xFFFF9C00  }
0x2cf: {  	[spmem:s1] =	stream.indirect.scatter.add.f32 [tilespmem:s16], [sflag:$0x2], $0x40, s31, s15, $0xb8;
	[tilespmem:$0x1A2C0] =	vst v63  }
0x2d0: {  	s4 =	sadd.s32 $0x28F0, s5  }
0x2d1: {  	[spmem:s1] =	stream.indirect.scatter.add.f32 [tilespmem:s17], [sflag:$0x2], $0x40, s4, s15, $0xb8;
	[tilespmem:$0x1A2C0] =	vst v63  }
0x2d2: {  	s8 =	sadd.s32 $0x2940, s5  }
0x2d3: {  	[spmem:s1] =	stream.indirect.scatter.add.f32 [tilespmem:s19], [sflag:$0x2], $0x40, s8, s15, $0xb8;
	[tilespmem:$0x1A2C0] =	vst v63  }
0x2d4: {  	s9 =	sadd.s32 $0x2990, s5  }
0x2d5: {  	[spmem:s1] =	stream.indirect.scatter.add.f32 [tilespmem:s21], [sflag:$0x2], $0x40, s9, s15, $0xb8;
	[tilespmem:$0x1A2C0] =	vst v63  }
0x2d6: {  	s10 =	sadd.s32 $0x29E0, s5  }
0x2d7: {  	[spmem:s1] =	stream.indirect.scatter.add.f32 [tilespmem:s23], [sflag:$0x2], $0x40, s10, s15, $0xb8;
	[tilespmem:$0x1A2C0] =	vst v63  }
0x2d8: {  	_ =	swait.ge [sflag:s22], $0x6400  }
0x2d9: {  	[sflag:s22] =	ssyncset.done $0x0  }
0x2da: {  	s12 =	sadd.s32 $0xC80, s6;
	[sflag:s22] =	ssyncadd.s32 $0xFFFF9C00  }
0x2db: {  	[tilespmem:s16], [sflag:$0x1] =	stream.indirect.gather [hbm4b:s7+s15], $0x40, s12, s15, $0xb8;
	[tilespmem:$0x1A2C0] =	vst v63  }
0x2dc: {  	s13 =	sadd.s32 $0xCD0, s6  }
0x2dd: {  	[tilespmem:s17], [sflag:$0x1] =	stream.indirect.gather [hbm4b:s7+s15], $0x40, s13, s15, $0xb8;
	[tilespmem:$0x1A2C0] =	vst v63  }
0x2de: {  	s24 =	sadd.s32 $0xD20, s6  }
0x2df: {  	[tilespmem:s19], [sflag:$0x1] =	stream.indirect.gather [hbm4b:s7+s15], $0x40, s24, s15, $0xb8;
	[tilespmem:$0x1A2C0] =	vst v63  }
0x2e0: {  	s26 =	sadd.s32 $0xD70, s6  }
0x2e1: {  	[tilespmem:s21], [sflag:$0x1] =	stream.indirect.gather [hbm4b:s7+s15], $0x40, s26, s15, $0xb8;
	[tilespmem:$0x1A2C0] =	vst v63  }
0x2e2: {  	s29 =	sadd.s32 $0xDC0, s6  }
0x2e3: {  	[tilespmem:s23], [sflag:$0x1] =	stream.indirect.gather [hbm4b:s7+s15], $0x40, s29, s15, $0xb8;
	[tilespmem:$0x1A2C0] =	vst v63  }
0x2e4: {  	_ =	swait.ge [sflag:s20], $0x6400  }
0x2e5: {  	[sflag:s20] =	ssyncset.done $0x0  }
0x2e6: {  	s31 =	sadd.s32 $0x2A30, s5;
	[sflag:s20] =	ssyncadd.s32 $0xFFFF9C00  }
0x2e7: {  	[spmem:s1] =	stream.indirect.scatter.add.f32 [tilespmem:s25], [sflag:$0x2], $0x40, s31, s15, $0xb8;
	[tilespmem:$0x1A2C0] =	vst v63  }
0x2e8: {  	s4 =	sadd.s32 $0x2A80, s5  }
0x2e9: {  	[spmem:s1] =	stream.indirect.scatter.add.f32 [tilespmem:s28], [sflag:$0x2], $0x40, s4, s15, $0xb8;
	[tilespmem:$0x1A2C0] =	vst v63  }
0x2ea: {  	s8 =	sadd.s32 $0x2AD0, s5  }
0x2eb: {  	[spmem:s1] =	stream.indirect.scatter.add.f32 [tilespmem:s30], [sflag:$0x2], $0x40, s8, s15, $0xb8;
	[tilespmem:$0x1A2C0] =	vst v63  }
0x2ec: {  	s9 =	sadd.s32 $0x2B20, s5  }
0x2ed: {  	[spmem:s1] =	stream.indirect.scatter.add.f32 [tilespmem:s0], [sflag:$0x2], $0x40, s9, s15, $0xb8;
	[tilespmem:$0x1A2C0] =	vst v63  }
0x2ee: {  	s10 =	sadd.s32 $0x2B70, s5  }
0x2ef: {  	[spmem:s1] =	stream.indirect.scatter.add.f32 [tilespmem:s18], [sflag:$0x2], $0x40, s10, s15, $0xb8;
	[tilespmem:$0x1A2C0] =	vst v63  }
0x2f0: {  	_ =	swait.ge [sflag:s22], $0x6400  }
0x2f1: {  	[sflag:s22] =	ssyncset.done $0x0  }
0x2f2: {  	s12 =	sadd.s32 $0xE10, s6;
	[sflag:s22] =	ssyncadd.s32 $0xFFFF9C00  }
0x2f3: {  	[tilespmem:s25], [sflag:$0x1] =	stream.indirect.gather [hbm4b:s7+s15], $0x40, s12, s15, $0xb8;
	[tilespmem:$0x1A2C0] =	vst v63  }
0x2f4: {  	s13 =	sadd.s32 $0xE60, s6  }
0x2f5: {  	[tilespmem:s28], [sflag:$0x1] =	stream.indirect.gather [hbm4b:s7+s15], $0x40, s13, s15, $0xb8;
	[tilespmem:$0x1A2C0] =	vst v63  }
0x2f6: {  	s24 =	sadd.s32 $0xEB0, s6  }
0x2f7: {  	[tilespmem:s30], [sflag:$0x1] =	stream.indirect.gather [hbm4b:s7+s15], $0x40, s24, s15, $0xb8;
	[tilespmem:$0x1A2C0] =	vst v63  }
0x2f8: {  	s26 =	sadd.s32 $0xF00, s6  }
0x2f9: {  	[tilespmem:s0], [sflag:$0x1] =	stream.indirect.gather [hbm4b:s7+s15], $0x40, s26, s15, $0xb8;
	[tilespmem:$0x1A2C0] =	vst v63  }
0x2fa: {  	s29 =	sadd.s32 $0xF50, s6;
	s4 =	simm.s32 @!p1 $0x3  }
0x2fb: {  	[tilespmem:s18], [sflag:$0x1] =	stream.indirect.gather [hbm4b:s7+s15], $0x40, s29, s15, $0xb8;
	[tilespmem:$0x1A2C0] =	vst v63  }
0x2fc: {  	_ =	swait.ge @!p1 [sflag:s4], $0xFA0  }
0x2fd: {  	[sflag:s4] =	ssyncset.done @!p1 $0x0  }
0x2fe: {  	[sflag:s4] =	ssyncadd.s32 @!p1 $0xFFFFF060  }
0x2ff: {  	_ =	swait.ge @!p1 [sflag:s4], $0xFA0  }
0x300: {  	[sflag:s4] =	ssyncset.done @!p1 $0x0  }
0x301: {  	[sflag:s4] =	ssyncadd.s32 @!p1 $0xFFFFF060  }
0x302: {  	_ =	swait.ge [sflag:s20], $0x6400  }
0x303: {  	[sflag:s20] =	ssyncset.done $0x0  }
0x304: {  	s31 =	sadd.s32 $0x2BC0, s5;
	[sflag:s20] =	ssyncadd.s32 $0xFFFF9C00  }
0x305: {  	[spmem:s1] =	stream.indirect.scatter.add.f32 [tilespmem:s16], [sflag:$0x2], $0x40, s31, s15, $0xb8;
	[tilespmem:$0x1A2C0] =	vst v63  }
0x306: {  	s4 =	sadd.s32 $0x2C10, s5  }
0x307: {  	[spmem:s1] =	stream.indirect.scatter.add.f32 [tilespmem:s17], [sflag:$0x2], $0x40, s4, s15, $0xb8;
	[tilespmem:$0x1A2C0] =	vst v63  }
0x308: {  	s6 =	sadd.s32 $0x2C60, s5  }
0x309: {  	[spmem:s1] =	stream.indirect.scatter.add.f32 [tilespmem:s19], [sflag:$0x2], $0x40, s6, s15, $0xb8;
	[tilespmem:$0x1A2C0] =	vst v63  }
0x30a: {  	s8 =	sxor.u32 $0x1, s11;
	s9 =	sadd.s32 $0x2CB0, s5  }
0x30b: {  	[spmem:s1] =	stream.indirect.scatter.add.f32 [tilespmem:s21], [sflag:$0x2], $0x40, s9, s15, $0xb8;
	[tilespmem:$0x1A2C0] =	vst v63  }
0x30c: {  	s2 =	smul.u32 $0x3E80, s8;
	s10 =	sadd.s32 $0x2D00, s5  }
0x30d: {  	[spmem:s1] =	stream.indirect.scatter.add.f32 [tilespmem:s23], [sflag:$0x2], $0x40, s10, s15, $0xb8;
	[tilespmem:$0x1A2C0] =	vst v63  }
0x30e: {  	_ =	swait.ge [sflag:s22], $0x6400  }
0x30f: {  	s2 =	sshrl.u32 s2, $0x2;
	p1 =	sgt.u32 s14, $0x3;
	[sflag:s22] =	ssyncset.done $0x0  }
0x310: {  	s4 =	simm.s32 @!p1 $0x50;
	s6 =	simm.s32 @!p1 $0x3E80;
	[sflag:s22] =	ssyncadd.s32 $0xFFFF9C00  }
0x311: {  	[tilespmem:s6], [sflag:$0x1] =	stream.indirect.gather @!p1 [hbm4b:s7+s4], $0x40, s2, s4, $0xb8;
	[tilespmem:$0x1A2C0] =	vst v63  }
0x312: {  	s8 =	simm.s32 @!p1 $0x5280;
	s6 =	sadd.s32 @!p1 $0x50, s2  }
0x313: {  	[tilespmem:s8], [sflag:$0x1] =	stream.indirect.gather @!p1 [hbm4b:s7+s4], $0x40, s6, s4, $0xb8;
	[tilespmem:$0x1A2C0] =	vst v63  }
0x314: {  	s6 =	sadd.s32 @!p1 $0xA0, s2;
	s8 =	simm.s32 @!p1 $0x6680  }
0x315: {  	[tilespmem:s8], [sflag:$0x1] =	stream.indirect.gather @!p1 [hbm4b:s7+s4], $0x40, s6, s4, $0xb8;
	[tilespmem:$0x1A2C0] =	vst v63  }
0x316: {  	s6 =	sadd.s32 @!p1 $0xF0, s2;
	s8 =	simm.s32 @!p1 $0x7A80  }
0x317: {  	[tilespmem:s8], [sflag:$0x1] =	stream.indirect.gather @!p1 [hbm4b:s7+s4], $0x40, s6, s4, $0xb8;
	[tilespmem:$0x1A2C0] =	vst v63  }
0x318: {  	s6 =	sadd.s32 @!p1 $0x140, s2;
	s8 =	simm.s32 @!p1 $0x8E80  }
0x319: {  	[tilespmem:s8], [sflag:$0x1] =	stream.indirect.gather @!p1 [hbm4b:s7+s4], $0x40, s6, s4, $0xb8;
	[tilespmem:$0x1A2C0] =	vst v63  }
0x31a: {  	_ =	swait.ge [sflag:s20], $0x6400  }
0x31b: {  	[sflag:s20] =	ssyncset.done $0x0  }
0x31c: {  	s11 =	sadd.s32 $0x2D50, s5;
	[sflag:s20] =	ssyncadd.s32 $0xFFFF9C00  }
0x31d: {  	[spmem:s1] =	stream.indirect.scatter.add.f32 [tilespmem:s25], [sflag:$0x2], $0x40, s11, s15, $0xb8;
	[tilespmem:$0x1A2C0] =	vst v63  }
0x31e: {  	s12 =	sadd.s32 $0x2DA0, s5  }
0x31f: {  	[spmem:s1] =	stream.indirect.scatter.add.f32 [tilespmem:s28], [sflag:$0x2], $0x40, s12, s15, $0xb8;
	[tilespmem:$0x1A2C0] =	vst v63  }
0x320: {  	s13 =	sadd.s32 $0x2DF0, s5  }
0x321: {  	[spmem:s1] =	stream.indirect.scatter.add.f32 [tilespmem:s30], [sflag:$0x2], $0x40, s13, s15, $0xb8;
	[tilespmem:$0x1A2C0] =	vst v63  }
0x322: {  	s14 =	sadd.s32 $0x2E40, s5  }
0x323: {  	[spmem:s1] =	stream.indirect.scatter.add.f32 [tilespmem:s0], [sflag:$0x2], $0x40, s14, s15, $0xb8;
	[tilespmem:$0x1A2C0] =	vst v63  }
0x324: {  	s5 =	sadd.s32 $0x2E90, s5;
	p2 =	seq.s32 @!p1 s3, $0x794  }
0x325: {  	[spmem:s1] =	stream.indirect.scatter.add.f32 [tilespmem:s18], [sflag:$0x2], $0x40, s5, s15, $0xb8;
	[tilespmem:$0x1A2C0] =	vst v63  }
0x326: {  	p3 =	por p2, p1;
	_ =	swait.ge [sflag:s22], $0x6400  }
0x327: {  	p4 =	seq.s32 @!p3 s3, $0x780;
	s3 =	simm.s32 @!p3 $0x50;
	[sflag:s22] =	ssyncset.done $0x0  }
0x328: {  	s6 =	sadd.s32 @!p1 $0x190, s2;
	s5 =	simm.s32 @!p1 $0xA280;
	[sflag:s22] =	ssyncadd.s32 $0xFFFF9C00  }
0x329: {  	[tilespmem:s5], [sflag:$0x1] =	stream.indirect.gather @!p1 [hbm4b:s7+s4], $0x40, s6, s4, $0xb8;
	[tilespmem:$0x1A2C0] =	vst v63  }
0x32a: {  	p2 =	por @!p1 p4, p2;
	s4 =	sadd.s32 @!p3 $0x1E0, s2;
	s5 =	simm.s32 @!p3 $0xB680  }
0x32b: {  	[tilespmem:s5], [sflag:$0x1] =	stream.indirect.gather @!p3 [hbm4b:s7+s3], $0x40, s4, s3, $0xb8;
	[tilespmem:$0x1A2C0] =	vst v63  }
0x32c: {  	p1 =	por p2, p1;
	s4 =	sadd.s32 @!p3 $0x230, s2;
	s5 =	simm.s32 @!p3 $0xCA80  }
0x32d: {  	[tilespmem:s5], [sflag:$0x1] =	stream.indirect.gather @!p3 [hbm4b:s7+s3], $0x40, s4, s3, $0xb8;
	[tilespmem:$0x1A2C0] =	vst v63  }
0x32e: {  	s3 =	sadd.s32 @!p1 $0x280, s2;
	s4 =	simm.s32 @!p1 $0xDE80;
	s5 =	simm.s32 @!p1 $0x50  }
0x32f: {  	[tilespmem:s4], [sflag:$0x1] =	stream.indirect.gather @!p1 [hbm4b:s7+s5], $0x40, s3, s5, $0xb8;
	[tilespmem:$0x1A2C0] =	vst v63  }
0x330: {  	s2 =	sadd.s32 @!p1 $0x2D0, s2;
	s3 =	simm.s32 @!p1 $0xF280  }
0x331: {  	[tilespmem:s3], [sflag:$0x1] =	stream.indirect.gather @!p1 [hbm4b:s7+s5], $0x40, s2, s5, $0xb8;
	[tilespmem:$0x1A2C0] =	vst v63  }
0x332: {  	[bflag:$0x0] =	sbarrier.arrive $0xFFFF  }
0x333: {  	s24 =	rddreg [dreg:$0xc]  }
0x334: {  	s3 =	rddreg [dreg:$0x10]  }
0x335: {  	s4 =	simm.s32 $0x4;
	s26 =	rddreg [dreg:$0x11]  }
0x336: {  	[hbm:s24], [sflag:s3] =	dma.local [spmem:s26], $0x1380  }
0x337: {  	_ =	swait.ge [sflag:s4], $0x1380  }
0x338: {  	[sflag:s4] =	ssyncset.done $0x0;
	s2 =	rddreg [dreg:$0xd]  }
0x339: {  	s5 =	rddreg [dreg:$0x12];
	[sflag:s4] =	ssyncadd.s32 $0xFFFFEC80  }
0x33a: {  	[hbm:s2], [sflag:s3] =	dma.local @!p0 [spmem:s5], $0x80  }
0x33b: {  	s2 =	simm.s32 @!p0 $0x4  }
0x33c: {  	_ =	swait.ge @!p0 [sflag:s2], $0x80  }
0x33d: {  	s29 =	rddreg [dreg:$0xf]  }
0x33e: {  	s31 =	rddreg [dreg:$0xe];
	s5 =	sadd.s32 $0x1, s29  }
0x33f: {  	p1 =	sne.s32 s5, s31  }
.Ltmp1:
0x340: {  	_ = 	snop;
	(pc) =	sbr.rel @p1 .LBB2_1-.Ltmp1, $3  }
0x341: {  	_ =	sdelay $0x1  }
0x342: {  	[sflag:s2] =	ssyncset.done @!p0 $0x0  }
0x343: {  	[sflag:s2] =	ssyncadd.s32 @!p0 $0xFFFFFF80  }
0x344: {  	_ =	sfence.sel $0x180000  }
0x345: {  	[bflag:$0x0] =	sbarrier.arrive $0xFFFF  }
0x346: {  	_ =	strace $0x9000004A  }
0x347: {  	s0 =	stileid.u32;
	[bflag:$0x2] =	sbarrier.arrive $0xFFFF  }
0x348: {  	p0 =	sne.s32 s0, $0x0;
	s0 =	rddreg [dreg:$0x3]  }
0x349: {  	s0 =	sadd.s32 @!p0 $0x100000, s0  }
0x34a: {  	[sflag:s0] =	ssyncadd.tile.s32 @!p0 $0x1;
	_ =	shalt  }
.Lfunc_end2:
_tile_overlayer_lowered:
.L_overlay_start_2:
0x34b: {  	(tag) =	ssettag $0x2  }
0x34c: {  	s0 =	rddreg [dreg:$0x0];
	s2 =	stileid.u32  }
0x34d: {  	s1 =	rddreg [dreg:$0x1];
	p0 =	sne.s32 s2, $0x0  }
0x34e: {  	s3 =	rddreg [dreg:$0x2];
	[bflag:$0x3] =	sbarrier.arrive $0xFFFF;
	s2 =	simm.s32 @!p0 $0x1C04  }
0x34f: {  	[timem:s3], [sflag:s2] =	dma.local @!p0 [hbm:s0], s1  }
0x350: {  	s0 =	simm.s32 @!p0 $0x4  }
0x351: {  	_ =	swait.ge @!p0 [sflag:s0], s1  }
0x352: {  	s1 =	ssub.s32 @!p0 $0x0, s1;
	[sflag:s0] =	ssyncset.done @!p0 $0x0  }
0x353: {  	[sflag:s0] =	ssyncadd.s32 @!p0 s1  }
0x354: {  	[bflag:$0x3] =	sbarrier.arrive $0xFFFF  }
0x355: {  	_ =	shalt  }

</sc_bundles>
